<compile_context>
chip_gen: v7x
topology: tpu7x:2x2x1
jax: 0.10.2.dev20260603
libtpu: 0.0.44.dev20260713+nightly
codegen_flags: <defaults>
</compile_context>

<pallas_src>
import functools

import jax
import jax.numpy as jnp
import numpy as np
from jax import lax
from jax.experimental import pallas as pl
from jax.experimental.pallas import tpu as pltpu
from jax.experimental.pallas import tpu_sc as plsc

_INTERPRET = False
F32 = jnp.float32
I32 = jnp.int32

BR = 1000
EB = 128
MB = 128
MCAP = 512
SLOT = 512
NHEAD = 4
DH = 16


def _stats_body(x_ref, o_ref):
    @pl.when(pl.program_id(0) == 0)
    def _():
        o_ref[...] = jnp.zeros_like(o_ref)
    blk = x_ref[...]
    o_ref[0:1, :] += jnp.sum(blk, axis=0, keepdims=True)
    o_ref[1:2, :] += jnp.sum(blk * blk, axis=0, keepdims=True)


def _colstats(x, n_rows):
    c = x.shape[1]
    nblk = n_rows // BR
    return pl.pallas_call(
        _stats_body,
        grid=(nblk,),
        interpret=_INTERPRET,
        in_specs=[pl.BlockSpec((BR, c), lambda i: (i, 0))],
        out_specs=pl.BlockSpec((2, c), lambda i: (0, 0)),
        out_shape=jax.ShapeDtypeStruct((2, c), F32),
    )(x)


def _bn_fold(st, g, b, n_rows):
    mean = st[0] / n_rows
    var = st[1] / n_rows - mean * mean
    s = g / jnp.sqrt(var + 1e-5)
    t = b - mean * s
    return s.reshape(1, -1), t.reshape(1, -1)


def _enc_body(x_ref, pe_ref, nw_ref, nb_ref, pw_ref, pb_ref, h_ref, hs_ref):
    hx = jnp.dot(x_ref[...], nw_ref[...], preferred_element_type=F32) + nb_ref[...]
    hp = jnp.dot(pe_ref[...], pw_ref[...], preferred_element_type=F32) + pb_ref[...]
    h = jnp.concatenate([hx, hp], axis=1)
    h_ref[...] = h
    hs_ref[0] = h[:, :32]
    hs_ref[1] = h[:, 32:]


def _encoder(x, pe, nw, nb, pw, pb, n, npad):
    nblk = n // BR
    cw = nw.shape[0]
    return pl.pallas_call(
        _enc_body,
        grid=(nblk,),
        interpret=_INTERPRET,
        in_specs=[
            pl.BlockSpec((BR, cw), lambda i: (i, 0)),
            pl.BlockSpec((BR, 20), lambda i: (i, 0)),
            pl.BlockSpec(nw.shape, lambda i: (0, 0)),
            pl.BlockSpec(nb.shape, lambda i: (0, 0)),
            pl.BlockSpec(pw.shape, lambda i: (0, 0)),
            pl.BlockSpec(pb.shape, lambda i: (0, 0)),
        ],
        out_specs=[
            pl.BlockSpec((BR, 64), lambda i: (i, 0)),
            pl.BlockSpec((2, BR, 32), lambda i: (0, i, 0)),
        ],
        out_shape=[
            jax.ShapeDtypeStruct((npad, 64), F32),
            jax.ShapeDtypeStruct((2, n, 32), F32),
        ],
    )(x, pe, nw, nb, pw, pb)


def _gin_body(r_ref, sv_ref, tv_ref, agg_ref, wa_ref, ba_ref, wb_ref, bb_ref,
              wqkv_ref, bqkv_ref, r1_ref, qkv_ref):
    h = r_ref[...] * sv_ref[...] + tv_ref[...]
    agg = jnp.concatenate([agg_ref[0], agg_ref[1]], axis=1)
    gin = agg + h
    t1 = jnp.maximum(jnp.dot(gin, wa_ref[...], preferred_element_type=F32)
                     + ba_ref[...], 0.0)
    hl0 = jnp.dot(t1, wb_ref[...], preferred_element_type=F32) + bb_ref[...]
    r1_ref[...] = hl0 + h
    qkv_ref[...] = jnp.dot(h, wqkv_ref[...], preferred_element_type=F32) + bqkv_ref[...]


def _gin_qkv(r, sv, tv, agg3, wa, ba, wb, bb, wqkv, bqkv, n, npad):
    nblk = n // BR
    return pl.pallas_call(
        _gin_body,
        grid=(nblk,),
        interpret=_INTERPRET,
        in_specs=[
            pl.BlockSpec((BR, 64), lambda i: (i, 0)),
            pl.BlockSpec((1, 64), lambda i: (0, 0)),
            pl.BlockSpec((1, 64), lambda i: (0, 0)),
            pl.BlockSpec((2, BR, 32), lambda i: (0, i, 0)),
            pl.BlockSpec((64, 64), lambda i: (0, 0)),
            pl.BlockSpec((1, 64), lambda i: (0, 0)),
            pl.BlockSpec((64, 64), lambda i: (0, 0)),
            pl.BlockSpec((1, 64), lambda i: (0, 0)),
            pl.BlockSpec((64, 192), lambda i: (0, 0)),
            pl.BlockSpec((1, 192), lambda i: (0, 0)),
        ],
        out_specs=[
            pl.BlockSpec((BR, 64), lambda i: (i, 0)),
            pl.BlockSpec((BR, 192), lambda i: (i, 0)),
        ],
        out_shape=[
            jax.ShapeDtypeStruct((n, 64), F32),
            jax.ShapeDtypeStruct((npad, 192), F32),
        ],
    )(r, sv, tv, agg3, wa, ba, wb, bb, wqkv, bqkv)


def _ffn_body(r1_ref, ao_ref, r_ref, sv_ref, tv_ref,
              s1_ref, t1_ref, s2_ref, t2_ref,
              wm1_ref, bm1_ref, wm2_ref, bm2_ref, r3_ref, r3s_ref):
    r2 = ao_ref[...] + r_ref[...] * sv_ref[...] + tv_ref[...]
    o = (r1_ref[...] * s1_ref[...] + t1_ref[...]
         + r2 * s2_ref[...] + t2_ref[...])
    t = jnp.maximum(jnp.dot(o, wm1_ref[...], preferred_element_type=F32)
                    + bm1_ref[...], 0.0)
    r3 = o + jnp.dot(t, wm2_ref[...], preferred_element_type=F32) + bm2_ref[...]
    r3_ref[...] = r3
    r3s_ref[0] = r3[:, :32]
    r3s_ref[1] = r3[:, 32:]


def _bn_ffn(r1, ao, r, sv, tv, s1, t1, s2, t2, wm1, bm1, wm2, bm2, n, npad):
    nblk = n // BR
    return pl.pallas_call(
        _ffn_body,
        grid=(nblk,),
        interpret=_INTERPRET,
        in_specs=[
            pl.BlockSpec((BR, 64), lambda i: (i, 0)),
            pl.BlockSpec((BR, 64), lambda i: (i, 0)),
            pl.BlockSpec((BR, 64), lambda i: (i, 0)),
            pl.BlockSpec((1, 64), lambda i: (0, 0)),
            pl.BlockSpec((1, 64), lambda i: (0, 0)),
            pl.BlockSpec((1, 64), lambda i: (0, 0)),
            pl.BlockSpec((1, 64), lambda i: (0, 0)),
            pl.BlockSpec((1, 64), lambda i: (0, 0)),
            pl.BlockSpec((1, 64), lambda i: (0, 0)),
            pl.BlockSpec((64, 128), lambda i: (0, 0)),
            pl.BlockSpec((1, 128), lambda i: (0, 0)),
            pl.BlockSpec((128, 64), lambda i: (0, 0)),
            pl.BlockSpec((1, 64), lambda i: (0, 0)),
        ],
        out_specs=[
            pl.BlockSpec((BR, 64), lambda i: (i, 0)),
            pl.BlockSpec((2, BR, 32), lambda i: (0, i, 0)),
        ],
        out_shape=[
            jax.ShapeDtypeStruct((npad, 64), F32),
            jax.ShapeDtypeStruct((2, n, 32), F32),
        ],
    )(r1, ao, r, sv, tv, s1, t1, s2, t2, wm1, bm1, wm2, bm2)


def _head_body(r_ref, sv_ref, tv_ref, w1_ref, b1_ref, w2_ref, b2_ref,
               w3_ref, b3_ref, o_ref):
    h = r_ref[...] * sv_ref[...] + tv_ref[...]
    z = jnp.maximum(jnp.dot(h, w1_ref[...], preferred_element_type=F32)
                    + b1_ref[...], 0.0)
    z = jnp.maximum(jnp.dot(z, w2_ref[...], preferred_element_type=F32)
                    + b2_ref[...], 0.0)
    o_ref[...] = jnp.dot(z, w3_ref[...], preferred_element_type=F32) + b3_ref[...]


def _head(r, sv, tv, w1, b1, w2, b2, w3, b3, n):
    nblk = n // BR
    return pl.pallas_call(
        _head_body,
        grid=(nblk,),
        interpret=_INTERPRET,
        in_specs=[
            pl.BlockSpec((BR, 64), lambda i: (i, 0)),
            pl.BlockSpec((1, 64), lambda i: (0, 0)),
            pl.BlockSpec((1, 64), lambda i: (0, 0)),
            pl.BlockSpec((64, 32), lambda i: (0, 0)),
            pl.BlockSpec((1, 32), lambda i: (0, 0)),
            pl.BlockSpec((32, 16), lambda i: (0, 0)),
            pl.BlockSpec((1, 16), lambda i: (0, 0)),
            pl.BlockSpec((16, 1), lambda i: (0, 0)),
            pl.BlockSpec((1, 1), lambda i: (0, 0)),
        ],
        out_specs=pl.BlockSpec((BR, 1), lambda i: (i, 0)),
        out_shape=jax.ShapeDtypeStruct((n, 1), F32),
    )(r, sv, tv, w1, b1, w2, b2, w3, b3)


def _attn_body(starts_ref, counts_ref, qkv_hbm, wo_ref, bo_ref,
               ao_hbm, buf, sb, ob, lsem, wsem):
    g = pl.program_id(0)
    cnt = counts_ref[g]
    nb = (cnt + MB - 1) // MB
    slot = g * SLOT

    def load_blk(i, _):
        cp = pltpu.make_async_copy(
            qkv_hbm.at[pl.ds(slot + i * MB, MB)], buf.at[pl.ds(i * MB, MB)],
            lsem)
        cp.start()
        cp.wait()
        return 0

    lax.fori_loop(0, nb, load_blk, 0)

    colid = lax.broadcasted_iota(I32, (MB, MCAP), 1)
    kmask = colid < cnt

    def q_blk(qi, _):
        q = buf[pl.ds(qi * MB, MB), :]

        def k_blk(kb, _):
            k = buf[pl.ds(kb * MB, MB), :]
            for hh in range(NHEAD):
                s_h = lax.dot_general(
                    q[:, hh * DH:(hh + 1) * DH],
                    k[:, 64 + hh * DH:64 + (hh + 1) * DH],
                    (((1,), (1,)), ((), ())), preferred_element_type=F32)
                sb[hh, :, pl.ds(kb * MB, MB)] = s_h * 0.25
            return 0

        lax.fori_loop(0, nb, k_blk, 0)
        for hh in range(NHEAD):
            s_h = jnp.where(kmask, sb[hh], -1e9)
            m = jnp.max(s_h, axis=-1, keepdims=True)
            p_h = jnp.exp(s_h - m)
            sb[hh] = p_h / jnp.sum(p_h, axis=-1, keepdims=True)

        def av_blk(kb, acc):
            k = buf[pl.ds(kb * MB, MB), :]
            rmask = (kb * MB + lax.broadcasted_iota(I32, (MB, 1), 0)) < cnt
            parts = []
            for hh in range(NHEAD):
                p_h = sb[hh, :, pl.ds(kb * MB, MB)]
                v_h = jnp.where(rmask, k[:, 128 + hh * DH:128 + (hh + 1) * DH], 0.0)
                parts.append(jnp.dot(p_h, v_h, preferred_element_type=F32))
            return acc + jnp.concatenate(parts, axis=1)

        o = lax.fori_loop(0, nb, av_blk, jnp.zeros((MB, 64), F32))
        ob[...] = jnp.dot(o, wo_ref[...], preferred_element_type=F32) + bo_ref[...]
        wcp = pltpu.make_async_copy(
            ob, ao_hbm.at[pl.ds(slot + qi * MB, MB)], wsem)
        wcp.start()
        wcp.wait()
        return 0

    lax.fori_loop(0, nb, q_blk, 0)


def _attention(starts, counts, qkv_al, wo, bo, g_count):
    return pl.pallas_call(
        _attn_body,
        grid=(g_count,),
        interpret=_INTERPRET,
        in_specs=[
            pl.BlockSpec(memory_space=pltpu.SMEM),
            pl.BlockSpec(memory_space=pltpu.SMEM),
            pl.BlockSpec(memory_space=pl.ANY),
            pl.BlockSpec((64, 64), lambda i: (0, 0)),
            pl.BlockSpec((1, 64), lambda i: (0, 0)),
        ],
        out_specs=pl.BlockSpec(memory_space=pl.ANY),
        out_shape=jax.ShapeDtypeStruct((g_count * SLOT + 8, 64), F32),
        scratch_shapes=[
            pltpu.VMEM((MCAP, 192), F32),
            pltpu.VMEM((NHEAD, MB, MCAP), F32),
            pltpu.VMEM((MB, 64), F32),
            pltpu.SemaphoreType.DMA,
            pltpu.SemaphoreType.DMA,
        ],
    )(starts, counts, qkv_al, wo, bo)


def _stats2_body(ao_ref, r_ref, sv_ref, tv_ref, o_ref):
    @pl.when(pl.program_id(0) == 0)
    def _():
        o_ref[...] = jnp.zeros_like(o_ref)
    r2 = ao_ref[...] + r_ref[...] * sv_ref[...] + tv_ref[...]
    o_ref[0:1, :] += jnp.sum(r2, axis=0, keepdims=True)
    o_ref[1:2, :] += jnp.sum(r2 * r2, axis=0, keepdims=True)


def _colstats2(ao, r, sv, tv, n_rows):
    nblk = n_rows // BR
    return pl.pallas_call(
        _stats2_body,
        grid=(nblk,),
        interpret=_INTERPRET,
        in_specs=[
            pl.BlockSpec((BR, 64), lambda i: (i, 0)),
            pl.BlockSpec((BR, 64), lambda i: (i, 0)),
            pl.BlockSpec((1, 64), lambda i: (0, 0)),
            pl.BlockSpec((1, 64), lambda i: (0, 0)),
        ],
        out_specs=pl.BlockSpec((2, 64), lambda i: (0, 0)),
        out_shape=jax.ShapeDtypeStruct((2, 64), F32),
    )(ao, r, sv, tv)


def _sc_msg_body(n, n_chunks, table_hbm, src_hbm, dst_hbm, ea_hbm, const_hbm,
                 out_hbm, idx_v, dst_v, eat_v, rows_v, msg_v, const_v, zero_v,
                 agg_sh, sem):
    c = lax.axis_index("c")
    s = lax.axis_index("s")
    nrb = n // 1000
    nrb_my = nrb // 16 + jnp.where(s < nrb % 16, 1, 0)

    pltpu.sync_copy(const_hbm.at[c], const_v)

    def zfill(j, _):
        zero_v[j, pl.ds(0, 16)] = jnp.zeros((16,), F32)
        zero_v[j, pl.ds(16, 16)] = jnp.zeros((16,), F32)
        return 0

    lax.fori_loop(0, 200, zfill, 0)

    def zcopy(i, _):
        blk = i * 16 + s

        def zc5(j, _):
            pltpu.sync_copy(zero_v,
                            agg_sh.at[pl.ds(blk * 1000 + j * 200, 200)])
            return 0

        lax.fori_loop(0, 5, zc5, 0)
        return 0

    lax.fori_loop(0, nrb_my, zcopy, 0)
    plsc.subcore_barrier()

    w0a = const_v[pl.ds(0, 16)]
    w0b = const_v[pl.ds(16, 16)]
    w1a = const_v[pl.ds(32, 16)]
    w1b = const_v[pl.ds(48, 16)]
    eba = const_v[pl.ds(64, 16)]
    ebb = const_v[pl.ds(80, 16)]
    sca = const_v[pl.ds(96, 16)]
    scb = const_v[pl.ds(112, 16)]
    sha = const_v[pl.ds(128, 16)]
    shb = const_v[pl.ds(144, 16)]
    row_off = c * n

    n_my = n_chunks // 16 + jnp.where(s < n_chunks % 16, 1, 0)

    def chunk(i, _):
        base = (i * 16 + s) * EB
        pltpu.sync_copy(src_hbm.at[pl.ds(base, EB)], idx_v)
        pltpu.sync_copy(dst_hbm.at[pl.ds(base, EB)], dst_v)
        pltpu.sync_copy(ea_hbm.at[pl.ds(2 * base, 2 * EB)],
                        eat_v.at[pl.ds(0, 2 * EB)])

        def addoff(j, _):
            idx_v[pl.ds(j * 16, 16)] = idx_v[pl.ds(j * 16, 16)] + row_off
            return 0

        lax.fori_loop(0, EB // 16, addoff, 0)
        pltpu.async_copy(table_hbm.at[idx_v], rows_v, sem).wait()

        def edge(e, _):
            av = eat_v[pl.ds(2 * e, 16)]
            a0 = av[0]
            a1 = av[1]
            ra = rows_v[e, pl.ds(0, 16)]
            rb = rows_v[e, pl.ds(16, 16)]
            ha = ra * sca + sha
            hb = rb * scb + shb
            ma = jnp.maximum(ha + a0 * w0a + a1 * w1a + eba, 0.0)
            mb = jnp.maximum(hb + a0 * w0b + a1 * w1b + ebb, 0.0)
            msg_v[e, pl.ds(0, 16)] = ma
            msg_v[e, pl.ds(16, 16)] = mb
            return 0

        lax.fori_loop(0, EB, edge, 0)
        pltpu.sync_copy(msg_v, agg_sh.at[dst_v], add=True)
        return 0

    lax.fori_loop(0, n_my, chunk, 0)
    plsc.subcore_barrier()

    def wback(i, _):
        blk = i * 16 + s
        pltpu.sync_copy(agg_sh.at[pl.ds(blk * 1000, 1000)],
                        out_hbm.at[pl.ds(row_off + blk * 1000, 1000)])
        return 0

    lax.fori_loop(0, nrb_my, wback, 0)


def _sc_msg(table2n, src, dst, edge_attr, const, n):
    e_count = src.shape[0]
    n_chunks = e_count // EB
    mesh = plsc.VectorSubcoreMesh(core_axis_name="c", subcore_axis_name="s")
    f = pl.kernel(
        functools.partial(_sc_msg_body, n, n_chunks),
        interpret=_INTERPRET,
        compiler_params=pltpu.CompilerParams(use_tc_tiling_on_sc=False),
        out_type=jax.ShapeDtypeStruct((2 * n, 32), F32),
        mesh=mesh,
        scratch_types=[
            pltpu.VMEM((EB,), I32),
            pltpu.VMEM((EB,), I32),
            pltpu.VMEM((2 * EB + 16,), F32),
            pltpu.VMEM((EB, 32), F32),
            pltpu.VMEM((EB, 32), F32),
            pltpu.VMEM((160,), F32),
            pltpu.VMEM((200, 32), F32),
            pltpu.VMEM_SHARED((n, 32), F32),
            pltpu.SemaphoreType.DMA,
        ],
    )
    return f(table2n, src, dst, edge_attr.reshape(-1), const)




def _sc_gs_body(n_chunks, table_hbm, src_hbm, dst_hbm, out_hbm,
                srcv, dstv, rows_v, sem):
    cid = lax.axis_index("s") * 2 + lax.axis_index("c")
    n_my = n_chunks // 32 + jnp.where(cid < n_chunks % 32, 1, 0)

    def chunk(i, _):
        base = (i * 32 + cid) * EB
        pltpu.sync_copy(src_hbm.at[pl.ds(base, EB)], srcv)
        pltpu.sync_copy(dst_hbm.at[pl.ds(base, EB)], dstv)
        pltpu.async_copy(table_hbm.at[srcv], rows_v, sem).wait()
        pltpu.sync_copy(rows_v, out_hbm.at[dstv])
        return 0

    lax.fori_loop(0, n_my, chunk, 0)


def _sc_gs(table, srcmap, dstmap, out_rows, width):
    n_chunks = srcmap.shape[0] // EB
    mesh = plsc.VectorSubcoreMesh(core_axis_name="c", subcore_axis_name="s")
    f = pl.kernel(
        functools.partial(_sc_gs_body, n_chunks),
        interpret=_INTERPRET,
        compiler_params=pltpu.CompilerParams(use_tc_tiling_on_sc=False),
        out_type=jax.ShapeDtypeStruct((out_rows, width), F32),
        mesh=mesh,
        scratch_types=[
            pltpu.VMEM((EB,), I32),
            pltpu.VMEM((EB,), I32),
            pltpu.VMEM((EB, width), F32),
            pltpu.SemaphoreType.DMA,
        ],
    )
    return f(table, srcmap, dstmap)


def _pack_const(edge_w, edge_b, sv, tv):
    sv = sv.reshape(-1)
    tv = tv.reshape(-1)
    halves = []
    for c in (0, 1):
        sl = slice(c * 32, (c + 1) * 32)
        halves.append(jnp.concatenate(
            [edge_w[0, sl], edge_w[1, sl], edge_b[sl], sv[sl], tv[sl]]))
    return jnp.stack(halves)


def kernel(x, pe, edge_attr, params, edge_index, batch):
    p = params
    n = x.shape[0]
    g_count = int(p.get('_G', 0)) or 500
    npad = n + BR
    src = edge_index[0]
    dst = edge_index[1]

    pes = _colstats(pe, n)
    spe, tpe = _bn_fold(pes, p['pe_norm_g'], p['pe_norm_b'], n)
    pw_eff = spe.reshape(-1, 1) * p['pe_W']
    pb_eff = (tpe.reshape(-1) @ p['pe_W'] + p['pe_b']).reshape(1, -1)

    h0, h0s = _encoder(x, pe, p['node_W'], p['node_b'].reshape(1, -1),
                       pw_eff, pb_eff, n, npad)

    gids = jnp.arange(g_count, dtype=I32)
    starts = jnp.searchsorted(batch, gids, side='left').astype(I32)
    ends = jnp.searchsorted(batch, gids, side='right').astype(I32)
    m_cap = 4 * (n // g_count)
    counts = jnp.minimum(ends - starts, m_cap)

    lens = ((counts + MB - 1) // MB) * MB
    pstart = jnp.cumsum(lens) - lens
    total = jnp.sum(lens)
    lmax = ((n + MB * g_count) // (EB * 32) + 1) * (EB * 32)
    t = jnp.arange(lmax, dtype=I32)
    g_of_t = (jnp.searchsorted(pstart, t, side='right') - 1).astype(I32)
    pos_t = t - pstart[g_of_t]
    al_src = jnp.clip(starts[g_of_t] + pos_t, 0, npad - 1)
    dump = g_count * SLOT
    al_dst = jnp.where(t < total, g_of_t * SLOT + pos_t, dump)

    lmax2 = ((n - 1) // (EB * 32) + 1) * (EB * 32)
    t2 = jnp.arange(lmax2, dtype=I32)
    nclip = jnp.minimum(t2, n - 1)
    ua_src = jnp.clip(batch[nclip] * SLOT + nclip - starts[batch[nclip]],
                      0, g_count * SLOT - 1)
    ua_dst = jnp.where(t2 < n, t2, n)

    ones = jnp.ones((1, 64), F32)
    zeros = jnp.zeros((1, 64), F32)
    r, sv, tv = h0, ones, zeros
    table = h0s.reshape(2 * n, 32)

    for lp in p['layers']:
        const = _pack_const(p['edge_W'], p['edge_b'], sv, tv)
        agg = _sc_msg(table, src, dst, edge_attr, const, n)
        r1, qkv = _gin_qkv(r, sv, tv, agg.reshape(2, n, 32),
                           lp['Wa'], lp['ba'].reshape(1, -1),
                           lp['Wb'], lp['bb'].reshape(1, -1),
                           lp['Wqkv'], lp['bqkv'].reshape(1, -1), n, npad)
        s1, t1 = _bn_fold(_colstats(r1, n), lp['g1'], lp['b1'], n)
        qkv_al = _sc_gs(qkv, al_src, al_dst, g_count * SLOT + 8, 192)
        ao_al = _attention(starts, counts, qkv_al,
                           lp['Wo'], lp['bo'].reshape(1, -1), g_count)
        ao = _sc_gs(ao_al, ua_src, ua_dst, n + 8, 64)
        s2, t2_ = _bn_fold(_colstats2(ao, r, sv, tv, n), lp['g2'], lp['b2'], n)
        r3, r3s = _bn_ffn(r1, ao, r, sv, tv, s1, t1, s2, t2_,
                          lp['Wm1'], lp['bm1'].reshape(1, -1),
                          lp['Wm2'], lp['bm2'].reshape(1, -1), n, npad)
        s3, t3 = _bn_fold(_colstats(r3, n), lp['g3'], lp['b3'], n)
        r, sv, tv = r3, s3, t3
        table = r3s.reshape(2 * n, 32)

    return _head(r, sv, tv, p['W1'], p['b1'].reshape(1, -1),
                 p['W2'], p['b2'].reshape(1, -1),
                 p['W3'], p['b3'].reshape(1, -1), n)

# --- scband reference (transcript-rebuilt; emitter-appended) ---
"""Pipeline reference for scband-gpslong-range-14525579395563 (READ-ONLY COPY).

The authoritative reference and input builder live on the scoring server;
editing this copy changes nothing except your own understanding.
"""

import jax, jax.numpy as jnp
import numpy as np

N = 50000
E = 800000
G = 500
C = 64
PE = 8
L = 2
H = 4

def _lin(key, fin, fout):
    k1, k2 = jax.random.split(key)
    lim = 1.0 / np.sqrt(fin)
    W = jax.random.uniform(k1, (fin, fout), jnp.float32, -lim, lim)
    b = jax.random.uniform(k2, (fout,), jnp.float32, -lim, lim)
    return W, b

def setup_inputs(seed: int = 0):
    key = jax.random.key(seed)
    ks = jax.random.split(key, 32)
    x = jax.random.normal(ks[0], (N, 14), jnp.float32)
    pe = jax.random.normal(ks[1], (N, 20), jnp.float32)
    edge_index = jax.random.randint(ks[2], (2, E), 0, N, jnp.int32)
    edge_attr = jax.random.normal(ks[3], (E, 2), jnp.float32)
    batch = jnp.sort(jax.random.randint(ks[4], (N,), 0, G, jnp.int32))
    p = {}
    p['node_W'], p['node_b'] = _lin(ks[5], 14, C - PE)
    p['pe_W'], p['pe_b'] = _lin(ks[6], 20, PE)
    p['pe_norm_g'] = jnp.ones((20,), jnp.float32)
    p['pe_norm_b'] = jnp.zeros((20,), jnp.float32)
    p['edge_W'], p['edge_b'] = _lin(ks[7], 2, C)
    layers = []
    for i in range(L):
        kk = jax.random.split(ks[8 + i], 8)
        lp = {}
        lp['Wa'], lp['ba'] = _lin(kk[0], C, C)
        lp['Wb'], lp['bb'] = _lin(kk[1], C, C)
        lp['Wqkv'] = jax.random.normal(kk[2], (C, 3 * C), jnp.float32) / np.sqrt(C)
        lp['bqkv'] = jnp.zeros((3 * C,), jnp.float32)
        lp['Wo'], lp['bo'] = _lin(kk[3], C, C)
        for nm in ('g1', 'g2', 'g3'):
            lp[nm] = jnp.ones((C,), jnp.float32)
        for nm in ('b1', 'b2', 'b3'):
            lp[nm] = jnp.zeros((C,), jnp.float32)
        lp['Wm1'], lp['bm1'] = _lin(kk[4], C, 2 * C)
        lp['Wm2'], lp['bm2'] = _lin(kk[5], 2 * C, C)
        layers.append(lp)
    p['layers'] = layers
    p['W1'], p['b1'] = _lin(ks[12], C, C // 2)
    p['W2'], p['b2'] = _lin(ks[13], C // 2, C // 4)
    p['W3'], p['b3'] = _lin(ks[14], C // 4, 1)
    return {'x': x, 'pe': pe, 'edge_attr': edge_attr, 'params': p,
            'edge_index': edge_index, 'batch': batch}

def _bn(x, g, b, eps=1e-5):
    m = jnp.mean(x, 0)
    v = jnp.var(x, 0)
    return (x - m) / jnp.sqrt(v + eps) * g + b

def _mha(dense, mask, lp):
    Gn, Mn, Cn = dense.shape
    qkv = dense @ lp['Wqkv'] + lp['bqkv']
    q, k, v = jnp.split(qkv, 3, axis=-1)
    d = Cn // H
    def sp(t):
        return t.reshape(Gn, Mn, H, d).transpose(0, 2, 1, 3)
    q, k, v = sp(q), sp(k), sp(v)
    s = jnp.einsum('ghqd,ghkd->ghqk', q, k) / np.sqrt(d)
    s = jnp.where(mask[:, None, None, :], s, -1e9)
    a = jax.nn.softmax(s, axis=-1)
    o = jnp.einsum('ghqk,ghkd->ghqd', a, v)
    o = o.transpose(0, 2, 1, 3).reshape(Gn, Mn, Cn)
    return o @ lp['Wo'] + lp['bo']

def _forward(x, pe, edge_attr, params, edge_index, batch):
    src, dst = edge_index[0], edge_index[1]
    x_pe = _bn(pe, params['pe_norm_g'], params['pe_norm_b'])
    h = jnp.concatenate([x @ params['node_W'] + params['node_b'],
                         x_pe @ params['pe_W'] + params['pe_b']], axis=1)
    ea = edge_attr @ params['edge_W'] + params['edge_b']
    Nn = batch.shape[0]
    counts = jnp.bincount(batch, length=G)
    starts = jnp.cumsum(counts) - counts
    pos = jnp.arange(Nn) - starts[batch]
    M = 4 * (Nn // G)
    mask = jnp.zeros((G, M), jnp.bool_).at[batch, pos].set(True)
    for lp in params['layers']:
        # GINEConv: sum_j relu(x_j + e_ij), aggregated at dst, then 2-layer MLP
        msg = jax.nn.relu(h[src] + ea)
        agg = jnp.zeros_like(h).at[dst].add(msg)
        gin = agg + h  # eps = 0
        hl = jax.nn.relu(gin @ lp['Wa'] + lp['ba']) @ lp['Wb'] + lp['bb']
        hl = _bn(hl + h, lp['g1'], lp['b1'])
        # global multihead attention over dense per-graph batch
        dense = jnp.zeros((G, M, h.shape[1]), h.dtype).at[batch, pos].set(h)
        ao = _mha(dense, mask, lp)
        ha = ao[batch, pos]
        ha = _bn(ha + h, lp['g2'], lp['b2'])
        o = hl + ha
        o = o + (jax.nn.relu(o @ lp['Wm1'] + lp['bm1']) @ lp['Wm2'] + lp['bm2'])
        h = _bn(o, lp['g3'], lp['b3'])
    z = jax.nn.relu(h @ params['W1'] + params['b1'])
    z = jax.nn.relu(z @ params['W2'] + params['b2'])
    return z @ params['W3'] + params['b3']

def reference(x, pe, edge_attr, params, edge_index, batch):
    return _forward(x, pe, edge_attr, params, edge_index, batch)

if __name__ == "__main__":
    import jax
    _d = setup_inputs()
    print(jax.jit(kernel)(*tuple(_d.values())))

</pallas_src>

<mosaic_0001>
#map = affine_map<(d0, d1) -> (0, 0)>
#map1 = affine_map<(d0, d1) -> (0)>
module attributes {stable_mosaic.version = 14 : i64} {
  func.func @_sc_msg_body(%arg0: i32, %arg1: i32, %arg2: memref<100000x32xf32, #tpu.memory_space<hbm>>, %arg3: memref<800000xi32, #tpu.memory_space<hbm>>, %arg4: memref<800000xi32, #tpu.memory_space<hbm>>, %arg5: memref<1600000xf32, #tpu.memory_space<hbm>>, %arg6: memref<2x160xf32, #tpu.memory_space<hbm>>, %arg7: memref<100000x32xf32, #tpu.memory_space<hbm>>, %arg8: memref<128xi32, #tpu.memory_space<vmem>>, %arg9: memref<128xi32, #tpu.memory_space<vmem>>, %arg10: memref<272xf32, #tpu.memory_space<vmem>>, %arg11: memref<128x32xf32, #tpu.memory_space<vmem>>, %arg12: memref<128x32xf32, #tpu.memory_space<vmem>>, %arg13: memref<160xf32, #tpu.memory_space<vmem>>, %arg14: memref<200x32xf32, #tpu.memory_space<vmem>>, %arg15: memref<50000x32xf32, #tpu.memory_space<vmem_shared>>, %arg16: memref<!tpu.dma_semaphore, #tpu.memory_space<semaphore_mem>>) attributes {dimension_semantics = [#tpu.dimension_semantics<core_parallel>, #tpu.dimension_semantics<subcore_parallel>], iteration_bounds = array<i64: 2, 16>, scalar_prefetch = 0 : i64, scratch_operands = 9 : i64, tpu.core_type = #tpu.core_type<sc_vector_subcore>, window_params = [{transform_indices = #map}, {transform_indices = #map1}, {transform_indices = #map1}, {transform_indices = #map1}, {transform_indices = #map}, {transform_indices = #map}]} {
    %lt3A = arith.constant 2 : i32
    %lt3A_0 = arith.cmpi slt, %arg1, %lt3A : i32
    %jit3A = arith.constant 1 : i32
    %jit3A_1 = arith.constant 0 : i32
    %select_n3A = arith.select %lt3A_0, %jit3A, %jit3A_1 : i32
    %add3A = arith.constant 3 : i32
    %add3A_2 = arith.addi %add3A, %select_n3A : i32
    "tpu.region"() ({
      %run_scoped3A = tpu.sem_alloc : memref<!tpu.dma_semaphore, #tpu.memory_space<semaphore_mem>>
      %dma_start3A = arith.constant 0 : i32
      %dma_start3A_82 = tpu.memref_slice %arg6[%arg0, %dma_start3A] : memref<2x160xf32, #tpu.memory_space<hbm>> -> memref<1x160xf32, #tpu.memory_space<hbm>>
      %dma_start3A_83 = tpu.memref_squeeze %dma_start3A_82 : memref<1x160xf32, #tpu.memory_space<hbm>> -> memref<160xf32, #tpu.memory_space<hbm>>
      %dma_start3A_84 = arith.constant 0 : i32
      %dma_start3A_85 = tpu.memref_slice %arg6[%arg0, %dma_start3A_84] : memref<2x160xf32, #tpu.memory_space<hbm>> -> memref<1x160xf32, #tpu.memory_space<hbm>>
      %dma_start3A_86 = tpu.memref_squeeze %dma_start3A_85 : memref<1x160xf32, #tpu.memory_space<hbm>> -> memref<160xf32, #tpu.memory_space<hbm>>
      tpu.enqueue_dma source(%dma_start3A_86 : memref<160xf32, #tpu.memory_space<hbm>>) target(%arg13 : memref<160xf32, #tpu.memory_space<vmem>>) target_semaphore(%run_scoped3A : memref<!tpu.dma_semaphore, #tpu.memory_space<semaphore_mem>>)
      %dma_wait3A = arith.constant 0 : i32
      %dma_wait3A_87 = tpu.memref_slice %arg6[%arg0, %dma_wait3A] : memref<2x160xf32, #tpu.memory_space<hbm>> -> memref<1x160xf32, #tpu.memory_space<hbm>>
      %dma_wait3A_88 = tpu.memref_squeeze %dma_wait3A_87 : memref<1x160xf32, #tpu.memory_space<hbm>> -> memref<160xf32, #tpu.memory_space<hbm>>
      %dma_wait3A_89 = arith.constant 0 : i32
      %dma_wait3A_90 = tpu.memref_slice %arg6[%arg0, %dma_wait3A_89] : memref<2x160xf32, #tpu.memory_space<hbm>> -> memref<1x160xf32, #tpu.memory_space<hbm>>
      %dma_wait3A_91 = tpu.memref_squeeze %dma_wait3A_90 : memref<1x160xf32, #tpu.memory_space<hbm>> -> memref<160xf32, #tpu.memory_space<hbm>>
      tpu.wait_dma2 semaphore(%run_scoped3A : memref<!tpu.dma_semaphore, #tpu.memory_space<semaphore_mem>>) src(%dma_wait3A_91 : memref<160xf32, #tpu.memory_space<hbm>>) dst(%arg13 : memref<160xf32, #tpu.memory_space<vmem>>)
      tpu.yield
    }) : () -> ()
    %scan3A = arith.constant 0 : i32
    %scan3A_3 = arith.constant 0 : i32
    %scan3A_4 = arith.constant 200 : i32
    %scan3A_5 = arith.addi %scan3A_3, %scan3A_4 : i32
    %scan3A_6 = arith.constant 1 : i32
    %scan3A_7 = scf.for %scan3A_82 = %scan3A_3 to %scan3A_5 step %scan3A_6 iter_args(%scan3A_83 = %scan3A) -> (i32)  : i32 {
      %broadcast_in_dim3A = arith.constant 0.000000e+00 : f32
      %broadcast_in_dim3A_84 = vector.broadcast %broadcast_in_dim3A : f32 to vector<16xf32>
      %swap3A = arith.index_cast %scan3A_82 : i32 to index
      %swap3A_85 = arith.constant 0 : index
      %swap3A_86 = tpu.vector_load %arg14[%swap3A, %swap3A_85] {strides = array<i32>} : memref<200x32xf32, #tpu.memory_space<vmem>>, vector<1x16xf32>,
      %swap3A_87 = vector.shape_cast %swap3A_86 : vector<1x16xf32> to vector<16xf32>
      %swap3A_88 = vector.shape_cast %broadcast_in_dim3A_84 : vector<16xf32> to vector<1x16xf32>
      tpu.vector_store %arg14[%swap3A, %swap3A_85], %swap3A_88 {strides = array<i32>} : memref<200x32xf32, #tpu.memory_space<vmem>>, vector<1x16xf32>,
      %broadcast_in_dim3A_89 = arith.constant 0.000000e+00 : f32
      %broadcast_in_dim3A_90 = vector.broadcast %broadcast_in_dim3A_89 : f32 to vector<16xf32>
      %swap3A_91 = arith.index_cast %scan3A_82 : i32 to index
      %swap3A_92 = arith.constant 16 : index
      %swap3A_93 = tpu.vector_load %arg14[%swap3A_91, %swap3A_92] {strides = array<i32>} : memref<200x32xf32, #tpu.memory_space<vmem>>, vector<1x16xf32>,
      %swap3A_94 = vector.shape_cast %swap3A_93 : vector<1x16xf32> to vector<16xf32>
      %swap3A_95 = vector.shape_cast %broadcast_in_dim3A_90 : vector<16xf32> to vector<1x16xf32>
      tpu.vector_store %arg14[%swap3A_91, %swap3A_92], %swap3A_95 {strides = array<i32>} : memref<200x32xf32, #tpu.memory_space<vmem>>, vector<1x16xf32>,
      %scan3A_96 = arith.constant 0 : i32
      scf.yield %scan3A_96 : i32
    }
    %scan3A_8 = arith.constant 200 : i32
    %while3A = arith.constant 0 : i32
    %while3A_9 = arith.constant 0 : i32
    %while3A_10 = arith.subi %add3A_2, %while3A : i32
    %while3A_11 = arith.addi %while3A, %while3A_10 : i32
    %while3A_12 = arith.constant 1 : i32
    %while3A_13 = arith.divsi %while3A_10, %while3A_12 : i32
    %while3A_14 = arith.muli %while3A_13, %while3A_12 : i32
    %while3A_15 = arith.addi %while3A, %while3A_14 : i32
    %while3A_16 = arith.constant 1 : i32
    %while3A_17 = scf.for %while3A_82 = %while3A to %while3A_15 step %while3A_16 iter_args(%while3A_83 = %while3A_9) -> (i32)  : i32 {
      %mul3A_84 = arith.constant 16 : i32
      %mul3A_85 = arith.muli %while3A_82, %mul3A_84 : i32
      %add3A_86 = arith.addi %mul3A_85, %arg1 : i32
      %scan3A_87 = arith.constant 0 : i32
      %scan3A_88 = arith.constant 0 : i32
      %scan3A_89 = arith.constant 5 : i32
      %scan3A_90 = arith.addi %scan3A_88, %scan3A_89 : i32
      %scan3A_91 = arith.constant 1 : i32
      %scan3A_92 = scf.for %scan3A_95 = %scan3A_88 to %scan3A_90 step %scan3A_91 iter_args(%scan3A_96 = %scan3A_87) -> (i32)  : i32 {
        %mul3A_97 = arith.constant 1000 : i32
        %mul3A_98 = arith.muli %add3A_86, %mul3A_97 : i32
        %mul3A_99 = arith.constant 200 : i32
        %mul3A_100 = arith.muli %scan3A_95, %mul3A_99 : i32
        %add3A_101 = arith.addi %mul3A_98, %mul3A_100 : i32
        "tpu.region"() ({
          %run_scoped3A = tpu.sem_alloc : memref<!tpu.dma_semaphore, #tpu.memory_space<semaphore_mem>>
          %dma_start3A = arith.constant 0 : i32
          %dma_start3A_103 = tpu.memref_slice %arg15[%add3A_101, %dma_start3A] : memref<50000x32xf32, #tpu.memory_space<vmem_shared>> -> memref<200x32xf32, #tpu.memory_space<vmem_shared>>
          %dma_start3A_104 = arith.constant 0 : i32
          %dma_start3A_105 = tpu.memref_slice %arg15[%add3A_101, %dma_start3A_104] : memref<50000x32xf32, #tpu.memory_space<vmem_shared>> -> memref<200x32xf32, #tpu.memory_space<vmem_shared>>
          tpu.enqueue_dma source(%arg14 : memref<200x32xf32, #tpu.memory_space<vmem>>) target(%dma_start3A_105 : memref<200x32xf32, #tpu.memory_space<vmem_shared>>) target_semaphore(%run_scoped3A : memref<!tpu.dma_semaphore, #tpu.memory_space<semaphore_mem>>)
          %dma_wait3A = arith.constant 0 : i32
          %dma_wait3A_106 = tpu.memref_slice %arg15[%add3A_101, %dma_wait3A] : memref<50000x32xf32, #tpu.memory_space<vmem_shared>> -> memref<200x32xf32, #tpu.memory_space<vmem_shared>>
          %dma_wait3A_107 = arith.constant 0 : i32
          %dma_wait3A_108 = tpu.memref_slice %arg15[%add3A_101, %dma_wait3A_107] : memref<50000x32xf32, #tpu.memory_space<vmem_shared>> -> memref<200x32xf32, #tpu.memory_space<vmem_shared>>
          tpu.wait_dma2 semaphore(%run_scoped3A : memref<!tpu.dma_semaphore, #tpu.memory_space<semaphore_mem>>) src(%arg14 : memref<200x32xf32, #tpu.memory_space<vmem>>) dst(%dma_wait3A_108 : memref<200x32xf32, #tpu.memory_space<vmem_shared>>)
          tpu.yield
        }) : () -> ()
        %scan3A_102 = arith.constant 0 : i32
        scf.yield %scan3A_102 : i32
      }
      %scan3A_93 = arith.constant 5 : i32
      %while3A_94 = arith.constant 0 : i32
      scf.yield %while3A_94 : i32
    }
    %while3A_18 = arith.constant 1 : i32
    %while3A_19 = scf.for %while3A_82 = %while3A_15 to %while3A_11 step %while3A_18 iter_args(%while3A_83 = %while3A_17) -> (i32)  : i32 {
      %mul3A_84 = arith.constant 16 : i32
      %mul3A_85 = arith.muli %while3A_82, %mul3A_84 : i32
      %add3A_86 = arith.addi %mul3A_85, %arg1 : i32
      %scan3A_87 = arith.constant 0 : i32
      %scan3A_88 = arith.constant 0 : i32
      %scan3A_89 = arith.constant 5 : i32
      %scan3A_90 = arith.addi %scan3A_88, %scan3A_89 : i32
      %scan3A_91 = arith.constant 1 : i32
      %scan3A_92 = scf.for %scan3A_95 = %scan3A_88 to %scan3A_90 step %scan3A_91 iter_args(%scan3A_96 = %scan3A_87) -> (i32)  : i32 {
        %mul3A_97 = arith.constant 1000 : i32
        %mul3A_98 = arith.muli %add3A_86, %mul3A_97 : i32
        %mul3A_99 = arith.constant 200 : i32
        %mul3A_100 = arith.muli %scan3A_95, %mul3A_99 : i32
        %add3A_101 = arith.addi %mul3A_98, %mul3A_100 : i32
        "tpu.region"() ({
          %run_scoped3A = tpu.sem_alloc : memref<!tpu.dma_semaphore, #tpu.memory_space<semaphore_mem>>
          %dma_start3A = arith.constant 0 : i32
          %dma_start3A_103 = tpu.memref_slice %arg15[%add3A_101, %dma_start3A] : memref<50000x32xf32, #tpu.memory_space<vmem_shared>> -> memref<200x32xf32, #tpu.memory_space<vmem_shared>>
          %dma_start3A_104 = arith.constant 0 : i32
          %dma_start3A_105 = tpu.memref_slice %arg15[%add3A_101, %dma_start3A_104] : memref<50000x32xf32, #tpu.memory_space<vmem_shared>> -> memref<200x32xf32, #tpu.memory_space<vmem_shared>>
          tpu.enqueue_dma source(%arg14 : memref<200x32xf32, #tpu.memory_space<vmem>>) target(%dma_start3A_105 : memref<200x32xf32, #tpu.memory_space<vmem_shared>>) target_semaphore(%run_scoped3A : memref<!tpu.dma_semaphore, #tpu.memory_space<semaphore_mem>>)
          %dma_wait3A = arith.constant 0 : i32
          %dma_wait3A_106 = tpu.memref_slice %arg15[%add3A_101, %dma_wait3A] : memref<50000x32xf32, #tpu.memory_space<vmem_shared>> -> memref<200x32xf32, #tpu.memory_space<vmem_shared>>
          %dma_wait3A_107 = arith.constant 0 : i32
          %dma_wait3A_108 = tpu.memref_slice %arg15[%add3A_101, %dma_wait3A_107] : memref<50000x32xf32, #tpu.memory_space<vmem_shared>> -> memref<200x32xf32, #tpu.memory_space<vmem_shared>>
          tpu.wait_dma2 semaphore(%run_scoped3A : memref<!tpu.dma_semaphore, #tpu.memory_space<semaphore_mem>>) src(%arg14 : memref<200x32xf32, #tpu.memory_space<vmem>>) dst(%dma_wait3A_108 : memref<200x32xf32, #tpu.memory_space<vmem_shared>>)
          tpu.yield
        }) : () -> ()
        %scan3A_102 = arith.constant 0 : i32
        scf.yield %scan3A_102 : i32
      }
      %scan3A_93 = arith.constant 5 : i32
      %while3A_94 = arith.constant 0 : i32
      scf.yield %while3A_94 : i32
    }
    %barrier3A = arith.constant 0 : index
    tpu.barrier barrier_id(%barrier3A)
    %get3A = arith.constant 0 : index
    %get3A_20 = tpu.vector_load %arg13[%get3A] {strides = array<i32>} : memref<160xf32, #tpu.memory_space<vmem>>, vector<16xf32>,
    %get3A_21 = vector.shape_cast %get3A_20 : vector<16xf32> to vector<16xf32>
    %get3A_22 = arith.constant 16 : index
    %get3A_23 = tpu.vector_load %arg13[%get3A_22] {strides = array<i32>} : memref<160xf32, #tpu.memory_space<vmem>>, vector<16xf32>,
    %get3A_24 = vector.shape_cast %get3A_23 : vector<16xf32> to vector<16xf32>
    %get3A_25 = arith.constant 32 : index
    %get3A_26 = tpu.vector_load %arg13[%get3A_25] {strides = array<i32>} : memref<160xf32, #tpu.memory_space<vmem>>, vector<16xf32>,
    %get3A_27 = vector.shape_cast %get3A_26 : vector<16xf32> to vector<16xf32>
    %get3A_28 = arith.constant 48 : index
    %get3A_29 = tpu.vector_load %arg13[%get3A_28] {strides = array<i32>} : memref<160xf32, #tpu.memory_space<vmem>>, vector<16xf32>,
    %get3A_30 = vector.shape_cast %get3A_29 : vector<16xf32> to vector<16xf32>
    %get3A_31 = arith.constant 64 : index
    %get3A_32 = tpu.vector_load %arg13[%get3A_31] {strides = array<i32>} : memref<160xf32, #tpu.memory_space<vmem>>, vector<16xf32>,
    %get3A_33 = vector.shape_cast %get3A_32 : vector<16xf32> to vector<16xf32>
    %get3A_34 = arith.constant 80 : index
    %get3A_35 = tpu.vector_load %arg13[%get3A_34] {strides = array<i32>} : memref<160xf32, #tpu.memory_space<vmem>>, vector<16xf32>,
    %get3A_36 = vector.shape_cast %get3A_35 : vector<16xf32> to vector<16xf32>
    %get3A_37 = arith.constant 96 : index
    %get3A_38 = tpu.vector_load %arg13[%get3A_37] {strides = array<i32>} : memref<160xf32, #tpu.memory_space<vmem>>, vector<16xf32>,
    %get3A_39 = vector.shape_cast %get3A_38 : vector<16xf32> to vector<16xf32>
    %get3A_40 = arith.constant 112 : index
    %get3A_41 = tpu.vector_load %arg13[%get3A_40] {strides = array<i32>} : memref<160xf32, #tpu.memory_space<vmem>>, vector<16xf32>,
    %get3A_42 = vector.shape_cast %get3A_41 : vector<16xf32> to vector<16xf32>
    %get3A_43 = arith.constant 128 : index
    %get3A_44 = tpu.vector_load %arg13[%get3A_43] {strides = array<i32>} : memref<160xf32, #tpu.memory_space<vmem>>, vector<16xf32>,
    %get3A_45 = vector.shape_cast %get3A_44 : vector<16xf32> to vector<16xf32>
    %get3A_46 = arith.constant 144 : index
    %get3A_47 = tpu.vector_load %arg13[%get3A_46] {strides = array<i32>} : memref<160xf32, #tpu.memory_space<vmem>>, vector<16xf32>,
    %get3A_48 = vector.shape_cast %get3A_47 : vector<16xf32> to vector<16xf32>
    %mul3A = arith.constant 50000 : i32
    %mul3A_49 = arith.muli %arg0, %mul3A : i32
    %lt3A_50 = arith.constant 10 : i32
    %lt3A_51 = arith.cmpi slt, %arg1, %lt3A_50 : i32
    %jit3A_52 = arith.constant 1 : i32
    %jit3A_53 = arith.constant 0 : i32
    %select_n3A_54 = arith.select %lt3A_51, %jit3A_52, %jit3A_53 : i32
    %add3A_55 = arith.constant 390 : i32
    %add3A_56 = arith.addi %add3A_55, %select_n3A_54 : i32
    %while3A_57 = arith.constant 0 : i32
    %while3A_58 = arith.constant 0 : i32
    %while3A_59 = arith.subi %add3A_56, %while3A_57 : i32
    %while3A_60 = arith.addi %while3A_57, %while3A_59 : i32
    %while3A_61 = arith.constant 1 : i32
    %while3A_62 = arith.divsi %while3A_59, %while3A_61 : i32
    %while3A_63 = arith.muli %while3A_62, %while3A_61 : i32
    %while3A_64 = arith.addi %while3A_57, %while3A_63 : i32
    %while3A_65 = arith.constant 1 : i32
    %while3A_66 = scf.for %while3A_82 = %while3A_57 to %while3A_64 step %while3A_65 iter_args(%while3A_83 = %while3A_58) -> (i32)  : i32 {
      %mul3A_84 = arith.constant 16 : i32
      %mul3A_85 = arith.muli %while3A_82, %mul3A_84 : i32
      %add3A_86 = arith.addi %mul3A_85, %arg1 : i32
      %mul3A_87 = arith.constant 128 : i32
      %mul3A_88 = arith.muli %add3A_86, %mul3A_87 : i32
      "tpu.region"() ({
        %run_scoped3A = tpu.sem_alloc : memref<!tpu.dma_semaphore, #tpu.memory_space<semaphore_mem>>
        %dma_start3A_110 = tpu.memref_slice %arg3[%mul3A_88] : memref<800000xi32, #tpu.memory_space<hbm>> -> memref<128xi32, #tpu.memory_space<hbm>>
        %dma_start3A_111 = tpu.memref_slice %arg3[%mul3A_88] : memref<800000xi32, #tpu.memory_space<hbm>> -> memref<128xi32, #tpu.memory_space<hbm>>
        tpu.enqueue_dma source(%dma_start3A_111 : memref<128xi32, #tpu.memory_space<hbm>>) target(%arg8 : memref<128xi32, #tpu.memory_space<vmem>>) target_semaphore(%run_scoped3A : memref<!tpu.dma_semaphore, #tpu.memory_space<semaphore_mem>>)
        %dma_wait3A_112 = tpu.memref_slice %arg3[%mul3A_88] : memref<800000xi32, #tpu.memory_space<hbm>> -> memref<128xi32, #tpu.memory_space<hbm>>
        %dma_wait3A_113 = tpu.memref_slice %arg3[%mul3A_88] : memref<800000xi32, #tpu.memory_space<hbm>> -> memref<128xi32, #tpu.memory_space<hbm>>
        tpu.wait_dma2 semaphore(%run_scoped3A : memref<!tpu.dma_semaphore, #tpu.memory_space<semaphore_mem>>) src(%dma_wait3A_113 : memref<128xi32, #tpu.memory_space<hbm>>) dst(%arg8 : memref<128xi32, #tpu.memory_space<vmem>>)
        tpu.yield
      }) : () -> ()
      "tpu.region"() ({
        %run_scoped3A = tpu.sem_alloc : memref<!tpu.dma_semaphore, #tpu.memory_space<semaphore_mem>>
        %dma_start3A_110 = tpu.memref_slice %arg4[%mul3A_88] : memref<800000xi32, #tpu.memory_space<hbm>> -> memref<128xi32, #tpu.memory_space<hbm>>
        %dma_start3A_111 = tpu.memref_slice %arg4[%mul3A_88] : memref<800000xi32, #tpu.memory_space<hbm>> -> memref<128xi32, #tpu.memory_space<hbm>>
        tpu.enqueue_dma source(%dma_start3A_111 : memref<128xi32, #tpu.memory_space<hbm>>) target(%arg9 : memref<128xi32, #tpu.memory_space<vmem>>) target_semaphore(%run_scoped3A : memref<!tpu.dma_semaphore, #tpu.memory_space<semaphore_mem>>)
        %dma_wait3A_112 = tpu.memref_slice %arg4[%mul3A_88] : memref<800000xi32, #tpu.memory_space<hbm>> -> memref<128xi32, #tpu.memory_space<hbm>>
        %dma_wait3A_113 = tpu.memref_slice %arg4[%mul3A_88] : memref<800000xi32, #tpu.memory_space<hbm>> -> memref<128xi32, #tpu.memory_space<hbm>>
        tpu.wait_dma2 semaphore(%run_scoped3A : memref<!tpu.dma_semaphore, #tpu.memory_space<semaphore_mem>>) src(%dma_wait3A_113 : memref<128xi32, #tpu.memory_space<hbm>>) dst(%arg9 : memref<128xi32, #tpu.memory_space<vmem>>)
        tpu.yield
      }) : () -> ()
      %mul3A_89 = arith.constant 2 : i32
      %mul3A_90 = arith.muli %mul3A_89, %mul3A_88 : i32
      "tpu.region"() ({
        %run_scoped3A = tpu.sem_alloc : memref<!tpu.dma_semaphore, #tpu.memory_space<semaphore_mem>>
        %dma_start3A_110 = arith.constant 0 : i32
        %dma_start3A_111 = tpu.memref_slice %arg10[%dma_start3A_110] : memref<272xf32, #tpu.memory_space<vmem>> -> memref<256xf32, #tpu.memory_space<vmem>>
        %dma_start3A_112 = tpu.memref_slice %arg5[%mul3A_90] : memref<1600000xf32, #tpu.memory_space<hbm>> -> memref<256xf32, #tpu.memory_space<hbm>>
        %dma_start3A_113 = arith.constant 0 : i32
        %dma_start3A_114 = tpu.memref_slice %arg10[%dma_start3A_113] : memref<272xf32, #tpu.memory_space<vmem>> -> memref<256xf32, #tpu.memory_space<vmem>>
        %dma_start3A_115 = tpu.memref_slice %arg5[%mul3A_90] : memref<1600000xf32, #tpu.memory_space<hbm>> -> memref<256xf32, #tpu.memory_space<hbm>>
        tpu.enqueue_dma source(%dma_start3A_115 : memref<256xf32, #tpu.memory_space<hbm>>) target(%dma_start3A_114 : memref<256xf32, #tpu.memory_space<vmem>>) target_semaphore(%run_scoped3A : memref<!tpu.dma_semaphore, #tpu.memory_space<semaphore_mem>>)
        %dma_wait3A_116 = arith.constant 0 : i32
        %dma_wait3A_117 = tpu.memref_slice %arg10[%dma_wait3A_116] : memref<272xf32, #tpu.memory_space<vmem>> -> memref<256xf32, #tpu.memory_space<vmem>>
        %dma_wait3A_118 = tpu.memref_slice %arg5[%mul3A_90] : memref<1600000xf32, #tpu.memory_space<hbm>> -> memref<256xf32, #tpu.memory_space<hbm>>
        %dma_wait3A_119 = arith.constant 0 : i32
        %dma_wait3A_120 = tpu.memref_slice %arg10[%dma_wait3A_119] : memref<272xf32, #tpu.memory_space<vmem>> -> memref<256xf32, #tpu.memory_space<vmem>>
        %dma_wait3A_121 = tpu.memref_slice %arg5[%mul3A_90] : memref<1600000xf32, #tpu.memory_space<hbm>> -> memref<256xf32, #tpu.memory_space<hbm>>
        tpu.wait_dma2 semaphore(%run_scoped3A : memref<!tpu.dma_semaphore, #tpu.memory_space<semaphore_mem>>) src(%dma_wait3A_121 : memref<256xf32, #tpu.memory_space<hbm>>) dst(%dma_wait3A_120 : memref<256xf32, #tpu.memory_space<vmem>>)
        tpu.yield
      }) : () -> ()
      %scan3A_91 = arith.constant 0 : i32
      %scan3A_92 = arith.constant 0 : i32
      %scan3A_93 = arith.constant 8 : i32
      %scan3A_94 = arith.addi %scan3A_92, %scan3A_93 : i32
      %scan3A_95 = arith.constant 1 : i32
      %scan3A_96 = scf.for %scan3A_110 = %scan3A_92 to %scan3A_94 step %scan3A_95 iter_args(%scan3A_111 = %scan3A_91) -> (i32)  : i32 {
        %mul3A_112 = arith.constant 16 : i32
        %mul3A_113 = arith.muli %scan3A_110, %mul3A_112 : i32
        %get3A_114 = arith.index_cast %mul3A_113 : i32 to index
        %get3A_115 = tpu.vector_load %arg8[%get3A_114] {strides = array<i32>} : memref<128xi32, #tpu.memory_space<vmem>>, vector<16xi32>,
        %get3A_116 = vector.shape_cast %get3A_115 : vector<16xi32> to vector<16xi32>
        %add3A_117 = vector.broadcast %mul3A_49 : i32 to vector<16xi32>
        %add3A_118 = arith.addi %get3A_116, %add3A_117 : vector<16xi32>
        %mul3A_119 = arith.constant 16 : i32
        %mul3A_120 = arith.muli %scan3A_110, %mul3A_119 : i32
        %swap3A = arith.index_cast %mul3A_120 : i32 to index
        %swap3A_121 = tpu.vector_load %arg8[%swap3A] {strides = array<i32>} : memref<128xi32, #tpu.memory_space<vmem>>, vector<16xi32>,
        %swap3A_122 = vector.shape_cast %swap3A_121 : vector<16xi32> to vector<16xi32>
        %swap3A_123 = vector.shape_cast %add3A_118 : vector<16xi32> to vector<16xi32>
        tpu.vector_store %arg8[%swap3A], %swap3A_123 {strides = array<i32>} : memref<128xi32, #tpu.memory_space<vmem>>, vector<16xi32>,
        %scan3A_124 = arith.constant 0 : i32
        scf.yield %scan3A_124 : i32
      }
      %scan3A_97 = arith.constant 8 : i32
      %dma_start3A = arith.constant 0 : i32
      %dma_start3A_98 = arith.constant 0 : i32
      %dma_start3A_99 = tpu.memref_slice %arg2[%dma_start3A, %dma_start3A_98] : memref<100000x32xf32, #tpu.memory_space<hbm>> -> memref<100000x32xf32, #tpu.memory_space<hbm>>
      tpu.enqueue_indirect_dma source(%dma_start3A_99 : memref<100000x32xf32, #tpu.memory_space<hbm>>) target(%arg11 : memref<128x32xf32, #tpu.memory_space<vmem>>) offsets(%arg8 : memref<128xi32, #tpu.memory_space<vmem>>) semaphore(%arg16 : memref<!tpu.dma_semaphore, #tpu.memory_space<semaphore_mem>>)
      %dma_wait3A = arith.constant 0 : i32
      %dma_wait3A_100 = arith.constant 0 : i32
      %dma_wait3A_101 = tpu.memref_slice %arg2[%dma_wait3A, %dma_wait3A_100] : memref<100000x32xf32, #tpu.memory_space<hbm>> -> memref<100000x32xf32, #tpu.memory_space<hbm>>
      tpu.wait_indirect_dma semaphore(%arg16 : memref<!tpu.dma_semaphore, #tpu.memory_space<semaphore_mem>>) src(%dma_wait3A_101 : memref<100000x32xf32, #tpu.memory_space<hbm>>) dst(%arg11 : memref<128x32xf32, #tpu.memory_space<vmem>>)
      %scan3A_102 = arith.constant 0 : i32
      %scan3A_103 = arith.constant 0 : i32
      %scan3A_104 = arith.constant 128 : i32
      %scan3A_105 = arith.addi %scan3A_103, %scan3A_104 : i32
      %scan3A_106 = arith.constant 1 : i32
      %scan3A_107 = scf.for %scan3A_110 = %scan3A_103 to %scan3A_105 step %scan3A_106 iter_args(%scan3A_111 = %scan3A_102) -> (i32)  : i32 {
        %mul3A_112 = arith.constant 2 : i32
        %mul3A_113 = arith.muli %mul3A_112, %scan3A_110 : i32
        %get3A_114 = arith.index_cast %mul3A_113 : i32 to index
        %get3A_115 = tpu.vector_load %arg10[%get3A_114] {strides = array<i32>} : memref<272xf32, #tpu.memory_space<vmem>>, vector<16xf32>,
        %get3A_116 = vector.shape_cast %get3A_115 : vector<16xf32> to vector<16xf32>
        %slice3A = vector.extract_strided_slice %get3A_116 {offsets = [0], sizes = [1], strides = [1]} : vector<16xf32> to vector<1xf32>
        %squeeze3A = vector.extract %slice3A[0] : f32 from vector<1xf32>
        %slice3A_117 = vector.extract_strided_slice %get3A_116 {offsets = [1], sizes = [1], strides = [1]} : vector<16xf32> to vector<1xf32>
        %squeeze3A_118 = vector.extract %slice3A_117[0] : f32 from vector<1xf32>
        %get3A_119 = arith.index_cast %scan3A_110 : i32 to index
        %get3A_120 = arith.constant 0 : index
        %get3A_121 = tpu.vector_load %arg11[%get3A_119, %get3A_120] {strides = array<i32>} : memref<128x32xf32, #tpu.memory_space<vmem>>, vector<1x16xf32>,
        %get3A_122 = vector.shape_cast %get3A_121 : vector<1x16xf32> to vector<16xf32>
        %get3A_123 = arith.index_cast %scan3A_110 : i32 to index
        %get3A_124 = arith.constant 16 : index
        %get3A_125 = tpu.vector_load %arg11[%get3A_123, %get3A_124] {strides = array<i32>} : memref<128x32xf32, #tpu.memory_space<vmem>>, vector<1x16xf32>,
        %get3A_126 = vector.shape_cast %get3A_125 : vector<1x16xf32> to vector<16xf32>
        %mul3A_127 = arith.mulf %get3A_122, %get3A_39 : vector<16xf32>
        %add3A_128 = arith.addf %mul3A_127, %get3A_45 : vector<16xf32>
        %mul3A_129 = arith.mulf %get3A_126, %get3A_42 : vector<16xf32>
        %add3A_130 = arith.addf %mul3A_129, %get3A_48 : vector<16xf32>
        %mul3A_131 = vector.broadcast %squeeze3A : f32 to vector<16xf32>
        %mul3A_132 = arith.mulf %mul3A_131, %get3A_21 : vector<16xf32>
        %add3A_133 = arith.addf %add3A_128, %mul3A_132 : vector<16xf32>
        %mul3A_134 = vector.broadcast %squeeze3A_118 : f32 to vector<16xf32>
        %mul3A_135 = arith.mulf %mul3A_134, %get3A_27 : vector<16xf32>
        %add3A_136 = arith.addf %add3A_133, %mul3A_135 : vector<16xf32>
        %add3A_137 = arith.addf %add3A_136, %get3A_33 : vector<16xf32>
        %max3A = arith.constant 0.000000e+00 : f32
        %max3A_138 = vector.broadcast %max3A : f32 to vector<16xf32>
        %max3A_139 = arith.maximumf %add3A_137, %max3A_138 : vector<16xf32>
        %mul3A_140 = vector.broadcast %squeeze3A : f32 to vector<16xf32>
        %mul3A_141 = arith.mulf %mul3A_140, %get3A_24 : vector<16xf32>
        %add3A_142 = arith.addf %add3A_130, %mul3A_141 : vector<16xf32>
        %mul3A_143 = vector.broadcast %squeeze3A_118 : f32 to vector<16xf32>
        %mul3A_144 = arith.mulf %mul3A_143, %get3A_30 : vector<16xf32>
        %add3A_145 = arith.addf %add3A_142, %mul3A_144 : vector<16xf32>
        %add3A_146 = arith.addf %add3A_145, %get3A_36 : vector<16xf32>
        %max3A_147 = arith.constant 0.000000e+00 : f32
        %max3A_148 = vector.broadcast %max3A_147 : f32 to vector<16xf32>
        %max3A_149 = arith.maximumf %add3A_146, %max3A_148 : vector<16xf32>
        %swap3A = arith.index_cast %scan3A_110 : i32 to index
        %swap3A_150 = arith.constant 0 : index
        %swap3A_151 = tpu.vector_load %arg12[%swap3A, %swap3A_150] {strides = array<i32>} : memref<128x32xf32, #tpu.memory_space<vmem>>, vector<1x16xf32>,
        %swap3A_152 = vector.shape_cast %swap3A_151 : vector<1x16xf32> to vector<16xf32>
        %swap3A_153 = vector.shape_cast %max3A_139 : vector<16xf32> to vector<1x16xf32>
        tpu.vector_store %arg12[%swap3A, %swap3A_150], %swap3A_153 {strides = array<i32>} : memref<128x32xf32, #tpu.memory_space<vmem>>, vector<1x16xf32>,
        %swap3A_154 = arith.index_cast %scan3A_110 : i32 to index
        %swap3A_155 = arith.constant 16 : index
        %swap3A_156 = tpu.vector_load %arg12[%swap3A_154, %swap3A_155] {strides = array<i32>} : memref<128x32xf32, #tpu.memory_space<vmem>>, vector<1x16xf32>,
        %swap3A_157 = vector.shape_cast %swap3A_156 : vector<1x16xf32> to vector<16xf32>
        %swap3A_158 = vector.shape_cast %max3A_149 : vector<16xf32> to vector<1x16xf32>
        tpu.vector_store %arg12[%swap3A_154, %swap3A_155], %swap3A_158 {strides = array<i32>} : memref<128x32xf32, #tpu.memory_space<vmem>>, vector<1x16xf32>,
        %scan3A_159 = arith.constant 0 : i32
        scf.yield %scan3A_159 : i32
      }
      %scan3A_108 = arith.constant 128 : i32
      "tpu.region"() ({
        %run_scoped3A = tpu.sem_alloc : memref<!tpu.dma_semaphore, #tpu.memory_space<semaphore_mem>>
        %dma_start3A_110 = arith.constant 0 : i32
        %dma_start3A_111 = arith.constant 0 : i32
        %dma_start3A_112 = tpu.memref_slice %arg15[%dma_start3A_110, %dma_start3A_111] : memref<50000x32xf32, #tpu.memory_space<vmem_shared>> -> memref<50000x32xf32, #tpu.memory_space<vmem_shared>>
        tpu.enqueue_indirect_dma source(%arg12 : memref<128x32xf32, #tpu.memory_space<vmem>>) target(%dma_start3A_112 : memref<50000x32xf32, #tpu.memory_space<vmem_shared>>) offsets(%arg9 : memref<128xi32, #tpu.memory_space<vmem>>) semaphore(%run_scoped3A : memref<!tpu.dma_semaphore, #tpu.memory_space<semaphore_mem>>) {add = true}
        %dma_wait3A_113 = arith.constant 0 : i32
        %dma_wait3A_114 = arith.constant 0 : i32
        %dma_wait3A_115 = tpu.memref_slice %arg15[%dma_wait3A_113, %dma_wait3A_114] : memref<50000x32xf32, #tpu.memory_space<vmem_shared>> -> memref<50000x32xf32, #tpu.memory_space<vmem_shared>>
        tpu.wait_indirect_dma semaphore(%run_scoped3A : memref<!tpu.dma_semaphore, #tpu.memory_space<semaphore_mem>>) src(%arg12 : memref<128x32xf32, #tpu.memory_space<vmem>>) dst(%dma_wait3A_115 : memref<50000x32xf32, #tpu.memory_space<vmem_shared>>)
        tpu.yield
      }) : () -> ()
      %while3A_109 = arith.constant 0 : i32
      scf.yield %while3A_109 : i32
    }
    %while3A_67 = arith.constant 1 : i32
    %while3A_68 = scf.for %while3A_82 = %while3A_64 to %while3A_60 step %while3A_67 iter_args(%while3A_83 = %while3A_66) -> (i32)  : i32 {
      %mul3A_84 = arith.constant 16 : i32
      %mul3A_85 = arith.muli %while3A_82, %mul3A_84 : i32
      %add3A_86 = arith.addi %mul3A_85, %arg1 : i32
      %mul3A_87 = arith.constant 128 : i32
      %mul3A_88 = arith.muli %add3A_86, %mul3A_87 : i32
      "tpu.region"() ({
        %run_scoped3A = tpu.sem_alloc : memref<!tpu.dma_semaphore, #tpu.memory_space<semaphore_mem>>
        %dma_start3A_110 = tpu.memref_slice %arg3[%mul3A_88] : memref<800000xi32, #tpu.memory_space<hbm>> -> memref<128xi32, #tpu.memory_space<hbm>>
        %dma_start3A_111 = tpu.memref_slice %arg3[%mul3A_88] : memref<800000xi32, #tpu.memory_space<hbm>> -> memref<128xi32, #tpu.memory_space<hbm>>
        tpu.enqueue_dma source(%dma_start3A_111 : memref<128xi32, #tpu.memory_space<hbm>>) target(%arg8 : memref<128xi32, #tpu.memory_space<vmem>>) target_semaphore(%run_scoped3A : memref<!tpu.dma_semaphore, #tpu.memory_space<semaphore_mem>>)
        %dma_wait3A_112 = tpu.memref_slice %arg3[%mul3A_88] : memref<800000xi32, #tpu.memory_space<hbm>> -> memref<128xi32, #tpu.memory_space<hbm>>
        %dma_wait3A_113 = tpu.memref_slice %arg3[%mul3A_88] : memref<800000xi32, #tpu.memory_space<hbm>> -> memref<128xi32, #tpu.memory_space<hbm>>
        tpu.wait_dma2 semaphore(%run_scoped3A : memref<!tpu.dma_semaphore, #tpu.memory_space<semaphore_mem>>) src(%dma_wait3A_113 : memref<128xi32, #tpu.memory_space<hbm>>) dst(%arg8 : memref<128xi32, #tpu.memory_space<vmem>>)
        tpu.yield
      }) : () -> ()
      "tpu.region"() ({
        %run_scoped3A = tpu.sem_alloc : memref<!tpu.dma_semaphore, #tpu.memory_space<semaphore_mem>>
        %dma_start3A_110 = tpu.memref_slice %arg4[%mul3A_88] : memref<800000xi32, #tpu.memory_space<hbm>> -> memref<128xi32, #tpu.memory_space<hbm>>
        %dma_start3A_111 = tpu.memref_slice %arg4[%mul3A_88] : memref<800000xi32, #tpu.memory_space<hbm>> -> memref<128xi32, #tpu.memory_space<hbm>>
        tpu.enqueue_dma source(%dma_start3A_111 : memref<128xi32, #tpu.memory_space<hbm>>) target(%arg9 : memref<128xi32, #tpu.memory_space<vmem>>) target_semaphore(%run_scoped3A : memref<!tpu.dma_semaphore, #tpu.memory_space<semaphore_mem>>)
        %dma_wait3A_112 = tpu.memref_slice %arg4[%mul3A_88] : memref<800000xi32, #tpu.memory_space<hbm>> -> memref<128xi32, #tpu.memory_space<hbm>>
        %dma_wait3A_113 = tpu.memref_slice %arg4[%mul3A_88] : memref<800000xi32, #tpu.memory_space<hbm>> -> memref<128xi32, #tpu.memory_space<hbm>>
        tpu.wait_dma2 semaphore(%run_scoped3A : memref<!tpu.dma_semaphore, #tpu.memory_space<semaphore_mem>>) src(%dma_wait3A_113 : memref<128xi32, #tpu.memory_space<hbm>>) dst(%arg9 : memref<128xi32, #tpu.memory_space<vmem>>)
        tpu.yield
      }) : () -> ()
      %mul3A_89 = arith.constant 2 : i32
      %mul3A_90 = arith.muli %mul3A_89, %mul3A_88 : i32
      "tpu.region"() ({
        %run_scoped3A = tpu.sem_alloc : memref<!tpu.dma_semaphore, #tpu.memory_space<semaphore_mem>>
        %dma_start3A_110 = arith.constant 0 : i32
        %dma_start3A_111 = tpu.memref_slice %arg10[%dma_start3A_110] : memref<272xf32, #tpu.memory_space<vmem>> -> memref<256xf32, #tpu.memory_space<vmem>>
        %dma_start3A_112 = tpu.memref_slice %arg5[%mul3A_90] : memref<1600000xf32, #tpu.memory_space<hbm>> -> memref<256xf32, #tpu.memory_space<hbm>>
        %dma_start3A_113 = arith.constant 0 : i32
        %dma_start3A_114 = tpu.memref_slice %arg10[%dma_start3A_113] : memref<272xf32, #tpu.memory_space<vmem>> -> memref<256xf32, #tpu.memory_space<vmem>>
        %dma_start3A_115 = tpu.memref_slice %arg5[%mul3A_90] : memref<1600000xf32, #tpu.memory_space<hbm>> -> memref<256xf32, #tpu.memory_space<hbm>>
        tpu.enqueue_dma source(%dma_start3A_115 : memref<256xf32, #tpu.memory_space<hbm>>) target(%dma_start3A_114 : memref<256xf32, #tpu.memory_space<vmem>>) target_semaphore(%run_scoped3A : memref<!tpu.dma_semaphore, #tpu.memory_space<semaphore_mem>>)
        %dma_wait3A_116 = arith.constant 0 : i32
        %dma_wait3A_117 = tpu.memref_slice %arg10[%dma_wait3A_116] : memref<272xf32, #tpu.memory_space<vmem>> -> memref<256xf32, #tpu.memory_space<vmem>>
        %dma_wait3A_118 = tpu.memref_slice %arg5[%mul3A_90] : memref<1600000xf32, #tpu.memory_space<hbm>> -> memref<256xf32, #tpu.memory_space<hbm>>
        %dma_wait3A_119 = arith.constant 0 : i32
        %dma_wait3A_120 = tpu.memref_slice %arg10[%dma_wait3A_119] : memref<272xf32, #tpu.memory_space<vmem>> -> memref<256xf32, #tpu.memory_space<vmem>>
        %dma_wait3A_121 = tpu.memref_slice %arg5[%mul3A_90] : memref<1600000xf32, #tpu.memory_space<hbm>> -> memref<256xf32, #tpu.memory_space<hbm>>
        tpu.wait_dma2 semaphore(%run_scoped3A : memref<!tpu.dma_semaphore, #tpu.memory_space<semaphore_mem>>) src(%dma_wait3A_121 : memref<256xf32, #tpu.memory_space<hbm>>) dst(%dma_wait3A_120 : memref<256xf32, #tpu.memory_space<vmem>>)
        tpu.yield
      }) : () -> ()
      %scan3A_91 = arith.constant 0 : i32
      %scan3A_92 = arith.constant 0 : i32
      %scan3A_93 = arith.constant 8 : i32
      %scan3A_94 = arith.addi %scan3A_92, %scan3A_93 : i32
      %scan3A_95 = arith.constant 1 : i32
      %scan3A_96 = scf.for %scan3A_110 = %scan3A_92 to %scan3A_94 step %scan3A_95 iter_args(%scan3A_111 = %scan3A_91) -> (i32)  : i32 {
        %mul3A_112 = arith.constant 16 : i32
        %mul3A_113 = arith.muli %scan3A_110, %mul3A_112 : i32
        %get3A_114 = arith.index_cast %mul3A_113 : i32 to index
        %get3A_115 = tpu.vector_load %arg8[%get3A_114] {strides = array<i32>} : memref<128xi32, #tpu.memory_space<vmem>>, vector<16xi32>,
        %get3A_116 = vector.shape_cast %get3A_115 : vector<16xi32> to vector<16xi32>
        %add3A_117 = vector.broadcast %mul3A_49 : i32 to vector<16xi32>
        %add3A_118 = arith.addi %get3A_116, %add3A_117 : vector<16xi32>
        %mul3A_119 = arith.constant 16 : i32
        %mul3A_120 = arith.muli %scan3A_110, %mul3A_119 : i32
        %swap3A = arith.index_cast %mul3A_120 : i32 to index
        %swap3A_121 = tpu.vector_load %arg8[%swap3A] {strides = array<i32>} : memref<128xi32, #tpu.memory_space<vmem>>, vector<16xi32>,
        %swap3A_122 = vector.shape_cast %swap3A_121 : vector<16xi32> to vector<16xi32>
        %swap3A_123 = vector.shape_cast %add3A_118 : vector<16xi32> to vector<16xi32>
        tpu.vector_store %arg8[%swap3A], %swap3A_123 {strides = array<i32>} : memref<128xi32, #tpu.memory_space<vmem>>, vector<16xi32>,
        %scan3A_124 = arith.constant 0 : i32
        scf.yield %scan3A_124 : i32
      }
      %scan3A_97 = arith.constant 8 : i32
      %dma_start3A = arith.constant 0 : i32
      %dma_start3A_98 = arith.constant 0 : i32
      %dma_start3A_99 = tpu.memref_slice %arg2[%dma_start3A, %dma_start3A_98] : memref<100000x32xf32, #tpu.memory_space<hbm>> -> memref<100000x32xf32, #tpu.memory_space<hbm>>
      tpu.enqueue_indirect_dma source(%dma_start3A_99 : memref<100000x32xf32, #tpu.memory_space<hbm>>) target(%arg11 : memref<128x32xf32, #tpu.memory_space<vmem>>) offsets(%arg8 : memref<128xi32, #tpu.memory_space<vmem>>) semaphore(%arg16 : memref<!tpu.dma_semaphore, #tpu.memory_space<semaphore_mem>>)
      %dma_wait3A = arith.constant 0 : i32
      %dma_wait3A_100 = arith.constant 0 : i32
      %dma_wait3A_101 = tpu.memref_slice %arg2[%dma_wait3A, %dma_wait3A_100] : memref<100000x32xf32, #tpu.memory_space<hbm>> -> memref<100000x32xf32, #tpu.memory_space<hbm>>
      tpu.wait_indirect_dma semaphore(%arg16 : memref<!tpu.dma_semaphore, #tpu.memory_space<semaphore_mem>>) src(%dma_wait3A_101 : memref<100000x32xf32, #tpu.memory_space<hbm>>) dst(%arg11 : memref<128x32xf32, #tpu.memory_space<vmem>>)
      %scan3A_102 = arith.constant 0 : i32
      %scan3A_103 = arith.constant 0 : i32
      %scan3A_104 = arith.constant 128 : i32
      %scan3A_105 = arith.addi %scan3A_103, %scan3A_104 : i32
      %scan3A_106 = arith.constant 1 : i32
      %scan3A_107 = scf.for %scan3A_110 = %scan3A_103 to %scan3A_105 step %scan3A_106 iter_args(%scan3A_111 = %scan3A_102) -> (i32)  : i32 {
        %mul3A_112 = arith.constant 2 : i32
        %mul3A_113 = arith.muli %mul3A_112, %scan3A_110 : i32
        %get3A_114 = arith.index_cast %mul3A_113 : i32 to index
        %get3A_115 = tpu.vector_load %arg10[%get3A_114] {strides = array<i32>} : memref<272xf32, #tpu.memory_space<vmem>>, vector<16xf32>,
        %get3A_116 = vector.shape_cast %get3A_115 : vector<16xf32> to vector<16xf32>
        %slice3A = vector.extract_strided_slice %get3A_116 {offsets = [0], sizes = [1], strides = [1]} : vector<16xf32> to vector<1xf32>
        %squeeze3A = vector.extract %slice3A[0] : f32 from vector<1xf32>
        %slice3A_117 = vector.extract_strided_slice %get3A_116 {offsets = [1], sizes = [1], strides = [1]} : vector<16xf32> to vector<1xf32>
        %squeeze3A_118 = vector.extract %slice3A_117[0] : f32 from vector<1xf32>
        %get3A_119 = arith.index_cast %scan3A_110 : i32 to index
        %get3A_120 = arith.constant 0 : index
        %get3A_121 = tpu.vector_load %arg11[%get3A_119, %get3A_120] {strides = array<i32>} : memref<128x32xf32, #tpu.memory_space<vmem>>, vector<1x16xf32>,
        %get3A_122 = vector.shape_cast %get3A_121 : vector<1x16xf32> to vector<16xf32>
        %get3A_123 = arith.index_cast %scan3A_110 : i32 to index
        %get3A_124 = arith.constant 16 : index
        %get3A_125 = tpu.vector_load %arg11[%get3A_123, %get3A_124] {strides = array<i32>} : memref<128x32xf32, #tpu.memory_space<vmem>>, vector<1x16xf32>,
        %get3A_126 = vector.shape_cast %get3A_125 : vector<1x16xf32> to vector<16xf32>
        %mul3A_127 = arith.mulf %get3A_122, %get3A_39 : vector<16xf32>
        %add3A_128 = arith.addf %mul3A_127, %get3A_45 : vector<16xf32>
        %mul3A_129 = arith.mulf %get3A_126, %get3A_42 : vector<16xf32>
        %add3A_130 = arith.addf %mul3A_129, %get3A_48 : vector<16xf32>
        %mul3A_131 = vector.broadcast %squeeze3A : f32 to vector<16xf32>
        %mul3A_132 = arith.mulf %mul3A_131, %get3A_21 : vector<16xf32>
        %add3A_133 = arith.addf %add3A_128, %mul3A_132 : vector<16xf32>
        %mul3A_134 = vector.broadcast %squeeze3A_118 : f32 to vector<16xf32>
        %mul3A_135 = arith.mulf %mul3A_134, %get3A_27 : vector<16xf32>
        %add3A_136 = arith.addf %add3A_133, %mul3A_135 : vector<16xf32>
        %add3A_137 = arith.addf %add3A_136, %get3A_33 : vector<16xf32>
        %max3A = arith.constant 0.000000e+00 : f32
        %max3A_138 = vector.broadcast %max3A : f32 to vector<16xf32>
        %max3A_139 = arith.maximumf %add3A_137, %max3A_138 : vector<16xf32>
        %mul3A_140 = vector.broadcast %squeeze3A : f32 to vector<16xf32>
        %mul3A_141 = arith.mulf %mul3A_140, %get3A_24 : vector<16xf32>
        %add3A_142 = arith.addf %add3A_130, %mul3A_141 : vector<16xf32>
        %mul3A_143 = vector.broadcast %squeeze3A_118 : f32 to vector<16xf32>
        %mul3A_144 = arith.mulf %mul3A_143, %get3A_30 : vector<16xf32>
        %add3A_145 = arith.addf %add3A_142, %mul3A_144 : vector<16xf32>
        %add3A_146 = arith.addf %add3A_145, %get3A_36 : vector<16xf32>
        %max3A_147 = arith.constant 0.000000e+00 : f32
        %max3A_148 = vector.broadcast %max3A_147 : f32 to vector<16xf32>
        %max3A_149 = arith.maximumf %add3A_146, %max3A_148 : vector<16xf32>
        %swap3A = arith.index_cast %scan3A_110 : i32 to index
        %swap3A_150 = arith.constant 0 : index
        %swap3A_151 = tpu.vector_load %arg12[%swap3A, %swap3A_150] {strides = array<i32>} : memref<128x32xf32, #tpu.memory_space<vmem>>, vector<1x16xf32>,
        %swap3A_152 = vector.shape_cast %swap3A_151 : vector<1x16xf32> to vector<16xf32>
        %swap3A_153 = vector.shape_cast %max3A_139 : vector<16xf32> to vector<1x16xf32>
        tpu.vector_store %arg12[%swap3A, %swap3A_150], %swap3A_153 {strides = array<i32>} : memref<128x32xf32, #tpu.memory_space<vmem>>, vector<1x16xf32>,
        %swap3A_154 = arith.index_cast %scan3A_110 : i32 to index
        %swap3A_155 = arith.constant 16 : index
        %swap3A_156 = tpu.vector_load %arg12[%swap3A_154, %swap3A_155] {strides = array<i32>} : memref<128x32xf32, #tpu.memory_space<vmem>>, vector<1x16xf32>,
        %swap3A_157 = vector.shape_cast %swap3A_156 : vector<1x16xf32> to vector<16xf32>
        %swap3A_158 = vector.shape_cast %max3A_149 : vector<16xf32> to vector<1x16xf32>
        tpu.vector_store %arg12[%swap3A_154, %swap3A_155], %swap3A_158 {strides = array<i32>} : memref<128x32xf32, #tpu.memory_space<vmem>>, vector<1x16xf32>,
        %scan3A_159 = arith.constant 0 : i32
        scf.yield %scan3A_159 : i32
      }
      %scan3A_108 = arith.constant 128 : i32
      "tpu.region"() ({
        %run_scoped3A = tpu.sem_alloc : memref<!tpu.dma_semaphore, #tpu.memory_space<semaphore_mem>>
        %dma_start3A_110 = arith.constant 0 : i32
        %dma_start3A_111 = arith.constant 0 : i32
        %dma_start3A_112 = tpu.memref_slice %arg15[%dma_start3A_110, %dma_start3A_111] : memref<50000x32xf32, #tpu.memory_space<vmem_shared>> -> memref<50000x32xf32, #tpu.memory_space<vmem_shared>>
        tpu.enqueue_indirect_dma source(%arg12 : memref<128x32xf32, #tpu.memory_space<vmem>>) target(%dma_start3A_112 : memref<50000x32xf32, #tpu.memory_space<vmem_shared>>) offsets(%arg9 : memref<128xi32, #tpu.memory_space<vmem>>) semaphore(%run_scoped3A : memref<!tpu.dma_semaphore, #tpu.memory_space<semaphore_mem>>) {add = true}
        %dma_wait3A_113 = arith.constant 0 : i32
        %dma_wait3A_114 = arith.constant 0 : i32
        %dma_wait3A_115 = tpu.memref_slice %arg15[%dma_wait3A_113, %dma_wait3A_114] : memref<50000x32xf32, #tpu.memory_space<vmem_shared>> -> memref<50000x32xf32, #tpu.memory_space<vmem_shared>>
        tpu.wait_indirect_dma semaphore(%run_scoped3A : memref<!tpu.dma_semaphore, #tpu.memory_space<semaphore_mem>>) src(%arg12 : memref<128x32xf32, #tpu.memory_space<vmem>>) dst(%dma_wait3A_115 : memref<50000x32xf32, #tpu.memory_space<vmem_shared>>)
        tpu.yield
      }) : () -> ()
      %while3A_109 = arith.constant 0 : i32
      scf.yield %while3A_109 : i32
    }
    %barrier3A_69 = arith.constant 0 : index
    tpu.barrier barrier_id(%barrier3A_69)
    %while3A_70 = arith.constant 0 : i32
    %while3A_71 = arith.constant 0 : i32
    %while3A_72 = arith.subi %add3A_2, %while3A_70 : i32
    %while3A_73 = arith.addi %while3A_70, %while3A_72 : i32
    %while3A_74 = arith.constant 1 : i32
    %while3A_75 = arith.divsi %while3A_72, %while3A_74 : i32
    %while3A_76 = arith.muli %while3A_75, %while3A_74 : i32
    %while3A_77 = arith.addi %while3A_70, %while3A_76 : i32
    %while3A_78 = arith.constant 1 : i32
    %while3A_79 = scf.for %while3A_82 = %while3A_70 to %while3A_77 step %while3A_78 iter_args(%while3A_83 = %while3A_71) -> (i32)  : i32 {
      %mul3A_84 = arith.constant 16 : i32
      %mul3A_85 = arith.muli %while3A_82, %mul3A_84 : i32
      %add3A_86 = arith.addi %mul3A_85, %arg1 : i32
      %mul3A_87 = arith.constant 1000 : i32
      %mul3A_88 = arith.muli %add3A_86, %mul3A_87 : i32
      %mul3A_89 = arith.constant 1000 : i32
      %mul3A_90 = arith.muli %add3A_86, %mul3A_89 : i32
      %add3A_91 = arith.addi %mul3A_49, %mul3A_90 : i32
      "tpu.region"() ({
        %run_scoped3A = tpu.sem_alloc : memref<!tpu.dma_semaphore, #tpu.memory_space<semaphore_mem>>
        %dma_start3A = arith.constant 0 : i32
        %dma_start3A_93 = tpu.memref_slice %arg7[%add3A_91, %dma_start3A] : memref<100000x32xf32, #tpu.memory_space<hbm>> -> memref<1000x32xf32, #tpu.memory_space<hbm>>
        %dma_start3A_94 = arith.constant 0 : i32
        %dma_start3A_95 = tpu.memref_slice %arg15[%mul3A_88, %dma_start3A_94] : memref<50000x32xf32, #tpu.memory_space<vmem_shared>> -> memref<1000x32xf32, #tpu.memory_space<vmem_shared>>
        tpu.enqueue_dma source(%dma_start3A_95 : memref<1000x32xf32, #tpu.memory_space<vmem_shared>>) target(%dma_start3A_93 : memref<1000x32xf32, #tpu.memory_space<hbm>>) target_semaphore(%run_scoped3A : memref<!tpu.dma_semaphore, #tpu.memory_space<semaphore_mem>>)
        %dma_wait3A = arith.constant 0 : i32
        %dma_wait3A_96 = tpu.memref_slice %arg7[%add3A_91, %dma_wait3A] : memref<100000x32xf32, #tpu.memory_space<hbm>> -> memref<1000x32xf32, #tpu.memory_space<hbm>>
        %dma_wait3A_97 = arith.constant 0 : i32
        %dma_wait3A_98 = tpu.memref_slice %arg15[%mul3A_88, %dma_wait3A_97] : memref<50000x32xf32, #tpu.memory_space<vmem_shared>> -> memref<1000x32xf32, #tpu.memory_space<vmem_shared>>
        tpu.wait_dma2 semaphore(%run_scoped3A : memref<!tpu.dma_semaphore, #tpu.memory_space<semaphore_mem>>) src(%dma_wait3A_98 : memref<1000x32xf32, #tpu.memory_space<vmem_shared>>) dst(%dma_wait3A_96 : memref<1000x32xf32, #tpu.memory_space<hbm>>)
        tpu.yield
      }) : () -> ()
      %while3A_92 = arith.constant 0 : i32
      scf.yield %while3A_92 : i32
    }
    %while3A_80 = arith.constant 1 : i32
    %while3A_81 = scf.for %while3A_82 = %while3A_77 to %while3A_73 step %while3A_80 iter_args(%while3A_83 = %while3A_79) -> (i32)  : i32 {
      %mul3A_84 = arith.constant 16 : i32
      %mul3A_85 = arith.muli %while3A_82, %mul3A_84 : i32
      %add3A_86 = arith.addi %mul3A_85, %arg1 : i32
      %mul3A_87 = arith.constant 1000 : i32
      %mul3A_88 = arith.muli %add3A_86, %mul3A_87 : i32
      %mul3A_89 = arith.constant 1000 : i32
      %mul3A_90 = arith.muli %add3A_86, %mul3A_89 : i32
      %add3A_91 = arith.addi %mul3A_49, %mul3A_90 : i32
      "tpu.region"() ({
        %run_scoped3A = tpu.sem_alloc : memref<!tpu.dma_semaphore, #tpu.memory_space<semaphore_mem>>
        %dma_start3A = arith.constant 0 : i32
        %dma_start3A_93 = tpu.memref_slice %arg7[%add3A_91, %dma_start3A] : memref<100000x32xf32, #tpu.memory_space<hbm>> -> memref<1000x32xf32, #tpu.memory_space<hbm>>
        %dma_start3A_94 = arith.constant 0 : i32
        %dma_start3A_95 = tpu.memref_slice %arg15[%mul3A_88, %dma_start3A_94] : memref<50000x32xf32, #tpu.memory_space<vmem_shared>> -> memref<1000x32xf32, #tpu.memory_space<vmem_shared>>
        tpu.enqueue_dma source(%dma_start3A_95 : memref<1000x32xf32, #tpu.memory_space<vmem_shared>>) target(%dma_start3A_93 : memref<1000x32xf32, #tpu.memory_space<hbm>>) target_semaphore(%run_scoped3A : memref<!tpu.dma_semaphore, #tpu.memory_space<semaphore_mem>>)
        %dma_wait3A = arith.constant 0 : i32
        %dma_wait3A_96 = tpu.memref_slice %arg7[%add3A_91, %dma_wait3A] : memref<100000x32xf32, #tpu.memory_space<hbm>> -> memref<1000x32xf32, #tpu.memory_space<hbm>>
        %dma_wait3A_97 = arith.constant 0 : i32
        %dma_wait3A_98 = tpu.memref_slice %arg15[%mul3A_88, %dma_wait3A_97] : memref<50000x32xf32, #tpu.memory_space<vmem_shared>> -> memref<1000x32xf32, #tpu.memory_space<vmem_shared>>
        tpu.wait_dma2 semaphore(%run_scoped3A : memref<!tpu.dma_semaphore, #tpu.memory_space<semaphore_mem>>) src(%dma_wait3A_98 : memref<1000x32xf32, #tpu.memory_space<vmem_shared>>) dst(%dma_wait3A_96 : memref<1000x32xf32, #tpu.memory_space<hbm>>)
        tpu.yield
      }) : () -> ()
      %while3A_92 = arith.constant 0 : i32
      scf.yield %while3A_92 : i32
    }
    return
  }
}

#map = affine_map<(d0, d1) -> (0, 0)>
#map1 = affine_map<(d0, d1) -> (0)>
module attributes {stable_mosaic.version = 14 : i64} {
  func.func @_sc_gs_body(%arg0: i32, %arg1: i32, %arg2: memref<51000x192xf32, #tpu.memory_space<hbm>>, %arg3: memref<114688xi32, #tpu.memory_space<hbm>>, %arg4: memref<114688xi32, #tpu.memory_space<hbm>>, %arg5: memref<256008x192xf32, #tpu.memory_space<hbm>>, %arg6: memref<128xi32, #tpu.memory_space<vmem>>, %arg7: memref<128xi32, #tpu.memory_space<vmem>>, %arg8: memref<128x192xf32, #tpu.memory_space<vmem>>, %arg9: memref<!tpu.dma_semaphore, #tpu.memory_space<semaphore_mem>>) attributes {dimension_semantics = [#tpu.dimension_semantics<core_parallel>, #tpu.dimension_semantics<subcore_parallel>], iteration_bounds = array<i64: 2, 16>, scalar_prefetch = 0 : i64, scratch_operands = 4 : i64, tpu.core_type = #tpu.core_type<sc_vector_subcore>, window_params = [{transform_indices = #map}, {transform_indices = #map1}, {transform_indices = #map1}, {transform_indices = #map}]} {
    %mul3A = arith.constant 2 : i32
    %mul3A_0 = arith.muli %arg1, %mul3A : i32
    %add3A = arith.addi %mul3A_0, %arg0 : i32
    %lt3A = arith.constant 0 : i32
    %lt3A_1 = arith.cmpi slt, %add3A, %lt3A : i32
    %jit3A = arith.constant 1 : i32
    %jit3A_2 = arith.constant 0 : i32
    %select_n3A = arith.select %lt3A_1, %jit3A, %jit3A_2 : i32
    %add3A_3 = arith.constant 28 : i32
    %add3A_4 = arith.addi %add3A_3, %select_n3A : i32
    %while3A = arith.constant 0 : i32
    %while3A_5 = arith.constant 0 : i32
    %while3A_6 = arith.subi %add3A_4, %while3A : i32
    %while3A_7 = arith.addi %while3A, %while3A_6 : i32
    %while3A_8 = arith.constant 1 : i32
    %while3A_9 = arith.divsi %while3A_6, %while3A_8 : i32
    %while3A_10 = arith.muli %while3A_9, %while3A_8 : i32
    %while3A_11 = arith.addi %while3A, %while3A_10 : i32
    %while3A_12 = arith.constant 1 : i32
    %while3A_13 = scf.for %while3A_16 = %while3A to %while3A_11 step %while3A_12 iter_args(%while3A_17 = %while3A_5) -> (i32)  : i32 {
      %mul3A_18 = arith.constant 32 : i32
      %mul3A_19 = arith.muli %while3A_16, %mul3A_18 : i32
      %add3A_20 = arith.addi %mul3A_19, %add3A : i32
      %mul3A_21 = arith.constant 128 : i32
      %mul3A_22 = arith.muli %add3A_20, %mul3A_21 : i32
      "tpu.region"() ({
        %run_scoped3A = tpu.sem_alloc : memref<!tpu.dma_semaphore, #tpu.memory_space<semaphore_mem>>
        %dma_start3A_28 = tpu.memref_slice %arg3[%mul3A_22] : memref<114688xi32, #tpu.memory_space<hbm>> -> memref<128xi32, #tpu.memory_space<hbm>>
        %dma_start3A_29 = tpu.memref_slice %arg3[%mul3A_22] : memref<114688xi32, #tpu.memory_space<hbm>> -> memref<128xi32, #tpu.memory_space<hbm>>
        tpu.enqueue_dma source(%dma_start3A_29 : memref<128xi32, #tpu.memory_space<hbm>>) target(%arg6 : memref<128xi32, #tpu.memory_space<vmem>>) target_semaphore(%run_scoped3A : memref<!tpu.dma_semaphore, #tpu.memory_space<semaphore_mem>>)
        %dma_wait3A_30 = tpu.memref_slice %arg3[%mul3A_22] : memref<114688xi32, #tpu.memory_space<hbm>> -> memref<128xi32, #tpu.memory_space<hbm>>
        %dma_wait3A_31 = tpu.memref_slice %arg3[%mul3A_22] : memref<114688xi32, #tpu.memory_space<hbm>> -> memref<128xi32, #tpu.memory_space<hbm>>
        tpu.wait_dma2 semaphore(%run_scoped3A : memref<!tpu.dma_semaphore, #tpu.memory_space<semaphore_mem>>) src(%dma_wait3A_31 : memref<128xi32, #tpu.memory_space<hbm>>) dst(%arg6 : memref<128xi32, #tpu.memory_space<vmem>>)
        tpu.yield
      }) : () -> ()
      "tpu.region"() ({
        %run_scoped3A = tpu.sem_alloc : memref<!tpu.dma_semaphore, #tpu.memory_space<semaphore_mem>>
        %dma_start3A_28 = tpu.memref_slice %arg4[%mul3A_22] : memref<114688xi32, #tpu.memory_space<hbm>> -> memref<128xi32, #tpu.memory_space<hbm>>
        %dma_start3A_29 = tpu.memref_slice %arg4[%mul3A_22] : memref<114688xi32, #tpu.memory_space<hbm>> -> memref<128xi32, #tpu.memory_space<hbm>>
        tpu.enqueue_dma source(%dma_start3A_29 : memref<128xi32, #tpu.memory_space<hbm>>) target(%arg7 : memref<128xi32, #tpu.memory_space<vmem>>) target_semaphore(%run_scoped3A : memref<!tpu.dma_semaphore, #tpu.memory_space<semaphore_mem>>)
        %dma_wait3A_30 = tpu.memref_slice %arg4[%mul3A_22] : memref<114688xi32, #tpu.memory_space<hbm>> -> memref<128xi32, #tpu.memory_space<hbm>>
        %dma_wait3A_31 = tpu.memref_slice %arg4[%mul3A_22] : memref<114688xi32, #tpu.memory_space<hbm>> -> memref<128xi32, #tpu.memory_space<hbm>>
        tpu.wait_dma2 semaphore(%run_scoped3A : memref<!tpu.dma_semaphore, #tpu.memory_space<semaphore_mem>>) src(%dma_wait3A_31 : memref<128xi32, #tpu.memory_space<hbm>>) dst(%arg7 : memref<128xi32, #tpu.memory_space<vmem>>)
        tpu.yield
      }) : () -> ()
      %dma_start3A = arith.constant 0 : i32
      %dma_start3A_23 = arith.constant 0 : i32
      %dma_start3A_24 = tpu.memref_slice %arg2[%dma_start3A, %dma_start3A_23] : memref<51000x192xf32, #tpu.memory_space<hbm>> -> memref<51000x192xf32, #tpu.memory_space<hbm>>
      tpu.enqueue_indirect_dma source(%dma_start3A_24 : memref<51000x192xf32, #tpu.memory_space<hbm>>) target(%arg8 : memref<128x192xf32, #tpu.memory_space<vmem>>) offsets(%arg6 : memref<128xi32, #tpu.memory_space<vmem>>) semaphore(%arg9 : memref<!tpu.dma_semaphore, #tpu.memory_space<semaphore_mem>>)
      %dma_wait3A = arith.constant 0 : i32
      %dma_wait3A_25 = arith.constant 0 : i32
      %dma_wait3A_26 = tpu.memref_slice %arg2[%dma_wait3A, %dma_wait3A_25] : memref<51000x192xf32, #tpu.memory_space<hbm>> -> memref<51000x192xf32, #tpu.memory_space<hbm>>
      tpu.wait_indirect_dma semaphore(%arg9 : memref<!tpu.dma_semaphore, #tpu.memory_space<semaphore_mem>>) src(%dma_wait3A_26 : memref<51000x192xf32, #tpu.memory_space<hbm>>) dst(%arg8 : memref<128x192xf32, #tpu.memory_space<vmem>>)
      "tpu.region"() ({
        %run_scoped3A = tpu.sem_alloc : memref<!tpu.dma_semaphore, #tpu.memory_space<semaphore_mem>>
        %dma_start3A_28 = arith.constant 0 : i32
        %dma_start3A_29 = arith.constant 0 : i32
        %dma_start3A_30 = tpu.memref_slice %arg5[%dma_start3A_28, %dma_start3A_29] : memref<256008x192xf32, #tpu.memory_space<hbm>> -> memref<256008x192xf32, #tpu.memory_space<hbm>>
        tpu.enqueue_indirect_dma source(%arg8 : memref<128x192xf32, #tpu.memory_space<vmem>>) target(%dma_start3A_30 : memref<256008x192xf32, #tpu.memory_space<hbm>>) offsets(%arg7 : memref<128xi32, #tpu.memory_space<vmem>>) semaphore(%run_scoped3A : memref<!tpu.dma_semaphore, #tpu.memory_space<semaphore_mem>>)
        %dma_wait3A_31 = arith.constant 0 : i32
        %dma_wait3A_32 = arith.constant 0 : i32
        %dma_wait3A_33 = tpu.memref_slice %arg5[%dma_wait3A_31, %dma_wait3A_32] : memref<256008x192xf32, #tpu.memory_space<hbm>> -> memref<256008x192xf32, #tpu.memory_space<hbm>>
        tpu.wait_indirect_dma semaphore(%run_scoped3A : memref<!tpu.dma_semaphore, #tpu.memory_space<semaphore_mem>>) src(%arg8 : memref<128x192xf32, #tpu.memory_space<vmem>>) dst(%dma_wait3A_33 : memref<256008x192xf32, #tpu.memory_space<hbm>>)
        tpu.yield
      }) : () -> ()
      %while3A_27 = arith.constant 0 : i32
      scf.yield %while3A_27 : i32
    }
    %while3A_14 = arith.constant 1 : i32
    %while3A_15 = scf.for %while3A_16 = %while3A_11 to %while3A_7 step %while3A_14 iter_args(%while3A_17 = %while3A_13) -> (i32)  : i32 {
      %mul3A_18 = arith.constant 32 : i32
      %mul3A_19 = arith.muli %while3A_16, %mul3A_18 : i32
      %add3A_20 = arith.addi %mul3A_19, %add3A : i32
      %mul3A_21 = arith.constant 128 : i32
      %mul3A_22 = arith.muli %add3A_20, %mul3A_21 : i32
      "tpu.region"() ({
        %run_scoped3A = tpu.sem_alloc : memref<!tpu.dma_semaphore, #tpu.memory_space<semaphore_mem>>
        %dma_start3A_28 = tpu.memref_slice %arg3[%mul3A_22] : memref<114688xi32, #tpu.memory_space<hbm>> -> memref<128xi32, #tpu.memory_space<hbm>>
        %dma_start3A_29 = tpu.memref_slice %arg3[%mul3A_22] : memref<114688xi32, #tpu.memory_space<hbm>> -> memref<128xi32, #tpu.memory_space<hbm>>
        tpu.enqueue_dma source(%dma_start3A_29 : memref<128xi32, #tpu.memory_space<hbm>>) target(%arg6 : memref<128xi32, #tpu.memory_space<vmem>>) target_semaphore(%run_scoped3A : memref<!tpu.dma_semaphore, #tpu.memory_space<semaphore_mem>>)
        %dma_wait3A_30 = tpu.memref_slice %arg3[%mul3A_22] : memref<114688xi32, #tpu.memory_space<hbm>> -> memref<128xi32, #tpu.memory_space<hbm>>
        %dma_wait3A_31 = tpu.memref_slice %arg3[%mul3A_22] : memref<114688xi32, #tpu.memory_space<hbm>> -> memref<128xi32, #tpu.memory_space<hbm>>
        tpu.wait_dma2 semaphore(%run_scoped3A : memref<!tpu.dma_semaphore, #tpu.memory_space<semaphore_mem>>) src(%dma_wait3A_31 : memref<128xi32, #tpu.memory_space<hbm>>) dst(%arg6 : memref<128xi32, #tpu.memory_space<vmem>>)
        tpu.yield
      }) : () -> ()
      "tpu.region"() ({
        %run_scoped3A = tpu.sem_alloc : memref<!tpu.dma_semaphore, #tpu.memory_space<semaphore_mem>>
        %dma_start3A_28 = tpu.memref_slice %arg4[%mul3A_22] : memref<114688xi32, #tpu.memory_space<hbm>> -> memref<128xi32, #tpu.memory_space<hbm>>
        %dma_start3A_29 = tpu.memref_slice %arg4[%mul3A_22] : memref<114688xi32, #tpu.memory_space<hbm>> -> memref<128xi32, #tpu.memory_space<hbm>>
        tpu.enqueue_dma source(%dma_start3A_29 : memref<128xi32, #tpu.memory_space<hbm>>) target(%arg7 : memref<128xi32, #tpu.memory_space<vmem>>) target_semaphore(%run_scoped3A : memref<!tpu.dma_semaphore, #tpu.memory_space<semaphore_mem>>)
        %dma_wait3A_30 = tpu.memref_slice %arg4[%mul3A_22] : memref<114688xi32, #tpu.memory_space<hbm>> -> memref<128xi32, #tpu.memory_space<hbm>>
        %dma_wait3A_31 = tpu.memref_slice %arg4[%mul3A_22] : memref<114688xi32, #tpu.memory_space<hbm>> -> memref<128xi32, #tpu.memory_space<hbm>>
        tpu.wait_dma2 semaphore(%run_scoped3A : memref<!tpu.dma_semaphore, #tpu.memory_space<semaphore_mem>>) src(%dma_wait3A_31 : memref<128xi32, #tpu.memory_space<hbm>>) dst(%arg7 : memref<128xi32, #tpu.memory_space<vmem>>)
        tpu.yield
      }) : () -> ()
      %dma_start3A = arith.constant 0 : i32
      %dma_start3A_23 = arith.constant 0 : i32
      %dma_start3A_24 = tpu.memref_slice %arg2[%dma_start3A, %dma_start3A_23] : memref<51000x192xf32, #tpu.memory_space<hbm>> -> memref<51000x192xf32, #tpu.memory_space<hbm>>
      tpu.enqueue_indirect_dma source(%dma_start3A_24 : memref<51000x192xf32, #tpu.memory_space<hbm>>) target(%arg8 : memref<128x192xf32, #tpu.memory_space<vmem>>) offsets(%arg6 : memref<128xi32, #tpu.memory_space<vmem>>) semaphore(%arg9 : memref<!tpu.dma_semaphore, #tpu.memory_space<semaphore_mem>>)
      %dma_wait3A = arith.constant 0 : i32
      %dma_wait3A_25 = arith.constant 0 : i32
      %dma_wait3A_26 = tpu.memref_slice %arg2[%dma_wait3A, %dma_wait3A_25] : memref<51000x192xf32, #tpu.memory_space<hbm>> -> memref<51000x192xf32, #tpu.memory_space<hbm>>
      tpu.wait_indirect_dma semaphore(%arg9 : memref<!tpu.dma_semaphore, #tpu.memory_space<semaphore_mem>>) src(%dma_wait3A_26 : memref<51000x192xf32, #tpu.memory_space<hbm>>) dst(%arg8 : memref<128x192xf32, #tpu.memory_space<vmem>>)
      "tpu.region"() ({
        %run_scoped3A = tpu.sem_alloc : memref<!tpu.dma_semaphore, #tpu.memory_space<semaphore_mem>>
        %dma_start3A_28 = arith.constant 0 : i32
        %dma_start3A_29 = arith.constant 0 : i32
        %dma_start3A_30 = tpu.memref_slice %arg5[%dma_start3A_28, %dma_start3A_29] : memref<256008x192xf32, #tpu.memory_space<hbm>> -> memref<256008x192xf32, #tpu.memory_space<hbm>>
        tpu.enqueue_indirect_dma source(%arg8 : memref<128x192xf32, #tpu.memory_space<vmem>>) target(%dma_start3A_30 : memref<256008x192xf32, #tpu.memory_space<hbm>>) offsets(%arg7 : memref<128xi32, #tpu.memory_space<vmem>>) semaphore(%run_scoped3A : memref<!tpu.dma_semaphore, #tpu.memory_space<semaphore_mem>>)
        %dma_wait3A_31 = arith.constant 0 : i32
        %dma_wait3A_32 = arith.constant 0 : i32
        %dma_wait3A_33 = tpu.memref_slice %arg5[%dma_wait3A_31, %dma_wait3A_32] : memref<256008x192xf32, #tpu.memory_space<hbm>> -> memref<256008x192xf32, #tpu.memory_space<hbm>>
        tpu.wait_indirect_dma semaphore(%run_scoped3A : memref<!tpu.dma_semaphore, #tpu.memory_space<semaphore_mem>>) src(%arg8 : memref<128x192xf32, #tpu.memory_space<vmem>>) dst(%dma_wait3A_33 : memref<256008x192xf32, #tpu.memory_space<hbm>>)
        tpu.yield
      }) : () -> ()
      %while3A_27 = arith.constant 0 : i32
      scf.yield %while3A_27 : i32
    }
    return
  }
}

#map = affine_map<(d0, d1) -> (0, 0)>
#map1 = affine_map<(d0, d1) -> (0)>
module attributes {stable_mosaic.version = 14 : i64} {
  func.func @_sc_gs_body(%arg0: i32, %arg1: i32, %arg2: memref<256008x64xf32, #tpu.memory_space<hbm>>, %arg3: memref<53248xi32, #tpu.memory_space<hbm>>, %arg4: memref<53248xi32, #tpu.memory_space<hbm>>, %arg5: memref<50008x64xf32, #tpu.memory_space<hbm>>, %arg6: memref<128xi32, #tpu.memory_space<vmem>>, %arg7: memref<128xi32, #tpu.memory_space<vmem>>, %arg8: memref<128x64xf32, #tpu.memory_space<vmem>>, %arg9: memref<!tpu.dma_semaphore, #tpu.memory_space<semaphore_mem>>) attributes {dimension_semantics = [#tpu.dimension_semantics<core_parallel>, #tpu.dimension_semantics<subcore_parallel>], iteration_bounds = array<i64: 2, 16>, scalar_prefetch = 0 : i64, scratch_operands = 4 : i64, tpu.core_type = #tpu.core_type<sc_vector_subcore>, window_params = [{transform_indices = #map}, {transform_indices = #map1}, {transform_indices = #map1}, {transform_indices = #map}]} {
    %mul3A = arith.constant 2 : i32
    %mul3A_0 = arith.muli %arg1, %mul3A : i32
    %add3A = arith.addi %mul3A_0, %arg0 : i32
    %lt3A = arith.constant 0 : i32
    %lt3A_1 = arith.cmpi slt, %add3A, %lt3A : i32
    %jit3A = arith.constant 1 : i32
    %jit3A_2 = arith.constant 0 : i32
    %select_n3A = arith.select %lt3A_1, %jit3A, %jit3A_2 : i32
    %add3A_3 = arith.constant 13 : i32
    %add3A_4 = arith.addi %add3A_3, %select_n3A : i32
    %while3A = arith.constant 0 : i32
    %while3A_5 = arith.constant 0 : i32
    %while3A_6 = arith.subi %add3A_4, %while3A : i32
    %while3A_7 = arith.addi %while3A, %while3A_6 : i32
    %while3A_8 = arith.constant 1 : i32
    %while3A_9 = arith.divsi %while3A_6, %while3A_8 : i32
    %while3A_10 = arith.muli %while3A_9, %while3A_8 : i32
    %while3A_11 = arith.addi %while3A, %while3A_10 : i32
    %while3A_12 = arith.constant 1 : i32
    %while3A_13 = scf.for %while3A_16 = %while3A to %while3A_11 step %while3A_12 iter_args(%while3A_17 = %while3A_5) -> (i32)  : i32 {
      %mul3A_18 = arith.constant 32 : i32
      %mul3A_19 = arith.muli %while3A_16, %mul3A_18 : i32
      %add3A_20 = arith.addi %mul3A_19, %add3A : i32
      %mul3A_21 = arith.constant 128 : i32
      %mul3A_22 = arith.muli %add3A_20, %mul3A_21 : i32
      "tpu.region"() ({
        %run_scoped3A = tpu.sem_alloc : memref<!tpu.dma_semaphore, #tpu.memory_space<semaphore_mem>>
        %dma_start3A_28 = tpu.memref_slice %arg3[%mul3A_22] : memref<53248xi32, #tpu.memory_space<hbm>> -> memref<128xi32, #tpu.memory_space<hbm>>
        %dma_start3A_29 = tpu.memref_slice %arg3[%mul3A_22] : memref<53248xi32, #tpu.memory_space<hbm>> -> memref<128xi32, #tpu.memory_space<hbm>>
        tpu.enqueue_dma source(%dma_start3A_29 : memref<128xi32, #tpu.memory_space<hbm>>) target(%arg6 : memref<128xi32, #tpu.memory_space<vmem>>) target_semaphore(%run_scoped3A : memref<!tpu.dma_semaphore, #tpu.memory_space<semaphore_mem>>)
        %dma_wait3A_30 = tpu.memref_slice %arg3[%mul3A_22] : memref<53248xi32, #tpu.memory_space<hbm>> -> memref<128xi32, #tpu.memory_space<hbm>>
        %dma_wait3A_31 = tpu.memref_slice %arg3[%mul3A_22] : memref<53248xi32, #tpu.memory_space<hbm>> -> memref<128xi32, #tpu.memory_space<hbm>>
        tpu.wait_dma2 semaphore(%run_scoped3A : memref<!tpu.dma_semaphore, #tpu.memory_space<semaphore_mem>>) src(%dma_wait3A_31 : memref<128xi32, #tpu.memory_space<hbm>>) dst(%arg6 : memref<128xi32, #tpu.memory_space<vmem>>)
        tpu.yield
      }) : () -> ()
      "tpu.region"() ({
        %run_scoped3A = tpu.sem_alloc : memref<!tpu.dma_semaphore, #tpu.memory_space<semaphore_mem>>
        %dma_start3A_28 = tpu.memref_slice %arg4[%mul3A_22] : memref<53248xi32, #tpu.memory_space<hbm>> -> memref<128xi32, #tpu.memory_space<hbm>>
        %dma_start3A_29 = tpu.memref_slice %arg4[%mul3A_22] : memref<53248xi32, #tpu.memory_space<hbm>> -> memref<128xi32, #tpu.memory_space<hbm>>
        tpu.enqueue_dma source(%dma_start3A_29 : memref<128xi32, #tpu.memory_space<hbm>>) target(%arg7 : memref<128xi32, #tpu.memory_space<vmem>>) target_semaphore(%run_scoped3A : memref<!tpu.dma_semaphore, #tpu.memory_space<semaphore_mem>>)
        %dma_wait3A_30 = tpu.memref_slice %arg4[%mul3A_22] : memref<53248xi32, #tpu.memory_space<hbm>> -> memref<128xi32, #tpu.memory_space<hbm>>
        %dma_wait3A_31 = tpu.memref_slice %arg4[%mul3A_22] : memref<53248xi32, #tpu.memory_space<hbm>> -> memref<128xi32, #tpu.memory_space<hbm>>
        tpu.wait_dma2 semaphore(%run_scoped3A : memref<!tpu.dma_semaphore, #tpu.memory_space<semaphore_mem>>) src(%dma_wait3A_31 : memref<128xi32, #tpu.memory_space<hbm>>) dst(%arg7 : memref<128xi32, #tpu.memory_space<vmem>>)
        tpu.yield
      }) : () -> ()
      %dma_start3A = arith.constant 0 : i32
      %dma_start3A_23 = arith.constant 0 : i32
      %dma_start3A_24 = tpu.memref_slice %arg2[%dma_start3A, %dma_start3A_23] : memref<256008x64xf32, #tpu.memory_space<hbm>> -> memref<256008x64xf32, #tpu.memory_space<hbm>>
      tpu.enqueue_indirect_dma source(%dma_start3A_24 : memref<256008x64xf32, #tpu.memory_space<hbm>>) target(%arg8 : memref<128x64xf32, #tpu.memory_space<vmem>>) offsets(%arg6 : memref<128xi32, #tpu.memory_space<vmem>>) semaphore(%arg9 : memref<!tpu.dma_semaphore, #tpu.memory_space<semaphore_mem>>)
      %dma_wait3A = arith.constant 0 : i32
      %dma_wait3A_25 = arith.constant 0 : i32
      %dma_wait3A_26 = tpu.memref_slice %arg2[%dma_wait3A, %dma_wait3A_25] : memref<256008x64xf32, #tpu.memory_space<hbm>> -> memref<256008x64xf32, #tpu.memory_space<hbm>>
      tpu.wait_indirect_dma semaphore(%arg9 : memref<!tpu.dma_semaphore, #tpu.memory_space<semaphore_mem>>) src(%dma_wait3A_26 : memref<256008x64xf32, #tpu.memory_space<hbm>>) dst(%arg8 : memref<128x64xf32, #tpu.memory_space<vmem>>)
      "tpu.region"() ({
        %run_scoped3A = tpu.sem_alloc : memref<!tpu.dma_semaphore, #tpu.memory_space<semaphore_mem>>
        %dma_start3A_28 = arith.constant 0 : i32
        %dma_start3A_29 = arith.constant 0 : i32
        %dma_start3A_30 = tpu.memref_slice %arg5[%dma_start3A_28, %dma_start3A_29] : memref<50008x64xf32, #tpu.memory_space<hbm>> -> memref<50008x64xf32, #tpu.memory_space<hbm>>
        tpu.enqueue_indirect_dma source(%arg8 : memref<128x64xf32, #tpu.memory_space<vmem>>) target(%dma_start3A_30 : memref<50008x64xf32, #tpu.memory_space<hbm>>) offsets(%arg7 : memref<128xi32, #tpu.memory_space<vmem>>) semaphore(%run_scoped3A : memref<!tpu.dma_semaphore, #tpu.memory_space<semaphore_mem>>)
        %dma_wait3A_31 = arith.constant 0 : i32
        %dma_wait3A_32 = arith.constant 0 : i32
        %dma_wait3A_33 = tpu.memref_slice %arg5[%dma_wait3A_31, %dma_wait3A_32] : memref<50008x64xf32, #tpu.memory_space<hbm>> -> memref<50008x64xf32, #tpu.memory_space<hbm>>
        tpu.wait_indirect_dma semaphore(%run_scoped3A : memref<!tpu.dma_semaphore, #tpu.memory_space<semaphore_mem>>) src(%arg8 : memref<128x64xf32, #tpu.memory_space<vmem>>) dst(%dma_wait3A_33 : memref<50008x64xf32, #tpu.memory_space<hbm>>)
        tpu.yield
      }) : () -> ()
      %while3A_27 = arith.constant 0 : i32
      scf.yield %while3A_27 : i32
    }
    %while3A_14 = arith.constant 1 : i32
    %while3A_15 = scf.for %while3A_16 = %while3A_11 to %while3A_7 step %while3A_14 iter_args(%while3A_17 = %while3A_13) -> (i32)  : i32 {
      %mul3A_18 = arith.constant 32 : i32
      %mul3A_19 = arith.muli %while3A_16, %mul3A_18 : i32
      %add3A_20 = arith.addi %mul3A_19, %add3A : i32
      %mul3A_21 = arith.constant 128 : i32
      %mul3A_22 = arith.muli %add3A_20, %mul3A_21 : i32
      "tpu.region"() ({
        %run_scoped3A = tpu.sem_alloc : memref<!tpu.dma_semaphore, #tpu.memory_space<semaphore_mem>>
        %dma_start3A_28 = tpu.memref_slice %arg3[%mul3A_22] : memref<53248xi32, #tpu.memory_space<hbm>> -> memref<128xi32, #tpu.memory_space<hbm>>
        %dma_start3A_29 = tpu.memref_slice %arg3[%mul3A_22] : memref<53248xi32, #tpu.memory_space<hbm>> -> memref<128xi32, #tpu.memory_space<hbm>>
        tpu.enqueue_dma source(%dma_start3A_29 : memref<128xi32, #tpu.memory_space<hbm>>) target(%arg6 : memref<128xi32, #tpu.memory_space<vmem>>) target_semaphore(%run_scoped3A : memref<!tpu.dma_semaphore, #tpu.memory_space<semaphore_mem>>)
        %dma_wait3A_30 = tpu.memref_slice %arg3[%mul3A_22] : memref<53248xi32, #tpu.memory_space<hbm>> -> memref<128xi32, #tpu.memory_space<hbm>>
        %dma_wait3A_31 = tpu.memref_slice %arg3[%mul3A_22] : memref<53248xi32, #tpu.memory_space<hbm>> -> memref<128xi32, #tpu.memory_space<hbm>>
        tpu.wait_dma2 semaphore(%run_scoped3A : memref<!tpu.dma_semaphore, #tpu.memory_space<semaphore_mem>>) src(%dma_wait3A_31 : memref<128xi32, #tpu.memory_space<hbm>>) dst(%arg6 : memref<128xi32, #tpu.memory_space<vmem>>)
        tpu.yield
      }) : () -> ()
      "tpu.region"() ({
        %run_scoped3A = tpu.sem_alloc : memref<!tpu.dma_semaphore, #tpu.memory_space<semaphore_mem>>
        %dma_start3A_28 = tpu.memref_slice %arg4[%mul3A_22] : memref<53248xi32, #tpu.memory_space<hbm>> -> memref<128xi32, #tpu.memory_space<hbm>>
        %dma_start3A_29 = tpu.memref_slice %arg4[%mul3A_22] : memref<53248xi32, #tpu.memory_space<hbm>> -> memref<128xi32, #tpu.memory_space<hbm>>
        tpu.enqueue_dma source(%dma_start3A_29 : memref<128xi32, #tpu.memory_space<hbm>>) target(%arg7 : memref<128xi32, #tpu.memory_space<vmem>>) target_semaphore(%run_scoped3A : memref<!tpu.dma_semaphore, #tpu.memory_space<semaphore_mem>>)
        %dma_wait3A_30 = tpu.memref_slice %arg4[%mul3A_22] : memref<53248xi32, #tpu.memory_space<hbm>> -> memref<128xi32, #tpu.memory_space<hbm>>
        %dma_wait3A_31 = tpu.memref_slice %arg4[%mul3A_22] : memref<53248xi32, #tpu.memory_space<hbm>> -> memref<128xi32, #tpu.memory_space<hbm>>
        tpu.wait_dma2 semaphore(%run_scoped3A : memref<!tpu.dma_semaphore, #tpu.memory_space<semaphore_mem>>) src(%dma_wait3A_31 : memref<128xi32, #tpu.memory_space<hbm>>) dst(%arg7 : memref<128xi32, #tpu.memory_space<vmem>>)
        tpu.yield
      }) : () -> ()
      %dma_start3A = arith.constant 0 : i32
      %dma_start3A_23 = arith.constant 0 : i32
      %dma_start3A_24 = tpu.memref_slice %arg2[%dma_start3A, %dma_start3A_23] : memref<256008x64xf32, #tpu.memory_space<hbm>> -> memref<256008x64xf32, #tpu.memory_space<hbm>>
      tpu.enqueue_indirect_dma source(%dma_start3A_24 : memref<256008x64xf32, #tpu.memory_space<hbm>>) target(%arg8 : memref<128x64xf32, #tpu.memory_space<vmem>>) offsets(%arg6 : memref<128xi32, #tpu.memory_space<vmem>>) semaphore(%arg9 : memref<!tpu.dma_semaphore, #tpu.memory_space<semaphore_mem>>)
      %dma_wait3A = arith.constant 0 : i32
      %dma_wait3A_25 = arith.constant 0 : i32
      %dma_wait3A_26 = tpu.memref_slice %arg2[%dma_wait3A, %dma_wait3A_25] : memref<256008x64xf32, #tpu.memory_space<hbm>> -> memref<256008x64xf32, #tpu.memory_space<hbm>>
      tpu.wait_indirect_dma semaphore(%arg9 : memref<!tpu.dma_semaphore, #tpu.memory_space<semaphore_mem>>) src(%dma_wait3A_26 : memref<256008x64xf32, #tpu.memory_space<hbm>>) dst(%arg8 : memref<128x64xf32, #tpu.memory_space<vmem>>)
      "tpu.region"() ({
        %run_scoped3A = tpu.sem_alloc : memref<!tpu.dma_semaphore, #tpu.memory_space<semaphore_mem>>
        %dma_start3A_28 = arith.constant 0 : i32
        %dma_start3A_29 = arith.constant 0 : i32
        %dma_start3A_30 = tpu.memref_slice %arg5[%dma_start3A_28, %dma_start3A_29] : memref<50008x64xf32, #tpu.memory_space<hbm>> -> memref<50008x64xf32, #tpu.memory_space<hbm>>
        tpu.enqueue_indirect_dma source(%arg8 : memref<128x64xf32, #tpu.memory_space<vmem>>) target(%dma_start3A_30 : memref<50008x64xf32, #tpu.memory_space<hbm>>) offsets(%arg7 : memref<128xi32, #tpu.memory_space<vmem>>) semaphore(%run_scoped3A : memref<!tpu.dma_semaphore, #tpu.memory_space<semaphore_mem>>)
        %dma_wait3A_31 = arith.constant 0 : i32
        %dma_wait3A_32 = arith.constant 0 : i32
        %dma_wait3A_33 = tpu.memref_slice %arg5[%dma_wait3A_31, %dma_wait3A_32] : memref<50008x64xf32, #tpu.memory_space<hbm>> -> memref<50008x64xf32, #tpu.memory_space<hbm>>
        tpu.wait_indirect_dma semaphore(%run_scoped3A : memref<!tpu.dma_semaphore, #tpu.memory_space<semaphore_mem>>) src(%arg8 : memref<128x64xf32, #tpu.memory_space<vmem>>) dst(%dma_wait3A_33 : memref<50008x64xf32, #tpu.memory_space<hbm>>)
        tpu.yield
      }) : () -> ()
      %while3A_27 = arith.constant 0 : i32
      scf.yield %while3A_27 : i32
    }
    return
  }
}

#map = affine_map<(d0, d1) -> (0, 0)>
#map1 = affine_map<(d0, d1) -> (0)>
module attributes {stable_mosaic.version = 14 : i64} {
  func.func @_sc_msg_body(%arg0: i32, %arg1: i32, %arg2: memref<100000x32xf32, #tpu.memory_space<hbm>>, %arg3: memref<800000xi32, #tpu.memory_space<hbm>>, %arg4: memref<800000xi32, #tpu.memory_space<hbm>>, %arg5: memref<1600000xf32, #tpu.memory_space<hbm>>, %arg6: memref<2x160xf32, #tpu.memory_space<hbm>>, %arg7: memref<100000x32xf32, #tpu.memory_space<hbm>>, %arg8: memref<128xi32, #tpu.memory_space<vmem>>, %arg9: memref<128xi32, #tpu.memory_space<vmem>>, %arg10: memref<272xf32, #tpu.memory_space<vmem>>, %arg11: memref<128x32xf32, #tpu.memory_space<vmem>>, %arg12: memref<128x32xf32, #tpu.memory_space<vmem>>, %arg13: memref<160xf32, #tpu.memory_space<vmem>>, %arg14: memref<200x32xf32, #tpu.memory_space<vmem>>, %arg15: memref<50000x32xf32, #tpu.memory_space<vmem_shared>>, %arg16: memref<!tpu.dma_semaphore, #tpu.memory_space<semaphore_mem>>) attributes {dimension_semantics = [#tpu.dimension_semantics<core_parallel>, #tpu.dimension_semantics<subcore_parallel>], iteration_bounds = array<i64: 2, 16>, scalar_prefetch = 0 : i64, scratch_operands = 9 : i64, tpu.core_type = #tpu.core_type<sc_vector_subcore>, window_params = [{transform_indices = #map}, {transform_indices = #map1}, {transform_indices = #map1}, {transform_indices = #map1}, {transform_indices = #map}, {transform_indices = #map}]} {
    %lt3A = arith.constant 2 : i32
    %lt3A_0 = arith.cmpi slt, %arg1, %lt3A : i32
    %jit3A = arith.constant 1 : i32
    %jit3A_1 = arith.constant 0 : i32
    %select_n3A = arith.select %lt3A_0, %jit3A, %jit3A_1 : i32
    %add3A = arith.constant 3 : i32
    %add3A_2 = arith.addi %add3A, %select_n3A : i32
    "tpu.region"() ({
      %run_scoped3A = tpu.sem_alloc : memref<!tpu.dma_semaphore, #tpu.memory_space<semaphore_mem>>
      %dma_start3A = arith.constant 0 : i32
      %dma_start3A_82 = tpu.memref_slice %arg6[%arg0, %dma_start3A] : memref<2x160xf32, #tpu.memory_space<hbm>> -> memref<1x160xf32, #tpu.memory_space<hbm>>
      %dma_start3A_83 = tpu.memref_squeeze %dma_start3A_82 : memref<1x160xf32, #tpu.memory_space<hbm>> -> memref<160xf32, #tpu.memory_space<hbm>>
      %dma_start3A_84 = arith.constant 0 : i32
      %dma_start3A_85 = tpu.memref_slice %arg6[%arg0, %dma_start3A_84] : memref<2x160xf32, #tpu.memory_space<hbm>> -> memref<1x160xf32, #tpu.memory_space<hbm>>
      %dma_start3A_86 = tpu.memref_squeeze %dma_start3A_85 : memref<1x160xf32, #tpu.memory_space<hbm>> -> memref<160xf32, #tpu.memory_space<hbm>>
      tpu.enqueue_dma source(%dma_start3A_86 : memref<160xf32, #tpu.memory_space<hbm>>) target(%arg13 : memref<160xf32, #tpu.memory_space<vmem>>) target_semaphore(%run_scoped3A : memref<!tpu.dma_semaphore, #tpu.memory_space<semaphore_mem>>)
      %dma_wait3A = arith.constant 0 : i32
      %dma_wait3A_87 = tpu.memref_slice %arg6[%arg0, %dma_wait3A] : memref<2x160xf32, #tpu.memory_space<hbm>> -> memref<1x160xf32, #tpu.memory_space<hbm>>
      %dma_wait3A_88 = tpu.memref_squeeze %dma_wait3A_87 : memref<1x160xf32, #tpu.memory_space<hbm>> -> memref<160xf32, #tpu.memory_space<hbm>>
      %dma_wait3A_89 = arith.constant 0 : i32
      %dma_wait3A_90 = tpu.memref_slice %arg6[%arg0, %dma_wait3A_89] : memref<2x160xf32, #tpu.memory_space<hbm>> -> memref<1x160xf32, #tpu.memory_space<hbm>>
      %dma_wait3A_91 = tpu.memref_squeeze %dma_wait3A_90 : memref<1x160xf32, #tpu.memory_space<hbm>> -> memref<160xf32, #tpu.memory_space<hbm>>
      tpu.wait_dma2 semaphore(%run_scoped3A : memref<!tpu.dma_semaphore, #tpu.memory_space<semaphore_mem>>) src(%dma_wait3A_91 : memref<160xf32, #tpu.memory_space<hbm>>) dst(%arg13 : memref<160xf32, #tpu.memory_space<vmem>>)
      tpu.yield
    }) : () -> ()
    %scan3A = arith.constant 0 : i32
    %scan3A_3 = arith.constant 0 : i32
    %scan3A_4 = arith.constant 200 : i32
    %scan3A_5 = arith.addi %scan3A_3, %scan3A_4 : i32
    %scan3A_6 = arith.constant 1 : i32
    %scan3A_7 = scf.for %scan3A_82 = %scan3A_3 to %scan3A_5 step %scan3A_6 iter_args(%scan3A_83 = %scan3A) -> (i32)  : i32 {
      %broadcast_in_dim3A = arith.constant 0.000000e+00 : f32
      %broadcast_in_dim3A_84 = vector.broadcast %broadcast_in_dim3A : f32 to vector<16xf32>
      %swap3A = arith.index_cast %scan3A_82 : i32 to index
      %swap3A_85 = arith.constant 0 : index
      %swap3A_86 = tpu.vector_load %arg14[%swap3A, %swap3A_85] {strides = array<i32>} : memref<200x32xf32, #tpu.memory_space<vmem>>, vector<1x16xf32>,
      %swap3A_87 = vector.shape_cast %swap3A_86 : vector<1x16xf32> to vector<16xf32>
      %swap3A_88 = vector.shape_cast %broadcast_in_dim3A_84 : vector<16xf32> to vector<1x16xf32>
      tpu.vector_store %arg14[%swap3A, %swap3A_85], %swap3A_88 {strides = array<i32>} : memref<200x32xf32, #tpu.memory_space<vmem>>, vector<1x16xf32>,
      %broadcast_in_dim3A_89 = arith.constant 0.000000e+00 : f32
      %broadcast_in_dim3A_90 = vector.broadcast %broadcast_in_dim3A_89 : f32 to vector<16xf32>
      %swap3A_91 = arith.index_cast %scan3A_82 : i32 to index
      %swap3A_92 = arith.constant 16 : index
      %swap3A_93 = tpu.vector_load %arg14[%swap3A_91, %swap3A_92] {strides = array<i32>} : memref<200x32xf32, #tpu.memory_space<vmem>>, vector<1x16xf32>,
      %swap3A_94 = vector.shape_cast %swap3A_93 : vector<1x16xf32> to vector<16xf32>
      %swap3A_95 = vector.shape_cast %broadcast_in_dim3A_90 : vector<16xf32> to vector<1x16xf32>
      tpu.vector_store %arg14[%swap3A_91, %swap3A_92], %swap3A_95 {strides = array<i32>} : memref<200x32xf32, #tpu.memory_space<vmem>>, vector<1x16xf32>,
      %scan3A_96 = arith.constant 0 : i32
      scf.yield %scan3A_96 : i32
    }
    %scan3A_8 = arith.constant 200 : i32
    %while3A = arith.constant 0 : i32
    %while3A_9 = arith.constant 0 : i32
    %while3A_10 = arith.subi %add3A_2, %while3A : i32
    %while3A_11 = arith.addi %while3A, %while3A_10 : i32
    %while3A_12 = arith.constant 1 : i32
    %while3A_13 = arith.divsi %while3A_10, %while3A_12 : i32
    %while3A_14 = arith.muli %while3A_13, %while3A_12 : i32
    %while3A_15 = arith.addi %while3A, %while3A_14 : i32
    %while3A_16 = arith.constant 1 : i32
    %while3A_17 = scf.for %while3A_82 = %while3A to %while3A_15 step %while3A_16 iter_args(%while3A_83 = %while3A_9) -> (i32)  : i32 {
      %mul3A_84 = arith.constant 16 : i32
      %mul3A_85 = arith.muli %while3A_82, %mul3A_84 : i32
      %add3A_86 = arith.addi %mul3A_85, %arg1 : i32
      %scan3A_87 = arith.constant 0 : i32
      %scan3A_88 = arith.constant 0 : i32
      %scan3A_89 = arith.constant 5 : i32
      %scan3A_90 = arith.addi %scan3A_88, %scan3A_89 : i32
      %scan3A_91 = arith.constant 1 : i32
      %scan3A_92 = scf.for %scan3A_95 = %scan3A_88 to %scan3A_90 step %scan3A_91 iter_args(%scan3A_96 = %scan3A_87) -> (i32)  : i32 {
        %mul3A_97 = arith.constant 1000 : i32
        %mul3A_98 = arith.muli %add3A_86, %mul3A_97 : i32
        %mul3A_99 = arith.constant 200 : i32
        %mul3A_100 = arith.muli %scan3A_95, %mul3A_99 : i32
        %add3A_101 = arith.addi %mul3A_98, %mul3A_100 : i32
        "tpu.region"() ({
          %run_scoped3A = tpu.sem_alloc : memref<!tpu.dma_semaphore, #tpu.memory_space<semaphore_mem>>
          %dma_start3A = arith.constant 0 : i32
          %dma_start3A_103 = tpu.memref_slice %arg15[%add3A_101, %dma_start3A] : memref<50000x32xf32, #tpu.memory_space<vmem_shared>> -> memref<200x32xf32, #tpu.memory_space<vmem_shared>>
          %dma_start3A_104 = arith.constant 0 : i32
          %dma_start3A_105 = tpu.memref_slice %arg15[%add3A_101, %dma_start3A_104] : memref<50000x32xf32, #tpu.memory_space<vmem_shared>> -> memref<200x32xf32, #tpu.memory_space<vmem_shared>>
          tpu.enqueue_dma source(%arg14 : memref<200x32xf32, #tpu.memory_space<vmem>>) target(%dma_start3A_105 : memref<200x32xf32, #tpu.memory_space<vmem_shared>>) target_semaphore(%run_scoped3A : memref<!tpu.dma_semaphore, #tpu.memory_space<semaphore_mem>>)
          %dma_wait3A = arith.constant 0 : i32
          %dma_wait3A_106 = tpu.memref_slice %arg15[%add3A_101, %dma_wait3A] : memref<50000x32xf32, #tpu.memory_space<vmem_shared>> -> memref<200x32xf32, #tpu.memory_space<vmem_shared>>
          %dma_wait3A_107 = arith.constant 0 : i32
          %dma_wait3A_108 = tpu.memref_slice %arg15[%add3A_101, %dma_wait3A_107] : memref<50000x32xf32, #tpu.memory_space<vmem_shared>> -> memref<200x32xf32, #tpu.memory_space<vmem_shared>>
          tpu.wait_dma2 semaphore(%run_scoped3A : memref<!tpu.dma_semaphore, #tpu.memory_space<semaphore_mem>>) src(%arg14 : memref<200x32xf32, #tpu.memory_space<vmem>>) dst(%dma_wait3A_108 : memref<200x32xf32, #tpu.memory_space<vmem_shared>>)
          tpu.yield
        }) : () -> ()
        %scan3A_102 = arith.constant 0 : i32
        scf.yield %scan3A_102 : i32
      }
      %scan3A_93 = arith.constant 5 : i32
      %while3A_94 = arith.constant 0 : i32
      scf.yield %while3A_94 : i32
    }
    %while3A_18 = arith.constant 1 : i32
    %while3A_19 = scf.for %while3A_82 = %while3A_15 to %while3A_11 step %while3A_18 iter_args(%while3A_83 = %while3A_17) -> (i32)  : i32 {
      %mul3A_84 = arith.constant 16 : i32
      %mul3A_85 = arith.muli %while3A_82, %mul3A_84 : i32
      %add3A_86 = arith.addi %mul3A_85, %arg1 : i32
      %scan3A_87 = arith.constant 0 : i32
      %scan3A_88 = arith.constant 0 : i32
      %scan3A_89 = arith.constant 5 : i32
      %scan3A_90 = arith.addi %scan3A_88, %scan3A_89 : i32
      %scan3A_91 = arith.constant 1 : i32
      %scan3A_92 = scf.for %scan3A_95 = %scan3A_88 to %scan3A_90 step %scan3A_91 iter_args(%scan3A_96 = %scan3A_87) -> (i32)  : i32 {
        %mul3A_97 = arith.constant 1000 : i32
        %mul3A_98 = arith.muli %add3A_86, %mul3A_97 : i32
        %mul3A_99 = arith.constant 200 : i32
        %mul3A_100 = arith.muli %scan3A_95, %mul3A_99 : i32
        %add3A_101 = arith.addi %mul3A_98, %mul3A_100 : i32
        "tpu.region"() ({
          %run_scoped3A = tpu.sem_alloc : memref<!tpu.dma_semaphore, #tpu.memory_space<semaphore_mem>>
          %dma_start3A = arith.constant 0 : i32
          %dma_start3A_103 = tpu.memref_slice %arg15[%add3A_101, %dma_start3A] : memref<50000x32xf32, #tpu.memory_space<vmem_shared>> -> memref<200x32xf32, #tpu.memory_space<vmem_shared>>
          %dma_start3A_104 = arith.constant 0 : i32
          %dma_start3A_105 = tpu.memref_slice %arg15[%add3A_101, %dma_start3A_104] : memref<50000x32xf32, #tpu.memory_space<vmem_shared>> -> memref<200x32xf32, #tpu.memory_space<vmem_shared>>
          tpu.enqueue_dma source(%arg14 : memref<200x32xf32, #tpu.memory_space<vmem>>) target(%dma_start3A_105 : memref<200x32xf32, #tpu.memory_space<vmem_shared>>) target_semaphore(%run_scoped3A : memref<!tpu.dma_semaphore, #tpu.memory_space<semaphore_mem>>)
          %dma_wait3A = arith.constant 0 : i32
          %dma_wait3A_106 = tpu.memref_slice %arg15[%add3A_101, %dma_wait3A] : memref<50000x32xf32, #tpu.memory_space<vmem_shared>> -> memref<200x32xf32, #tpu.memory_space<vmem_shared>>
          %dma_wait3A_107 = arith.constant 0 : i32
          %dma_wait3A_108 = tpu.memref_slice %arg15[%add3A_101, %dma_wait3A_107] : memref<50000x32xf32, #tpu.memory_space<vmem_shared>> -> memref<200x32xf32, #tpu.memory_space<vmem_shared>>
          tpu.wait_dma2 semaphore(%run_scoped3A : memref<!tpu.dma_semaphore, #tpu.memory_space<semaphore_mem>>) src(%arg14 : memref<200x32xf32, #tpu.memory_space<vmem>>) dst(%dma_wait3A_108 : memref<200x32xf32, #tpu.memory_space<vmem_shared>>)
          tpu.yield
        }) : () -> ()
        %scan3A_102 = arith.constant 0 : i32
        scf.yield %scan3A_102 : i32
      }
      %scan3A_93 = arith.constant 5 : i32
      %while3A_94 = arith.constant 0 : i32
      scf.yield %while3A_94 : i32
    }
    %barrier3A = arith.constant 0 : index
    tpu.barrier barrier_id(%barrier3A)
    %get3A = arith.constant 0 : index
    %get3A_20 = tpu.vector_load %arg13[%get3A] {strides = array<i32>} : memref<160xf32, #tpu.memory_space<vmem>>, vector<16xf32>,
    %get3A_21 = vector.shape_cast %get3A_20 : vector<16xf32> to vector<16xf32>
    %get3A_22 = arith.constant 16 : index
    %get3A_23 = tpu.vector_load %arg13[%get3A_22] {strides = array<i32>} : memref<160xf32, #tpu.memory_space<vmem>>, vector<16xf32>,
    %get3A_24 = vector.shape_cast %get3A_23 : vector<16xf32> to vector<16xf32>
    %get3A_25 = arith.constant 32 : index
    %get3A_26 = tpu.vector_load %arg13[%get3A_25] {strides = array<i32>} : memref<160xf32, #tpu.memory_space<vmem>>, vector<16xf32>,
    %get3A_27 = vector.shape_cast %get3A_26 : vector<16xf32> to vector<16xf32>
    %get3A_28 = arith.constant 48 : index
    %get3A_29 = tpu.vector_load %arg13[%get3A_28] {strides = array<i32>} : memref<160xf32, #tpu.memory_space<vmem>>, vector<16xf32>,
    %get3A_30 = vector.shape_cast %get3A_29 : vector<16xf32> to vector<16xf32>
    %get3A_31 = arith.constant 64 : index
    %get3A_32 = tpu.vector_load %arg13[%get3A_31] {strides = array<i32>} : memref<160xf32, #tpu.memory_space<vmem>>, vector<16xf32>,
    %get3A_33 = vector.shape_cast %get3A_32 : vector<16xf32> to vector<16xf32>
    %get3A_34 = arith.constant 80 : index
    %get3A_35 = tpu.vector_load %arg13[%get3A_34] {strides = array<i32>} : memref<160xf32, #tpu.memory_space<vmem>>, vector<16xf32>,
    %get3A_36 = vector.shape_cast %get3A_35 : vector<16xf32> to vector<16xf32>
    %get3A_37 = arith.constant 96 : index
    %get3A_38 = tpu.vector_load %arg13[%get3A_37] {strides = array<i32>} : memref<160xf32, #tpu.memory_space<vmem>>, vector<16xf32>,
    %get3A_39 = vector.shape_cast %get3A_38 : vector<16xf32> to vector<16xf32>
    %get3A_40 = arith.constant 112 : index
    %get3A_41 = tpu.vector_load %arg13[%get3A_40] {strides = array<i32>} : memref<160xf32, #tpu.memory_space<vmem>>, vector<16xf32>,
    %get3A_42 = vector.shape_cast %get3A_41 : vector<16xf32> to vector<16xf32>
    %get3A_43 = arith.constant 128 : index
    %get3A_44 = tpu.vector_load %arg13[%get3A_43] {strides = array<i32>} : memref<160xf32, #tpu.memory_space<vmem>>, vector<16xf32>,
    %get3A_45 = vector.shape_cast %get3A_44 : vector<16xf32> to vector<16xf32>
    %get3A_46 = arith.constant 144 : index
    %get3A_47 = tpu.vector_load %arg13[%get3A_46] {strides = array<i32>} : memref<160xf32, #tpu.memory_space<vmem>>, vector<16xf32>,
    %get3A_48 = vector.shape_cast %get3A_47 : vector<16xf32> to vector<16xf32>
    %mul3A = arith.constant 50000 : i32
    %mul3A_49 = arith.muli %arg0, %mul3A : i32
    %lt3A_50 = arith.constant 10 : i32
    %lt3A_51 = arith.cmpi slt, %arg1, %lt3A_50 : i32
    %jit3A_52 = arith.constant 1 : i32
    %jit3A_53 = arith.constant 0 : i32
    %select_n3A_54 = arith.select %lt3A_51, %jit3A_52, %jit3A_53 : i32
    %add3A_55 = arith.constant 390 : i32
    %add3A_56 = arith.addi %add3A_55, %select_n3A_54 : i32
    %while3A_57 = arith.constant 0 : i32
    %while3A_58 = arith.constant 0 : i32
    %while3A_59 = arith.subi %add3A_56, %while3A_57 : i32
    %while3A_60 = arith.addi %while3A_57, %while3A_59 : i32
    %while3A_61 = arith.constant 1 : i32
    %while3A_62 = arith.divsi %while3A_59, %while3A_61 : i32
    %while3A_63 = arith.muli %while3A_62, %while3A_61 : i32
    %while3A_64 = arith.addi %while3A_57, %while3A_63 : i32
    %while3A_65 = arith.constant 1 : i32
    %while3A_66 = scf.for %while3A_82 = %while3A_57 to %while3A_64 step %while3A_65 iter_args(%while3A_83 = %while3A_58) -> (i32)  : i32 {
      %mul3A_84 = arith.constant 16 : i32
      %mul3A_85 = arith.muli %while3A_82, %mul3A_84 : i32
      %add3A_86 = arith.addi %mul3A_85, %arg1 : i32
      %mul3A_87 = arith.constant 128 : i32
      %mul3A_88 = arith.muli %add3A_86, %mul3A_87 : i32
      "tpu.region"() ({
        %run_scoped3A = tpu.sem_alloc : memref<!tpu.dma_semaphore, #tpu.memory_space<semaphore_mem>>
        %dma_start3A_110 = tpu.memref_slice %arg3[%mul3A_88] : memref<800000xi32, #tpu.memory_space<hbm>> -> memref<128xi32, #tpu.memory_space<hbm>>
        %dma_start3A_111 = tpu.memref_slice %arg3[%mul3A_88] : memref<800000xi32, #tpu.memory_space<hbm>> -> memref<128xi32, #tpu.memory_space<hbm>>
        tpu.enqueue_dma source(%dma_start3A_111 : memref<128xi32, #tpu.memory_space<hbm>>) target(%arg8 : memref<128xi32, #tpu.memory_space<vmem>>) target_semaphore(%run_scoped3A : memref<!tpu.dma_semaphore, #tpu.memory_space<semaphore_mem>>)
        %dma_wait3A_112 = tpu.memref_slice %arg3[%mul3A_88] : memref<800000xi32, #tpu.memory_space<hbm>> -> memref<128xi32, #tpu.memory_space<hbm>>
        %dma_wait3A_113 = tpu.memref_slice %arg3[%mul3A_88] : memref<800000xi32, #tpu.memory_space<hbm>> -> memref<128xi32, #tpu.memory_space<hbm>>
        tpu.wait_dma2 semaphore(%run_scoped3A : memref<!tpu.dma_semaphore, #tpu.memory_space<semaphore_mem>>) src(%dma_wait3A_113 : memref<128xi32, #tpu.memory_space<hbm>>) dst(%arg8 : memref<128xi32, #tpu.memory_space<vmem>>)
        tpu.yield
      }) : () -> ()
      "tpu.region"() ({
        %run_scoped3A = tpu.sem_alloc : memref<!tpu.dma_semaphore, #tpu.memory_space<semaphore_mem>>
        %dma_start3A_110 = tpu.memref_slice %arg4[%mul3A_88] : memref<800000xi32, #tpu.memory_space<hbm>> -> memref<128xi32, #tpu.memory_space<hbm>>
        %dma_start3A_111 = tpu.memref_slice %arg4[%mul3A_88] : memref<800000xi32, #tpu.memory_space<hbm>> -> memref<128xi32, #tpu.memory_space<hbm>>
        tpu.enqueue_dma source(%dma_start3A_111 : memref<128xi32, #tpu.memory_space<hbm>>) target(%arg9 : memref<128xi32, #tpu.memory_space<vmem>>) target_semaphore(%run_scoped3A : memref<!tpu.dma_semaphore, #tpu.memory_space<semaphore_mem>>)
        %dma_wait3A_112 = tpu.memref_slice %arg4[%mul3A_88] : memref<800000xi32, #tpu.memory_space<hbm>> -> memref<128xi32, #tpu.memory_space<hbm>>
        %dma_wait3A_113 = tpu.memref_slice %arg4[%mul3A_88] : memref<800000xi32, #tpu.memory_space<hbm>> -> memref<128xi32, #tpu.memory_space<hbm>>
        tpu.wait_dma2 semaphore(%run_scoped3A : memref<!tpu.dma_semaphore, #tpu.memory_space<semaphore_mem>>) src(%dma_wait3A_113 : memref<128xi32, #tpu.memory_space<hbm>>) dst(%arg9 : memref<128xi32, #tpu.memory_space<vmem>>)
        tpu.yield
      }) : () -> ()
      %mul3A_89 = arith.constant 2 : i32
      %mul3A_90 = arith.muli %mul3A_89, %mul3A_88 : i32
      "tpu.region"() ({
        %run_scoped3A = tpu.sem_alloc : memref<!tpu.dma_semaphore, #tpu.memory_space<semaphore_mem>>
        %dma_start3A_110 = arith.constant 0 : i32
        %dma_start3A_111 = tpu.memref_slice %arg10[%dma_start3A_110] : memref<272xf32, #tpu.memory_space<vmem>> -> memref<256xf32, #tpu.memory_space<vmem>>
        %dma_start3A_112 = tpu.memref_slice %arg5[%mul3A_90] : memref<1600000xf32, #tpu.memory_space<hbm>> -> memref<256xf32, #tpu.memory_space<hbm>>
        %dma_start3A_113 = arith.constant 0 : i32
        %dma_start3A_114 = tpu.memref_slice %arg10[%dma_start3A_113] : memref<272xf32, #tpu.memory_space<vmem>> -> memref<256xf32, #tpu.memory_space<vmem>>
        %dma_start3A_115 = tpu.memref_slice %arg5[%mul3A_90] : memref<1600000xf32, #tpu.memory_space<hbm>> -> memref<256xf32, #tpu.memory_space<hbm>>
        tpu.enqueue_dma source(%dma_start3A_115 : memref<256xf32, #tpu.memory_space<hbm>>) target(%dma_start3A_114 : memref<256xf32, #tpu.memory_space<vmem>>) target_semaphore(%run_scoped3A : memref<!tpu.dma_semaphore, #tpu.memory_space<semaphore_mem>>)
        %dma_wait3A_116 = arith.constant 0 : i32
        %dma_wait3A_117 = tpu.memref_slice %arg10[%dma_wait3A_116] : memref<272xf32, #tpu.memory_space<vmem>> -> memref<256xf32, #tpu.memory_space<vmem>>
        %dma_wait3A_118 = tpu.memref_slice %arg5[%mul3A_90] : memref<1600000xf32, #tpu.memory_space<hbm>> -> memref<256xf32, #tpu.memory_space<hbm>>
        %dma_wait3A_119 = arith.constant 0 : i32
        %dma_wait3A_120 = tpu.memref_slice %arg10[%dma_wait3A_119] : memref<272xf32, #tpu.memory_space<vmem>> -> memref<256xf32, #tpu.memory_space<vmem>>
        %dma_wait3A_121 = tpu.memref_slice %arg5[%mul3A_90] : memref<1600000xf32, #tpu.memory_space<hbm>> -> memref<256xf32, #tpu.memory_space<hbm>>
        tpu.wait_dma2 semaphore(%run_scoped3A : memref<!tpu.dma_semaphore, #tpu.memory_space<semaphore_mem>>) src(%dma_wait3A_121 : memref<256xf32, #tpu.memory_space<hbm>>) dst(%dma_wait3A_120 : memref<256xf32, #tpu.memory_space<vmem>>)
        tpu.yield
      }) : () -> ()
      %scan3A_91 = arith.constant 0 : i32
      %scan3A_92 = arith.constant 0 : i32
      %scan3A_93 = arith.constant 8 : i32
      %scan3A_94 = arith.addi %scan3A_92, %scan3A_93 : i32
      %scan3A_95 = arith.constant 1 : i32
      %scan3A_96 = scf.for %scan3A_110 = %scan3A_92 to %scan3A_94 step %scan3A_95 iter_args(%scan3A_111 = %scan3A_91) -> (i32)  : i32 {
        %mul3A_112 = arith.constant 16 : i32
        %mul3A_113 = arith.muli %scan3A_110, %mul3A_112 : i32
        %get3A_114 = arith.index_cast %mul3A_113 : i32 to index
        %get3A_115 = tpu.vector_load %arg8[%get3A_114] {strides = array<i32>} : memref<128xi32, #tpu.memory_space<vmem>>, vector<16xi32>,
        %get3A_116 = vector.shape_cast %get3A_115 : vector<16xi32> to vector<16xi32>
        %add3A_117 = vector.broadcast %mul3A_49 : i32 to vector<16xi32>
        %add3A_118 = arith.addi %get3A_116, %add3A_117 : vector<16xi32>
        %mul3A_119 = arith.constant 16 : i32
        %mul3A_120 = arith.muli %scan3A_110, %mul3A_119 : i32
        %swap3A = arith.index_cast %mul3A_120 : i32 to index
        %swap3A_121 = tpu.vector_load %arg8[%swap3A] {strides = array<i32>} : memref<128xi32, #tpu.memory_space<vmem>>, vector<16xi32>,
        %swap3A_122 = vector.shape_cast %swap3A_121 : vector<16xi32> to vector<16xi32>
        %swap3A_123 = vector.shape_cast %add3A_118 : vector<16xi32> to vector<16xi32>
        tpu.vector_store %arg8[%swap3A], %swap3A_123 {strides = array<i32>} : memref<128xi32, #tpu.memory_space<vmem>>, vector<16xi32>,
        %scan3A_124 = arith.constant 0 : i32
        scf.yield %scan3A_124 : i32
      }
      %scan3A_97 = arith.constant 8 : i32
      %dma_start3A = arith.constant 0 : i32
      %dma_start3A_98 = arith.constant 0 : i32
      %dma_start3A_99 = tpu.memref_slice %arg2[%dma_start3A, %dma_start3A_98] : memref<100000x32xf32, #tpu.memory_space<hbm>> -> memref<100000x32xf32, #tpu.memory_space<hbm>>
      tpu.enqueue_indirect_dma source(%dma_start3A_99 : memref<100000x32xf32, #tpu.memory_space<hbm>>) target(%arg11 : memref<128x32xf32, #tpu.memory_space<vmem>>) offsets(%arg8 : memref<128xi32, #tpu.memory_space<vmem>>) semaphore(%arg16 : memref<!tpu.dma_semaphore, #tpu.memory_space<semaphore_mem>>)
      %dma_wait3A = arith.constant 0 : i32
      %dma_wait3A_100 = arith.constant 0 : i32
      %dma_wait3A_101 = tpu.memref_slice %arg2[%dma_wait3A, %dma_wait3A_100] : memref<100000x32xf32, #tpu.memory_space<hbm>> -> memref<100000x32xf32, #tpu.memory_space<hbm>>
      tpu.wait_indirect_dma semaphore(%arg16 : memref<!tpu.dma_semaphore, #tpu.memory_space<semaphore_mem>>) src(%dma_wait3A_101 : memref<100000x32xf32, #tpu.memory_space<hbm>>) dst(%arg11 : memref<128x32xf32, #tpu.memory_space<vmem>>)
      %scan3A_102 = arith.constant 0 : i32
      %scan3A_103 = arith.constant 0 : i32
      %scan3A_104 = arith.constant 128 : i32
      %scan3A_105 = arith.addi %scan3A_103, %scan3A_104 : i32
      %scan3A_106 = arith.constant 1 : i32
      %scan3A_107 = scf.for %scan3A_110 = %scan3A_103 to %scan3A_105 step %scan3A_106 iter_args(%scan3A_111 = %scan3A_102) -> (i32)  : i32 {
        %mul3A_112 = arith.constant 2 : i32
        %mul3A_113 = arith.muli %mul3A_112, %scan3A_110 : i32
        %get3A_114 = arith.index_cast %mul3A_113 : i32 to index
        %get3A_115 = tpu.vector_load %arg10[%get3A_114] {strides = array<i32>} : memref<272xf32, #tpu.memory_space<vmem>>, vector<16xf32>,
        %get3A_116 = vector.shape_cast %get3A_115 : vector<16xf32> to vector<16xf32>
        %slice3A = vector.extract_strided_slice %get3A_116 {offsets = [0], sizes = [1], strides = [1]} : vector<16xf32> to vector<1xf32>
        %squeeze3A = vector.extract %slice3A[0] : f32 from vector<1xf32>
        %slice3A_117 = vector.extract_strided_slice %get3A_116 {offsets = [1], sizes = [1], strides = [1]} : vector<16xf32> to vector<1xf32>
        %squeeze3A_118 = vector.extract %slice3A_117[0] : f32 from vector<1xf32>
        %get3A_119 = arith.index_cast %scan3A_110 : i32 to index
        %get3A_120 = arith.constant 0 : index
        %get3A_121 = tpu.vector_load %arg11[%get3A_119, %get3A_120] {strides = array<i32>} : memref<128x32xf32, #tpu.memory_space<vmem>>, vector<1x16xf32>,
        %get3A_122 = vector.shape_cast %get3A_121 : vector<1x16xf32> to vector<16xf32>
        %get3A_123 = arith.index_cast %scan3A_110 : i32 to index
        %get3A_124 = arith.constant 16 : index
        %get3A_125 = tpu.vector_load %arg11[%get3A_123, %get3A_124] {strides = array<i32>} : memref<128x32xf32, #tpu.memory_space<vmem>>, vector<1x16xf32>,
        %get3A_126 = vector.shape_cast %get3A_125 : vector<1x16xf32> to vector<16xf32>
        %mul3A_127 = arith.mulf %get3A_122, %get3A_39 : vector<16xf32>
        %add3A_128 = arith.addf %mul3A_127, %get3A_45 : vector<16xf32>
        %mul3A_129 = arith.mulf %get3A_126, %get3A_42 : vector<16xf32>
        %add3A_130 = arith.addf %mul3A_129, %get3A_48 : vector<16xf32>
        %mul3A_131 = vector.broadcast %squeeze3A : f32 to vector<16xf32>
        %mul3A_132 = arith.mulf %mul3A_131, %get3A_21 : vector<16xf32>
        %add3A_133 = arith.addf %add3A_128, %mul3A_132 : vector<16xf32>
        %mul3A_134 = vector.broadcast %squeeze3A_118 : f32 to vector<16xf32>
        %mul3A_135 = arith.mulf %mul3A_134, %get3A_27 : vector<16xf32>
        %add3A_136 = arith.addf %add3A_133, %mul3A_135 : vector<16xf32>
        %add3A_137 = arith.addf %add3A_136, %get3A_33 : vector<16xf32>
        %max3A = arith.constant 0.000000e+00 : f32
        %max3A_138 = vector.broadcast %max3A : f32 to vector<16xf32>
        %max3A_139 = arith.maximumf %add3A_137, %max3A_138 : vector<16xf32>
        %mul3A_140 = vector.broadcast %squeeze3A : f32 to vector<16xf32>
        %mul3A_141 = arith.mulf %mul3A_140, %get3A_24 : vector<16xf32>
        %add3A_142 = arith.addf %add3A_130, %mul3A_141 : vector<16xf32>
        %mul3A_143 = vector.broadcast %squeeze3A_118 : f32 to vector<16xf32>
        %mul3A_144 = arith.mulf %mul3A_143, %get3A_30 : vector<16xf32>
        %add3A_145 = arith.addf %add3A_142, %mul3A_144 : vector<16xf32>
        %add3A_146 = arith.addf %add3A_145, %get3A_36 : vector<16xf32>
        %max3A_147 = arith.constant 0.000000e+00 : f32
        %max3A_148 = vector.broadcast %max3A_147 : f32 to vector<16xf32>
        %max3A_149 = arith.maximumf %add3A_146, %max3A_148 : vector<16xf32>
        %swap3A = arith.index_cast %scan3A_110 : i32 to index
        %swap3A_150 = arith.constant 0 : index
        %swap3A_151 = tpu.vector_load %arg12[%swap3A, %swap3A_150] {strides = array<i32>} : memref<128x32xf32, #tpu.memory_space<vmem>>, vector<1x16xf32>,
        %swap3A_152 = vector.shape_cast %swap3A_151 : vector<1x16xf32> to vector<16xf32>
        %swap3A_153 = vector.shape_cast %max3A_139 : vector<16xf32> to vector<1x16xf32>
        tpu.vector_store %arg12[%swap3A, %swap3A_150], %swap3A_153 {strides = array<i32>} : memref<128x32xf32, #tpu.memory_space<vmem>>, vector<1x16xf32>,
        %swap3A_154 = arith.index_cast %scan3A_110 : i32 to index
        %swap3A_155 = arith.constant 16 : index
        %swap3A_156 = tpu.vector_load %arg12[%swap3A_154, %swap3A_155] {strides = array<i32>} : memref<128x32xf32, #tpu.memory_space<vmem>>, vector<1x16xf32>,
        %swap3A_157 = vector.shape_cast %swap3A_156 : vector<1x16xf32> to vector<16xf32>
        %swap3A_158 = vector.shape_cast %max3A_149 : vector<16xf32> to vector<1x16xf32>
        tpu.vector_store %arg12[%swap3A_154, %swap3A_155], %swap3A_158 {strides = array<i32>} : memref<128x32xf32, #tpu.memory_space<vmem>>, vector<1x16xf32>,
        %scan3A_159 = arith.constant 0 : i32
        scf.yield %scan3A_159 : i32
      }
      %scan3A_108 = arith.constant 128 : i32
      "tpu.region"() ({
        %run_scoped3A = tpu.sem_alloc : memref<!tpu.dma_semaphore, #tpu.memory_space<semaphore_mem>>
        %dma_start3A_110 = arith.constant 0 : i32
        %dma_start3A_111 = arith.constant 0 : i32
        %dma_start3A_112 = tpu.memref_slice %arg15[%dma_start3A_110, %dma_start3A_111] : memref<50000x32xf32, #tpu.memory_space<vmem_shared>> -> memref<50000x32xf32, #tpu.memory_space<vmem_shared>>
        tpu.enqueue_indirect_dma source(%arg12 : memref<128x32xf32, #tpu.memory_space<vmem>>) target(%dma_start3A_112 : memref<50000x32xf32, #tpu.memory_space<vmem_shared>>) offsets(%arg9 : memref<128xi32, #tpu.memory_space<vmem>>) semaphore(%run_scoped3A : memref<!tpu.dma_semaphore, #tpu.memory_space<semaphore_mem>>) {add = true}
        %dma_wait3A_113 = arith.constant 0 : i32
        %dma_wait3A_114 = arith.constant 0 : i32
        %dma_wait3A_115 = tpu.memref_slice %arg15[%dma_wait3A_113, %dma_wait3A_114] : memref<50000x32xf32, #tpu.memory_space<vmem_shared>> -> memref<50000x32xf32, #tpu.memory_space<vmem_shared>>
        tpu.wait_indirect_dma semaphore(%run_scoped3A : memref<!tpu.dma_semaphore, #tpu.memory_space<semaphore_mem>>) src(%arg12 : memref<128x32xf32, #tpu.memory_space<vmem>>) dst(%dma_wait3A_115 : memref<50000x32xf32, #tpu.memory_space<vmem_shared>>)
        tpu.yield
      }) : () -> ()
      %while3A_109 = arith.constant 0 : i32
      scf.yield %while3A_109 : i32
    }
    %while3A_67 = arith.constant 1 : i32
    %while3A_68 = scf.for %while3A_82 = %while3A_64 to %while3A_60 step %while3A_67 iter_args(%while3A_83 = %while3A_66) -> (i32)  : i32 {
      %mul3A_84 = arith.constant 16 : i32
      %mul3A_85 = arith.muli %while3A_82, %mul3A_84 : i32
      %add3A_86 = arith.addi %mul3A_85, %arg1 : i32
      %mul3A_87 = arith.constant 128 : i32
      %mul3A_88 = arith.muli %add3A_86, %mul3A_87 : i32
      "tpu.region"() ({
        %run_scoped3A = tpu.sem_alloc : memref<!tpu.dma_semaphore, #tpu.memory_space<semaphore_mem>>
        %dma_start3A_110 = tpu.memref_slice %arg3[%mul3A_88] : memref<800000xi32, #tpu.memory_space<hbm>> -> memref<128xi32, #tpu.memory_space<hbm>>
        %dma_start3A_111 = tpu.memref_slice %arg3[%mul3A_88] : memref<800000xi32, #tpu.memory_space<hbm>> -> memref<128xi32, #tpu.memory_space<hbm>>
        tpu.enqueue_dma source(%dma_start3A_111 : memref<128xi32, #tpu.memory_space<hbm>>) target(%arg8 : memref<128xi32, #tpu.memory_space<vmem>>) target_semaphore(%run_scoped3A : memref<!tpu.dma_semaphore, #tpu.memory_space<semaphore_mem>>)
        %dma_wait3A_112 = tpu.memref_slice %arg3[%mul3A_88] : memref<800000xi32, #tpu.memory_space<hbm>> -> memref<128xi32, #tpu.memory_space<hbm>>
        %dma_wait3A_113 = tpu.memref_slice %arg3[%mul3A_88] : memref<800000xi32, #tpu.memory_space<hbm>> -> memref<128xi32, #tpu.memory_space<hbm>>
        tpu.wait_dma2 semaphore(%run_scoped3A : memref<!tpu.dma_semaphore, #tpu.memory_space<semaphore_mem>>) src(%dma_wait3A_113 : memref<128xi32, #tpu.memory_space<hbm>>) dst(%arg8 : memref<128xi32, #tpu.memory_space<vmem>>)
        tpu.yield
      }) : () -> ()
      "tpu.region"() ({
        %run_scoped3A = tpu.sem_alloc : memref<!tpu.dma_semaphore, #tpu.memory_space<semaphore_mem>>
        %dma_start3A_110 = tpu.memref_slice %arg4[%mul3A_88] : memref<800000xi32, #tpu.memory_space<hbm>> -> memref<128xi32, #tpu.memory_space<hbm>>
        %dma_start3A_111 = tpu.memref_slice %arg4[%mul3A_88] : memref<800000xi32, #tpu.memory_space<hbm>> -> memref<128xi32, #tpu.memory_space<hbm>>
        tpu.enqueue_dma source(%dma_start3A_111 : memref<128xi32, #tpu.memory_space<hbm>>) target(%arg9 : memref<128xi32, #tpu.memory_space<vmem>>) target_semaphore(%run_scoped3A : memref<!tpu.dma_semaphore, #tpu.memory_space<semaphore_mem>>)
        %dma_wait3A_112 = tpu.memref_slice %arg4[%mul3A_88] : memref<800000xi32, #tpu.memory_space<hbm>> -> memref<128xi32, #tpu.memory_space<hbm>>
        %dma_wait3A_113 = tpu.memref_slice %arg4[%mul3A_88] : memref<800000xi32, #tpu.memory_space<hbm>> -> memref<128xi32, #tpu.memory_space<hbm>>
        tpu.wait_dma2 semaphore(%run_scoped3A : memref<!tpu.dma_semaphore, #tpu.memory_space<semaphore_mem>>) src(%dma_wait3A_113 : memref<128xi32, #tpu.memory_space<hbm>>) dst(%arg9 : memref<128xi32, #tpu.memory_space<vmem>>)
        tpu.yield
      }) : () -> ()
      %mul3A_89 = arith.constant 2 : i32
      %mul3A_90 = arith.muli %mul3A_89, %mul3A_88 : i32
      "tpu.region"() ({
        %run_scoped3A = tpu.sem_alloc : memref<!tpu.dma_semaphore, #tpu.memory_space<semaphore_mem>>
        %dma_start3A_110 = arith.constant 0 : i32
        %dma_start3A_111 = tpu.memref_slice %arg10[%dma_start3A_110] : memref<272xf32, #tpu.memory_space<vmem>> -> memref<256xf32, #tpu.memory_space<vmem>>
        %dma_start3A_112 = tpu.memref_slice %arg5[%mul3A_90] : memref<1600000xf32, #tpu.memory_space<hbm>> -> memref<256xf32, #tpu.memory_space<hbm>>
        %dma_start3A_113 = arith.constant 0 : i32
        %dma_start3A_114 = tpu.memref_slice %arg10[%dma_start3A_113] : memref<272xf32, #tpu.memory_space<vmem>> -> memref<256xf32, #tpu.memory_space<vmem>>
        %dma_start3A_115 = tpu.memref_slice %arg5[%mul3A_90] : memref<1600000xf32, #tpu.memory_space<hbm>> -> memref<256xf32, #tpu.memory_space<hbm>>
        tpu.enqueue_dma source(%dma_start3A_115 : memref<256xf32, #tpu.memory_space<hbm>>) target(%dma_start3A_114 : memref<256xf32, #tpu.memory_space<vmem>>) target_semaphore(%run_scoped3A : memref<!tpu.dma_semaphore, #tpu.memory_space<semaphore_mem>>)
        %dma_wait3A_116 = arith.constant 0 : i32
        %dma_wait3A_117 = tpu.memref_slice %arg10[%dma_wait3A_116] : memref<272xf32, #tpu.memory_space<vmem>> -> memref<256xf32, #tpu.memory_space<vmem>>
        %dma_wait3A_118 = tpu.memref_slice %arg5[%mul3A_90] : memref<1600000xf32, #tpu.memory_space<hbm>> -> memref<256xf32, #tpu.memory_space<hbm>>
        %dma_wait3A_119 = arith.constant 0 : i32
        %dma_wait3A_120 = tpu.memref_slice %arg10[%dma_wait3A_119] : memref<272xf32, #tpu.memory_space<vmem>> -> memref<256xf32, #tpu.memory_space<vmem>>
        %dma_wait3A_121 = tpu.memref_slice %arg5[%mul3A_90] : memref<1600000xf32, #tpu.memory_space<hbm>> -> memref<256xf32, #tpu.memory_space<hbm>>
        tpu.wait_dma2 semaphore(%run_scoped3A : memref<!tpu.dma_semaphore, #tpu.memory_space<semaphore_mem>>) src(%dma_wait3A_121 : memref<256xf32, #tpu.memory_space<hbm>>) dst(%dma_wait3A_120 : memref<256xf32, #tpu.memory_space<vmem>>)
        tpu.yield
      }) : () -> ()
      %scan3A_91 = arith.constant 0 : i32
      %scan3A_92 = arith.constant 0 : i32
      %scan3A_93 = arith.constant 8 : i32
      %scan3A_94 = arith.addi %scan3A_92, %scan3A_93 : i32
      %scan3A_95 = arith.constant 1 : i32
      %scan3A_96 = scf.for %scan3A_110 = %scan3A_92 to %scan3A_94 step %scan3A_95 iter_args(%scan3A_111 = %scan3A_91) -> (i32)  : i32 {
        %mul3A_112 = arith.constant 16 : i32
        %mul3A_113 = arith.muli %scan3A_110, %mul3A_112 : i32
        %get3A_114 = arith.index_cast %mul3A_113 : i32 to index
        %get3A_115 = tpu.vector_load %arg8[%get3A_114] {strides = array<i32>} : memref<128xi32, #tpu.memory_space<vmem>>, vector<16xi32>,
        %get3A_116 = vector.shape_cast %get3A_115 : vector<16xi32> to vector<16xi32>
        %add3A_117 = vector.broadcast %mul3A_49 : i32 to vector<16xi32>
        %add3A_118 = arith.addi %get3A_116, %add3A_117 : vector<16xi32>
        %mul3A_119 = arith.constant 16 : i32
        %mul3A_120 = arith.muli %scan3A_110, %mul3A_119 : i32
        %swap3A = arith.index_cast %mul3A_120 : i32 to index
        %swap3A_121 = tpu.vector_load %arg8[%swap3A] {strides = array<i32>} : memref<128xi32, #tpu.memory_space<vmem>>, vector<16xi32>,
        %swap3A_122 = vector.shape_cast %swap3A_121 : vector<16xi32> to vector<16xi32>
        %swap3A_123 = vector.shape_cast %add3A_118 : vector<16xi32> to vector<16xi32>
        tpu.vector_store %arg8[%swap3A], %swap3A_123 {strides = array<i32>} : memref<128xi32, #tpu.memory_space<vmem>>, vector<16xi32>,
        %scan3A_124 = arith.constant 0 : i32
        scf.yield %scan3A_124 : i32
      }
      %scan3A_97 = arith.constant 8 : i32
      %dma_start3A = arith.constant 0 : i32
      %dma_start3A_98 = arith.constant 0 : i32
      %dma_start3A_99 = tpu.memref_slice %arg2[%dma_start3A, %dma_start3A_98] : memref<100000x32xf32, #tpu.memory_space<hbm>> -> memref<100000x32xf32, #tpu.memory_space<hbm>>
      tpu.enqueue_indirect_dma source(%dma_start3A_99 : memref<100000x32xf32, #tpu.memory_space<hbm>>) target(%arg11 : memref<128x32xf32, #tpu.memory_space<vmem>>) offsets(%arg8 : memref<128xi32, #tpu.memory_space<vmem>>) semaphore(%arg16 : memref<!tpu.dma_semaphore, #tpu.memory_space<semaphore_mem>>)
      %dma_wait3A = arith.constant 0 : i32
      %dma_wait3A_100 = arith.constant 0 : i32
      %dma_wait3A_101 = tpu.memref_slice %arg2[%dma_wait3A, %dma_wait3A_100] : memref<100000x32xf32, #tpu.memory_space<hbm>> -> memref<100000x32xf32, #tpu.memory_space<hbm>>
      tpu.wait_indirect_dma semaphore(%arg16 : memref<!tpu.dma_semaphore, #tpu.memory_space<semaphore_mem>>) src(%dma_wait3A_101 : memref<100000x32xf32, #tpu.memory_space<hbm>>) dst(%arg11 : memref<128x32xf32, #tpu.memory_space<vmem>>)
      %scan3A_102 = arith.constant 0 : i32
      %scan3A_103 = arith.constant 0 : i32
      %scan3A_104 = arith.constant 128 : i32
      %scan3A_105 = arith.addi %scan3A_103, %scan3A_104 : i32
      %scan3A_106 = arith.constant 1 : i32
      %scan3A_107 = scf.for %scan3A_110 = %scan3A_103 to %scan3A_105 step %scan3A_106 iter_args(%scan3A_111 = %scan3A_102) -> (i32)  : i32 {
        %mul3A_112 = arith.constant 2 : i32
        %mul3A_113 = arith.muli %mul3A_112, %scan3A_110 : i32
        %get3A_114 = arith.index_cast %mul3A_113 : i32 to index
        %get3A_115 = tpu.vector_load %arg10[%get3A_114] {strides = array<i32>} : memref<272xf32, #tpu.memory_space<vmem>>, vector<16xf32>,
        %get3A_116 = vector.shape_cast %get3A_115 : vector<16xf32> to vector<16xf32>
        %slice3A = vector.extract_strided_slice %get3A_116 {offsets = [0], sizes = [1], strides = [1]} : vector<16xf32> to vector<1xf32>
        %squeeze3A = vector.extract %slice3A[0] : f32 from vector<1xf32>
        %slice3A_117 = vector.extract_strided_slice %get3A_116 {offsets = [1], sizes = [1], strides = [1]} : vector<16xf32> to vector<1xf32>
        %squeeze3A_118 = vector.extract %slice3A_117[0] : f32 from vector<1xf32>
        %get3A_119 = arith.index_cast %scan3A_110 : i32 to index
        %get3A_120 = arith.constant 0 : index
        %get3A_121 = tpu.vector_load %arg11[%get3A_119, %get3A_120] {strides = array<i32>} : memref<128x32xf32, #tpu.memory_space<vmem>>, vector<1x16xf32>,
        %get3A_122 = vector.shape_cast %get3A_121 : vector<1x16xf32> to vector<16xf32>
        %get3A_123 = arith.index_cast %scan3A_110 : i32 to index
        %get3A_124 = arith.constant 16 : index
        %get3A_125 = tpu.vector_load %arg11[%get3A_123, %get3A_124] {strides = array<i32>} : memref<128x32xf32, #tpu.memory_space<vmem>>, vector<1x16xf32>,
        %get3A_126 = vector.shape_cast %get3A_125 : vector<1x16xf32> to vector<16xf32>
        %mul3A_127 = arith.mulf %get3A_122, %get3A_39 : vector<16xf32>
        %add3A_128 = arith.addf %mul3A_127, %get3A_45 : vector<16xf32>
        %mul3A_129 = arith.mulf %get3A_126, %get3A_42 : vector<16xf32>
        %add3A_130 = arith.addf %mul3A_129, %get3A_48 : vector<16xf32>
        %mul3A_131 = vector.broadcast %squeeze3A : f32 to vector<16xf32>
        %mul3A_132 = arith.mulf %mul3A_131, %get3A_21 : vector<16xf32>
        %add3A_133 = arith.addf %add3A_128, %mul3A_132 : vector<16xf32>
        %mul3A_134 = vector.broadcast %squeeze3A_118 : f32 to vector<16xf32>
        %mul3A_135 = arith.mulf %mul3A_134, %get3A_27 : vector<16xf32>
        %add3A_136 = arith.addf %add3A_133, %mul3A_135 : vector<16xf32>
        %add3A_137 = arith.addf %add3A_136, %get3A_33 : vector<16xf32>
        %max3A = arith.constant 0.000000e+00 : f32
        %max3A_138 = vector.broadcast %max3A : f32 to vector<16xf32>
        %max3A_139 = arith.maximumf %add3A_137, %max3A_138 : vector<16xf32>
        %mul3A_140 = vector.broadcast %squeeze3A : f32 to vector<16xf32>
        %mul3A_141 = arith.mulf %mul3A_140, %get3A_24 : vector<16xf32>
        %add3A_142 = arith.addf %add3A_130, %mul3A_141 : vector<16xf32>
        %mul3A_143 = vector.broadcast %squeeze3A_118 : f32 to vector<16xf32>
        %mul3A_144 = arith.mulf %mul3A_143, %get3A_30 : vector<16xf32>
        %add3A_145 = arith.addf %add3A_142, %mul3A_144 : vector<16xf32>
        %add3A_146 = arith.addf %add3A_145, %get3A_36 : vector<16xf32>
        %max3A_147 = arith.constant 0.000000e+00 : f32
        %max3A_148 = vector.broadcast %max3A_147 : f32 to vector<16xf32>
        %max3A_149 = arith.maximumf %add3A_146, %max3A_148 : vector<16xf32>
        %swap3A = arith.index_cast %scan3A_110 : i32 to index
        %swap3A_150 = arith.constant 0 : index
        %swap3A_151 = tpu.vector_load %arg12[%swap3A, %swap3A_150] {strides = array<i32>} : memref<128x32xf32, #tpu.memory_space<vmem>>, vector<1x16xf32>,
        %swap3A_152 = vector.shape_cast %swap3A_151 : vector<1x16xf32> to vector<16xf32>
        %swap3A_153 = vector.shape_cast %max3A_139 : vector<16xf32> to vector<1x16xf32>
        tpu.vector_store %arg12[%swap3A, %swap3A_150], %swap3A_153 {strides = array<i32>} : memref<128x32xf32, #tpu.memory_space<vmem>>, vector<1x16xf32>,
        %swap3A_154 = arith.index_cast %scan3A_110 : i32 to index
        %swap3A_155 = arith.constant 16 : index
        %swap3A_156 = tpu.vector_load %arg12[%swap3A_154, %swap3A_155] {strides = array<i32>} : memref<128x32xf32, #tpu.memory_space<vmem>>, vector<1x16xf32>,
        %swap3A_157 = vector.shape_cast %swap3A_156 : vector<1x16xf32> to vector<16xf32>
        %swap3A_158 = vector.shape_cast %max3A_149 : vector<16xf32> to vector<1x16xf32>
        tpu.vector_store %arg12[%swap3A_154, %swap3A_155], %swap3A_158 {strides = array<i32>} : memref<128x32xf32, #tpu.memory_space<vmem>>, vector<1x16xf32>,
        %scan3A_159 = arith.constant 0 : i32
        scf.yield %scan3A_159 : i32
      }
      %scan3A_108 = arith.constant 128 : i32
      "tpu.region"() ({
        %run_scoped3A = tpu.sem_alloc : memref<!tpu.dma_semaphore, #tpu.memory_space<semaphore_mem>>
        %dma_start3A_110 = arith.constant 0 : i32
        %dma_start3A_111 = arith.constant 0 : i32
        %dma_start3A_112 = tpu.memref_slice %arg15[%dma_start3A_110, %dma_start3A_111] : memref<50000x32xf32, #tpu.memory_space<vmem_shared>> -> memref<50000x32xf32, #tpu.memory_space<vmem_shared>>
        tpu.enqueue_indirect_dma source(%arg12 : memref<128x32xf32, #tpu.memory_space<vmem>>) target(%dma_start3A_112 : memref<50000x32xf32, #tpu.memory_space<vmem_shared>>) offsets(%arg9 : memref<128xi32, #tpu.memory_space<vmem>>) semaphore(%run_scoped3A : memref<!tpu.dma_semaphore, #tpu.memory_space<semaphore_mem>>) {add = true}
        %dma_wait3A_113 = arith.constant 0 : i32
        %dma_wait3A_114 = arith.constant 0 : i32
        %dma_wait3A_115 = tpu.memref_slice %arg15[%dma_wait3A_113, %dma_wait3A_114] : memref<50000x32xf32, #tpu.memory_space<vmem_shared>> -> memref<50000x32xf32, #tpu.memory_space<vmem_shared>>
        tpu.wait_indirect_dma semaphore(%run_scoped3A : memref<!tpu.dma_semaphore, #tpu.memory_space<semaphore_mem>>) src(%arg12 : memref<128x32xf32, #tpu.memory_space<vmem>>) dst(%dma_wait3A_115 : memref<50000x32xf32, #tpu.memory_space<vmem_shared>>)
        tpu.yield
      }) : () -> ()
      %while3A_109 = arith.constant 0 : i32
      scf.yield %while3A_109 : i32
    }
    %barrier3A_69 = arith.constant 0 : index
    tpu.barrier barrier_id(%barrier3A_69)
    %while3A_70 = arith.constant 0 : i32
    %while3A_71 = arith.constant 0 : i32
    %while3A_72 = arith.subi %add3A_2, %while3A_70 : i32
    %while3A_73 = arith.addi %while3A_70, %while3A_72 : i32
    %while3A_74 = arith.constant 1 : i32
    %while3A_75 = arith.divsi %while3A_72, %while3A_74 : i32
    %while3A_76 = arith.muli %while3A_75, %while3A_74 : i32
    %while3A_77 = arith.addi %while3A_70, %while3A_76 : i32
    %while3A_78 = arith.constant 1 : i32
    %while3A_79 = scf.for %while3A_82 = %while3A_70 to %while3A_77 step %while3A_78 iter_args(%while3A_83 = %while3A_71) -> (i32)  : i32 {
      %mul3A_84 = arith.constant 16 : i32
      %mul3A_85 = arith.muli %while3A_82, %mul3A_84 : i32
      %add3A_86 = arith.addi %mul3A_85, %arg1 : i32
      %mul3A_87 = arith.constant 1000 : i32
      %mul3A_88 = arith.muli %add3A_86, %mul3A_87 : i32
      %mul3A_89 = arith.constant 1000 : i32
      %mul3A_90 = arith.muli %add3A_86, %mul3A_89 : i32
      %add3A_91 = arith.addi %mul3A_49, %mul3A_90 : i32
      "tpu.region"() ({
        %run_scoped3A = tpu.sem_alloc : memref<!tpu.dma_semaphore, #tpu.memory_space<semaphore_mem>>
        %dma_start3A = arith.constant 0 : i32
        %dma_start3A_93 = tpu.memref_slice %arg7[%add3A_91, %dma_start3A] : memref<100000x32xf32, #tpu.memory_space<hbm>> -> memref<1000x32xf32, #tpu.memory_space<hbm>>
        %dma_start3A_94 = arith.constant 0 : i32
        %dma_start3A_95 = tpu.memref_slice %arg15[%mul3A_88, %dma_start3A_94] : memref<50000x32xf32, #tpu.memory_space<vmem_shared>> -> memref<1000x32xf32, #tpu.memory_space<vmem_shared>>
        tpu.enqueue_dma source(%dma_start3A_95 : memref<1000x32xf32, #tpu.memory_space<vmem_shared>>) target(%dma_start3A_93 : memref<1000x32xf32, #tpu.memory_space<hbm>>) target_semaphore(%run_scoped3A : memref<!tpu.dma_semaphore, #tpu.memory_space<semaphore_mem>>)
        %dma_wait3A = arith.constant 0 : i32
        %dma_wait3A_96 = tpu.memref_slice %arg7[%add3A_91, %dma_wait3A] : memref<100000x32xf32, #tpu.memory_space<hbm>> -> memref<1000x32xf32, #tpu.memory_space<hbm>>
        %dma_wait3A_97 = arith.constant 0 : i32
        %dma_wait3A_98 = tpu.memref_slice %arg15[%mul3A_88, %dma_wait3A_97] : memref<50000x32xf32, #tpu.memory_space<vmem_shared>> -> memref<1000x32xf32, #tpu.memory_space<vmem_shared>>
        tpu.wait_dma2 semaphore(%run_scoped3A : memref<!tpu.dma_semaphore, #tpu.memory_space<semaphore_mem>>) src(%dma_wait3A_98 : memref<1000x32xf32, #tpu.memory_space<vmem_shared>>) dst(%dma_wait3A_96 : memref<1000x32xf32, #tpu.memory_space<hbm>>)
        tpu.yield
      }) : () -> ()
      %while3A_92 = arith.constant 0 : i32
      scf.yield %while3A_92 : i32
    }
    %while3A_80 = arith.constant 1 : i32
    %while3A_81 = scf.for %while3A_82 = %while3A_77 to %while3A_73 step %while3A_80 iter_args(%while3A_83 = %while3A_79) -> (i32)  : i32 {
      %mul3A_84 = arith.constant 16 : i32
      %mul3A_85 = arith.muli %while3A_82, %mul3A_84 : i32
      %add3A_86 = arith.addi %mul3A_85, %arg1 : i32
      %mul3A_87 = arith.constant 1000 : i32
      %mul3A_88 = arith.muli %add3A_86, %mul3A_87 : i32
      %mul3A_89 = arith.constant 1000 : i32
      %mul3A_90 = arith.muli %add3A_86, %mul3A_89 : i32
      %add3A_91 = arith.addi %mul3A_49, %mul3A_90 : i32
      "tpu.region"() ({
        %run_scoped3A = tpu.sem_alloc : memref<!tpu.dma_semaphore, #tpu.memory_space<semaphore_mem>>
        %dma_start3A = arith.constant 0 : i32
        %dma_start3A_93 = tpu.memref_slice %arg7[%add3A_91, %dma_start3A] : memref<100000x32xf32, #tpu.memory_space<hbm>> -> memref<1000x32xf32, #tpu.memory_space<hbm>>
        %dma_start3A_94 = arith.constant 0 : i32
        %dma_start3A_95 = tpu.memref_slice %arg15[%mul3A_88, %dma_start3A_94] : memref<50000x32xf32, #tpu.memory_space<vmem_shared>> -> memref<1000x32xf32, #tpu.memory_space<vmem_shared>>
        tpu.enqueue_dma source(%dma_start3A_95 : memref<1000x32xf32, #tpu.memory_space<vmem_shared>>) target(%dma_start3A_93 : memref<1000x32xf32, #tpu.memory_space<hbm>>) target_semaphore(%run_scoped3A : memref<!tpu.dma_semaphore, #tpu.memory_space<semaphore_mem>>)
        %dma_wait3A = arith.constant 0 : i32
        %dma_wait3A_96 = tpu.memref_slice %arg7[%add3A_91, %dma_wait3A] : memref<100000x32xf32, #tpu.memory_space<hbm>> -> memref<1000x32xf32, #tpu.memory_space<hbm>>
        %dma_wait3A_97 = arith.constant 0 : i32
        %dma_wait3A_98 = tpu.memref_slice %arg15[%mul3A_88, %dma_wait3A_97] : memref<50000x32xf32, #tpu.memory_space<vmem_shared>> -> memref<1000x32xf32, #tpu.memory_space<vmem_shared>>
        tpu.wait_dma2 semaphore(%run_scoped3A : memref<!tpu.dma_semaphore, #tpu.memory_space<semaphore_mem>>) src(%dma_wait3A_98 : memref<1000x32xf32, #tpu.memory_space<vmem_shared>>) dst(%dma_wait3A_96 : memref<1000x32xf32, #tpu.memory_space<hbm>>)
        tpu.yield
      }) : () -> ()
      %while3A_92 = arith.constant 0 : i32
      scf.yield %while3A_92 : i32
    }
    return
  }
}

#map = affine_map<(d0, d1) -> (0, 0)>
#map1 = affine_map<(d0, d1) -> (0)>
module attributes {stable_mosaic.version = 14 : i64} {
  func.func @_sc_gs_body(%arg0: i32, %arg1: i32, %arg2: memref<51000x192xf32, #tpu.memory_space<hbm>>, %arg3: memref<114688xi32, #tpu.memory_space<hbm>>, %arg4: memref<114688xi32, #tpu.memory_space<hbm>>, %arg5: memref<256008x192xf32, #tpu.memory_space<hbm>>, %arg6: memref<128xi32, #tpu.memory_space<vmem>>, %arg7: memref<128xi32, #tpu.memory_space<vmem>>, %arg8: memref<128x192xf32, #tpu.memory_space<vmem>>, %arg9: memref<!tpu.dma_semaphore, #tpu.memory_space<semaphore_mem>>) attributes {dimension_semantics = [#tpu.dimension_semantics<core_parallel>, #tpu.dimension_semantics<subcore_parallel>], iteration_bounds = array<i64: 2, 16>, scalar_prefetch = 0 : i64, scratch_operands = 4 : i64, tpu.core_type = #tpu.core_type<sc_vector_subcore>, window_params = [{transform_indices = #map}, {transform_indices = #map1}, {transform_indices = #map1}, {transform_indices = #map}]} {
    %mul3A = arith.constant 2 : i32
    %mul3A_0 = arith.muli %arg1, %mul3A : i32
    %add3A = arith.addi %mul3A_0, %arg0 : i32
    %lt3A = arith.constant 0 : i32
    %lt3A_1 = arith.cmpi slt, %add3A, %lt3A : i32
    %jit3A = arith.constant 1 : i32
    %jit3A_2 = arith.constant 0 : i32
    %select_n3A = arith.select %lt3A_1, %jit3A, %jit3A_2 : i32
    %add3A_3 = arith.constant 28 : i32
    %add3A_4 = arith.addi %add3A_3, %select_n3A : i32
    %while3A = arith.constant 0 : i32
    %while3A_5 = arith.constant 0 : i32
    %while3A_6 = arith.subi %add3A_4, %while3A : i32
    %while3A_7 = arith.addi %while3A, %while3A_6 : i32
    %while3A_8 = arith.constant 1 : i32
    %while3A_9 = arith.divsi %while3A_6, %while3A_8 : i32
    %while3A_10 = arith.muli %while3A_9, %while3A_8 : i32
    %while3A_11 = arith.addi %while3A, %while3A_10 : i32
    %while3A_12 = arith.constant 1 : i32
    %while3A_13 = scf.for %while3A_16 = %while3A to %while3A_11 step %while3A_12 iter_args(%while3A_17 = %while3A_5) -> (i32)  : i32 {
      %mul3A_18 = arith.constant 32 : i32
      %mul3A_19 = arith.muli %while3A_16, %mul3A_18 : i32
      %add3A_20 = arith.addi %mul3A_19, %add3A : i32
      %mul3A_21 = arith.constant 128 : i32
      %mul3A_22 = arith.muli %add3A_20, %mul3A_21 : i32
      "tpu.region"() ({
        %run_scoped3A = tpu.sem_alloc : memref<!tpu.dma_semaphore, #tpu.memory_space<semaphore_mem>>
        %dma_start3A_28 = tpu.memref_slice %arg3[%mul3A_22] : memref<114688xi32, #tpu.memory_space<hbm>> -> memref<128xi32, #tpu.memory_space<hbm>>
        %dma_start3A_29 = tpu.memref_slice %arg3[%mul3A_22] : memref<114688xi32, #tpu.memory_space<hbm>> -> memref<128xi32, #tpu.memory_space<hbm>>
        tpu.enqueue_dma source(%dma_start3A_29 : memref<128xi32, #tpu.memory_space<hbm>>) target(%arg6 : memref<128xi32, #tpu.memory_space<vmem>>) target_semaphore(%run_scoped3A : memref<!tpu.dma_semaphore, #tpu.memory_space<semaphore_mem>>)
        %dma_wait3A_30 = tpu.memref_slice %arg3[%mul3A_22] : memref<114688xi32, #tpu.memory_space<hbm>> -> memref<128xi32, #tpu.memory_space<hbm>>
        %dma_wait3A_31 = tpu.memref_slice %arg3[%mul3A_22] : memref<114688xi32, #tpu.memory_space<hbm>> -> memref<128xi32, #tpu.memory_space<hbm>>
        tpu.wait_dma2 semaphore(%run_scoped3A : memref<!tpu.dma_semaphore, #tpu.memory_space<semaphore_mem>>) src(%dma_wait3A_31 : memref<128xi32, #tpu.memory_space<hbm>>) dst(%arg6 : memref<128xi32, #tpu.memory_space<vmem>>)
        tpu.yield
      }) : () -> ()
      "tpu.region"() ({
        %run_scoped3A = tpu.sem_alloc : memref<!tpu.dma_semaphore, #tpu.memory_space<semaphore_mem>>
        %dma_start3A_28 = tpu.memref_slice %arg4[%mul3A_22] : memref<114688xi32, #tpu.memory_space<hbm>> -> memref<128xi32, #tpu.memory_space<hbm>>
        %dma_start3A_29 = tpu.memref_slice %arg4[%mul3A_22] : memref<114688xi32, #tpu.memory_space<hbm>> -> memref<128xi32, #tpu.memory_space<hbm>>
        tpu.enqueue_dma source(%dma_start3A_29 : memref<128xi32, #tpu.memory_space<hbm>>) target(%arg7 : memref<128xi32, #tpu.memory_space<vmem>>) target_semaphore(%run_scoped3A : memref<!tpu.dma_semaphore, #tpu.memory_space<semaphore_mem>>)
        %dma_wait3A_30 = tpu.memref_slice %arg4[%mul3A_22] : memref<114688xi32, #tpu.memory_space<hbm>> -> memref<128xi32, #tpu.memory_space<hbm>>
        %dma_wait3A_31 = tpu.memref_slice %arg4[%mul3A_22] : memref<114688xi32, #tpu.memory_space<hbm>> -> memref<128xi32, #tpu.memory_space<hbm>>
        tpu.wait_dma2 semaphore(%run_scoped3A : memref<!tpu.dma_semaphore, #tpu.memory_space<semaphore_mem>>) src(%dma_wait3A_31 : memref<128xi32, #tpu.memory_space<hbm>>) dst(%arg7 : memref<128xi32, #tpu.memory_space<vmem>>)
        tpu.yield
      }) : () -> ()
      %dma_start3A = arith.constant 0 : i32
      %dma_start3A_23 = arith.constant 0 : i32
      %dma_start3A_24 = tpu.memref_slice %arg2[%dma_start3A, %dma_start3A_23] : memref<51000x192xf32, #tpu.memory_space<hbm>> -> memref<51000x192xf32, #tpu.memory_space<hbm>>
      tpu.enqueue_indirect_dma source(%dma_start3A_24 : memref<51000x192xf32, #tpu.memory_space<hbm>>) target(%arg8 : memref<128x192xf32, #tpu.memory_space<vmem>>) offsets(%arg6 : memref<128xi32, #tpu.memory_space<vmem>>) semaphore(%arg9 : memref<!tpu.dma_semaphore, #tpu.memory_space<semaphore_mem>>)
      %dma_wait3A = arith.constant 0 : i32
      %dma_wait3A_25 = arith.constant 0 : i32
      %dma_wait3A_26 = tpu.memref_slice %arg2[%dma_wait3A, %dma_wait3A_25] : memref<51000x192xf32, #tpu.memory_space<hbm>> -> memref<51000x192xf32, #tpu.memory_space<hbm>>
      tpu.wait_indirect_dma semaphore(%arg9 : memref<!tpu.dma_semaphore, #tpu.memory_space<semaphore_mem>>) src(%dma_wait3A_26 : memref<51000x192xf32, #tpu.memory_space<hbm>>) dst(%arg8 : memref<128x192xf32, #tpu.memory_space<vmem>>)
      "tpu.region"() ({
        %run_scoped3A = tpu.sem_alloc : memref<!tpu.dma_semaphore, #tpu.memory_space<semaphore_mem>>
        %dma_start3A_28 = arith.constant 0 : i32
        %dma_start3A_29 = arith.constant 0 : i32
        %dma_start3A_30 = tpu.memref_slice %arg5[%dma_start3A_28, %dma_start3A_29] : memref<256008x192xf32, #tpu.memory_space<hbm>> -> memref<256008x192xf32, #tpu.memory_space<hbm>>
        tpu.enqueue_indirect_dma source(%arg8 : memref<128x192xf32, #tpu.memory_space<vmem>>) target(%dma_start3A_30 : memref<256008x192xf32, #tpu.memory_space<hbm>>) offsets(%arg7 : memref<128xi32, #tpu.memory_space<vmem>>) semaphore(%run_scoped3A : memref<!tpu.dma_semaphore, #tpu.memory_space<semaphore_mem>>)
        %dma_wait3A_31 = arith.constant 0 : i32
        %dma_wait3A_32 = arith.constant 0 : i32
        %dma_wait3A_33 = tpu.memref_slice %arg5[%dma_wait3A_31, %dma_wait3A_32] : memref<256008x192xf32, #tpu.memory_space<hbm>> -> memref<256008x192xf32, #tpu.memory_space<hbm>>
        tpu.wait_indirect_dma semaphore(%run_scoped3A : memref<!tpu.dma_semaphore, #tpu.memory_space<semaphore_mem>>) src(%arg8 : memref<128x192xf32, #tpu.memory_space<vmem>>) dst(%dma_wait3A_33 : memref<256008x192xf32, #tpu.memory_space<hbm>>)
        tpu.yield
      }) : () -> ()
      %while3A_27 = arith.constant 0 : i32
      scf.yield %while3A_27 : i32
    }
    %while3A_14 = arith.constant 1 : i32
    %while3A_15 = scf.for %while3A_16 = %while3A_11 to %while3A_7 step %while3A_14 iter_args(%while3A_17 = %while3A_13) -> (i32)  : i32 {
      %mul3A_18 = arith.constant 32 : i32
      %mul3A_19 = arith.muli %while3A_16, %mul3A_18 : i32
      %add3A_20 = arith.addi %mul3A_19, %add3A : i32
      %mul3A_21 = arith.constant 128 : i32
      %mul3A_22 = arith.muli %add3A_20, %mul3A_21 : i32
      "tpu.region"() ({
        %run_scoped3A = tpu.sem_alloc : memref<!tpu.dma_semaphore, #tpu.memory_space<semaphore_mem>>
        %dma_start3A_28 = tpu.memref_slice %arg3[%mul3A_22] : memref<114688xi32, #tpu.memory_space<hbm>> -> memref<128xi32, #tpu.memory_space<hbm>>
        %dma_start3A_29 = tpu.memref_slice %arg3[%mul3A_22] : memref<114688xi32, #tpu.memory_space<hbm>> -> memref<128xi32, #tpu.memory_space<hbm>>
        tpu.enqueue_dma source(%dma_start3A_29 : memref<128xi32, #tpu.memory_space<hbm>>) target(%arg6 : memref<128xi32, #tpu.memory_space<vmem>>) target_semaphore(%run_scoped3A : memref<!tpu.dma_semaphore, #tpu.memory_space<semaphore_mem>>)
        %dma_wait3A_30 = tpu.memref_slice %arg3[%mul3A_22] : memref<114688xi32, #tpu.memory_space<hbm>> -> memref<128xi32, #tpu.memory_space<hbm>>
        %dma_wait3A_31 = tpu.memref_slice %arg3[%mul3A_22] : memref<114688xi32, #tpu.memory_space<hbm>> -> memref<128xi32, #tpu.memory_space<hbm>>
        tpu.wait_dma2 semaphore(%run_scoped3A : memref<!tpu.dma_semaphore, #tpu.memory_space<semaphore_mem>>) src(%dma_wait3A_31 : memref<128xi32, #tpu.memory_space<hbm>>) dst(%arg6 : memref<128xi32, #tpu.memory_space<vmem>>)
        tpu.yield
      }) : () -> ()
      "tpu.region"() ({
        %run_scoped3A = tpu.sem_alloc : memref<!tpu.dma_semaphore, #tpu.memory_space<semaphore_mem>>
        %dma_start3A_28 = tpu.memref_slice %arg4[%mul3A_22] : memref<114688xi32, #tpu.memory_space<hbm>> -> memref<128xi32, #tpu.memory_space<hbm>>
        %dma_start3A_29 = tpu.memref_slice %arg4[%mul3A_22] : memref<114688xi32, #tpu.memory_space<hbm>> -> memref<128xi32, #tpu.memory_space<hbm>>
        tpu.enqueue_dma source(%dma_start3A_29 : memref<128xi32, #tpu.memory_space<hbm>>) target(%arg7 : memref<128xi32, #tpu.memory_space<vmem>>) target_semaphore(%run_scoped3A : memref<!tpu.dma_semaphore, #tpu.memory_space<semaphore_mem>>)
        %dma_wait3A_30 = tpu.memref_slice %arg4[%mul3A_22] : memref<114688xi32, #tpu.memory_space<hbm>> -> memref<128xi32, #tpu.memory_space<hbm>>
        %dma_wait3A_31 = tpu.memref_slice %arg4[%mul3A_22] : memref<114688xi32, #tpu.memory_space<hbm>> -> memref<128xi32, #tpu.memory_space<hbm>>
        tpu.wait_dma2 semaphore(%run_scoped3A : memref<!tpu.dma_semaphore, #tpu.memory_space<semaphore_mem>>) src(%dma_wait3A_31 : memref<128xi32, #tpu.memory_space<hbm>>) dst(%arg7 : memref<128xi32, #tpu.memory_space<vmem>>)
        tpu.yield
      }) : () -> ()
      %dma_start3A = arith.constant 0 : i32
      %dma_start3A_23 = arith.constant 0 : i32
      %dma_start3A_24 = tpu.memref_slice %arg2[%dma_start3A, %dma_start3A_23] : memref<51000x192xf32, #tpu.memory_space<hbm>> -> memref<51000x192xf32, #tpu.memory_space<hbm>>
      tpu.enqueue_indirect_dma source(%dma_start3A_24 : memref<51000x192xf32, #tpu.memory_space<hbm>>) target(%arg8 : memref<128x192xf32, #tpu.memory_space<vmem>>) offsets(%arg6 : memref<128xi32, #tpu.memory_space<vmem>>) semaphore(%arg9 : memref<!tpu.dma_semaphore, #tpu.memory_space<semaphore_mem>>)
      %dma_wait3A = arith.constant 0 : i32
      %dma_wait3A_25 = arith.constant 0 : i32
      %dma_wait3A_26 = tpu.memref_slice %arg2[%dma_wait3A, %dma_wait3A_25] : memref<51000x192xf32, #tpu.memory_space<hbm>> -> memref<51000x192xf32, #tpu.memory_space<hbm>>
      tpu.wait_indirect_dma semaphore(%arg9 : memref<!tpu.dma_semaphore, #tpu.memory_space<semaphore_mem>>) src(%dma_wait3A_26 : memref<51000x192xf32, #tpu.memory_space<hbm>>) dst(%arg8 : memref<128x192xf32, #tpu.memory_space<vmem>>)
      "tpu.region"() ({
        %run_scoped3A = tpu.sem_alloc : memref<!tpu.dma_semaphore, #tpu.memory_space<semaphore_mem>>
        %dma_start3A_28 = arith.constant 0 : i32
        %dma_start3A_29 = arith.constant 0 : i32
        %dma_start3A_30 = tpu.memref_slice %arg5[%dma_start3A_28, %dma_start3A_29] : memref<256008x192xf32, #tpu.memory_space<hbm>> -> memref<256008x192xf32, #tpu.memory_space<hbm>>
        tpu.enqueue_indirect_dma source(%arg8 : memref<128x192xf32, #tpu.memory_space<vmem>>) target(%dma_start3A_30 : memref<256008x192xf32, #tpu.memory_space<hbm>>) offsets(%arg7 : memref<128xi32, #tpu.memory_space<vmem>>) semaphore(%run_scoped3A : memref<!tpu.dma_semaphore, #tpu.memory_space<semaphore_mem>>)
        %dma_wait3A_31 = arith.constant 0 : i32
        %dma_wait3A_32 = arith.constant 0 : i32
        %dma_wait3A_33 = tpu.memref_slice %arg5[%dma_wait3A_31, %dma_wait3A_32] : memref<256008x192xf32, #tpu.memory_space<hbm>> -> memref<256008x192xf32, #tpu.memory_space<hbm>>
        tpu.wait_indirect_dma semaphore(%run_scoped3A : memref<!tpu.dma_semaphore, #tpu.memory_space<semaphore_mem>>) src(%arg8 : memref<128x192xf32, #tpu.memory_space<vmem>>) dst(%dma_wait3A_33 : memref<256008x192xf32, #tpu.memory_space<hbm>>)
        tpu.yield
      }) : () -> ()
      %while3A_27 = arith.constant 0 : i32
      scf.yield %while3A_27 : i32
    }
    return
  }
}

#map = affine_map<(d0, d1) -> (0, 0)>
#map1 = affine_map<(d0, d1) -> (0)>
module attributes {stable_mosaic.version = 14 : i64} {
  func.func @_sc_gs_body(%arg0: i32, %arg1: i32, %arg2: memref<256008x64xf32, #tpu.memory_space<hbm>>, %arg3: memref<53248xi32, #tpu.memory_space<hbm>>, %arg4: memref<53248xi32, #tpu.memory_space<hbm>>, %arg5: memref<50008x64xf32, #tpu.memory_space<hbm>>, %arg6: memref<128xi32, #tpu.memory_space<vmem>>, %arg7: memref<128xi32, #tpu.memory_space<vmem>>, %arg8: memref<128x64xf32, #tpu.memory_space<vmem>>, %arg9: memref<!tpu.dma_semaphore, #tpu.memory_space<semaphore_mem>>) attributes {dimension_semantics = [#tpu.dimension_semantics<core_parallel>, #tpu.dimension_semantics<subcore_parallel>], iteration_bounds = array<i64: 2, 16>, scalar_prefetch = 0 : i64, scratch_operands = 4 : i64, tpu.core_type = #tpu.core_type<sc_vector_subcore>, window_params = [{transform_indices = #map}, {transform_indices = #map1}, {transform_indices = #map1}, {transform_indices = #map}]} {
    %mul3A = arith.constant 2 : i32
    %mul3A_0 = arith.muli %arg1, %mul3A : i32
    %add3A = arith.addi %mul3A_0, %arg0 : i32
    %lt3A = arith.constant 0 : i32
    %lt3A_1 = arith.cmpi slt, %add3A, %lt3A : i32
    %jit3A = arith.constant 1 : i32
    %jit3A_2 = arith.constant 0 : i32
    %select_n3A = arith.select %lt3A_1, %jit3A, %jit3A_2 : i32
    %add3A_3 = arith.constant 13 : i32
    %add3A_4 = arith.addi %add3A_3, %select_n3A : i32
    %while3A = arith.constant 0 : i32
    %while3A_5 = arith.constant 0 : i32
    %while3A_6 = arith.subi %add3A_4, %while3A : i32
    %while3A_7 = arith.addi %while3A, %while3A_6 : i32
    %while3A_8 = arith.constant 1 : i32
    %while3A_9 = arith.divsi %while3A_6, %while3A_8 : i32
    %while3A_10 = arith.muli %while3A_9, %while3A_8 : i32
    %while3A_11 = arith.addi %while3A, %while3A_10 : i32
    %while3A_12 = arith.constant 1 : i32
    %while3A_13 = scf.for %while3A_16 = %while3A to %while3A_11 step %while3A_12 iter_args(%while3A_17 = %while3A_5) -> (i32)  : i32 {
      %mul3A_18 = arith.constant 32 : i32
      %mul3A_19 = arith.muli %while3A_16, %mul3A_18 : i32
      %add3A_20 = arith.addi %mul3A_19, %add3A : i32
      %mul3A_21 = arith.constant 128 : i32
      %mul3A_22 = arith.muli %add3A_20, %mul3A_21 : i32
      "tpu.region"() ({
        %run_scoped3A = tpu.sem_alloc : memref<!tpu.dma_semaphore, #tpu.memory_space<semaphore_mem>>
        %dma_start3A_28 = tpu.memref_slice %arg3[%mul3A_22] : memref<53248xi32, #tpu.memory_space<hbm>> -> memref<128xi32, #tpu.memory_space<hbm>>
        %dma_start3A_29 = tpu.memref_slice %arg3[%mul3A_22] : memref<53248xi32, #tpu.memory_space<hbm>> -> memref<128xi32, #tpu.memory_space<hbm>>
        tpu.enqueue_dma source(%dma_start3A_29 : memref<128xi32, #tpu.memory_space<hbm>>) target(%arg6 : memref<128xi32, #tpu.memory_space<vmem>>) target_semaphore(%run_scoped3A : memref<!tpu.dma_semaphore, #tpu.memory_space<semaphore_mem>>)
        %dma_wait3A_30 = tpu.memref_slice %arg3[%mul3A_22] : memref<53248xi32, #tpu.memory_space<hbm>> -> memref<128xi32, #tpu.memory_space<hbm>>
        %dma_wait3A_31 = tpu.memref_slice %arg3[%mul3A_22] : memref<53248xi32, #tpu.memory_space<hbm>> -> memref<128xi32, #tpu.memory_space<hbm>>
        tpu.wait_dma2 semaphore(%run_scoped3A : memref<!tpu.dma_semaphore, #tpu.memory_space<semaphore_mem>>) src(%dma_wait3A_31 : memref<128xi32, #tpu.memory_space<hbm>>) dst(%arg6 : memref<128xi32, #tpu.memory_space<vmem>>)
        tpu.yield
      }) : () -> ()
      "tpu.region"() ({
        %run_scoped3A = tpu.sem_alloc : memref<!tpu.dma_semaphore, #tpu.memory_space<semaphore_mem>>
        %dma_start3A_28 = tpu.memref_slice %arg4[%mul3A_22] : memref<53248xi32, #tpu.memory_space<hbm>> -> memref<128xi32, #tpu.memory_space<hbm>>
        %dma_start3A_29 = tpu.memref_slice %arg4[%mul3A_22] : memref<53248xi32, #tpu.memory_space<hbm>> -> memref<128xi32, #tpu.memory_space<hbm>>
        tpu.enqueue_dma source(%dma_start3A_29 : memref<128xi32, #tpu.memory_space<hbm>>) target(%arg7 : memref<128xi32, #tpu.memory_space<vmem>>) target_semaphore(%run_scoped3A : memref<!tpu.dma_semaphore, #tpu.memory_space<semaphore_mem>>)
        %dma_wait3A_30 = tpu.memref_slice %arg4[%mul3A_22] : memref<53248xi32, #tpu.memory_space<hbm>> -> memref<128xi32, #tpu.memory_space<hbm>>
        %dma_wait3A_31 = tpu.memref_slice %arg4[%mul3A_22] : memref<53248xi32, #tpu.memory_space<hbm>> -> memref<128xi32, #tpu.memory_space<hbm>>
        tpu.wait_dma2 semaphore(%run_scoped3A : memref<!tpu.dma_semaphore, #tpu.memory_space<semaphore_mem>>) src(%dma_wait3A_31 : memref<128xi32, #tpu.memory_space<hbm>>) dst(%arg7 : memref<128xi32, #tpu.memory_space<vmem>>)
        tpu.yield
      }) : () -> ()
      %dma_start3A = arith.constant 0 : i32
      %dma_start3A_23 = arith.constant 0 : i32
      %dma_start3A_24 = tpu.memref_slice %arg2[%dma_start3A, %dma_start3A_23] : memref<256008x64xf32, #tpu.memory_space<hbm>> -> memref<256008x64xf32, #tpu.memory_space<hbm>>
      tpu.enqueue_indirect_dma source(%dma_start3A_24 : memref<256008x64xf32, #tpu.memory_space<hbm>>) target(%arg8 : memref<128x64xf32, #tpu.memory_space<vmem>>) offsets(%arg6 : memref<128xi32, #tpu.memory_space<vmem>>) semaphore(%arg9 : memref<!tpu.dma_semaphore, #tpu.memory_space<semaphore_mem>>)
      %dma_wait3A = arith.constant 0 : i32
      %dma_wait3A_25 = arith.constant 0 : i32
      %dma_wait3A_26 = tpu.memref_slice %arg2[%dma_wait3A, %dma_wait3A_25] : memref<256008x64xf32, #tpu.memory_space<hbm>> -> memref<256008x64xf32, #tpu.memory_space<hbm>>
      tpu.wait_indirect_dma semaphore(%arg9 : memref<!tpu.dma_semaphore, #tpu.memory_space<semaphore_mem>>) src(%dma_wait3A_26 : memref<256008x64xf32, #tpu.memory_space<hbm>>) dst(%arg8 : memref<128x64xf32, #tpu.memory_space<vmem>>)
      "tpu.region"() ({
        %run_scoped3A = tpu.sem_alloc : memref<!tpu.dma_semaphore, #tpu.memory_space<semaphore_mem>>
        %dma_start3A_28 = arith.constant 0 : i32
        %dma_start3A_29 = arith.constant 0 : i32
        %dma_start3A_30 = tpu.memref_slice %arg5[%dma_start3A_28, %dma_start3A_29] : memref<50008x64xf32, #tpu.memory_space<hbm>> -> memref<50008x64xf32, #tpu.memory_space<hbm>>
        tpu.enqueue_indirect_dma source(%arg8 : memref<128x64xf32, #tpu.memory_space<vmem>>) target(%dma_start3A_30 : memref<50008x64xf32, #tpu.memory_space<hbm>>) offsets(%arg7 : memref<128xi32, #tpu.memory_space<vmem>>) semaphore(%run_scoped3A : memref<!tpu.dma_semaphore, #tpu.memory_space<semaphore_mem>>)
        %dma_wait3A_31 = arith.constant 0 : i32
        %dma_wait3A_32 = arith.constant 0 : i32
        %dma_wait3A_33 = tpu.memref_slice %arg5[%dma_wait3A_31, %dma_wait3A_32] : memref<50008x64xf32, #tpu.memory_space<hbm>> -> memref<50008x64xf32, #tpu.memory_space<hbm>>
        tpu.wait_indirect_dma semaphore(%run_scoped3A : memref<!tpu.dma_semaphore, #tpu.memory_space<semaphore_mem>>) src(%arg8 : memref<128x64xf32, #tpu.memory_space<vmem>>) dst(%dma_wait3A_33 : memref<50008x64xf32, #tpu.memory_space<hbm>>)
        tpu.yield
      }) : () -> ()
      %while3A_27 = arith.constant 0 : i32
      scf.yield %while3A_27 : i32
    }
    %while3A_14 = arith.constant 1 : i32
    %while3A_15 = scf.for %while3A_16 = %while3A_11 to %while3A_7 step %while3A_14 iter_args(%while3A_17 = %while3A_13) -> (i32)  : i32 {
      %mul3A_18 = arith.constant 32 : i32
      %mul3A_19 = arith.muli %while3A_16, %mul3A_18 : i32
      %add3A_20 = arith.addi %mul3A_19, %add3A : i32
      %mul3A_21 = arith.constant 128 : i32
      %mul3A_22 = arith.muli %add3A_20, %mul3A_21 : i32
      "tpu.region"() ({
        %run_scoped3A = tpu.sem_alloc : memref<!tpu.dma_semaphore, #tpu.memory_space<semaphore_mem>>
        %dma_start3A_28 = tpu.memref_slice %arg3[%mul3A_22] : memref<53248xi32, #tpu.memory_space<hbm>> -> memref<128xi32, #tpu.memory_space<hbm>>
        %dma_start3A_29 = tpu.memref_slice %arg3[%mul3A_22] : memref<53248xi32, #tpu.memory_space<hbm>> -> memref<128xi32, #tpu.memory_space<hbm>>
        tpu.enqueue_dma source(%dma_start3A_29 : memref<128xi32, #tpu.memory_space<hbm>>) target(%arg6 : memref<128xi32, #tpu.memory_space<vmem>>) target_semaphore(%run_scoped3A : memref<!tpu.dma_semaphore, #tpu.memory_space<semaphore_mem>>)
        %dma_wait3A_30 = tpu.memref_slice %arg3[%mul3A_22] : memref<53248xi32, #tpu.memory_space<hbm>> -> memref<128xi32, #tpu.memory_space<hbm>>
        %dma_wait3A_31 = tpu.memref_slice %arg3[%mul3A_22] : memref<53248xi32, #tpu.memory_space<hbm>> -> memref<128xi32, #tpu.memory_space<hbm>>
        tpu.wait_dma2 semaphore(%run_scoped3A : memref<!tpu.dma_semaphore, #tpu.memory_space<semaphore_mem>>) src(%dma_wait3A_31 : memref<128xi32, #tpu.memory_space<hbm>>) dst(%arg6 : memref<128xi32, #tpu.memory_space<vmem>>)
        tpu.yield
      }) : () -> ()
      "tpu.region"() ({
        %run_scoped3A = tpu.sem_alloc : memref<!tpu.dma_semaphore, #tpu.memory_space<semaphore_mem>>
        %dma_start3A_28 = tpu.memref_slice %arg4[%mul3A_22] : memref<53248xi32, #tpu.memory_space<hbm>> -> memref<128xi32, #tpu.memory_space<hbm>>
        %dma_start3A_29 = tpu.memref_slice %arg4[%mul3A_22] : memref<53248xi32, #tpu.memory_space<hbm>> -> memref<128xi32, #tpu.memory_space<hbm>>
        tpu.enqueue_dma source(%dma_start3A_29 : memref<128xi32, #tpu.memory_space<hbm>>) target(%arg7 : memref<128xi32, #tpu.memory_space<vmem>>) target_semaphore(%run_scoped3A : memref<!tpu.dma_semaphore, #tpu.memory_space<semaphore_mem>>)
        %dma_wait3A_30 = tpu.memref_slice %arg4[%mul3A_22] : memref<53248xi32, #tpu.memory_space<hbm>> -> memref<128xi32, #tpu.memory_space<hbm>>
        %dma_wait3A_31 = tpu.memref_slice %arg4[%mul3A_22] : memref<53248xi32, #tpu.memory_space<hbm>> -> memref<128xi32, #tpu.memory_space<hbm>>
        tpu.wait_dma2 semaphore(%run_scoped3A : memref<!tpu.dma_semaphore, #tpu.memory_space<semaphore_mem>>) src(%dma_wait3A_31 : memref<128xi32, #tpu.memory_space<hbm>>) dst(%arg7 : memref<128xi32, #tpu.memory_space<vmem>>)
        tpu.yield
      }) : () -> ()
      %dma_start3A = arith.constant 0 : i32
      %dma_start3A_23 = arith.constant 0 : i32
      %dma_start3A_24 = tpu.memref_slice %arg2[%dma_start3A, %dma_start3A_23] : memref<256008x64xf32, #tpu.memory_space<hbm>> -> memref<256008x64xf32, #tpu.memory_space<hbm>>
      tpu.enqueue_indirect_dma source(%dma_start3A_24 : memref<256008x64xf32, #tpu.memory_space<hbm>>) target(%arg8 : memref<128x64xf32, #tpu.memory_space<vmem>>) offsets(%arg6 : memref<128xi32, #tpu.memory_space<vmem>>) semaphore(%arg9 : memref<!tpu.dma_semaphore, #tpu.memory_space<semaphore_mem>>)
      %dma_wait3A = arith.constant 0 : i32
      %dma_wait3A_25 = arith.constant 0 : i32
      %dma_wait3A_26 = tpu.memref_slice %arg2[%dma_wait3A, %dma_wait3A_25] : memref<256008x64xf32, #tpu.memory_space<hbm>> -> memref<256008x64xf32, #tpu.memory_space<hbm>>
      tpu.wait_indirect_dma semaphore(%arg9 : memref<!tpu.dma_semaphore, #tpu.memory_space<semaphore_mem>>) src(%dma_wait3A_26 : memref<256008x64xf32, #tpu.memory_space<hbm>>) dst(%arg8 : memref<128x64xf32, #tpu.memory_space<vmem>>)
      "tpu.region"() ({
        %run_scoped3A = tpu.sem_alloc : memref<!tpu.dma_semaphore, #tpu.memory_space<semaphore_mem>>
        %dma_start3A_28 = arith.constant 0 : i32
        %dma_start3A_29 = arith.constant 0 : i32
        %dma_start3A_30 = tpu.memref_slice %arg5[%dma_start3A_28, %dma_start3A_29] : memref<50008x64xf32, #tpu.memory_space<hbm>> -> memref<50008x64xf32, #tpu.memory_space<hbm>>
        tpu.enqueue_indirect_dma source(%arg8 : memref<128x64xf32, #tpu.memory_space<vmem>>) target(%dma_start3A_30 : memref<50008x64xf32, #tpu.memory_space<hbm>>) offsets(%arg7 : memref<128xi32, #tpu.memory_space<vmem>>) semaphore(%run_scoped3A : memref<!tpu.dma_semaphore, #tpu.memory_space<semaphore_mem>>)
        %dma_wait3A_31 = arith.constant 0 : i32
        %dma_wait3A_32 = arith.constant 0 : i32
        %dma_wait3A_33 = tpu.memref_slice %arg5[%dma_wait3A_31, %dma_wait3A_32] : memref<50008x64xf32, #tpu.memory_space<hbm>> -> memref<50008x64xf32, #tpu.memory_space<hbm>>
        tpu.wait_indirect_dma semaphore(%run_scoped3A : memref<!tpu.dma_semaphore, #tpu.memory_space<semaphore_mem>>) src(%arg8 : memref<128x64xf32, #tpu.memory_space<vmem>>) dst(%dma_wait3A_33 : memref<50008x64xf32, #tpu.memory_space<hbm>>)
        tpu.yield
      }) : () -> ()
      %while3A_27 = arith.constant 0 : i32
      scf.yield %while3A_27 : i32
    }
    return
  }
}

module attributes {stable_mosaic.version = 14 : i64} {
  func.func @_stats_body(%arg0: i32, %arg1: memref<1000x20xf32, #tpu.memory_space<vmem>>, %arg2: memref<2x20xf32, #tpu.memory_space<vmem>>) attributes {dimension_semantics = [#tpu.dimension_semantics<arbitrary>], iteration_bounds = array<i64: 50>, scalar_prefetch = 0 : i64, scratch_operands = 0 : i64, tpu.core_type = #tpu.core_type<tc>, window_params = [{transform_indices = @transform_0, window_bounds = array<i64: 1000, 20>}, {pipeline_mode = #tpu.pipeline_mode<synchronous>, transform_indices = @transform_1, window_bounds = array<i64: 2, 20>}]} {
    %eq3A = arith.constant 0 : i32
    %eq3A_0 = arith.cmpi eq, %arg0, %eq3A : i32
    %convert_element_type3A = arith.extui %eq3A_0 : i1 to i32
    %cond3A = arith.constant 0 : i32
    %cond3A_1 = arith.cmpi ne, %convert_element_type3A, %cond3A : i32
    scf.if %cond3A_1 {
      %broadcast_in_dim3A_20 = arith.constant 0.000000e+00 : f32
      %broadcast_in_dim3A_21 = vector.broadcast %broadcast_in_dim3A_20 : f32 to vector<2x20xf32>
      %swap3A_22 = arith.constant 0 : index
      %swap3A_23 = arith.constant 0 : index
      %swap3A_24 = vector.load %arg2[%swap3A_22, %swap3A_23] : memref<2x20xf32, #tpu.memory_space<vmem>>, vector<2x20xf32>
      tpu.vector_store %arg2[%swap3A_22, %swap3A_23], %broadcast_in_dim3A_21 {strides = array<i32>} : memref<2x20xf32, #tpu.memory_space<vmem>>, vector<2x20xf32>,
    } else {
    }
    %get3A = arith.constant 0 : index
    %get3A_2 = arith.constant 0 : index
    %get3A_3 = vector.load %arg1[%get3A, %get3A_2] : memref<1000x20xf32, #tpu.memory_space<vmem>>, vector<1000x20xf32>
    %get3A_4 = arith.constant 0 : index
    %get3A_5 = arith.constant 0 : index
    %get3A_6 = vector.load %arg2[%get3A_4, %get3A_5] : memref<2x20xf32, #tpu.memory_space<vmem>>, vector<1x20xf32>
    %reduce_sum3A = arith.constant dense<0.000000e+00> : vector<20xf32>
    %reduce_sum3A_7 = vector.multi_reduction <add>, %get3A_3, %reduce_sum3A [0] : vector<1000x20xf32> to vector<20xf32>
    %broadcast_in_dim3A = vector.shape_cast %reduce_sum3A_7 : vector<20xf32> to vector<1x20xf32>
    %add3A = arith.addf %get3A_6, %broadcast_in_dim3A : vector<1x20xf32>
    %swap3A = arith.constant 0 : index
    %swap3A_8 = arith.constant 0 : index
    %swap3A_9 = vector.load %arg2[%swap3A, %swap3A_8] : memref<2x20xf32, #tpu.memory_space<vmem>>, vector<1x20xf32>
    tpu.vector_store %arg2[%swap3A, %swap3A_8], %add3A {strides = array<i32>} : memref<2x20xf32, #tpu.memory_space<vmem>>, vector<1x20xf32>,
    %get3A_10 = arith.constant 1 : index
    %get3A_11 = arith.constant 0 : index
    %get3A_12 = vector.load %arg2[%get3A_10, %get3A_11] : memref<2x20xf32, #tpu.memory_space<vmem>>, vector<1x20xf32>
    %mul3A = arith.mulf %get3A_3, %get3A_3 : vector<1000x20xf32>
    %reduce_sum3A_13 = arith.constant dense<0.000000e+00> : vector<20xf32>
    %reduce_sum3A_14 = vector.multi_reduction <add>, %mul3A, %reduce_sum3A_13 [0] : vector<1000x20xf32> to vector<20xf32>
    %broadcast_in_dim3A_15 = vector.shape_cast %reduce_sum3A_14 : vector<20xf32> to vector<1x20xf32>
    %add3A_16 = arith.addf %get3A_12, %broadcast_in_dim3A_15 : vector<1x20xf32>
    %swap3A_17 = arith.constant 1 : index
    %swap3A_18 = arith.constant 0 : index
    %swap3A_19 = vector.load %arg2[%swap3A_17, %swap3A_18] : memref<2x20xf32, #tpu.memory_space<vmem>>, vector<1x20xf32>
    tpu.vector_store %arg2[%swap3A_17, %swap3A_18], %add3A_16 {strides = array<i32>} : memref<2x20xf32, #tpu.memory_space<vmem>>, vector<1x20xf32>,
    return
  }
  func.func @transform_0(%arg0: i32) -> (i32, i32) {
    %c0_i32 = arith.constant 0 : i32
    %c0_i32_0 = arith.constant 0 : i32
    return %arg0, %c0_i32 : i32, i32
  }
  func.func @transform_1(%arg0: i32) -> (i32, i32) {
    %c0_i32 = arith.constant 0 : i32
    %c0_i32_0 = arith.constant 0 : i32
    %c0_i32_1 = arith.constant 0 : i32
    return %c0_i32, %c0_i32_0 : i32, i32
  }
}

module attributes {stable_mosaic.version = 14 : i64} {
  func.func @_enc_body(%arg0: i32, %arg1: memref<1000x14xf32, #tpu.memory_space<vmem>>, %arg2: memref<1000x20xf32, #tpu.memory_space<vmem>>, %arg3: memref<14x56xf32, #tpu.memory_space<vmem>>, %arg4: memref<1x56xf32, #tpu.memory_space<vmem>>, %arg5: memref<20x8xf32, #tpu.memory_space<vmem>>, %arg6: memref<1x8xf32, #tpu.memory_space<vmem>>, %arg7: memref<1000x64xf32, #tpu.memory_space<vmem>>, %arg8: memref<2x1000x32xf32, #tpu.memory_space<vmem>>) attributes {dimension_semantics = [#tpu.dimension_semantics<arbitrary>], iteration_bounds = array<i64: 50>, scalar_prefetch = 0 : i64, scratch_operands = 0 : i64, tpu.core_type = #tpu.core_type<tc>, window_params = [{transform_indices = @transform_0, window_bounds = array<i64: 1000, 14>}, {transform_indices = @transform_1, window_bounds = array<i64: 1000, 20>}, {pipeline_mode = #tpu.pipeline_mode<synchronous>, transform_indices = @transform_2, window_bounds = array<i64: 14, 56>}, {pipeline_mode = #tpu.pipeline_mode<synchronous>, transform_indices = @transform_3, window_bounds = array<i64: 1, 56>}, {pipeline_mode = #tpu.pipeline_mode<synchronous>, transform_indices = @transform_4, window_bounds = array<i64: 20, 8>}, {pipeline_mode = #tpu.pipeline_mode<synchronous>, transform_indices = @transform_5, window_bounds = array<i64: 1, 8>}, {transform_indices = @transform_6, window_bounds = array<i64: 1000, 64>}, {transform_indices = @transform_7, window_bounds = array<i64: 2, 1000, 32>}]} {
    %get3A = arith.constant 0 : index
    %get3A_0 = arith.constant 0 : index
    %get3A_1 = vector.load %arg1[%get3A, %get3A_0] : memref<1000x14xf32, #tpu.memory_space<vmem>>, vector<1000x14xf32>
    %get3A_2 = arith.constant 0 : index
    %get3A_3 = arith.constant 0 : index
    %get3A_4 = vector.load %arg3[%get3A_2, %get3A_3] : memref<14x56xf32, #tpu.memory_space<vmem>>, vector<14x56xf32>
    %dot_general3A = arith.constant dense<0.000000e+00> : vector<1000x56xf32>
    %dot_general3A_5 = tpu.matmul %get3A_1, %get3A_4, %dot_general3A {dimension_numbers = #tpu.dot_dimension_numbers<[1], [0], [0], [1], [0, 0, 1, 1], [], []>, transpose_lhs_hint = false} : vector<1000x14xf32>, vector<14x56xf32>, vector<1000x56xf32> -> vector<1000x56xf32>
    %get3A_6 = arith.constant 0 : index
    %get3A_7 = arith.constant 0 : index
    %get3A_8 = vector.load %arg4[%get3A_6, %get3A_7] : memref<1x56xf32, #tpu.memory_space<vmem>>, vector<1x56xf32>
    %add3A = vector.broadcast %get3A_8 : vector<1x56xf32> to vector<1000x56xf32>
    %add3A_9 = arith.addf %dot_general3A_5, %add3A : vector<1000x56xf32>
    %get3A_10 = arith.constant 0 : index
    %get3A_11 = arith.constant 0 : index
    %get3A_12 = vector.load %arg2[%get3A_10, %get3A_11] : memref<1000x20xf32, #tpu.memory_space<vmem>>, vector<1000x20xf32>
    %get3A_13 = arith.constant 0 : index
    %get3A_14 = arith.constant 0 : index
    %get3A_15 = vector.load %arg5[%get3A_13, %get3A_14] : memref<20x8xf32, #tpu.memory_space<vmem>>, vector<20x8xf32>
    %dot_general3A_16 = arith.constant dense<0.000000e+00> : vector<1000x8xf32>
    %dot_general3A_17 = tpu.matmul %get3A_12, %get3A_15, %dot_general3A_16 {dimension_numbers = #tpu.dot_dimension_numbers<[1], [0], [0], [1], [0, 0, 1, 1], [], []>, transpose_lhs_hint = false} : vector<1000x20xf32>, vector<20x8xf32>, vector<1000x8xf32> -> vector<1000x8xf32>
    %get3A_18 = arith.constant 0 : index
    %get3A_19 = arith.constant 0 : index
    %get3A_20 = vector.load %arg6[%get3A_18, %get3A_19] : memref<1x8xf32, #tpu.memory_space<vmem>>, vector<1x8xf32>
    %add3A_21 = vector.broadcast %get3A_20 : vector<1x8xf32> to vector<1000x8xf32>
    %add3A_22 = arith.addf %dot_general3A_17, %add3A_21 : vector<1000x8xf32>
    %concatenate3A = tpu.concatenate %add3A_9, %add3A_22 in 1 : vector<1000x56xf32>, vector<1000x8xf32> -> vector<1000x64xf32>
    %swap3A = arith.constant 0 : index
    %swap3A_23 = arith.constant 0 : index
    %swap3A_24 = vector.load %arg7[%swap3A, %swap3A_23] : memref<1000x64xf32, #tpu.memory_space<vmem>>, vector<1000x64xf32>
    tpu.vector_store %arg7[%swap3A, %swap3A_23], %concatenate3A {strides = array<i32>} : memref<1000x64xf32, #tpu.memory_space<vmem>>, vector<1000x64xf32>,
    %slice3A = vector.extract_strided_slice %concatenate3A {offsets = [0, 0], sizes = [1000, 32], strides = [1, 1]} : vector<1000x64xf32> to vector<1000x32xf32>
    %swap3A_25 = arith.constant 0 : index
    %swap3A_26 = arith.constant 0 : index
    %swap3A_27 = arith.constant 0 : index
    %swap3A_28 = vector.load %arg8[%swap3A_25, %swap3A_26, %swap3A_27] : memref<2x1000x32xf32, #tpu.memory_space<vmem>>, vector<1x1000x32xf32>
    %swap3A_29 = vector.shape_cast %swap3A_28 : vector<1x1000x32xf32> to vector<1000x32xf32>
    %swap3A_30 = vector.shape_cast %slice3A : vector<1000x32xf32> to vector<1x1000x32xf32>
    tpu.vector_store %arg8[%swap3A_25, %swap3A_26, %swap3A_27], %swap3A_30 {strides = array<i32>} : memref<2x1000x32xf32, #tpu.memory_space<vmem>>, vector<1x1000x32xf32>,
    %slice3A_31 = vector.extract_strided_slice %concatenate3A {offsets = [0, 32], sizes = [1000, 32], strides = [1, 1]} : vector<1000x64xf32> to vector<1000x32xf32>
    %swap3A_32 = arith.constant 1 : index
    %swap3A_33 = arith.constant 0 : index
    %swap3A_34 = arith.constant 0 : index
    %swap3A_35 = vector.load %arg8[%swap3A_32, %swap3A_33, %swap3A_34] : memref<2x1000x32xf32, #tpu.memory_space<vmem>>, vector<1x1000x32xf32>
    %swap3A_36 = vector.shape_cast %swap3A_35 : vector<1x1000x32xf32> to vector<1000x32xf32>
    %swap3A_37 = vector.shape_cast %slice3A_31 : vector<1000x32xf32> to vector<1x1000x32xf32>
    tpu.vector_store %arg8[%swap3A_32, %swap3A_33, %swap3A_34], %swap3A_37 {strides = array<i32>} : memref<2x1000x32xf32, #tpu.memory_space<vmem>>, vector<1x1000x32xf32>,
    return
  }
  func.func @transform_0(%arg0: i32) -> (i32, i32) {
    %c0_i32 = arith.constant 0 : i32
    %c0_i32_0 = arith.constant 0 : i32
    return %arg0, %c0_i32 : i32, i32
  }
  func.func @transform_1(%arg0: i32) -> (i32, i32) {
    %c0_i32 = arith.constant 0 : i32
    %c0_i32_0 = arith.constant 0 : i32
    return %arg0, %c0_i32 : i32, i32
  }
  func.func @transform_2(%arg0: i32) -> (i32, i32) {
    %c0_i32 = arith.constant 0 : i32
    %c0_i32_0 = arith.constant 0 : i32
    %c0_i32_1 = arith.constant 0 : i32
    return %c0_i32, %c0_i32_0 : i32, i32
  }
  func.func @transform_3(%arg0: i32) -> (i32, i32) {
    %c0_i32 = arith.constant 0 : i32
    %c0_i32_0 = arith.constant 0 : i32
    %c0_i32_1 = arith.constant 0 : i32
    return %c0_i32, %c0_i32_0 : i32, i32
  }
  func.func @transform_4(%arg0: i32) -> (i32, i32) {
    %c0_i32 = arith.constant 0 : i32
    %c0_i32_0 = arith.constant 0 : i32
    %c0_i32_1 = arith.constant 0 : i32
    return %c0_i32, %c0_i32_0 : i32, i32
  }
  func.func @transform_5(%arg0: i32) -> (i32, i32) {
    %c0_i32 = arith.constant 0 : i32
    %c0_i32_0 = arith.constant 0 : i32
    %c0_i32_1 = arith.constant 0 : i32
    return %c0_i32, %c0_i32_0 : i32, i32
  }
  func.func @transform_6(%arg0: i32) -> (i32, i32) {
    %c0_i32 = arith.constant 0 : i32
    %c0_i32_0 = arith.constant 0 : i32
    return %arg0, %c0_i32 : i32, i32
  }
  func.func @transform_7(%arg0: i32) -> (i32, i32, i32) {
    %c0_i32 = arith.constant 0 : i32
    %c0_i32_0 = arith.constant 0 : i32
    %c0_i32_1 = arith.constant 0 : i32
    return %c0_i32, %arg0, %c0_i32_0 : i32, i32, i32
  }
}

module attributes {stable_mosaic.version = 14 : i64} {
  func.func @_gin_body(%arg0: i32, %arg1: memref<1000x64xf32, #tpu.memory_space<vmem>>, %arg2: memref<1x64xf32, #tpu.memory_space<vmem>>, %arg3: memref<1x64xf32, #tpu.memory_space<vmem>>, %arg4: memref<2x1000x32xf32, #tpu.memory_space<vmem>>, %arg5: memref<64x64xf32, #tpu.memory_space<vmem>>, %arg6: memref<1x64xf32, #tpu.memory_space<vmem>>, %arg7: memref<64x64xf32, #tpu.memory_space<vmem>>, %arg8: memref<1x64xf32, #tpu.memory_space<vmem>>, %arg9: memref<64x192xf32, #tpu.memory_space<vmem>>, %arg10: memref<1x192xf32, #tpu.memory_space<vmem>>, %arg11: memref<1000x64xf32, #tpu.memory_space<vmem>>, %arg12: memref<1000x192xf32, #tpu.memory_space<vmem>>) attributes {dimension_semantics = [#tpu.dimension_semantics<arbitrary>], iteration_bounds = array<i64: 50>, scalar_prefetch = 0 : i64, scratch_operands = 0 : i64, tpu.core_type = #tpu.core_type<tc>, window_params = [{transform_indices = @transform_0, window_bounds = array<i64: 1000, 64>}, {pipeline_mode = #tpu.pipeline_mode<synchronous>, transform_indices = @transform_1, window_bounds = array<i64: 1, 64>}, {pipeline_mode = #tpu.pipeline_mode<synchronous>, transform_indices = @transform_2, window_bounds = array<i64: 1, 64>}, {transform_indices = @transform_3, window_bounds = array<i64: 2, 1000, 32>}, {pipeline_mode = #tpu.pipeline_mode<synchronous>, transform_indices = @transform_4, window_bounds = array<i64: 64, 64>}, {pipeline_mode = #tpu.pipeline_mode<synchronous>, transform_indices = @transform_5, window_bounds = array<i64: 1, 64>}, {pipeline_mode = #tpu.pipeline_mode<synchronous>, transform_indices = @transform_6, window_bounds = array<i64: 64, 64>}, {pipeline_mode = #tpu.pipeline_mode<synchronous>, transform_indices = @transform_7, window_bounds = array<i64: 1, 64>}, {pipeline_mode = #tpu.pipeline_mode<synchronous>, transform_indices = @transform_8, window_bounds = array<i64: 64, 192>}, {pipeline_mode = #tpu.pipeline_mode<synchronous>, transform_indices = @transform_9, window_bounds = array<i64: 1, 192>}, {transform_indices = @transform_10, window_bounds = array<i64: 1000, 64>}, {transform_indices = @transform_11, window_bounds = array<i64: 1000, 192>}]} {
    %get3A = arith.constant 0 : index
    %get3A_0 = arith.constant 0 : index
    %get3A_1 = vector.load %arg1[%get3A, %get3A_0] : memref<1000x64xf32, #tpu.memory_space<vmem>>, vector<1000x64xf32>
    %get3A_2 = arith.constant 0 : index
    %get3A_3 = arith.constant 0 : index
    %get3A_4 = vector.load %arg2[%get3A_2, %get3A_3] : memref<1x64xf32, #tpu.memory_space<vmem>>, vector<1x64xf32>
    %mul3A = vector.broadcast %get3A_4 : vector<1x64xf32> to vector<1000x64xf32>
    %mul3A_5 = arith.mulf %get3A_1, %mul3A : vector<1000x64xf32>
    %get3A_6 = arith.constant 0 : index
    %get3A_7 = arith.constant 0 : index
    %get3A_8 = vector.load %arg3[%get3A_6, %get3A_7] : memref<1x64xf32, #tpu.memory_space<vmem>>, vector<1x64xf32>
    %add3A = vector.broadcast %get3A_8 : vector<1x64xf32> to vector<1000x64xf32>
    %add3A_9 = arith.addf %mul3A_5, %add3A : vector<1000x64xf32>
    %get3A_10 = arith.constant 0 : index
    %get3A_11 = arith.constant 0 : index
    %get3A_12 = arith.constant 0 : index
    %get3A_13 = vector.load %arg4[%get3A_10, %get3A_11, %get3A_12] : memref<2x1000x32xf32, #tpu.memory_space<vmem>>, vector<1x1000x32xf32>
    %get3A_14 = vector.shape_cast %get3A_13 : vector<1x1000x32xf32> to vector<1000x32xf32>
    %get3A_15 = arith.constant 1 : index
    %get3A_16 = arith.constant 0 : index
    %get3A_17 = arith.constant 0 : index
    %get3A_18 = vector.load %arg4[%get3A_15, %get3A_16, %get3A_17] : memref<2x1000x32xf32, #tpu.memory_space<vmem>>, vector<1x1000x32xf32>
    %get3A_19 = vector.shape_cast %get3A_18 : vector<1x1000x32xf32> to vector<1000x32xf32>
    %concatenate3A = tpu.concatenate %get3A_14, %get3A_19 in 1 : vector<1000x32xf32>, vector<1000x32xf32> -> vector<1000x64xf32>
    %add3A_20 = arith.addf %concatenate3A, %add3A_9 : vector<1000x64xf32>
    %get3A_21 = arith.constant 0 : index
    %get3A_22 = arith.constant 0 : index
    %get3A_23 = vector.load %arg5[%get3A_21, %get3A_22] : memref<64x64xf32, #tpu.memory_space<vmem>>, vector<64x64xf32>
    %dot_general3A = arith.constant dense<0.000000e+00> : vector<1000x64xf32>
    %dot_general3A_24 = tpu.matmul %add3A_20, %get3A_23, %dot_general3A {dimension_numbers = #tpu.dot_dimension_numbers<[1], [0], [0], [1], [0, 0, 1, 1], [], []>, transpose_lhs_hint = false} : vector<1000x64xf32>, vector<64x64xf32>, vector<1000x64xf32> -> vector<1000x64xf32>
    %get3A_25 = arith.constant 0 : index
    %get3A_26 = arith.constant 0 : index
    %get3A_27 = vector.load %arg6[%get3A_25, %get3A_26] : memref<1x64xf32, #tpu.memory_space<vmem>>, vector<1x64xf32>
    %add3A_28 = vector.broadcast %get3A_27 : vector<1x64xf32> to vector<1000x64xf32>
    %add3A_29 = arith.addf %dot_general3A_24, %add3A_28 : vector<1000x64xf32>
    %max3A = arith.constant 0.000000e+00 : f32
    %max3A_30 = vector.broadcast %max3A : f32 to vector<1000x64xf32>
    %max3A_31 = arith.maximumf %add3A_29, %max3A_30 : vector<1000x64xf32>
    %get3A_32 = arith.constant 0 : index
    %get3A_33 = arith.constant 0 : index
    %get3A_34 = vector.load %arg7[%get3A_32, %get3A_33] : memref<64x64xf32, #tpu.memory_space<vmem>>, vector<64x64xf32>
    %dot_general3A_35 = arith.constant dense<0.000000e+00> : vector<1000x64xf32>
    %dot_general3A_36 = tpu.matmul %max3A_31, %get3A_34, %dot_general3A_35 {dimension_numbers = #tpu.dot_dimension_numbers<[1], [0], [0], [1], [0, 0, 1, 1], [], []>, transpose_lhs_hint = false} : vector<1000x64xf32>, vector<64x64xf32>, vector<1000x64xf32> -> vector<1000x64xf32>
    %get3A_37 = arith.constant 0 : index
    %get3A_38 = arith.constant 0 : index
    %get3A_39 = vector.load %arg8[%get3A_37, %get3A_38] : memref<1x64xf32, #tpu.memory_space<vmem>>, vector<1x64xf32>
    %add3A_40 = vector.broadcast %get3A_39 : vector<1x64xf32> to vector<1000x64xf32>
    %add3A_41 = arith.addf %dot_general3A_36, %add3A_40 : vector<1000x64xf32>
    %add3A_42 = arith.addf %add3A_41, %add3A_9 : vector<1000x64xf32>
    %swap3A = arith.constant 0 : index
    %swap3A_43 = arith.constant 0 : index
    %swap3A_44 = vector.load %arg11[%swap3A, %swap3A_43] : memref<1000x64xf32, #tpu.memory_space<vmem>>, vector<1000x64xf32>
    tpu.vector_store %arg11[%swap3A, %swap3A_43], %add3A_42 {strides = array<i32>} : memref<1000x64xf32, #tpu.memory_space<vmem>>, vector<1000x64xf32>,
    %get3A_45 = arith.constant 0 : index
    %get3A_46 = arith.constant 0 : index
    %get3A_47 = vector.load %arg9[%get3A_45, %get3A_46] : memref<64x192xf32, #tpu.memory_space<vmem>>, vector<64x192xf32>
    %dot_general3A_48 = arith.constant dense<0.000000e+00> : vector<1000x192xf32>
    %dot_general3A_49 = tpu.matmul %add3A_9, %get3A_47, %dot_general3A_48 {dimension_numbers = #tpu.dot_dimension_numbers<[1], [0], [0], [1], [0, 0, 1, 1], [], []>, transpose_lhs_hint = false} : vector<1000x64xf32>, vector<64x192xf32>, vector<1000x192xf32> -> vector<1000x192xf32>
    %get3A_50 = arith.constant 0 : index
    %get3A_51 = arith.constant 0 : index
    %get3A_52 = vector.load %arg10[%get3A_50, %get3A_51] : memref<1x192xf32, #tpu.memory_space<vmem>>, vector<1x192xf32>
    %add3A_53 = vector.broadcast %get3A_52 : vector<1x192xf32> to vector<1000x192xf32>
    %add3A_54 = arith.addf %dot_general3A_49, %add3A_53 : vector<1000x192xf32>
    %swap3A_55 = arith.constant 0 : index
    %swap3A_56 = arith.constant 0 : index
    %swap3A_57 = vector.load %arg12[%swap3A_55, %swap3A_56] : memref<1000x192xf32, #tpu.memory_space<vmem>>, vector<1000x192xf32>
    tpu.vector_store %arg12[%swap3A_55, %swap3A_56], %add3A_54 {strides = array<i32>} : memref<1000x192xf32, #tpu.memory_space<vmem>>, vector<1000x192xf32>,
    return
  }
  func.func @transform_0(%arg0: i32) -> (i32, i32) {
    %c0_i32 = arith.constant 0 : i32
    %c0_i32_0 = arith.constant 0 : i32
    return %arg0, %c0_i32 : i32, i32
  }
  func.func @transform_1(%arg0: i32) -> (i32, i32) {
    %c0_i32 = arith.constant 0 : i32
    %c0_i32_0 = arith.constant 0 : i32
    %c0_i32_1 = arith.constant 0 : i32
    return %c0_i32, %c0_i32_0 : i32, i32
  }
  func.func @transform_2(%arg0: i32) -> (i32, i32) {
    %c0_i32 = arith.constant 0 : i32
    %c0_i32_0 = arith.constant 0 : i32
    %c0_i32_1 = arith.constant 0 : i32
    return %c0_i32, %c0_i32_0 : i32, i32
  }
  func.func @transform_3(%arg0: i32) -> (i32, i32, i32) {
    %c0_i32 = arith.constant 0 : i32
    %c0_i32_0 = arith.constant 0 : i32
    %c0_i32_1 = arith.constant 0 : i32
    return %c0_i32, %arg0, %c0_i32_0 : i32, i32, i32
  }
  func.func @transform_4(%arg0: i32) -> (i32, i32) {
    %c0_i32 = arith.constant 0 : i32
    %c0_i32_0 = arith.constant 0 : i32
    %c0_i32_1 = arith.constant 0 : i32
    return %c0_i32, %c0_i32_0 : i32, i32
  }
  func.func @transform_5(%arg0: i32) -> (i32, i32) {
    %c0_i32 = arith.constant 0 : i32
    %c0_i32_0 = arith.constant 0 : i32
    %c0_i32_1 = arith.constant 0 : i32
    return %c0_i32, %c0_i32_0 : i32, i32
  }
  func.func @transform_6(%arg0: i32) -> (i32, i32) {
    %c0_i32 = arith.constant 0 : i32
    %c0_i32_0 = arith.constant 0 : i32
    %c0_i32_1 = arith.constant 0 : i32
    return %c0_i32, %c0_i32_0 : i32, i32
  }
  func.func @transform_7(%arg0: i32) -> (i32, i32) {
    %c0_i32 = arith.constant 0 : i32
    %c0_i32_0 = arith.constant 0 : i32
    %c0_i32_1 = arith.constant 0 : i32
    return %c0_i32, %c0_i32_0 : i32, i32
  }
  func.func @transform_8(%arg0: i32) -> (i32, i32) {
    %c0_i32 = arith.constant 0 : i32
    %c0_i32_0 = arith.constant 0 : i32
    %c0_i32_1 = arith.constant 0 : i32
    return %c0_i32, %c0_i32_0 : i32, i32
  }
  func.func @transform_9(%arg0: i32) -> (i32, i32) {
    %c0_i32 = arith.constant 0 : i32
    %c0_i32_0 = arith.constant 0 : i32
    %c0_i32_1 = arith.constant 0 : i32
    return %c0_i32, %c0_i32_0 : i32, i32
  }
  func.func @transform_10(%arg0: i32) -> (i32, i32) {
    %c0_i32 = arith.constant 0 : i32
    %c0_i32_0 = arith.constant 0 : i32
    return %arg0, %c0_i32 : i32, i32
  }
  func.func @transform_11(%arg0: i32) -> (i32, i32) {
    %c0_i32 = arith.constant 0 : i32
    %c0_i32_0 = arith.constant 0 : i32
    return %arg0, %c0_i32 : i32, i32
  }
}

module attributes {stable_mosaic.version = 14 : i64} {
  func.func @_attn_body(%arg0: i32, %arg1: memref<500xi32, #tpu.memory_space<smem>>, %arg2: memref<500xi32, #tpu.memory_space<smem>>, %arg3: memref<256008x192xf32, #tpu.memory_space<any>>, %arg4: memref<64x64xf32, #tpu.memory_space<vmem>>, %arg5: memref<1x64xf32, #tpu.memory_space<vmem>>, %arg6: memref<256008x64xf32, #tpu.memory_space<any>>, %arg7: memref<512x192xf32, #tpu.memory_space<vmem>>, %arg8: memref<4x128x512xf32, #tpu.memory_space<vmem>>, %arg9: memref<128x64xf32, #tpu.memory_space<vmem>>, %arg10: memref<!tpu.dma_semaphore, #tpu.memory_space<semaphore_mem>>, %arg11: memref<!tpu.dma_semaphore, #tpu.memory_space<semaphore_mem>>) attributes {dimension_semantics = [#tpu.dimension_semantics<arbitrary>], iteration_bounds = array<i64: 500>, scalar_prefetch = 0 : i64, scratch_operands = 5 : i64, tpu.core_type = #tpu.core_type<tc>, window_params = [{transform_indices = @transform_0, window_bounds = array<i64: 500>}, {transform_indices = @transform_1, window_bounds = array<i64: 500>}, {}, {pipeline_mode = #tpu.pipeline_mode<synchronous>, transform_indices = @transform_3, window_bounds = array<i64: 64, 64>}, {pipeline_mode = #tpu.pipeline_mode<synchronous>, transform_indices = @transform_4, window_bounds = array<i64: 1, 64>}, {}]} {
    %get3A = arith.index_cast %arg0 : i32 to index
    %get3A_0 = memref.load %arg2[%get3A] : memref<500xi32, #tpu.memory_space<smem>>
    %add3A = arith.constant 128 : i32
    %add3A_1 = arith.addi %get3A_0, %add3A : i32
    %sub3A = arith.constant 1 : i32
    %sub3A_2 = arith.subi %add3A_1, %sub3A : i32
    %jit3A = arith.constant 128 : i32
    %div3A = arith.divsi %sub3A_2, %jit3A : i32
    %sign3A = arith.constant 0 : i32
    %sign3A_3 = arith.cmpi sgt, %sub3A_2, %sign3A : i32
    %sign3A_4 = arith.extui %sign3A_3 : i1 to i32
    %sign3A_5 = arith.constant 0 : i32
    %sign3A_6 = arith.cmpi slt, %sub3A_2, %sign3A_5 : i32
    %sign3A_7 = arith.extui %sign3A_6 : i1 to i32
    %sign3A_8 = arith.subi %sign3A_4, %sign3A_7 : i32
    %sign3A_9 = arith.constant 0 : i32
    %sign3A_10 = arith.cmpi sgt, %jit3A, %sign3A_9 : i32
    %sign3A_11 = arith.extui %sign3A_10 : i1 to i32
    %sign3A_12 = arith.constant 0 : i32
    %sign3A_13 = arith.cmpi slt, %jit3A, %sign3A_12 : i32
    %sign3A_14 = arith.extui %sign3A_13 : i1 to i32
    %sign3A_15 = arith.subi %sign3A_11, %sign3A_14 : i32
    %ne3A = arith.cmpi ne, %sign3A_8, %sign3A_15 : i32
    %rem3A = arith.remsi %sub3A_2, %jit3A : i32
    %ne3A_16 = arith.constant 0 : i32
    %ne3A_17 = arith.cmpi ne, %rem3A, %ne3A_16 : i32
    %and3A = arith.andi %ne3A, %ne3A_17 : i1
    %sub3A_18 = arith.constant 1 : i32
    %sub3A_19 = arith.subi %div3A, %sub3A_18 : i32
    %select_n3A = arith.select %and3A, %sub3A_19, %div3A : i32
    %mul3A = arith.constant 512 : i32
    %mul3A_20 = arith.muli %arg0, %mul3A : i32
    %while3A = arith.constant 0 : i32
    %while3A_21 = arith.constant 0 : i32
    %while3A_22 = arith.subi %select_n3A, %while3A : i32
    %while3A_23 = arith.addi %while3A, %while3A_22 : i32
    %while3A_24 = arith.constant 1 : i32
    %while3A_25 = arith.divsi %while3A_22, %while3A_24 : i32
    %while3A_26 = arith.muli %while3A_25, %while3A_24 : i32
    %while3A_27 = arith.addi %while3A, %while3A_26 : i32
    %while3A_28 = arith.constant 1 : i32
    %while3A_29 = scf.for %while3A_45 = %while3A to %while3A_27 step %while3A_28 iter_args(%while3A_46 = %while3A_21) -> (i32)  : i32 {
      %mul3A_47 = arith.constant 128 : i32
      %mul3A_48 = arith.muli %while3A_45, %mul3A_47 : i32
      %add3A_49 = arith.addi %mul3A_20, %mul3A_48 : i32
      %mul3A_50 = arith.constant 128 : i32
      %mul3A_51 = arith.muli %while3A_45, %mul3A_50 : i32
      %dma_start3A = arith.constant 0 : i32
      %dma_start3A_52 = tpu.memref_slice %arg7[%mul3A_51, %dma_start3A] : memref<512x192xf32, #tpu.memory_space<vmem>> -> memref<128x192xf32, #tpu.memory_space<vmem>>
      %dma_start3A_53 = arith.constant 0 : i32
      %dma_start3A_54 = tpu.memref_slice %arg3[%add3A_49, %dma_start3A_53] : memref<256008x192xf32, #tpu.memory_space<any>> -> memref<128x192xf32, #tpu.memory_space<any>>
      tpu.enqueue_dma source(%dma_start3A_54 : memref<128x192xf32, #tpu.memory_space<any>>) target(%dma_start3A_52 : memref<128x192xf32, #tpu.memory_space<vmem>>) target_semaphore(%arg10 : memref<!tpu.dma_semaphore, #tpu.memory_space<semaphore_mem>>)
      %dma_wait3A = arith.constant 0 : i32
      %dma_wait3A_55 = tpu.memref_slice %arg7[%mul3A_51, %dma_wait3A] : memref<512x192xf32, #tpu.memory_space<vmem>> -> memref<128x192xf32, #tpu.memory_space<vmem>>
      %dma_wait3A_56 = arith.constant 0 : i32
      %dma_wait3A_57 = tpu.memref_slice %arg3[%add3A_49, %dma_wait3A_56] : memref<256008x192xf32, #tpu.memory_space<any>> -> memref<128x192xf32, #tpu.memory_space<any>>
      tpu.wait_dma2 semaphore(%arg10 : memref<!tpu.dma_semaphore, #tpu.memory_space<semaphore_mem>>) src(%dma_wait3A_57 : memref<128x192xf32, #tpu.memory_space<any>>) dst(%dma_wait3A_55 : memref<128x192xf32, #tpu.memory_space<vmem>>)
      %while3A_58 = arith.constant 0 : i32
      scf.yield %while3A_58 : i32
    }
    %while3A_30 = arith.constant 1 : i32
    %while3A_31 = scf.for %while3A_45 = %while3A_27 to %while3A_23 step %while3A_30 iter_args(%while3A_46 = %while3A_29) -> (i32)  : i32 {
      %mul3A_47 = arith.constant 128 : i32
      %mul3A_48 = arith.muli %while3A_45, %mul3A_47 : i32
      %add3A_49 = arith.addi %mul3A_20, %mul3A_48 : i32
      %mul3A_50 = arith.constant 128 : i32
      %mul3A_51 = arith.muli %while3A_45, %mul3A_50 : i32
      %dma_start3A = arith.constant 0 : i32
      %dma_start3A_52 = tpu.memref_slice %arg7[%mul3A_51, %dma_start3A] : memref<512x192xf32, #tpu.memory_space<vmem>> -> memref<128x192xf32, #tpu.memory_space<vmem>>
      %dma_start3A_53 = arith.constant 0 : i32
      %dma_start3A_54 = tpu.memref_slice %arg3[%add3A_49, %dma_start3A_53] : memref<256008x192xf32, #tpu.memory_space<any>> -> memref<128x192xf32, #tpu.memory_space<any>>
      tpu.enqueue_dma source(%dma_start3A_54 : memref<128x192xf32, #tpu.memory_space<any>>) target(%dma_start3A_52 : memref<128x192xf32, #tpu.memory_space<vmem>>) target_semaphore(%arg10 : memref<!tpu.dma_semaphore, #tpu.memory_space<semaphore_mem>>)
      %dma_wait3A = arith.constant 0 : i32
      %dma_wait3A_55 = tpu.memref_slice %arg7[%mul3A_51, %dma_wait3A] : memref<512x192xf32, #tpu.memory_space<vmem>> -> memref<128x192xf32, #tpu.memory_space<vmem>>
      %dma_wait3A_56 = arith.constant 0 : i32
      %dma_wait3A_57 = tpu.memref_slice %arg3[%add3A_49, %dma_wait3A_56] : memref<256008x192xf32, #tpu.memory_space<any>> -> memref<128x192xf32, #tpu.memory_space<any>>
      tpu.wait_dma2 semaphore(%arg10 : memref<!tpu.dma_semaphore, #tpu.memory_space<semaphore_mem>>) src(%dma_wait3A_57 : memref<128x192xf32, #tpu.memory_space<any>>) dst(%dma_wait3A_55 : memref<128x192xf32, #tpu.memory_space<vmem>>)
      %while3A_58 = arith.constant 0 : i32
      scf.yield %while3A_58 : i32
    }
    %iota3A = tpu.iota {dimensions = array<i32: 1>} : vector<128x512xi32>
    %lt3A = vector.broadcast %get3A_0 : i32 to vector<128x512xi32>
    %lt3A_32 = arith.cmpi slt, %iota3A, %lt3A : vector<128x512xi32>
    %while3A_33 = arith.constant 0 : i32
    %while3A_34 = arith.constant 0 : i32
    %while3A_35 = arith.subi %select_n3A, %while3A_33 : i32
    %while3A_36 = arith.addi %while3A_33, %while3A_35 : i32
    %while3A_37 = arith.constant 1 : i32
    %while3A_38 = arith.divsi %while3A_35, %while3A_37 : i32
    %while3A_39 = arith.muli %while3A_38, %while3A_37 : i32
    %while3A_40 = arith.addi %while3A_33, %while3A_39 : i32
    %while3A_41 = arith.constant 1 : i32
    %while3A_42 = scf.for %while3A_45 = %while3A_33 to %while3A_40 step %while3A_41 iter_args(%while3A_46 = %while3A_34) -> (i32)  : i32 {
      %mul3A_47 = arith.constant 128 : i32
      %mul3A_48 = arith.muli %while3A_45, %mul3A_47 : i32
      %get3A_49 = arith.index_cast %mul3A_48 : i32 to index
      %get3A_50 = arith.constant 0 : index
      %get3A_51 = vector.load %arg7[%get3A_49, %get3A_50] : memref<512x192xf32, #tpu.memory_space<vmem>>, vector<128x192xf32>
      %while3A_52 = arith.constant 0 : i32
      %while3A_53 = arith.constant 0 : i32
      %while3A_54 = arith.subi %select_n3A, %while3A_52 : i32
      %while3A_55 = arith.addi %while3A_52, %while3A_54 : i32
      %while3A_56 = arith.constant 1 : i32
      %while3A_57 = arith.divsi %while3A_54, %while3A_56 : i32
      %while3A_58 = arith.muli %while3A_57, %while3A_56 : i32
      %while3A_59 = arith.addi %while3A_52, %while3A_58 : i32
      %while3A_60 = arith.constant 1 : i32
      %while3A_61 = scf.for %while3A_190 = %while3A_52 to %while3A_59 step %while3A_60 iter_args(%while3A_191 = %while3A_53) -> (i32)  : i32 {
        %mul3A_192 = arith.constant 128 : i32
        %mul3A_193 = arith.muli %while3A_190, %mul3A_192 : i32
        %get3A_194 = arith.index_cast %mul3A_193 : i32 to index
        %get3A_195 = arith.constant 0 : index
        %get3A_196 = vector.load %arg7[%get3A_194, %get3A_195] : memref<512x192xf32, #tpu.memory_space<vmem>>, vector<128x192xf32>
        %slice3A = vector.extract_strided_slice %get3A_51 {offsets = [0, 0], sizes = [128, 16], strides = [1, 1]} : vector<128x192xf32> to vector<128x16xf32>
        %slice3A_197 = vector.extract_strided_slice %get3A_196 {offsets = [0, 64], sizes = [128, 16], strides = [1, 1]} : vector<128x192xf32> to vector<128x16xf32>
        %dot_general3A_198 = arith.constant dense<0.000000e+00> : vector<128x128xf32>
        %dot_general3A_199 = tpu.matmul %slice3A, %slice3A_197, %dot_general3A_198 {dimension_numbers = #tpu.dot_dimension_numbers<[1], [1], [0], [0], [0, 0, 1, 0], [], []>, transpose_lhs_hint = false} : vector<128x16xf32>, vector<128x16xf32>, vector<128x128xf32> -> vector<128x128xf32>
        %mul3A_200 = arith.constant 2.500000e-01 : f32
        %mul3A_201 = vector.broadcast %mul3A_200 : f32 to vector<128x128xf32>
        %mul3A_202 = arith.mulf %dot_general3A_199, %mul3A_201 : vector<128x128xf32>
        %mul3A_203 = arith.constant 128 : i32
        %mul3A_204 = arith.muli %while3A_190, %mul3A_203 : i32
        %swap3A_205 = arith.constant 0 : index
        %swap3A_206 = arith.constant 0 : index
        %swap3A_207 = arith.index_cast %mul3A_204 : i32 to index
        %swap3A_208 = vector.load %arg8[%swap3A_205, %swap3A_206, %swap3A_207] : memref<4x128x512xf32, #tpu.memory_space<vmem>>, vector<1x128x128xf32>
        %swap3A_209 = vector.shape_cast %swap3A_208 : vector<1x128x128xf32> to vector<128x128xf32>
        %swap3A_210 = vector.shape_cast %mul3A_202 : vector<128x128xf32> to vector<1x128x128xf32>
        tpu.vector_store %arg8[%swap3A_205, %swap3A_206, %swap3A_207], %swap3A_210 {strides = array<i32>} : memref<4x128x512xf32, #tpu.memory_space<vmem>>, vector<1x128x128xf32>,
        %slice3A_211 = vector.extract_strided_slice %get3A_51 {offsets = [0, 16], sizes = [128, 16], strides = [1, 1]} : vector<128x192xf32> to vector<128x16xf32>
        %slice3A_212 = vector.extract_strided_slice %get3A_196 {offsets = [0, 80], sizes = [128, 16], strides = [1, 1]} : vector<128x192xf32> to vector<128x16xf32>
        %dot_general3A_213 = arith.constant dense<0.000000e+00> : vector<128x128xf32>
        %dot_general3A_214 = tpu.matmul %slice3A_211, %slice3A_212, %dot_general3A_213 {dimension_numbers = #tpu.dot_dimension_numbers<[1], [1], [0], [0], [0, 0, 1, 0], [], []>, transpose_lhs_hint = false} : vector<128x16xf32>, vector<128x16xf32>, vector<128x128xf32> -> vector<128x128xf32>
        %mul3A_215 = arith.constant 2.500000e-01 : f32
        %mul3A_216 = vector.broadcast %mul3A_215 : f32 to vector<128x128xf32>
        %mul3A_217 = arith.mulf %dot_general3A_214, %mul3A_216 : vector<128x128xf32>
        %mul3A_218 = arith.constant 128 : i32
        %mul3A_219 = arith.muli %while3A_190, %mul3A_218 : i32
        %swap3A_220 = arith.constant 1 : index
        %swap3A_221 = arith.constant 0 : index
        %swap3A_222 = arith.index_cast %mul3A_219 : i32 to index
        %swap3A_223 = vector.load %arg8[%swap3A_220, %swap3A_221, %swap3A_222] : memref<4x128x512xf32, #tpu.memory_space<vmem>>, vector<1x128x128xf32>
        %swap3A_224 = vector.shape_cast %swap3A_223 : vector<1x128x128xf32> to vector<128x128xf32>
        %swap3A_225 = vector.shape_cast %mul3A_217 : vector<128x128xf32> to vector<1x128x128xf32>
        tpu.vector_store %arg8[%swap3A_220, %swap3A_221, %swap3A_222], %swap3A_225 {strides = array<i32>} : memref<4x128x512xf32, #tpu.memory_space<vmem>>, vector<1x128x128xf32>,
        %slice3A_226 = vector.extract_strided_slice %get3A_51 {offsets = [0, 32], sizes = [128, 16], strides = [1, 1]} : vector<128x192xf32> to vector<128x16xf32>
        %slice3A_227 = vector.extract_strided_slice %get3A_196 {offsets = [0, 96], sizes = [128, 16], strides = [1, 1]} : vector<128x192xf32> to vector<128x16xf32>
        %dot_general3A_228 = arith.constant dense<0.000000e+00> : vector<128x128xf32>
        %dot_general3A_229 = tpu.matmul %slice3A_226, %slice3A_227, %dot_general3A_228 {dimension_numbers = #tpu.dot_dimension_numbers<[1], [1], [0], [0], [0, 0, 1, 0], [], []>, transpose_lhs_hint = false} : vector<128x16xf32>, vector<128x16xf32>, vector<128x128xf32> -> vector<128x128xf32>
        %mul3A_230 = arith.constant 2.500000e-01 : f32
        %mul3A_231 = vector.broadcast %mul3A_230 : f32 to vector<128x128xf32>
        %mul3A_232 = arith.mulf %dot_general3A_229, %mul3A_231 : vector<128x128xf32>
        %mul3A_233 = arith.constant 128 : i32
        %mul3A_234 = arith.muli %while3A_190, %mul3A_233 : i32
        %swap3A_235 = arith.constant 2 : index
        %swap3A_236 = arith.constant 0 : index
        %swap3A_237 = arith.index_cast %mul3A_234 : i32 to index
        %swap3A_238 = vector.load %arg8[%swap3A_235, %swap3A_236, %swap3A_237] : memref<4x128x512xf32, #tpu.memory_space<vmem>>, vector<1x128x128xf32>
        %swap3A_239 = vector.shape_cast %swap3A_238 : vector<1x128x128xf32> to vector<128x128xf32>
        %swap3A_240 = vector.shape_cast %mul3A_232 : vector<128x128xf32> to vector<1x128x128xf32>
        tpu.vector_store %arg8[%swap3A_235, %swap3A_236, %swap3A_237], %swap3A_240 {strides = array<i32>} : memref<4x128x512xf32, #tpu.memory_space<vmem>>, vector<1x128x128xf32>,
        %slice3A_241 = vector.extract_strided_slice %get3A_51 {offsets = [0, 48], sizes = [128, 16], strides = [1, 1]} : vector<128x192xf32> to vector<128x16xf32>
        %slice3A_242 = vector.extract_strided_slice %get3A_196 {offsets = [0, 112], sizes = [128, 16], strides = [1, 1]} : vector<128x192xf32> to vector<128x16xf32>
        %dot_general3A_243 = arith.constant dense<0.000000e+00> : vector<128x128xf32>
        %dot_general3A_244 = tpu.matmul %slice3A_241, %slice3A_242, %dot_general3A_243 {dimension_numbers = #tpu.dot_dimension_numbers<[1], [1], [0], [0], [0, 0, 1, 0], [], []>, transpose_lhs_hint = false} : vector<128x16xf32>, vector<128x16xf32>, vector<128x128xf32> -> vector<128x128xf32>
        %mul3A_245 = arith.constant 2.500000e-01 : f32
        %mul3A_246 = vector.broadcast %mul3A_245 : f32 to vector<128x128xf32>
        %mul3A_247 = arith.mulf %dot_general3A_244, %mul3A_246 : vector<128x128xf32>
        %mul3A_248 = arith.constant 128 : i32
        %mul3A_249 = arith.muli %while3A_190, %mul3A_248 : i32
        %swap3A_250 = arith.constant 3 : index
        %swap3A_251 = arith.constant 0 : index
        %swap3A_252 = arith.index_cast %mul3A_249 : i32 to index
        %swap3A_253 = vector.load %arg8[%swap3A_250, %swap3A_251, %swap3A_252] : memref<4x128x512xf32, #tpu.memory_space<vmem>>, vector<1x128x128xf32>
        %swap3A_254 = vector.shape_cast %swap3A_253 : vector<1x128x128xf32> to vector<128x128xf32>
        %swap3A_255 = vector.shape_cast %mul3A_247 : vector<128x128xf32> to vector<1x128x128xf32>
        tpu.vector_store %arg8[%swap3A_250, %swap3A_251, %swap3A_252], %swap3A_255 {strides = array<i32>} : memref<4x128x512xf32, #tpu.memory_space<vmem>>, vector<1x128x128xf32>,
        %while3A_256 = arith.constant 0 : i32
        scf.yield %while3A_256 : i32
      }
      %while3A_62 = arith.constant 1 : i32
      %while3A_63 = scf.for %while3A_190 = %while3A_59 to %while3A_55 step %while3A_62 iter_args(%while3A_191 = %while3A_61) -> (i32)  : i32 {
        %mul3A_192 = arith.constant 128 : i32
        %mul3A_193 = arith.muli %while3A_190, %mul3A_192 : i32
        %get3A_194 = arith.index_cast %mul3A_193 : i32 to index
        %get3A_195 = arith.constant 0 : index
        %get3A_196 = vector.load %arg7[%get3A_194, %get3A_195] : memref<512x192xf32, #tpu.memory_space<vmem>>, vector<128x192xf32>
        %slice3A = vector.extract_strided_slice %get3A_51 {offsets = [0, 0], sizes = [128, 16], strides = [1, 1]} : vector<128x192xf32> to vector<128x16xf32>
        %slice3A_197 = vector.extract_strided_slice %get3A_196 {offsets = [0, 64], sizes = [128, 16], strides = [1, 1]} : vector<128x192xf32> to vector<128x16xf32>
        %dot_general3A_198 = arith.constant dense<0.000000e+00> : vector<128x128xf32>
        %dot_general3A_199 = tpu.matmul %slice3A, %slice3A_197, %dot_general3A_198 {dimension_numbers = #tpu.dot_dimension_numbers<[1], [1], [0], [0], [0, 0, 1, 0], [], []>, transpose_lhs_hint = false} : vector<128x16xf32>, vector<128x16xf32>, vector<128x128xf32> -> vector<128x128xf32>
        %mul3A_200 = arith.constant 2.500000e-01 : f32
        %mul3A_201 = vector.broadcast %mul3A_200 : f32 to vector<128x128xf32>
        %mul3A_202 = arith.mulf %dot_general3A_199, %mul3A_201 : vector<128x128xf32>
        %mul3A_203 = arith.constant 128 : i32
        %mul3A_204 = arith.muli %while3A_190, %mul3A_203 : i32
        %swap3A_205 = arith.constant 0 : index
        %swap3A_206 = arith.constant 0 : index
        %swap3A_207 = arith.index_cast %mul3A_204 : i32 to index
        %swap3A_208 = vector.load %arg8[%swap3A_205, %swap3A_206, %swap3A_207] : memref<4x128x512xf32, #tpu.memory_space<vmem>>, vector<1x128x128xf32>
        %swap3A_209 = vector.shape_cast %swap3A_208 : vector<1x128x128xf32> to vector<128x128xf32>
        %swap3A_210 = vector.shape_cast %mul3A_202 : vector<128x128xf32> to vector<1x128x128xf32>
        tpu.vector_store %arg8[%swap3A_205, %swap3A_206, %swap3A_207], %swap3A_210 {strides = array<i32>} : memref<4x128x512xf32, #tpu.memory_space<vmem>>, vector<1x128x128xf32>,
        %slice3A_211 = vector.extract_strided_slice %get3A_51 {offsets = [0, 16], sizes = [128, 16], strides = [1, 1]} : vector<128x192xf32> to vector<128x16xf32>
        %slice3A_212 = vector.extract_strided_slice %get3A_196 {offsets = [0, 80], sizes = [128, 16], strides = [1, 1]} : vector<128x192xf32> to vector<128x16xf32>
        %dot_general3A_213 = arith.constant dense<0.000000e+00> : vector<128x128xf32>
        %dot_general3A_214 = tpu.matmul %slice3A_211, %slice3A_212, %dot_general3A_213 {dimension_numbers = #tpu.dot_dimension_numbers<[1], [1], [0], [0], [0, 0, 1, 0], [], []>, transpose_lhs_hint = false} : vector<128x16xf32>, vector<128x16xf32>, vector<128x128xf32> -> vector<128x128xf32>
        %mul3A_215 = arith.constant 2.500000e-01 : f32
        %mul3A_216 = vector.broadcast %mul3A_215 : f32 to vector<128x128xf32>
        %mul3A_217 = arith.mulf %dot_general3A_214, %mul3A_216 : vector<128x128xf32>
        %mul3A_218 = arith.constant 128 : i32
        %mul3A_219 = arith.muli %while3A_190, %mul3A_218 : i32
        %swap3A_220 = arith.constant 1 : index
        %swap3A_221 = arith.constant 0 : index
        %swap3A_222 = arith.index_cast %mul3A_219 : i32 to index
        %swap3A_223 = vector.load %arg8[%swap3A_220, %swap3A_221, %swap3A_222] : memref<4x128x512xf32, #tpu.memory_space<vmem>>, vector<1x128x128xf32>
        %swap3A_224 = vector.shape_cast %swap3A_223 : vector<1x128x128xf32> to vector<128x128xf32>
        %swap3A_225 = vector.shape_cast %mul3A_217 : vector<128x128xf32> to vector<1x128x128xf32>
        tpu.vector_store %arg8[%swap3A_220, %swap3A_221, %swap3A_222], %swap3A_225 {strides = array<i32>} : memref<4x128x512xf32, #tpu.memory_space<vmem>>, vector<1x128x128xf32>,
        %slice3A_226 = vector.extract_strided_slice %get3A_51 {offsets = [0, 32], sizes = [128, 16], strides = [1, 1]} : vector<128x192xf32> to vector<128x16xf32>
        %slice3A_227 = vector.extract_strided_slice %get3A_196 {offsets = [0, 96], sizes = [128, 16], strides = [1, 1]} : vector<128x192xf32> to vector<128x16xf32>
        %dot_general3A_228 = arith.constant dense<0.000000e+00> : vector<128x128xf32>
        %dot_general3A_229 = tpu.matmul %slice3A_226, %slice3A_227, %dot_general3A_228 {dimension_numbers = #tpu.dot_dimension_numbers<[1], [1], [0], [0], [0, 0, 1, 0], [], []>, transpose_lhs_hint = false} : vector<128x16xf32>, vector<128x16xf32>, vector<128x128xf32> -> vector<128x128xf32>
        %mul3A_230 = arith.constant 2.500000e-01 : f32
        %mul3A_231 = vector.broadcast %mul3A_230 : f32 to vector<128x128xf32>
        %mul3A_232 = arith.mulf %dot_general3A_229, %mul3A_231 : vector<128x128xf32>
        %mul3A_233 = arith.constant 128 : i32
        %mul3A_234 = arith.muli %while3A_190, %mul3A_233 : i32
        %swap3A_235 = arith.constant 2 : index
        %swap3A_236 = arith.constant 0 : index
        %swap3A_237 = arith.index_cast %mul3A_234 : i32 to index
        %swap3A_238 = vector.load %arg8[%swap3A_235, %swap3A_236, %swap3A_237] : memref<4x128x512xf32, #tpu.memory_space<vmem>>, vector<1x128x128xf32>
        %swap3A_239 = vector.shape_cast %swap3A_238 : vector<1x128x128xf32> to vector<128x128xf32>
        %swap3A_240 = vector.shape_cast %mul3A_232 : vector<128x128xf32> to vector<1x128x128xf32>
        tpu.vector_store %arg8[%swap3A_235, %swap3A_236, %swap3A_237], %swap3A_240 {strides = array<i32>} : memref<4x128x512xf32, #tpu.memory_space<vmem>>, vector<1x128x128xf32>,
        %slice3A_241 = vector.extract_strided_slice %get3A_51 {offsets = [0, 48], sizes = [128, 16], strides = [1, 1]} : vector<128x192xf32> to vector<128x16xf32>
        %slice3A_242 = vector.extract_strided_slice %get3A_196 {offsets = [0, 112], sizes = [128, 16], strides = [1, 1]} : vector<128x192xf32> to vector<128x16xf32>
        %dot_general3A_243 = arith.constant dense<0.000000e+00> : vector<128x128xf32>
        %dot_general3A_244 = tpu.matmul %slice3A_241, %slice3A_242, %dot_general3A_243 {dimension_numbers = #tpu.dot_dimension_numbers<[1], [1], [0], [0], [0, 0, 1, 0], [], []>, transpose_lhs_hint = false} : vector<128x16xf32>, vector<128x16xf32>, vector<128x128xf32> -> vector<128x128xf32>
        %mul3A_245 = arith.constant 2.500000e-01 : f32
        %mul3A_246 = vector.broadcast %mul3A_245 : f32 to vector<128x128xf32>
        %mul3A_247 = arith.mulf %dot_general3A_244, %mul3A_246 : vector<128x128xf32>
        %mul3A_248 = arith.constant 128 : i32
        %mul3A_249 = arith.muli %while3A_190, %mul3A_248 : i32
        %swap3A_250 = arith.constant 3 : index
        %swap3A_251 = arith.constant 0 : index
        %swap3A_252 = arith.index_cast %mul3A_249 : i32 to index
        %swap3A_253 = vector.load %arg8[%swap3A_250, %swap3A_251, %swap3A_252] : memref<4x128x512xf32, #tpu.memory_space<vmem>>, vector<1x128x128xf32>
        %swap3A_254 = vector.shape_cast %swap3A_253 : vector<1x128x128xf32> to vector<128x128xf32>
        %swap3A_255 = vector.shape_cast %mul3A_247 : vector<128x128xf32> to vector<1x128x128xf32>
        tpu.vector_store %arg8[%swap3A_250, %swap3A_251, %swap3A_252], %swap3A_255 {strides = array<i32>} : memref<4x128x512xf32, #tpu.memory_space<vmem>>, vector<1x128x128xf32>,
        %while3A_256 = arith.constant 0 : i32
        scf.yield %while3A_256 : i32
      }
      %get3A_64 = arith.constant 0 : index
      %get3A_65 = arith.constant 0 : index
      %get3A_66 = arith.constant 0 : index
      %get3A_67 = vector.load %arg8[%get3A_64, %get3A_65, %get3A_66] : memref<4x128x512xf32, #tpu.memory_space<vmem>>, vector<1x128x512xf32>
      %get3A_68 = vector.shape_cast %get3A_67 : vector<1x128x512xf32> to vector<128x512xf32>
      %jit3A_69 = arith.constant -1.000000e+09 : f32
      %broadcast_in_dim3A = vector.broadcast %jit3A_69 : f32 to vector<128x512xf32>
      %select_n3A_70 = arith.select %lt3A_32, %get3A_68, %broadcast_in_dim3A : vector<128x512xi1>, vector<128x512xf32>
      %reduce_max3A = arith.constant dense<0xFF800000> : vector<128xf32>
      %reduce_max3A_71 = vector.multi_reduction <maximumf>, %select_n3A_70, %reduce_max3A [1] : vector<128x512xf32> to vector<128xf32>
      %broadcast_in_dim3A_72 = vector.shape_cast %reduce_max3A_71 : vector<128xf32> to vector<128x1xf32>
      %sub3A_73 = vector.broadcast %broadcast_in_dim3A_72 : vector<128x1xf32> to vector<128x512xf32>
      %sub3A_74 = arith.subf %select_n3A_70, %sub3A_73 : vector<128x512xf32>
      %exp3A = math.exp %sub3A_74 : vector<128x512xf32>
      %reduce_sum3A = arith.constant dense<0.000000e+00> : vector<128xf32>
      %reduce_sum3A_75 = vector.multi_reduction <add>, %exp3A, %reduce_sum3A [1] : vector<128x512xf32> to vector<128xf32>
      %broadcast_in_dim3A_76 = vector.shape_cast %reduce_sum3A_75 : vector<128xf32> to vector<128x1xf32>
      %div3A_77 = vector.broadcast %broadcast_in_dim3A_76 : vector<128x1xf32> to vector<128x512xf32>
      %div3A_78 = arith.divf %exp3A, %div3A_77 : vector<128x512xf32>
      %swap3A = arith.constant 0 : index
      %swap3A_79 = arith.constant 0 : index
      %swap3A_80 = arith.constant 0 : index
      %swap3A_81 = vector.load %arg8[%swap3A, %swap3A_79, %swap3A_80] : memref<4x128x512xf32, #tpu.memory_space<vmem>>, vector<1x128x512xf32>
      %swap3A_82 = vector.shape_cast %swap3A_81 : vector<1x128x512xf32> to vector<128x512xf32>
      %swap3A_83 = vector.shape_cast %div3A_78 : vector<128x512xf32> to vector<1x128x512xf32>
      tpu.vector_store %arg8[%swap3A, %swap3A_79, %swap3A_80], %swap3A_83 {strides = array<i32>} : memref<4x128x512xf32, #tpu.memory_space<vmem>>, vector<1x128x512xf32>,
      %get3A_84 = arith.constant 1 : index
      %get3A_85 = arith.constant 0 : index
      %get3A_86 = arith.constant 0 : index
      %get3A_87 = vector.load %arg8[%get3A_84, %get3A_85, %get3A_86] : memref<4x128x512xf32, #tpu.memory_space<vmem>>, vector<1x128x512xf32>
      %get3A_88 = vector.shape_cast %get3A_87 : vector<1x128x512xf32> to vector<128x512xf32>
      %jit3A_89 = arith.constant -1.000000e+09 : f32
      %broadcast_in_dim3A_90 = vector.broadcast %jit3A_89 : f32 to vector<128x512xf32>
      %select_n3A_91 = arith.select %lt3A_32, %get3A_88, %broadcast_in_dim3A_90 : vector<128x512xi1>, vector<128x512xf32>
      %reduce_max3A_92 = arith.constant dense<0xFF800000> : vector<128xf32>
      %reduce_max3A_93 = vector.multi_reduction <maximumf>, %select_n3A_91, %reduce_max3A_92 [1] : vector<128x512xf32> to vector<128xf32>
      %broadcast_in_dim3A_94 = vector.shape_cast %reduce_max3A_93 : vector<128xf32> to vector<128x1xf32>
      %sub3A_95 = vector.broadcast %broadcast_in_dim3A_94 : vector<128x1xf32> to vector<128x512xf32>
      %sub3A_96 = arith.subf %select_n3A_91, %sub3A_95 : vector<128x512xf32>
      %exp3A_97 = math.exp %sub3A_96 : vector<128x512xf32>
      %reduce_sum3A_98 = arith.constant dense<0.000000e+00> : vector<128xf32>
      %reduce_sum3A_99 = vector.multi_reduction <add>, %exp3A_97, %reduce_sum3A_98 [1] : vector<128x512xf32> to vector<128xf32>
      %broadcast_in_dim3A_100 = vector.shape_cast %reduce_sum3A_99 : vector<128xf32> to vector<128x1xf32>
      %div3A_101 = vector.broadcast %broadcast_in_dim3A_100 : vector<128x1xf32> to vector<128x512xf32>
      %div3A_102 = arith.divf %exp3A_97, %div3A_101 : vector<128x512xf32>
      %swap3A_103 = arith.constant 1 : index
      %swap3A_104 = arith.constant 0 : index
      %swap3A_105 = arith.constant 0 : index
      %swap3A_106 = vector.load %arg8[%swap3A_103, %swap3A_104, %swap3A_105] : memref<4x128x512xf32, #tpu.memory_space<vmem>>, vector<1x128x512xf32>
      %swap3A_107 = vector.shape_cast %swap3A_106 : vector<1x128x512xf32> to vector<128x512xf32>
      %swap3A_108 = vector.shape_cast %div3A_102 : vector<128x512xf32> to vector<1x128x512xf32>
      tpu.vector_store %arg8[%swap3A_103, %swap3A_104, %swap3A_105], %swap3A_108 {strides = array<i32>} : memref<4x128x512xf32, #tpu.memory_space<vmem>>, vector<1x128x512xf32>,
      %get3A_109 = arith.constant 2 : index
      %get3A_110 = arith.constant 0 : index
      %get3A_111 = arith.constant 0 : index
      %get3A_112 = vector.load %arg8[%get3A_109, %get3A_110, %get3A_111] : memref<4x128x512xf32, #tpu.memory_space<vmem>>, vector<1x128x512xf32>
      %get3A_113 = vector.shape_cast %get3A_112 : vector<1x128x512xf32> to vector<128x512xf32>
      %jit3A_114 = arith.constant -1.000000e+09 : f32
      %broadcast_in_dim3A_115 = vector.broadcast %jit3A_114 : f32 to vector<128x512xf32>
      %select_n3A_116 = arith.select %lt3A_32, %get3A_113, %broadcast_in_dim3A_115 : vector<128x512xi1>, vector<128x512xf32>
      %reduce_max3A_117 = arith.constant dense<0xFF800000> : vector<128xf32>
      %reduce_max3A_118 = vector.multi_reduction <maximumf>, %select_n3A_116, %reduce_max3A_117 [1] : vector<128x512xf32> to vector<128xf32>
      %broadcast_in_dim3A_119 = vector.shape_cast %reduce_max3A_118 : vector<128xf32> to vector<128x1xf32>
      %sub3A_120 = vector.broadcast %broadcast_in_dim3A_119 : vector<128x1xf32> to vector<128x512xf32>
      %sub3A_121 = arith.subf %select_n3A_116, %sub3A_120 : vector<128x512xf32>
      %exp3A_122 = math.exp %sub3A_121 : vector<128x512xf32>
      %reduce_sum3A_123 = arith.constant dense<0.000000e+00> : vector<128xf32>
      %reduce_sum3A_124 = vector.multi_reduction <add>, %exp3A_122, %reduce_sum3A_123 [1] : vector<128x512xf32> to vector<128xf32>
      %broadcast_in_dim3A_125 = vector.shape_cast %reduce_sum3A_124 : vector<128xf32> to vector<128x1xf32>
      %div3A_126 = vector.broadcast %broadcast_in_dim3A_125 : vector<128x1xf32> to vector<128x512xf32>
      %div3A_127 = arith.divf %exp3A_122, %div3A_126 : vector<128x512xf32>
      %swap3A_128 = arith.constant 2 : index
      %swap3A_129 = arith.constant 0 : index
      %swap3A_130 = arith.constant 0 : index
      %swap3A_131 = vector.load %arg8[%swap3A_128, %swap3A_129, %swap3A_130] : memref<4x128x512xf32, #tpu.memory_space<vmem>>, vector<1x128x512xf32>
      %swap3A_132 = vector.shape_cast %swap3A_131 : vector<1x128x512xf32> to vector<128x512xf32>
      %swap3A_133 = vector.shape_cast %div3A_127 : vector<128x512xf32> to vector<1x128x512xf32>
      tpu.vector_store %arg8[%swap3A_128, %swap3A_129, %swap3A_130], %swap3A_133 {strides = array<i32>} : memref<4x128x512xf32, #tpu.memory_space<vmem>>, vector<1x128x512xf32>,
      %get3A_134 = arith.constant 3 : index
      %get3A_135 = arith.constant 0 : index
      %get3A_136 = arith.constant 0 : index
      %get3A_137 = vector.load %arg8[%get3A_134, %get3A_135, %get3A_136] : memref<4x128x512xf32, #tpu.memory_space<vmem>>, vector<1x128x512xf32>
      %get3A_138 = vector.shape_cast %get3A_137 : vector<1x128x512xf32> to vector<128x512xf32>
      %jit3A_139 = arith.constant -1.000000e+09 : f32
      %broadcast_in_dim3A_140 = vector.broadcast %jit3A_139 : f32 to vector<128x512xf32>
      %select_n3A_141 = arith.select %lt3A_32, %get3A_138, %broadcast_in_dim3A_140 : vector<128x512xi1>, vector<128x512xf32>
      %reduce_max3A_142 = arith.constant dense<0xFF800000> : vector<128xf32>
      %reduce_max3A_143 = vector.multi_reduction <maximumf>, %select_n3A_141, %reduce_max3A_142 [1] : vector<128x512xf32> to vector<128xf32>
      %broadcast_in_dim3A_144 = vector.shape_cast %reduce_max3A_143 : vector<128xf32> to vector<128x1xf32>
      %sub3A_145 = vector.broadcast %broadcast_in_dim3A_144 : vector<128x1xf32> to vector<128x512xf32>
      %sub3A_146 = arith.subf %select_n3A_141, %sub3A_145 : vector<128x512xf32>
      %exp3A_147 = math.exp %sub3A_146 : vector<128x512xf32>
      %reduce_sum3A_148 = arith.constant dense<0.000000e+00> : vector<128xf32>
      %reduce_sum3A_149 = vector.multi_reduction <add>, %exp3A_147, %reduce_sum3A_148 [1] : vector<128x512xf32> to vector<128xf32>
      %broadcast_in_dim3A_150 = vector.shape_cast %reduce_sum3A_149 : vector<128xf32> to vector<128x1xf32>
      %div3A_151 = vector.broadcast %broadcast_in_dim3A_150 : vector<128x1xf32> to vector<128x512xf32>
      %div3A_152 = arith.divf %exp3A_147, %div3A_151 : vector<128x512xf32>
      %swap3A_153 = arith.constant 3 : index
      %swap3A_154 = arith.constant 0 : index
      %swap3A_155 = arith.constant 0 : index
      %swap3A_156 = vector.load %arg8[%swap3A_153, %swap3A_154, %swap3A_155] : memref<4x128x512xf32, #tpu.memory_space<vmem>>, vector<1x128x512xf32>
      %swap3A_157 = vector.shape_cast %swap3A_156 : vector<1x128x512xf32> to vector<128x512xf32>
      %swap3A_158 = vector.shape_cast %div3A_152 : vector<128x512xf32> to vector<1x128x512xf32>
      tpu.vector_store %arg8[%swap3A_153, %swap3A_154, %swap3A_155], %swap3A_158 {strides = array<i32>} : memref<4x128x512xf32, #tpu.memory_space<vmem>>, vector<1x128x512xf32>,
      %broadcast_in_dim3A_159 = arith.constant 0.000000e+00 : f32
      %broadcast_in_dim3A_160 = vector.broadcast %broadcast_in_dim3A_159 : f32 to vector<128x64xf32>
      %while3A_161 = arith.constant 0 : i32
      %while3A_162 = arith.subi %select_n3A, %while3A_161 : i32
      %while3A_163 = arith.addi %while3A_161, %while3A_162 : i32
      %while3A_164 = arith.constant 1 : i32
      %while3A_165 = arith.divsi %while3A_162, %while3A_164 : i32
      %while3A_166 = arith.muli %while3A_165, %while3A_164 : i32
      %while3A_167 = arith.addi %while3A_161, %while3A_166 : i32
      %while3A_168 = arith.constant 1 : i32
      %while3A_169 = scf.for %while3A_190 = %while3A_161 to %while3A_167 step %while3A_168 iter_args(%while3A_191 = %broadcast_in_dim3A_160) -> (vector<128x64xf32>)  : i32 {
        %mul3A_192 = arith.constant 128 : i32
        %mul3A_193 = arith.muli %while3A_190, %mul3A_192 : i32
        %get3A_194 = arith.index_cast %mul3A_193 : i32 to index
        %get3A_195 = arith.constant 0 : index
        %get3A_196 = vector.load %arg7[%get3A_194, %get3A_195] : memref<512x192xf32, #tpu.memory_space<vmem>>, vector<128x192xf32>
        %mul3A_197 = arith.constant 128 : i32
        %mul3A_198 = arith.muli %while3A_190, %mul3A_197 : i32
        %iota3A_199 = tpu.iota {dimensions = array<i32: 0>} : vector<128x1xi32>
        %add3A_200 = vector.broadcast %mul3A_198 : i32 to vector<128x1xi32>
        %add3A_201 = arith.addi %add3A_200, %iota3A_199 : vector<128x1xi32>
        %lt3A_202 = vector.broadcast %get3A_0 : i32 to vector<128x1xi32>
        %lt3A_203 = arith.cmpi slt, %add3A_201, %lt3A_202 : vector<128x1xi32>
        %mul3A_204 = arith.constant 128 : i32
        %mul3A_205 = arith.muli %while3A_190, %mul3A_204 : i32
        %get3A_206 = arith.constant 0 : index
        %get3A_207 = arith.constant 0 : index
        %get3A_208 = arith.index_cast %mul3A_205 : i32 to index
        %get3A_209 = vector.load %arg8[%get3A_206, %get3A_207, %get3A_208] : memref<4x128x512xf32, #tpu.memory_space<vmem>>, vector<1x128x128xf32>
        %get3A_210 = vector.shape_cast %get3A_209 : vector<1x128x128xf32> to vector<128x128xf32>
        %slice3A = vector.extract_strided_slice %get3A_196 {offsets = [0, 128], sizes = [128, 16], strides = [1, 1]} : vector<128x192xf32> to vector<128x16xf32>
        %jit3A_211 = arith.constant 0.000000e+00 : f32
        %broadcast_in_dim3A_212 = vector.shape_cast %lt3A_203 : vector<128x1xi1> to vector<128x1xi1>
        %broadcast_in_dim3A_213 = vector.broadcast %broadcast_in_dim3A_212 : vector<128x1xi1> to vector<128x16xi1>
        %broadcast_in_dim3A_214 = vector.broadcast %jit3A_211 : f32 to vector<128x16xf32>
        %select_n3A_215 = arith.select %broadcast_in_dim3A_213, %slice3A, %broadcast_in_dim3A_214 : vector<128x16xi1>, vector<128x16xf32>
        %dot_general3A_216 = arith.constant dense<0.000000e+00> : vector<128x16xf32>
        %dot_general3A_217 = tpu.matmul %get3A_210, %select_n3A_215, %dot_general3A_216 {dimension_numbers = #tpu.dot_dimension_numbers<[1], [0], [0], [1], [0, 0, 1, 1], [], []>, transpose_lhs_hint = false} : vector<128x128xf32>, vector<128x16xf32>, vector<128x16xf32> -> vector<128x16xf32>
        %mul3A_218 = arith.constant 128 : i32
        %mul3A_219 = arith.muli %while3A_190, %mul3A_218 : i32
        %get3A_220 = arith.constant 1 : index
        %get3A_221 = arith.constant 0 : index
        %get3A_222 = arith.index_cast %mul3A_219 : i32 to index
        %get3A_223 = vector.load %arg8[%get3A_220, %get3A_221, %get3A_222] : memref<4x128x512xf32, #tpu.memory_space<vmem>>, vector<1x128x128xf32>
        %get3A_224 = vector.shape_cast %get3A_223 : vector<1x128x128xf32> to vector<128x128xf32>
        %slice3A_225 = vector.extract_strided_slice %get3A_196 {offsets = [0, 144], sizes = [128, 16], strides = [1, 1]} : vector<128x192xf32> to vector<128x16xf32>
        %jit3A_226 = arith.constant 0.000000e+00 : f32
        %broadcast_in_dim3A_227 = vector.shape_cast %lt3A_203 : vector<128x1xi1> to vector<128x1xi1>
        %broadcast_in_dim3A_228 = vector.broadcast %broadcast_in_dim3A_227 : vector<128x1xi1> to vector<128x16xi1>
        %broadcast_in_dim3A_229 = vector.broadcast %jit3A_226 : f32 to vector<128x16xf32>
        %select_n3A_230 = arith.select %broadcast_in_dim3A_228, %slice3A_225, %broadcast_in_dim3A_229 : vector<128x16xi1>, vector<128x16xf32>
        %dot_general3A_231 = arith.constant dense<0.000000e+00> : vector<128x16xf32>
        %dot_general3A_232 = tpu.matmul %get3A_224, %select_n3A_230, %dot_general3A_231 {dimension_numbers = #tpu.dot_dimension_numbers<[1], [0], [0], [1], [0, 0, 1, 1], [], []>, transpose_lhs_hint = false} : vector<128x128xf32>, vector<128x16xf32>, vector<128x16xf32> -> vector<128x16xf32>
        %mul3A_233 = arith.constant 128 : i32
        %mul3A_234 = arith.muli %while3A_190, %mul3A_233 : i32
        %get3A_235 = arith.constant 2 : index
        %get3A_236 = arith.constant 0 : index
        %get3A_237 = arith.index_cast %mul3A_234 : i32 to index
        %get3A_238 = vector.load %arg8[%get3A_235, %get3A_236, %get3A_237] : memref<4x128x512xf32, #tpu.memory_space<vmem>>, vector<1x128x128xf32>
        %get3A_239 = vector.shape_cast %get3A_238 : vector<1x128x128xf32> to vector<128x128xf32>
        %slice3A_240 = vector.extract_strided_slice %get3A_196 {offsets = [0, 160], sizes = [128, 16], strides = [1, 1]} : vector<128x192xf32> to vector<128x16xf32>
        %jit3A_241 = arith.constant 0.000000e+00 : f32
        %broadcast_in_dim3A_242 = vector.shape_cast %lt3A_203 : vector<128x1xi1> to vector<128x1xi1>
        %broadcast_in_dim3A_243 = vector.broadcast %broadcast_in_dim3A_242 : vector<128x1xi1> to vector<128x16xi1>
        %broadcast_in_dim3A_244 = vector.broadcast %jit3A_241 : f32 to vector<128x16xf32>
        %select_n3A_245 = arith.select %broadcast_in_dim3A_243, %slice3A_240, %broadcast_in_dim3A_244 : vector<128x16xi1>, vector<128x16xf32>
        %dot_general3A_246 = arith.constant dense<0.000000e+00> : vector<128x16xf32>
        %dot_general3A_247 = tpu.matmul %get3A_239, %select_n3A_245, %dot_general3A_246 {dimension_numbers = #tpu.dot_dimension_numbers<[1], [0], [0], [1], [0, 0, 1, 1], [], []>, transpose_lhs_hint = false} : vector<128x128xf32>, vector<128x16xf32>, vector<128x16xf32> -> vector<128x16xf32>
        %mul3A_248 = arith.constant 128 : i32
        %mul3A_249 = arith.muli %while3A_190, %mul3A_248 : i32
        %get3A_250 = arith.constant 3 : index
        %get3A_251 = arith.constant 0 : index
        %get3A_252 = arith.index_cast %mul3A_249 : i32 to index
        %get3A_253 = vector.load %arg8[%get3A_250, %get3A_251, %get3A_252] : memref<4x128x512xf32, #tpu.memory_space<vmem>>, vector<1x128x128xf32>
        %get3A_254 = vector.shape_cast %get3A_253 : vector<1x128x128xf32> to vector<128x128xf32>
        %slice3A_255 = vector.extract_strided_slice %get3A_196 {offsets = [0, 176], sizes = [128, 16], strides = [1, 1]} : vector<128x192xf32> to vector<128x16xf32>
        %jit3A_256 = arith.constant 0.000000e+00 : f32
        %broadcast_in_dim3A_257 = vector.shape_cast %lt3A_203 : vector<128x1xi1> to vector<128x1xi1>
        %broadcast_in_dim3A_258 = vector.broadcast %broadcast_in_dim3A_257 : vector<128x1xi1> to vector<128x16xi1>
        %broadcast_in_dim3A_259 = vector.broadcast %jit3A_256 : f32 to vector<128x16xf32>
        %select_n3A_260 = arith.select %broadcast_in_dim3A_258, %slice3A_255, %broadcast_in_dim3A_259 : vector<128x16xi1>, vector<128x16xf32>
        %dot_general3A_261 = arith.constant dense<0.000000e+00> : vector<128x16xf32>
        %dot_general3A_262 = tpu.matmul %get3A_254, %select_n3A_260, %dot_general3A_261 {dimension_numbers = #tpu.dot_dimension_numbers<[1], [0], [0], [1], [0, 0, 1, 1], [], []>, transpose_lhs_hint = false} : vector<128x128xf32>, vector<128x16xf32>, vector<128x16xf32> -> vector<128x16xf32>
        %concatenate3A = tpu.concatenate %dot_general3A_217, %dot_general3A_232, %dot_general3A_247, %dot_general3A_262 in 1 : vector<128x16xf32>, vector<128x16xf32>, vector<128x16xf32>, vector<128x16xf32> -> vector<128x64xf32>
        %add3A_263 = arith.addf %while3A_191, %concatenate3A : vector<128x64xf32>
        scf.yield %add3A_263 : vector<128x64xf32>
      }
      %while3A_170 = arith.constant 1 : i32
      %while3A_171 = scf.for %while3A_190 = %while3A_167 to %while3A_163 step %while3A_170 iter_args(%while3A_191 = %while3A_169) -> (vector<128x64xf32>)  : i32 {
        %mul3A_192 = arith.constant 128 : i32
        %mul3A_193 = arith.muli %while3A_190, %mul3A_192 : i32
        %get3A_194 = arith.index_cast %mul3A_193 : i32 to index
        %get3A_195 = arith.constant 0 : index
        %get3A_196 = vector.load %arg7[%get3A_194, %get3A_195] : memref<512x192xf32, #tpu.memory_space<vmem>>, vector<128x192xf32>
        %mul3A_197 = arith.constant 128 : i32
        %mul3A_198 = arith.muli %while3A_190, %mul3A_197 : i32
        %iota3A_199 = tpu.iota {dimensions = array<i32: 0>} : vector<128x1xi32>
        %add3A_200 = vector.broadcast %mul3A_198 : i32 to vector<128x1xi32>
        %add3A_201 = arith.addi %add3A_200, %iota3A_199 : vector<128x1xi32>
        %lt3A_202 = vector.broadcast %get3A_0 : i32 to vector<128x1xi32>
        %lt3A_203 = arith.cmpi slt, %add3A_201, %lt3A_202 : vector<128x1xi32>
        %mul3A_204 = arith.constant 128 : i32
        %mul3A_205 = arith.muli %while3A_190, %mul3A_204 : i32
        %get3A_206 = arith.constant 0 : index
        %get3A_207 = arith.constant 0 : index
        %get3A_208 = arith.index_cast %mul3A_205 : i32 to index
        %get3A_209 = vector.load %arg8[%get3A_206, %get3A_207, %get3A_208] : memref<4x128x512xf32, #tpu.memory_space<vmem>>, vector<1x128x128xf32>
        %get3A_210 = vector.shape_cast %get3A_209 : vector<1x128x128xf32> to vector<128x128xf32>
        %slice3A = vector.extract_strided_slice %get3A_196 {offsets = [0, 128], sizes = [128, 16], strides = [1, 1]} : vector<128x192xf32> to vector<128x16xf32>
        %jit3A_211 = arith.constant 0.000000e+00 : f32
        %broadcast_in_dim3A_212 = vector.shape_cast %lt3A_203 : vector<128x1xi1> to vector<128x1xi1>
        %broadcast_in_dim3A_213 = vector.broadcast %broadcast_in_dim3A_212 : vector<128x1xi1> to vector<128x16xi1>
        %broadcast_in_dim3A_214 = vector.broadcast %jit3A_211 : f32 to vector<128x16xf32>
        %select_n3A_215 = arith.select %broadcast_in_dim3A_213, %slice3A, %broadcast_in_dim3A_214 : vector<128x16xi1>, vector<128x16xf32>
        %dot_general3A_216 = arith.constant dense<0.000000e+00> : vector<128x16xf32>
        %dot_general3A_217 = tpu.matmul %get3A_210, %select_n3A_215, %dot_general3A_216 {dimension_numbers = #tpu.dot_dimension_numbers<[1], [0], [0], [1], [0, 0, 1, 1], [], []>, transpose_lhs_hint = false} : vector<128x128xf32>, vector<128x16xf32>, vector<128x16xf32> -> vector<128x16xf32>
        %mul3A_218 = arith.constant 128 : i32
        %mul3A_219 = arith.muli %while3A_190, %mul3A_218 : i32
        %get3A_220 = arith.constant 1 : index
        %get3A_221 = arith.constant 0 : index
        %get3A_222 = arith.index_cast %mul3A_219 : i32 to index
        %get3A_223 = vector.load %arg8[%get3A_220, %get3A_221, %get3A_222] : memref<4x128x512xf32, #tpu.memory_space<vmem>>, vector<1x128x128xf32>
        %get3A_224 = vector.shape_cast %get3A_223 : vector<1x128x128xf32> to vector<128x128xf32>
        %slice3A_225 = vector.extract_strided_slice %get3A_196 {offsets = [0, 144], sizes = [128, 16], strides = [1, 1]} : vector<128x192xf32> to vector<128x16xf32>
        %jit3A_226 = arith.constant 0.000000e+00 : f32
        %broadcast_in_dim3A_227 = vector.shape_cast %lt3A_203 : vector<128x1xi1> to vector<128x1xi1>
        %broadcast_in_dim3A_228 = vector.broadcast %broadcast_in_dim3A_227 : vector<128x1xi1> to vector<128x16xi1>
        %broadcast_in_dim3A_229 = vector.broadcast %jit3A_226 : f32 to vector<128x16xf32>
        %select_n3A_230 = arith.select %broadcast_in_dim3A_228, %slice3A_225, %broadcast_in_dim3A_229 : vector<128x16xi1>, vector<128x16xf32>
        %dot_general3A_231 = arith.constant dense<0.000000e+00> : vector<128x16xf32>
        %dot_general3A_232 = tpu.matmul %get3A_224, %select_n3A_230, %dot_general3A_231 {dimension_numbers = #tpu.dot_dimension_numbers<[1], [0], [0], [1], [0, 0, 1, 1], [], []>, transpose_lhs_hint = false} : vector<128x128xf32>, vector<128x16xf32>, vector<128x16xf32> -> vector<128x16xf32>
        %mul3A_233 = arith.constant 128 : i32
        %mul3A_234 = arith.muli %while3A_190, %mul3A_233 : i32
        %get3A_235 = arith.constant 2 : index
        %get3A_236 = arith.constant 0 : index
        %get3A_237 = arith.index_cast %mul3A_234 : i32 to index
        %get3A_238 = vector.load %arg8[%get3A_235, %get3A_236, %get3A_237] : memref<4x128x512xf32, #tpu.memory_space<vmem>>, vector<1x128x128xf32>
        %get3A_239 = vector.shape_cast %get3A_238 : vector<1x128x128xf32> to vector<128x128xf32>
        %slice3A_240 = vector.extract_strided_slice %get3A_196 {offsets = [0, 160], sizes = [128, 16], strides = [1, 1]} : vector<128x192xf32> to vector<128x16xf32>
        %jit3A_241 = arith.constant 0.000000e+00 : f32
        %broadcast_in_dim3A_242 = vector.shape_cast %lt3A_203 : vector<128x1xi1> to vector<128x1xi1>
        %broadcast_in_dim3A_243 = vector.broadcast %broadcast_in_dim3A_242 : vector<128x1xi1> to vector<128x16xi1>
        %broadcast_in_dim3A_244 = vector.broadcast %jit3A_241 : f32 to vector<128x16xf32>
        %select_n3A_245 = arith.select %broadcast_in_dim3A_243, %slice3A_240, %broadcast_in_dim3A_244 : vector<128x16xi1>, vector<128x16xf32>
        %dot_general3A_246 = arith.constant dense<0.000000e+00> : vector<128x16xf32>
        %dot_general3A_247 = tpu.matmul %get3A_239, %select_n3A_245, %dot_general3A_246 {dimension_numbers = #tpu.dot_dimension_numbers<[1], [0], [0], [1], [0, 0, 1, 1], [], []>, transpose_lhs_hint = false} : vector<128x128xf32>, vector<128x16xf32>, vector<128x16xf32> -> vector<128x16xf32>
        %mul3A_248 = arith.constant 128 : i32
        %mul3A_249 = arith.muli %while3A_190, %mul3A_248 : i32
        %get3A_250 = arith.constant 3 : index
        %get3A_251 = arith.constant 0 : index
        %get3A_252 = arith.index_cast %mul3A_249 : i32 to index
        %get3A_253 = vector.load %arg8[%get3A_250, %get3A_251, %get3A_252] : memref<4x128x512xf32, #tpu.memory_space<vmem>>, vector<1x128x128xf32>
        %get3A_254 = vector.shape_cast %get3A_253 : vector<1x128x128xf32> to vector<128x128xf32>
        %slice3A_255 = vector.extract_strided_slice %get3A_196 {offsets = [0, 176], sizes = [128, 16], strides = [1, 1]} : vector<128x192xf32> to vector<128x16xf32>
        %jit3A_256 = arith.constant 0.000000e+00 : f32
        %broadcast_in_dim3A_257 = vector.shape_cast %lt3A_203 : vector<128x1xi1> to vector<128x1xi1>
        %broadcast_in_dim3A_258 = vector.broadcast %broadcast_in_dim3A_257 : vector<128x1xi1> to vector<128x16xi1>
        %broadcast_in_dim3A_259 = vector.broadcast %jit3A_256 : f32 to vector<128x16xf32>
        %select_n3A_260 = arith.select %broadcast_in_dim3A_258, %slice3A_255, %broadcast_in_dim3A_259 : vector<128x16xi1>, vector<128x16xf32>
        %dot_general3A_261 = arith.constant dense<0.000000e+00> : vector<128x16xf32>
        %dot_general3A_262 = tpu.matmul %get3A_254, %select_n3A_260, %dot_general3A_261 {dimension_numbers = #tpu.dot_dimension_numbers<[1], [0], [0], [1], [0, 0, 1, 1], [], []>, transpose_lhs_hint = false} : vector<128x128xf32>, vector<128x16xf32>, vector<128x16xf32> -> vector<128x16xf32>
        %concatenate3A = tpu.concatenate %dot_general3A_217, %dot_general3A_232, %dot_general3A_247, %dot_general3A_262 in 1 : vector<128x16xf32>, vector<128x16xf32>, vector<128x16xf32>, vector<128x16xf32> -> vector<128x64xf32>
        %add3A_263 = arith.addf %while3A_191, %concatenate3A : vector<128x64xf32>
        scf.yield %add3A_263 : vector<128x64xf32>
      }
      %get3A_172 = arith.constant 0 : index
      %get3A_173 = arith.constant 0 : index
      %get3A_174 = vector.load %arg4[%get3A_172, %get3A_173] : memref<64x64xf32, #tpu.memory_space<vmem>>, vector<64x64xf32>
      %dot_general3A = arith.constant dense<0.000000e+00> : vector<128x64xf32>
      %dot_general3A_175 = tpu.matmul %while3A_171, %get3A_174, %dot_general3A {dimension_numbers = #tpu.dot_dimension_numbers<[1], [0], [0], [1], [0, 0, 1, 1], [], []>, transpose_lhs_hint = false} : vector<128x64xf32>, vector<64x64xf32>, vector<128x64xf32> -> vector<128x64xf32>
      %get3A_176 = arith.constant 0 : index
      %get3A_177 = arith.constant 0 : index
      %get3A_178 = vector.load %arg5[%get3A_176, %get3A_177] : memref<1x64xf32, #tpu.memory_space<vmem>>, vector<1x64xf32>
      %add3A_179 = vector.broadcast %get3A_178 : vector<1x64xf32> to vector<128x64xf32>
      %add3A_180 = arith.addf %dot_general3A_175, %add3A_179 : vector<128x64xf32>
      %swap3A_181 = arith.constant 0 : index
      %swap3A_182 = arith.constant 0 : index
      %swap3A_183 = vector.load %arg9[%swap3A_181, %swap3A_182] : memref<128x64xf32, #tpu.memory_space<vmem>>, vector<128x64xf32>
      tpu.vector_store %arg9[%swap3A_181, %swap3A_182], %add3A_180 {strides = array<i32>} : memref<128x64xf32, #tpu.memory_space<vmem>>, vector<128x64xf32>,
      %mul3A_184 = arith.constant 128 : i32
      %mul3A_185 = arith.muli %while3A_45, %mul3A_184 : i32
      %add3A_186 = arith.addi %mul3A_20, %mul3A_185 : i32
      %dma_start3A = arith.constant 0 : i32
      %dma_start3A_187 = tpu.memref_slice %arg6[%add3A_186, %dma_start3A] : memref<256008x64xf32, #tpu.memory_space<any>> -> memref<128x64xf32, #tpu.memory_space<any>>
      tpu.enqueue_dma source(%arg9 : memref<128x64xf32, #tpu.memory_space<vmem>>) target(%dma_start3A_187 : memref<128x64xf32, #tpu.memory_space<any>>) target_semaphore(%arg11 : memref<!tpu.dma_semaphore, #tpu.memory_space<semaphore_mem>>)
      %dma_wait3A = arith.constant 0 : i32
      %dma_wait3A_188 = tpu.memref_slice %arg6[%add3A_186, %dma_wait3A] : memref<256008x64xf32, #tpu.memory_space<any>> -> memref<128x64xf32, #tpu.memory_space<any>>
      tpu.wait_dma2 semaphore(%arg11 : memref<!tpu.dma_semaphore, #tpu.memory_space<semaphore_mem>>) src(%arg9 : memref<128x64xf32, #tpu.memory_space<vmem>>) dst(%dma_wait3A_188 : memref<128x64xf32, #tpu.memory_space<any>>)
      %while3A_189 = arith.constant 0 : i32
      scf.yield %while3A_189 : i32
    }
    %while3A_43 = arith.constant 1 : i32
    %while3A_44 = scf.for %while3A_45 = %while3A_40 to %while3A_36 step %while3A_43 iter_args(%while3A_46 = %while3A_42) -> (i32)  : i32 {
      %mul3A_47 = arith.constant 128 : i32
      %mul3A_48 = arith.muli %while3A_45, %mul3A_47 : i32
      %get3A_49 = arith.index_cast %mul3A_48 : i32 to index
      %get3A_50 = arith.constant 0 : index
      %get3A_51 = vector.load %arg7[%get3A_49, %get3A_50] : memref<512x192xf32, #tpu.memory_space<vmem>>, vector<128x192xf32>
      %while3A_52 = arith.constant 0 : i32
      %while3A_53 = arith.constant 0 : i32
      %while3A_54 = arith.subi %select_n3A, %while3A_52 : i32
      %while3A_55 = arith.addi %while3A_52, %while3A_54 : i32
      %while3A_56 = arith.constant 1 : i32
      %while3A_57 = arith.divsi %while3A_54, %while3A_56 : i32
      %while3A_58 = arith.muli %while3A_57, %while3A_56 : i32
      %while3A_59 = arith.addi %while3A_52, %while3A_58 : i32
      %while3A_60 = arith.constant 1 : i32
      %while3A_61 = scf.for %while3A_190 = %while3A_52 to %while3A_59 step %while3A_60 iter_args(%while3A_191 = %while3A_53) -> (i32)  : i32 {
        %mul3A_192 = arith.constant 128 : i32
        %mul3A_193 = arith.muli %while3A_190, %mul3A_192 : i32
        %get3A_194 = arith.index_cast %mul3A_193 : i32 to index
        %get3A_195 = arith.constant 0 : index
        %get3A_196 = vector.load %arg7[%get3A_194, %get3A_195] : memref<512x192xf32, #tpu.memory_space<vmem>>, vector<128x192xf32>
        %slice3A = vector.extract_strided_slice %get3A_51 {offsets = [0, 0], sizes = [128, 16], strides = [1, 1]} : vector<128x192xf32> to vector<128x16xf32>
        %slice3A_197 = vector.extract_strided_slice %get3A_196 {offsets = [0, 64], sizes = [128, 16], strides = [1, 1]} : vector<128x192xf32> to vector<128x16xf32>
        %dot_general3A_198 = arith.constant dense<0.000000e+00> : vector<128x128xf32>
        %dot_general3A_199 = tpu.matmul %slice3A, %slice3A_197, %dot_general3A_198 {dimension_numbers = #tpu.dot_dimension_numbers<[1], [1], [0], [0], [0, 0, 1, 0], [], []>, transpose_lhs_hint = false} : vector<128x16xf32>, vector<128x16xf32>, vector<128x128xf32> -> vector<128x128xf32>
        %mul3A_200 = arith.constant 2.500000e-01 : f32
        %mul3A_201 = vector.broadcast %mul3A_200 : f32 to vector<128x128xf32>
        %mul3A_202 = arith.mulf %dot_general3A_199, %mul3A_201 : vector<128x128xf32>
        %mul3A_203 = arith.constant 128 : i32
        %mul3A_204 = arith.muli %while3A_190, %mul3A_203 : i32
        %swap3A_205 = arith.constant 0 : index
        %swap3A_206 = arith.constant 0 : index
        %swap3A_207 = arith.index_cast %mul3A_204 : i32 to index
        %swap3A_208 = vector.load %arg8[%swap3A_205, %swap3A_206, %swap3A_207] : memref<4x128x512xf32, #tpu.memory_space<vmem>>, vector<1x128x128xf32>
        %swap3A_209 = vector.shape_cast %swap3A_208 : vector<1x128x128xf32> to vector<128x128xf32>
        %swap3A_210 = vector.shape_cast %mul3A_202 : vector<128x128xf32> to vector<1x128x128xf32>
        tpu.vector_store %arg8[%swap3A_205, %swap3A_206, %swap3A_207], %swap3A_210 {strides = array<i32>} : memref<4x128x512xf32, #tpu.memory_space<vmem>>, vector<1x128x128xf32>,
        %slice3A_211 = vector.extract_strided_slice %get3A_51 {offsets = [0, 16], sizes = [128, 16], strides = [1, 1]} : vector<128x192xf32> to vector<128x16xf32>
        %slice3A_212 = vector.extract_strided_slice %get3A_196 {offsets = [0, 80], sizes = [128, 16], strides = [1, 1]} : vector<128x192xf32> to vector<128x16xf32>
        %dot_general3A_213 = arith.constant dense<0.000000e+00> : vector<128x128xf32>
        %dot_general3A_214 = tpu.matmul %slice3A_211, %slice3A_212, %dot_general3A_213 {dimension_numbers = #tpu.dot_dimension_numbers<[1], [1], [0], [0], [0, 0, 1, 0], [], []>, transpose_lhs_hint = false} : vector<128x16xf32>, vector<128x16xf32>, vector<128x128xf32> -> vector<128x128xf32>
        %mul3A_215 = arith.constant 2.500000e-01 : f32
        %mul3A_216 = vector.broadcast %mul3A_215 : f32 to vector<128x128xf32>
        %mul3A_217 = arith.mulf %dot_general3A_214, %mul3A_216 : vector<128x128xf32>
        %mul3A_218 = arith.constant 128 : i32
        %mul3A_219 = arith.muli %while3A_190, %mul3A_218 : i32
        %swap3A_220 = arith.constant 1 : index
        %swap3A_221 = arith.constant 0 : index
        %swap3A_222 = arith.index_cast %mul3A_219 : i32 to index
        %swap3A_223 = vector.load %arg8[%swap3A_220, %swap3A_221, %swap3A_222] : memref<4x128x512xf32, #tpu.memory_space<vmem>>, vector<1x128x128xf32>
        %swap3A_224 = vector.shape_cast %swap3A_223 : vector<1x128x128xf32> to vector<128x128xf32>
        %swap3A_225 = vector.shape_cast %mul3A_217 : vector<128x128xf32> to vector<1x128x128xf32>
        tpu.vector_store %arg8[%swap3A_220, %swap3A_221, %swap3A_222], %swap3A_225 {strides = array<i32>} : memref<4x128x512xf32, #tpu.memory_space<vmem>>, vector<1x128x128xf32>,
        %slice3A_226 = vector.extract_strided_slice %get3A_51 {offsets = [0, 32], sizes = [128, 16], strides = [1, 1]} : vector<128x192xf32> to vector<128x16xf32>
        %slice3A_227 = vector.extract_strided_slice %get3A_196 {offsets = [0, 96], sizes = [128, 16], strides = [1, 1]} : vector<128x192xf32> to vector<128x16xf32>
        %dot_general3A_228 = arith.constant dense<0.000000e+00> : vector<128x128xf32>
        %dot_general3A_229 = tpu.matmul %slice3A_226, %slice3A_227, %dot_general3A_228 {dimension_numbers = #tpu.dot_dimension_numbers<[1], [1], [0], [0], [0, 0, 1, 0], [], []>, transpose_lhs_hint = false} : vector<128x16xf32>, vector<128x16xf32>, vector<128x128xf32> -> vector<128x128xf32>
        %mul3A_230 = arith.constant 2.500000e-01 : f32
        %mul3A_231 = vector.broadcast %mul3A_230 : f32 to vector<128x128xf32>
        %mul3A_232 = arith.mulf %dot_general3A_229, %mul3A_231 : vector<128x128xf32>
        %mul3A_233 = arith.constant 128 : i32
        %mul3A_234 = arith.muli %while3A_190, %mul3A_233 : i32
        %swap3A_235 = arith.constant 2 : index
        %swap3A_236 = arith.constant 0 : index
        %swap3A_237 = arith.index_cast %mul3A_234 : i32 to index
        %swap3A_238 = vector.load %arg8[%swap3A_235, %swap3A_236, %swap3A_237] : memref<4x128x512xf32, #tpu.memory_space<vmem>>, vector<1x128x128xf32>
        %swap3A_239 = vector.shape_cast %swap3A_238 : vector<1x128x128xf32> to vector<128x128xf32>
        %swap3A_240 = vector.shape_cast %mul3A_232 : vector<128x128xf32> to vector<1x128x128xf32>
        tpu.vector_store %arg8[%swap3A_235, %swap3A_236, %swap3A_237], %swap3A_240 {strides = array<i32>} : memref<4x128x512xf32, #tpu.memory_space<vmem>>, vector<1x128x128xf32>,
        %slice3A_241 = vector.extract_strided_slice %get3A_51 {offsets = [0, 48], sizes = [128, 16], strides = [1, 1]} : vector<128x192xf32> to vector<128x16xf32>
        %slice3A_242 = vector.extract_strided_slice %get3A_196 {offsets = [0, 112], sizes = [128, 16], strides = [1, 1]} : vector<128x192xf32> to vector<128x16xf32>
        %dot_general3A_243 = arith.constant dense<0.000000e+00> : vector<128x128xf32>
        %dot_general3A_244 = tpu.matmul %slice3A_241, %slice3A_242, %dot_general3A_243 {dimension_numbers = #tpu.dot_dimension_numbers<[1], [1], [0], [0], [0, 0, 1, 0], [], []>, transpose_lhs_hint = false} : vector<128x16xf32>, vector<128x16xf32>, vector<128x128xf32> -> vector<128x128xf32>
        %mul3A_245 = arith.constant 2.500000e-01 : f32
        %mul3A_246 = vector.broadcast %mul3A_245 : f32 to vector<128x128xf32>
        %mul3A_247 = arith.mulf %dot_general3A_244, %mul3A_246 : vector<128x128xf32>
        %mul3A_248 = arith.constant 128 : i32
        %mul3A_249 = arith.muli %while3A_190, %mul3A_248 : i32
        %swap3A_250 = arith.constant 3 : index
        %swap3A_251 = arith.constant 0 : index
        %swap3A_252 = arith.index_cast %mul3A_249 : i32 to index
        %swap3A_253 = vector.load %arg8[%swap3A_250, %swap3A_251, %swap3A_252] : memref<4x128x512xf32, #tpu.memory_space<vmem>>, vector<1x128x128xf32>
        %swap3A_254 = vector.shape_cast %swap3A_253 : vector<1x128x128xf32> to vector<128x128xf32>
        %swap3A_255 = vector.shape_cast %mul3A_247 : vector<128x128xf32> to vector<1x128x128xf32>
        tpu.vector_store %arg8[%swap3A_250, %swap3A_251, %swap3A_252], %swap3A_255 {strides = array<i32>} : memref<4x128x512xf32, #tpu.memory_space<vmem>>, vector<1x128x128xf32>,
        %while3A_256 = arith.constant 0 : i32
        scf.yield %while3A_256 : i32
      }
      %while3A_62 = arith.constant 1 : i32
      %while3A_63 = scf.for %while3A_190 = %while3A_59 to %while3A_55 step %while3A_62 iter_args(%while3A_191 = %while3A_61) -> (i32)  : i32 {
        %mul3A_192 = arith.constant 128 : i32
        %mul3A_193 = arith.muli %while3A_190, %mul3A_192 : i32
        %get3A_194 = arith.index_cast %mul3A_193 : i32 to index
        %get3A_195 = arith.constant 0 : index
        %get3A_196 = vector.load %arg7[%get3A_194, %get3A_195] : memref<512x192xf32, #tpu.memory_space<vmem>>, vector<128x192xf32>
        %slice3A = vector.extract_strided_slice %get3A_51 {offsets = [0, 0], sizes = [128, 16], strides = [1, 1]} : vector<128x192xf32> to vector<128x16xf32>
        %slice3A_197 = vector.extract_strided_slice %get3A_196 {offsets = [0, 64], sizes = [128, 16], strides = [1, 1]} : vector<128x192xf32> to vector<128x16xf32>
        %dot_general3A_198 = arith.constant dense<0.000000e+00> : vector<128x128xf32>
        %dot_general3A_199 = tpu.matmul %slice3A, %slice3A_197, %dot_general3A_198 {dimension_numbers = #tpu.dot_dimension_numbers<[1], [1], [0], [0], [0, 0, 1, 0], [], []>, transpose_lhs_hint = false} : vector<128x16xf32>, vector<128x16xf32>, vector<128x128xf32> -> vector<128x128xf32>
        %mul3A_200 = arith.constant 2.500000e-01 : f32
        %mul3A_201 = vector.broadcast %mul3A_200 : f32 to vector<128x128xf32>
        %mul3A_202 = arith.mulf %dot_general3A_199, %mul3A_201 : vector<128x128xf32>
        %mul3A_203 = arith.constant 128 : i32
        %mul3A_204 = arith.muli %while3A_190, %mul3A_203 : i32
        %swap3A_205 = arith.constant 0 : index
        %swap3A_206 = arith.constant 0 : index
        %swap3A_207 = arith.index_cast %mul3A_204 : i32 to index
        %swap3A_208 = vector.load %arg8[%swap3A_205, %swap3A_206, %swap3A_207] : memref<4x128x512xf32, #tpu.memory_space<vmem>>, vector<1x128x128xf32>
        %swap3A_209 = vector.shape_cast %swap3A_208 : vector<1x128x128xf32> to vector<128x128xf32>
        %swap3A_210 = vector.shape_cast %mul3A_202 : vector<128x128xf32> to vector<1x128x128xf32>
        tpu.vector_store %arg8[%swap3A_205, %swap3A_206, %swap3A_207], %swap3A_210 {strides = array<i32>} : memref<4x128x512xf32, #tpu.memory_space<vmem>>, vector<1x128x128xf32>,
        %slice3A_211 = vector.extract_strided_slice %get3A_51 {offsets = [0, 16], sizes = [128, 16], strides = [1, 1]} : vector<128x192xf32> to vector<128x16xf32>
        %slice3A_212 = vector.extract_strided_slice %get3A_196 {offsets = [0, 80], sizes = [128, 16], strides = [1, 1]} : vector<128x192xf32> to vector<128x16xf32>
        %dot_general3A_213 = arith.constant dense<0.000000e+00> : vector<128x128xf32>
        %dot_general3A_214 = tpu.matmul %slice3A_211, %slice3A_212, %dot_general3A_213 {dimension_numbers = #tpu.dot_dimension_numbers<[1], [1], [0], [0], [0, 0, 1, 0], [], []>, transpose_lhs_hint = false} : vector<128x16xf32>, vector<128x16xf32>, vector<128x128xf32> -> vector<128x128xf32>
        %mul3A_215 = arith.constant 2.500000e-01 : f32
        %mul3A_216 = vector.broadcast %mul3A_215 : f32 to vector<128x128xf32>
        %mul3A_217 = arith.mulf %dot_general3A_214, %mul3A_216 : vector<128x128xf32>
        %mul3A_218 = arith.constant 128 : i32
        %mul3A_219 = arith.muli %while3A_190, %mul3A_218 : i32
        %swap3A_220 = arith.constant 1 : index
        %swap3A_221 = arith.constant 0 : index
        %swap3A_222 = arith.index_cast %mul3A_219 : i32 to index
        %swap3A_223 = vector.load %arg8[%swap3A_220, %swap3A_221, %swap3A_222] : memref<4x128x512xf32, #tpu.memory_space<vmem>>, vector<1x128x128xf32>
        %swap3A_224 = vector.shape_cast %swap3A_223 : vector<1x128x128xf32> to vector<128x128xf32>
        %swap3A_225 = vector.shape_cast %mul3A_217 : vector<128x128xf32> to vector<1x128x128xf32>
        tpu.vector_store %arg8[%swap3A_220, %swap3A_221, %swap3A_222], %swap3A_225 {strides = array<i32>} : memref<4x128x512xf32, #tpu.memory_space<vmem>>, vector<1x128x128xf32>,
        %slice3A_226 = vector.extract_strided_slice %get3A_51 {offsets = [0, 32], sizes = [128, 16], strides = [1, 1]} : vector<128x192xf32> to vector<128x16xf32>
        %slice3A_227 = vector.extract_strided_slice %get3A_196 {offsets = [0, 96], sizes = [128, 16], strides = [1, 1]} : vector<128x192xf32> to vector<128x16xf32>
        %dot_general3A_228 = arith.constant dense<0.000000e+00> : vector<128x128xf32>
        %dot_general3A_229 = tpu.matmul %slice3A_226, %slice3A_227, %dot_general3A_228 {dimension_numbers = #tpu.dot_dimension_numbers<[1], [1], [0], [0], [0, 0, 1, 0], [], []>, transpose_lhs_hint = false} : vector<128x16xf32>, vector<128x16xf32>, vector<128x128xf32> -> vector<128x128xf32>
        %mul3A_230 = arith.constant 2.500000e-01 : f32
        %mul3A_231 = vector.broadcast %mul3A_230 : f32 to vector<128x128xf32>
        %mul3A_232 = arith.mulf %dot_general3A_229, %mul3A_231 : vector<128x128xf32>
        %mul3A_233 = arith.constant 128 : i32
        %mul3A_234 = arith.muli %while3A_190, %mul3A_233 : i32
        %swap3A_235 = arith.constant 2 : index
        %swap3A_236 = arith.constant 0 : index
        %swap3A_237 = arith.index_cast %mul3A_234 : i32 to index
        %swap3A_238 = vector.load %arg8[%swap3A_235, %swap3A_236, %swap3A_237] : memref<4x128x512xf32, #tpu.memory_space<vmem>>, vector<1x128x128xf32>
        %swap3A_239 = vector.shape_cast %swap3A_238 : vector<1x128x128xf32> to vector<128x128xf32>
        %swap3A_240 = vector.shape_cast %mul3A_232 : vector<128x128xf32> to vector<1x128x128xf32>
        tpu.vector_store %arg8[%swap3A_235, %swap3A_236, %swap3A_237], %swap3A_240 {strides = array<i32>} : memref<4x128x512xf32, #tpu.memory_space<vmem>>, vector<1x128x128xf32>,
        %slice3A_241 = vector.extract_strided_slice %get3A_51 {offsets = [0, 48], sizes = [128, 16], strides = [1, 1]} : vector<128x192xf32> to vector<128x16xf32>
        %slice3A_242 = vector.extract_strided_slice %get3A_196 {offsets = [0, 112], sizes = [128, 16], strides = [1, 1]} : vector<128x192xf32> to vector<128x16xf32>
        %dot_general3A_243 = arith.constant dense<0.000000e+00> : vector<128x128xf32>
        %dot_general3A_244 = tpu.matmul %slice3A_241, %slice3A_242, %dot_general3A_243 {dimension_numbers = #tpu.dot_dimension_numbers<[1], [1], [0], [0], [0, 0, 1, 0], [], []>, transpose_lhs_hint = false} : vector<128x16xf32>, vector<128x16xf32>, vector<128x128xf32> -> vector<128x128xf32>
        %mul3A_245 = arith.constant 2.500000e-01 : f32
        %mul3A_246 = vector.broadcast %mul3A_245 : f32 to vector<128x128xf32>
        %mul3A_247 = arith.mulf %dot_general3A_244, %mul3A_246 : vector<128x128xf32>
        %mul3A_248 = arith.constant 128 : i32
        %mul3A_249 = arith.muli %while3A_190, %mul3A_248 : i32
        %swap3A_250 = arith.constant 3 : index
        %swap3A_251 = arith.constant 0 : index
        %swap3A_252 = arith.index_cast %mul3A_249 : i32 to index
        %swap3A_253 = vector.load %arg8[%swap3A_250, %swap3A_251, %swap3A_252] : memref<4x128x512xf32, #tpu.memory_space<vmem>>, vector<1x128x128xf32>
        %swap3A_254 = vector.shape_cast %swap3A_253 : vector<1x128x128xf32> to vector<128x128xf32>
        %swap3A_255 = vector.shape_cast %mul3A_247 : vector<128x128xf32> to vector<1x128x128xf32>
        tpu.vector_store %arg8[%swap3A_250, %swap3A_251, %swap3A_252], %swap3A_255 {strides = array<i32>} : memref<4x128x512xf32, #tpu.memory_space<vmem>>, vector<1x128x128xf32>,
        %while3A_256 = arith.constant 0 : i32
        scf.yield %while3A_256 : i32
      }
      %get3A_64 = arith.constant 0 : index
      %get3A_65 = arith.constant 0 : index
      %get3A_66 = arith.constant 0 : index
      %get3A_67 = vector.load %arg8[%get3A_64, %get3A_65, %get3A_66] : memref<4x128x512xf32, #tpu.memory_space<vmem>>, vector<1x128x512xf32>
      %get3A_68 = vector.shape_cast %get3A_67 : vector<1x128x512xf32> to vector<128x512xf32>
      %jit3A_69 = arith.constant -1.000000e+09 : f32
      %broadcast_in_dim3A = vector.broadcast %jit3A_69 : f32 to vector<128x512xf32>
      %select_n3A_70 = arith.select %lt3A_32, %get3A_68, %broadcast_in_dim3A : vector<128x512xi1>, vector<128x512xf32>
      %reduce_max3A = arith.constant dense<0xFF800000> : vector<128xf32>
      %reduce_max3A_71 = vector.multi_reduction <maximumf>, %select_n3A_70, %reduce_max3A [1] : vector<128x512xf32> to vector<128xf32>
      %broadcast_in_dim3A_72 = vector.shape_cast %reduce_max3A_71 : vector<128xf32> to vector<128x1xf32>
      %sub3A_73 = vector.broadcast %broadcast_in_dim3A_72 : vector<128x1xf32> to vector<128x512xf32>
      %sub3A_74 = arith.subf %select_n3A_70, %sub3A_73 : vector<128x512xf32>
      %exp3A = math.exp %sub3A_74 : vector<128x512xf32>
      %reduce_sum3A = arith.constant dense<0.000000e+00> : vector<128xf32>
      %reduce_sum3A_75 = vector.multi_reduction <add>, %exp3A, %reduce_sum3A [1] : vector<128x512xf32> to vector<128xf32>
      %broadcast_in_dim3A_76 = vector.shape_cast %reduce_sum3A_75 : vector<128xf32> to vector<128x1xf32>
      %div3A_77 = vector.broadcast %broadcast_in_dim3A_76 : vector<128x1xf32> to vector<128x512xf32>
      %div3A_78 = arith.divf %exp3A, %div3A_77 : vector<128x512xf32>
      %swap3A = arith.constant 0 : index
      %swap3A_79 = arith.constant 0 : index
      %swap3A_80 = arith.constant 0 : index
      %swap3A_81 = vector.load %arg8[%swap3A, %swap3A_79, %swap3A_80] : memref<4x128x512xf32, #tpu.memory_space<vmem>>, vector<1x128x512xf32>
      %swap3A_82 = vector.shape_cast %swap3A_81 : vector<1x128x512xf32> to vector<128x512xf32>
      %swap3A_83 = vector.shape_cast %div3A_78 : vector<128x512xf32> to vector<1x128x512xf32>
      tpu.vector_store %arg8[%swap3A, %swap3A_79, %swap3A_80], %swap3A_83 {strides = array<i32>} : memref<4x128x512xf32, #tpu.memory_space<vmem>>, vector<1x128x512xf32>,
      %get3A_84 = arith.constant 1 : index
      %get3A_85 = arith.constant 0 : index
      %get3A_86 = arith.constant 0 : index
      %get3A_87 = vector.load %arg8[%get3A_84, %get3A_85, %get3A_86] : memref<4x128x512xf32, #tpu.memory_space<vmem>>, vector<1x128x512xf32>
      %get3A_88 = vector.shape_cast %get3A_87 : vector<1x128x512xf32> to vector<128x512xf32>
      %jit3A_89 = arith.constant -1.000000e+09 : f32
      %broadcast_in_dim3A_90 = vector.broadcast %jit3A_89 : f32 to vector<128x512xf32>
      %select_n3A_91 = arith.select %lt3A_32, %get3A_88, %broadcast_in_dim3A_90 : vector<128x512xi1>, vector<128x512xf32>
      %reduce_max3A_92 = arith.constant dense<0xFF800000> : vector<128xf32>
      %reduce_max3A_93 = vector.multi_reduction <maximumf>, %select_n3A_91, %reduce_max3A_92 [1] : vector<128x512xf32> to vector<128xf32>
      %broadcast_in_dim3A_94 = vector.shape_cast %reduce_max3A_93 : vector<128xf32> to vector<128x1xf32>
      %sub3A_95 = vector.broadcast %broadcast_in_dim3A_94 : vector<128x1xf32> to vector<128x512xf32>
      %sub3A_96 = arith.subf %select_n3A_91, %sub3A_95 : vector<128x512xf32>
      %exp3A_97 = math.exp %sub3A_96 : vector<128x512xf32>
      %reduce_sum3A_98 = arith.constant dense<0.000000e+00> : vector<128xf32>
      %reduce_sum3A_99 = vector.multi_reduction <add>, %exp3A_97, %reduce_sum3A_98 [1] : vector<128x512xf32> to vector<128xf32>
      %broadcast_in_dim3A_100 = vector.shape_cast %reduce_sum3A_99 : vector<128xf32> to vector<128x1xf32>
      %div3A_101 = vector.broadcast %broadcast_in_dim3A_100 : vector<128x1xf32> to vector<128x512xf32>
      %div3A_102 = arith.divf %exp3A_97, %div3A_101 : vector<128x512xf32>
      %swap3A_103 = arith.constant 1 : index
      %swap3A_104 = arith.constant 0 : index
      %swap3A_105 = arith.constant 0 : index
      %swap3A_106 = vector.load %arg8[%swap3A_103, %swap3A_104, %swap3A_105] : memref<4x128x512xf32, #tpu.memory_space<vmem>>, vector<1x128x512xf32>
      %swap3A_107 = vector.shape_cast %swap3A_106 : vector<1x128x512xf32> to vector<128x512xf32>
      %swap3A_108 = vector.shape_cast %div3A_102 : vector<128x512xf32> to vector<1x128x512xf32>
      tpu.vector_store %arg8[%swap3A_103, %swap3A_104, %swap3A_105], %swap3A_108 {strides = array<i32>} : memref<4x128x512xf32, #tpu.memory_space<vmem>>, vector<1x128x512xf32>,
      %get3A_109 = arith.constant 2 : index
      %get3A_110 = arith.constant 0 : index
      %get3A_111 = arith.constant 0 : index
      %get3A_112 = vector.load %arg8[%get3A_109, %get3A_110, %get3A_111] : memref<4x128x512xf32, #tpu.memory_space<vmem>>, vector<1x128x512xf32>
      %get3A_113 = vector.shape_cast %get3A_112 : vector<1x128x512xf32> to vector<128x512xf32>
      %jit3A_114 = arith.constant -1.000000e+09 : f32
      %broadcast_in_dim3A_115 = vector.broadcast %jit3A_114 : f32 to vector<128x512xf32>
      %select_n3A_116 = arith.select %lt3A_32, %get3A_113, %broadcast_in_dim3A_115 : vector<128x512xi1>, vector<128x512xf32>
      %reduce_max3A_117 = arith.constant dense<0xFF800000> : vector<128xf32>
      %reduce_max3A_118 = vector.multi_reduction <maximumf>, %select_n3A_116, %reduce_max3A_117 [1] : vector<128x512xf32> to vector<128xf32>
      %broadcast_in_dim3A_119 = vector.shape_cast %reduce_max3A_118 : vector<128xf32> to vector<128x1xf32>
      %sub3A_120 = vector.broadcast %broadcast_in_dim3A_119 : vector<128x1xf32> to vector<128x512xf32>
      %sub3A_121 = arith.subf %select_n3A_116, %sub3A_120 : vector<128x512xf32>
      %exp3A_122 = math.exp %sub3A_121 : vector<128x512xf32>
      %reduce_sum3A_123 = arith.constant dense<0.000000e+00> : vector<128xf32>
      %reduce_sum3A_124 = vector.multi_reduction <add>, %exp3A_122, %reduce_sum3A_123 [1] : vector<128x512xf32> to vector<128xf32>
      %broadcast_in_dim3A_125 = vector.shape_cast %reduce_sum3A_124 : vector<128xf32> to vector<128x1xf32>
      %div3A_126 = vector.broadcast %broadcast_in_dim3A_125 : vector<128x1xf32> to vector<128x512xf32>
      %div3A_127 = arith.divf %exp3A_122, %div3A_126 : vector<128x512xf32>
      %swap3A_128 = arith.constant 2 : index
      %swap3A_129 = arith.constant 0 : index
      %swap3A_130 = arith.constant 0 : index
      %swap3A_131 = vector.load %arg8[%swap3A_128, %swap3A_129, %swap3A_130] : memref<4x128x512xf32, #tpu.memory_space<vmem>>, vector<1x128x512xf32>
      %swap3A_132 = vector.shape_cast %swap3A_131 : vector<1x128x512xf32> to vector<128x512xf32>
      %swap3A_133 = vector.shape_cast %div3A_127 : vector<128x512xf32> to vector<1x128x512xf32>
      tpu.vector_store %arg8[%swap3A_128, %swap3A_129, %swap3A_130], %swap3A_133 {strides = array<i32>} : memref<4x128x512xf32, #tpu.memory_space<vmem>>, vector<1x128x512xf32>,
      %get3A_134 = arith.constant 3 : index
      %get3A_135 = arith.constant 0 : index
      %get3A_136 = arith.constant 0 : index
      %get3A_137 = vector.load %arg8[%get3A_134, %get3A_135, %get3A_136] : memref<4x128x512xf32, #tpu.memory_space<vmem>>, vector<1x128x512xf32>
      %get3A_138 = vector.shape_cast %get3A_137 : vector<1x128x512xf32> to vector<128x512xf32>
      %jit3A_139 = arith.constant -1.000000e+09 : f32
      %broadcast_in_dim3A_140 = vector.broadcast %jit3A_139 : f32 to vector<128x512xf32>
      %select_n3A_141 = arith.select %lt3A_32, %get3A_138, %broadcast_in_dim3A_140 : vector<128x512xi1>, vector<128x512xf32>
      %reduce_max3A_142 = arith.constant dense<0xFF800000> : vector<128xf32>
      %reduce_max3A_143 = vector.multi_reduction <maximumf>, %select_n3A_141, %reduce_max3A_142 [1] : vector<128x512xf32> to vector<128xf32>
      %broadcast_in_dim3A_144 = vector.shape_cast %reduce_max3A_143 : vector<128xf32> to vector<128x1xf32>
      %sub3A_145 = vector.broadcast %broadcast_in_dim3A_144 : vector<128x1xf32> to vector<128x512xf32>
      %sub3A_146 = arith.subf %select_n3A_141, %sub3A_145 : vector<128x512xf32>
      %exp3A_147 = math.exp %sub3A_146 : vector<128x512xf32>
      %reduce_sum3A_148 = arith.constant dense<0.000000e+00> : vector<128xf32>
      %reduce_sum3A_149 = vector.multi_reduction <add>, %exp3A_147, %reduce_sum3A_148 [1] : vector<128x512xf32> to vector<128xf32>
      %broadcast_in_dim3A_150 = vector.shape_cast %reduce_sum3A_149 : vector<128xf32> to vector<128x1xf32>
      %div3A_151 = vector.broadcast %broadcast_in_dim3A_150 : vector<128x1xf32> to vector<128x512xf32>
      %div3A_152 = arith.divf %exp3A_147, %div3A_151 : vector<128x512xf32>
      %swap3A_153 = arith.constant 3 : index
      %swap3A_154 = arith.constant 0 : index
      %swap3A_155 = arith.constant 0 : index
      %swap3A_156 = vector.load %arg8[%swap3A_153, %swap3A_154, %swap3A_155] : memref<4x128x512xf32, #tpu.memory_space<vmem>>, vector<1x128x512xf32>
      %swap3A_157 = vector.shape_cast %swap3A_156 : vector<1x128x512xf32> to vector<128x512xf32>
      %swap3A_158 = vector.shape_cast %div3A_152 : vector<128x512xf32> to vector<1x128x512xf32>
      tpu.vector_store %arg8[%swap3A_153, %swap3A_154, %swap3A_155], %swap3A_158 {strides = array<i32>} : memref<4x128x512xf32, #tpu.memory_space<vmem>>, vector<1x128x512xf32>,
      %broadcast_in_dim3A_159 = arith.constant 0.000000e+00 : f32
      %broadcast_in_dim3A_160 = vector.broadcast %broadcast_in_dim3A_159 : f32 to vector<128x64xf32>
      %while3A_161 = arith.constant 0 : i32
      %while3A_162 = arith.subi %select_n3A, %while3A_161 : i32
      %while3A_163 = arith.addi %while3A_161, %while3A_162 : i32
      %while3A_164 = arith.constant 1 : i32
      %while3A_165 = arith.divsi %while3A_162, %while3A_164 : i32
      %while3A_166 = arith.muli %while3A_165, %while3A_164 : i32
      %while3A_167 = arith.addi %while3A_161, %while3A_166 : i32
      %while3A_168 = arith.constant 1 : i32
      %while3A_169 = scf.for %while3A_190 = %while3A_161 to %while3A_167 step %while3A_168 iter_args(%while3A_191 = %broadcast_in_dim3A_160) -> (vector<128x64xf32>)  : i32 {
        %mul3A_192 = arith.constant 128 : i32
        %mul3A_193 = arith.muli %while3A_190, %mul3A_192 : i32
        %get3A_194 = arith.index_cast %mul3A_193 : i32 to index
        %get3A_195 = arith.constant 0 : index
        %get3A_196 = vector.load %arg7[%get3A_194, %get3A_195] : memref<512x192xf32, #tpu.memory_space<vmem>>, vector<128x192xf32>
        %mul3A_197 = arith.constant 128 : i32
        %mul3A_198 = arith.muli %while3A_190, %mul3A_197 : i32
        %iota3A_199 = tpu.iota {dimensions = array<i32: 0>} : vector<128x1xi32>
        %add3A_200 = vector.broadcast %mul3A_198 : i32 to vector<128x1xi32>
        %add3A_201 = arith.addi %add3A_200, %iota3A_199 : vector<128x1xi32>
        %lt3A_202 = vector.broadcast %get3A_0 : i32 to vector<128x1xi32>
        %lt3A_203 = arith.cmpi slt, %add3A_201, %lt3A_202 : vector<128x1xi32>
        %mul3A_204 = arith.constant 128 : i32
        %mul3A_205 = arith.muli %while3A_190, %mul3A_204 : i32
        %get3A_206 = arith.constant 0 : index
        %get3A_207 = arith.constant 0 : index
        %get3A_208 = arith.index_cast %mul3A_205 : i32 to index
        %get3A_209 = vector.load %arg8[%get3A_206, %get3A_207, %get3A_208] : memref<4x128x512xf32, #tpu.memory_space<vmem>>, vector<1x128x128xf32>
        %get3A_210 = vector.shape_cast %get3A_209 : vector<1x128x128xf32> to vector<128x128xf32>
        %slice3A = vector.extract_strided_slice %get3A_196 {offsets = [0, 128], sizes = [128, 16], strides = [1, 1]} : vector<128x192xf32> to vector<128x16xf32>
        %jit3A_211 = arith.constant 0.000000e+00 : f32
        %broadcast_in_dim3A_212 = vector.shape_cast %lt3A_203 : vector<128x1xi1> to vector<128x1xi1>
        %broadcast_in_dim3A_213 = vector.broadcast %broadcast_in_dim3A_212 : vector<128x1xi1> to vector<128x16xi1>
        %broadcast_in_dim3A_214 = vector.broadcast %jit3A_211 : f32 to vector<128x16xf32>
        %select_n3A_215 = arith.select %broadcast_in_dim3A_213, %slice3A, %broadcast_in_dim3A_214 : vector<128x16xi1>, vector<128x16xf32>
        %dot_general3A_216 = arith.constant dense<0.000000e+00> : vector<128x16xf32>
        %dot_general3A_217 = tpu.matmul %get3A_210, %select_n3A_215, %dot_general3A_216 {dimension_numbers = #tpu.dot_dimension_numbers<[1], [0], [0], [1], [0, 0, 1, 1], [], []>, transpose_lhs_hint = false} : vector<128x128xf32>, vector<128x16xf32>, vector<128x16xf32> -> vector<128x16xf32>
        %mul3A_218 = arith.constant 128 : i32
        %mul3A_219 = arith.muli %while3A_190, %mul3A_218 : i32
        %get3A_220 = arith.constant 1 : index
        %get3A_221 = arith.constant 0 : index
        %get3A_222 = arith.index_cast %mul3A_219 : i32 to index
        %get3A_223 = vector.load %arg8[%get3A_220, %get3A_221, %get3A_222] : memref<4x128x512xf32, #tpu.memory_space<vmem>>, vector<1x128x128xf32>
        %get3A_224 = vector.shape_cast %get3A_223 : vector<1x128x128xf32> to vector<128x128xf32>
        %slice3A_225 = vector.extract_strided_slice %get3A_196 {offsets = [0, 144], sizes = [128, 16], strides = [1, 1]} : vector<128x192xf32> to vector<128x16xf32>
        %jit3A_226 = arith.constant 0.000000e+00 : f32
        %broadcast_in_dim3A_227 = vector.shape_cast %lt3A_203 : vector<128x1xi1> to vector<128x1xi1>
        %broadcast_in_dim3A_228 = vector.broadcast %broadcast_in_dim3A_227 : vector<128x1xi1> to vector<128x16xi1>
        %broadcast_in_dim3A_229 = vector.broadcast %jit3A_226 : f32 to vector<128x16xf32>
        %select_n3A_230 = arith.select %broadcast_in_dim3A_228, %slice3A_225, %broadcast_in_dim3A_229 : vector<128x16xi1>, vector<128x16xf32>
        %dot_general3A_231 = arith.constant dense<0.000000e+00> : vector<128x16xf32>
        %dot_general3A_232 = tpu.matmul %get3A_224, %select_n3A_230, %dot_general3A_231 {dimension_numbers = #tpu.dot_dimension_numbers<[1], [0], [0], [1], [0, 0, 1, 1], [], []>, transpose_lhs_hint = false} : vector<128x128xf32>, vector<128x16xf32>, vector<128x16xf32> -> vector<128x16xf32>
        %mul3A_233 = arith.constant 128 : i32
        %mul3A_234 = arith.muli %while3A_190, %mul3A_233 : i32
        %get3A_235 = arith.constant 2 : index
        %get3A_236 = arith.constant 0 : index
        %get3A_237 = arith.index_cast %mul3A_234 : i32 to index
        %get3A_238 = vector.load %arg8[%get3A_235, %get3A_236, %get3A_237] : memref<4x128x512xf32, #tpu.memory_space<vmem>>, vector<1x128x128xf32>
        %get3A_239 = vector.shape_cast %get3A_238 : vector<1x128x128xf32> to vector<128x128xf32>
        %slice3A_240 = vector.extract_strided_slice %get3A_196 {offsets = [0, 160], sizes = [128, 16], strides = [1, 1]} : vector<128x192xf32> to vector<128x16xf32>
        %jit3A_241 = arith.constant 0.000000e+00 : f32
        %broadcast_in_dim3A_242 = vector.shape_cast %lt3A_203 : vector<128x1xi1> to vector<128x1xi1>
        %broadcast_in_dim3A_243 = vector.broadcast %broadcast_in_dim3A_242 : vector<128x1xi1> to vector<128x16xi1>
        %broadcast_in_dim3A_244 = vector.broadcast %jit3A_241 : f32 to vector<128x16xf32>
        %select_n3A_245 = arith.select %broadcast_in_dim3A_243, %slice3A_240, %broadcast_in_dim3A_244 : vector<128x16xi1>, vector<128x16xf32>
        %dot_general3A_246 = arith.constant dense<0.000000e+00> : vector<128x16xf32>
        %dot_general3A_247 = tpu.matmul %get3A_239, %select_n3A_245, %dot_general3A_246 {dimension_numbers = #tpu.dot_dimension_numbers<[1], [0], [0], [1], [0, 0, 1, 1], [], []>, transpose_lhs_hint = false} : vector<128x128xf32>, vector<128x16xf32>, vector<128x16xf32> -> vector<128x16xf32>
        %mul3A_248 = arith.constant 128 : i32
        %mul3A_249 = arith.muli %while3A_190, %mul3A_248 : i32
        %get3A_250 = arith.constant 3 : index
        %get3A_251 = arith.constant 0 : index
        %get3A_252 = arith.index_cast %mul3A_249 : i32 to index
        %get3A_253 = vector.load %arg8[%get3A_250, %get3A_251, %get3A_252] : memref<4x128x512xf32, #tpu.memory_space<vmem>>, vector<1x128x128xf32>
        %get3A_254 = vector.shape_cast %get3A_253 : vector<1x128x128xf32> to vector<128x128xf32>
        %slice3A_255 = vector.extract_strided_slice %get3A_196 {offsets = [0, 176], sizes = [128, 16], strides = [1, 1]} : vector<128x192xf32> to vector<128x16xf32>
        %jit3A_256 = arith.constant 0.000000e+00 : f32
        %broadcast_in_dim3A_257 = vector.shape_cast %lt3A_203 : vector<128x1xi1> to vector<128x1xi1>
        %broadcast_in_dim3A_258 = vector.broadcast %broadcast_in_dim3A_257 : vector<128x1xi1> to vector<128x16xi1>
        %broadcast_in_dim3A_259 = vector.broadcast %jit3A_256 : f32 to vector<128x16xf32>
        %select_n3A_260 = arith.select %broadcast_in_dim3A_258, %slice3A_255, %broadcast_in_dim3A_259 : vector<128x16xi1>, vector<128x16xf32>
        %dot_general3A_261 = arith.constant dense<0.000000e+00> : vector<128x16xf32>
        %dot_general3A_262 = tpu.matmul %get3A_254, %select_n3A_260, %dot_general3A_261 {dimension_numbers = #tpu.dot_dimension_numbers<[1], [0], [0], [1], [0, 0, 1, 1], [], []>, transpose_lhs_hint = false} : vector<128x128xf32>, vector<128x16xf32>, vector<128x16xf32> -> vector<128x16xf32>
        %concatenate3A = tpu.concatenate %dot_general3A_217, %dot_general3A_232, %dot_general3A_247, %dot_general3A_262 in 1 : vector<128x16xf32>, vector<128x16xf32>, vector<128x16xf32>, vector<128x16xf32> -> vector<128x64xf32>
        %add3A_263 = arith.addf %while3A_191, %concatenate3A : vector<128x64xf32>
        scf.yield %add3A_263 : vector<128x64xf32>
      }
      %while3A_170 = arith.constant 1 : i32
      %while3A_171 = scf.for %while3A_190 = %while3A_167 to %while3A_163 step %while3A_170 iter_args(%while3A_191 = %while3A_169) -> (vector<128x64xf32>)  : i32 {
        %mul3A_192 = arith.constant 128 : i32
        %mul3A_193 = arith.muli %while3A_190, %mul3A_192 : i32
        %get3A_194 = arith.index_cast %mul3A_193 : i32 to index
        %get3A_195 = arith.constant 0 : index
        %get3A_196 = vector.load %arg7[%get3A_194, %get3A_195] : memref<512x192xf32, #tpu.memory_space<vmem>>, vector<128x192xf32>
        %mul3A_197 = arith.constant 128 : i32
        %mul3A_198 = arith.muli %while3A_190, %mul3A_197 : i32
        %iota3A_199 = tpu.iota {dimensions = array<i32: 0>} : vector<128x1xi32>
        %add3A_200 = vector.broadcast %mul3A_198 : i32 to vector<128x1xi32>
        %add3A_201 = arith.addi %add3A_200, %iota3A_199 : vector<128x1xi32>
        %lt3A_202 = vector.broadcast %get3A_0 : i32 to vector<128x1xi32>
        %lt3A_203 = arith.cmpi slt, %add3A_201, %lt3A_202 : vector<128x1xi32>
        %mul3A_204 = arith.constant 128 : i32
        %mul3A_205 = arith.muli %while3A_190, %mul3A_204 : i32
        %get3A_206 = arith.constant 0 : index
        %get3A_207 = arith.constant 0 : index
        %get3A_208 = arith.index_cast %mul3A_205 : i32 to index
        %get3A_209 = vector.load %arg8[%get3A_206, %get3A_207, %get3A_208] : memref<4x128x512xf32, #tpu.memory_space<vmem>>, vector<1x128x128xf32>
        %get3A_210 = vector.shape_cast %get3A_209 : vector<1x128x128xf32> to vector<128x128xf32>
        %slice3A = vector.extract_strided_slice %get3A_196 {offsets = [0, 128], sizes = [128, 16], strides = [1, 1]} : vector<128x192xf32> to vector<128x16xf32>
        %jit3A_211 = arith.constant 0.000000e+00 : f32
        %broadcast_in_dim3A_212 = vector.shape_cast %lt3A_203 : vector<128x1xi1> to vector<128x1xi1>
        %broadcast_in_dim3A_213 = vector.broadcast %broadcast_in_dim3A_212 : vector<128x1xi1> to vector<128x16xi1>
        %broadcast_in_dim3A_214 = vector.broadcast %jit3A_211 : f32 to vector<128x16xf32>
        %select_n3A_215 = arith.select %broadcast_in_dim3A_213, %slice3A, %broadcast_in_dim3A_214 : vector<128x16xi1>, vector<128x16xf32>
        %dot_general3A_216 = arith.constant dense<0.000000e+00> : vector<128x16xf32>
        %dot_general3A_217 = tpu.matmul %get3A_210, %select_n3A_215, %dot_general3A_216 {dimension_numbers = #tpu.dot_dimension_numbers<[1], [0], [0], [1], [0, 0, 1, 1], [], []>, transpose_lhs_hint = false} : vector<128x128xf32>, vector<128x16xf32>, vector<128x16xf32> -> vector<128x16xf32>
        %mul3A_218 = arith.constant 128 : i32
        %mul3A_219 = arith.muli %while3A_190, %mul3A_218 : i32
        %get3A_220 = arith.constant 1 : index
        %get3A_221 = arith.constant 0 : index
        %get3A_222 = arith.index_cast %mul3A_219 : i32 to index
        %get3A_223 = vector.load %arg8[%get3A_220, %get3A_221, %get3A_222] : memref<4x128x512xf32, #tpu.memory_space<vmem>>, vector<1x128x128xf32>
        %get3A_224 = vector.shape_cast %get3A_223 : vector<1x128x128xf32> to vector<128x128xf32>
        %slice3A_225 = vector.extract_strided_slice %get3A_196 {offsets = [0, 144], sizes = [128, 16], strides = [1, 1]} : vector<128x192xf32> to vector<128x16xf32>
        %jit3A_226 = arith.constant 0.000000e+00 : f32
        %broadcast_in_dim3A_227 = vector.shape_cast %lt3A_203 : vector<128x1xi1> to vector<128x1xi1>
        %broadcast_in_dim3A_228 = vector.broadcast %broadcast_in_dim3A_227 : vector<128x1xi1> to vector<128x16xi1>
        %broadcast_in_dim3A_229 = vector.broadcast %jit3A_226 : f32 to vector<128x16xf32>
        %select_n3A_230 = arith.select %broadcast_in_dim3A_228, %slice3A_225, %broadcast_in_dim3A_229 : vector<128x16xi1>, vector<128x16xf32>
        %dot_general3A_231 = arith.constant dense<0.000000e+00> : vector<128x16xf32>
        %dot_general3A_232 = tpu.matmul %get3A_224, %select_n3A_230, %dot_general3A_231 {dimension_numbers = #tpu.dot_dimension_numbers<[1], [0], [0], [1], [0, 0, 1, 1], [], []>, transpose_lhs_hint = false} : vector<128x128xf32>, vector<128x16xf32>, vector<128x16xf32> -> vector<128x16xf32>
        %mul3A_233 = arith.constant 128 : i32
        %mul3A_234 = arith.muli %while3A_190, %mul3A_233 : i32
        %get3A_235 = arith.constant 2 : index
        %get3A_236 = arith.constant 0 : index
        %get3A_237 = arith.index_cast %mul3A_234 : i32 to index
        %get3A_238 = vector.load %arg8[%get3A_235, %get3A_236, %get3A_237] : memref<4x128x512xf32, #tpu.memory_space<vmem>>, vector<1x128x128xf32>
        %get3A_239 = vector.shape_cast %get3A_238 : vector<1x128x128xf32> to vector<128x128xf32>
        %slice3A_240 = vector.extract_strided_slice %get3A_196 {offsets = [0, 160], sizes = [128, 16], strides = [1, 1]} : vector<128x192xf32> to vector<128x16xf32>
        %jit3A_241 = arith.constant 0.000000e+00 : f32
        %broadcast_in_dim3A_242 = vector.shape_cast %lt3A_203 : vector<128x1xi1> to vector<128x1xi1>
        %broadcast_in_dim3A_243 = vector.broadcast %broadcast_in_dim3A_242 : vector<128x1xi1> to vector<128x16xi1>
        %broadcast_in_dim3A_244 = vector.broadcast %jit3A_241 : f32 to vector<128x16xf32>
        %select_n3A_245 = arith.select %broadcast_in_dim3A_243, %slice3A_240, %broadcast_in_dim3A_244 : vector<128x16xi1>, vector<128x16xf32>
        %dot_general3A_246 = arith.constant dense<0.000000e+00> : vector<128x16xf32>
        %dot_general3A_247 = tpu.matmul %get3A_239, %select_n3A_245, %dot_general3A_246 {dimension_numbers = #tpu.dot_dimension_numbers<[1], [0], [0], [1], [0, 0, 1, 1], [], []>, transpose_lhs_hint = false} : vector<128x128xf32>, vector<128x16xf32>, vector<128x16xf32> -> vector<128x16xf32>
        %mul3A_248 = arith.constant 128 : i32
        %mul3A_249 = arith.muli %while3A_190, %mul3A_248 : i32
        %get3A_250 = arith.constant 3 : index
        %get3A_251 = arith.constant 0 : index
        %get3A_252 = arith.index_cast %mul3A_249 : i32 to index
        %get3A_253 = vector.load %arg8[%get3A_250, %get3A_251, %get3A_252] : memref<4x128x512xf32, #tpu.memory_space<vmem>>, vector<1x128x128xf32>
        %get3A_254 = vector.shape_cast %get3A_253 : vector<1x128x128xf32> to vector<128x128xf32>
        %slice3A_255 = vector.extract_strided_slice %get3A_196 {offsets = [0, 176], sizes = [128, 16], strides = [1, 1]} : vector<128x192xf32> to vector<128x16xf32>
        %jit3A_256 = arith.constant 0.000000e+00 : f32
        %broadcast_in_dim3A_257 = vector.shape_cast %lt3A_203 : vector<128x1xi1> to vector<128x1xi1>
        %broadcast_in_dim3A_258 = vector.broadcast %broadcast_in_dim3A_257 : vector<128x1xi1> to vector<128x16xi1>
        %broadcast_in_dim3A_259 = vector.broadcast %jit3A_256 : f32 to vector<128x16xf32>
        %select_n3A_260 = arith.select %broadcast_in_dim3A_258, %slice3A_255, %broadcast_in_dim3A_259 : vector<128x16xi1>, vector<128x16xf32>
        %dot_general3A_261 = arith.constant dense<0.000000e+00> : vector<128x16xf32>
        %dot_general3A_262 = tpu.matmul %get3A_254, %select_n3A_260, %dot_general3A_261 {dimension_numbers = #tpu.dot_dimension_numbers<[1], [0], [0], [1], [0, 0, 1, 1], [], []>, transpose_lhs_hint = false} : vector<128x128xf32>, vector<128x16xf32>, vector<128x16xf32> -> vector<128x16xf32>
        %concatenate3A = tpu.concatenate %dot_general3A_217, %dot_general3A_232, %dot_general3A_247, %dot_general3A_262 in 1 : vector<128x16xf32>, vector<128x16xf32>, vector<128x16xf32>, vector<128x16xf32> -> vector<128x64xf32>
        %add3A_263 = arith.addf %while3A_191, %concatenate3A : vector<128x64xf32>
        scf.yield %add3A_263 : vector<128x64xf32>
      }
      %get3A_172 = arith.constant 0 : index
      %get3A_173 = arith.constant 0 : index
      %get3A_174 = vector.load %arg4[%get3A_172, %get3A_173] : memref<64x64xf32, #tpu.memory_space<vmem>>, vector<64x64xf32>
      %dot_general3A = arith.constant dense<0.000000e+00> : vector<128x64xf32>
      %dot_general3A_175 = tpu.matmul %while3A_171, %get3A_174, %dot_general3A {dimension_numbers = #tpu.dot_dimension_numbers<[1], [0], [0], [1], [0, 0, 1, 1], [], []>, transpose_lhs_hint = false} : vector<128x64xf32>, vector<64x64xf32>, vector<128x64xf32> -> vector<128x64xf32>
      %get3A_176 = arith.constant 0 : index
      %get3A_177 = arith.constant 0 : index
      %get3A_178 = vector.load %arg5[%get3A_176, %get3A_177] : memref<1x64xf32, #tpu.memory_space<vmem>>, vector<1x64xf32>
      %add3A_179 = vector.broadcast %get3A_178 : vector<1x64xf32> to vector<128x64xf32>
      %add3A_180 = arith.addf %dot_general3A_175, %add3A_179 : vector<128x64xf32>
      %swap3A_181 = arith.constant 0 : index
      %swap3A_182 = arith.constant 0 : index
      %swap3A_183 = vector.load %arg9[%swap3A_181, %swap3A_182] : memref<128x64xf32, #tpu.memory_space<vmem>>, vector<128x64xf32>
      tpu.vector_store %arg9[%swap3A_181, %swap3A_182], %add3A_180 {strides = array<i32>} : memref<128x64xf32, #tpu.memory_space<vmem>>, vector<128x64xf32>,
      %mul3A_184 = arith.constant 128 : i32
      %mul3A_185 = arith.muli %while3A_45, %mul3A_184 : i32
      %add3A_186 = arith.addi %mul3A_20, %mul3A_185 : i32
      %dma_start3A = arith.constant 0 : i32
      %dma_start3A_187 = tpu.memref_slice %arg6[%add3A_186, %dma_start3A] : memref<256008x64xf32, #tpu.memory_space<any>> -> memref<128x64xf32, #tpu.memory_space<any>>
      tpu.enqueue_dma source(%arg9 : memref<128x64xf32, #tpu.memory_space<vmem>>) target(%dma_start3A_187 : memref<128x64xf32, #tpu.memory_space<any>>) target_semaphore(%arg11 : memref<!tpu.dma_semaphore, #tpu.memory_space<semaphore_mem>>)
      %dma_wait3A = arith.constant 0 : i32
      %dma_wait3A_188 = tpu.memref_slice %arg6[%add3A_186, %dma_wait3A] : memref<256008x64xf32, #tpu.memory_space<any>> -> memref<128x64xf32, #tpu.memory_space<any>>
      tpu.wait_dma2 semaphore(%arg11 : memref<!tpu.dma_semaphore, #tpu.memory_space<semaphore_mem>>) src(%arg9 : memref<128x64xf32, #tpu.memory_space<vmem>>) dst(%dma_wait3A_188 : memref<128x64xf32, #tpu.memory_space<any>>)
      %while3A_189 = arith.constant 0 : i32
      scf.yield %while3A_189 : i32
    }
    return
  }
  func.func @transform_0(%arg0: i32) -> i32 {
    %c0_i32 = arith.constant 0 : i32
    %c0_i32_0 = arith.constant 0 : i32
    return %c0_i32 : i32
  }
  func.func @transform_1(%arg0: i32) -> i32 {
    %c0_i32 = arith.constant 0 : i32
    %c0_i32_0 = arith.constant 0 : i32
    return %c0_i32 : i32
  }
  func.func @transform_3(%arg0: i32) -> (i32, i32) {
    %c0_i32 = arith.constant 0 : i32
    %c0_i32_0 = arith.constant 0 : i32
    %c0_i32_1 = arith.constant 0 : i32
    return %c0_i32, %c0_i32_0 : i32, i32
  }
  func.func @transform_4(%arg0: i32) -> (i32, i32) {
    %c0_i32 = arith.constant 0 : i32
    %c0_i32_0 = arith.constant 0 : i32
    %c0_i32_1 = arith.constant 0 : i32
    return %c0_i32, %c0_i32_0 : i32, i32
  }
}

module attributes {stable_mosaic.version = 14 : i64} {
  func.func @_stats_body(%arg0: i32, %arg1: memref<1000x64xf32, #tpu.memory_space<vmem>>, %arg2: memref<2x64xf32, #tpu.memory_space<vmem>>) attributes {dimension_semantics = [#tpu.dimension_semantics<arbitrary>], iteration_bounds = array<i64: 50>, scalar_prefetch = 0 : i64, scratch_operands = 0 : i64, tpu.core_type = #tpu.core_type<tc>, window_params = [{transform_indices = @transform_0, window_bounds = array<i64: 1000, 64>}, {pipeline_mode = #tpu.pipeline_mode<synchronous>, transform_indices = @transform_1, window_bounds = array<i64: 2, 64>}]} {
    %eq3A = arith.constant 0 : i32
    %eq3A_0 = arith.cmpi eq, %arg0, %eq3A : i32
    %convert_element_type3A = arith.extui %eq3A_0 : i1 to i32
    %cond3A = arith.constant 0 : i32
    %cond3A_1 = arith.cmpi ne, %convert_element_type3A, %cond3A : i32
    scf.if %cond3A_1 {
      %broadcast_in_dim3A_20 = arith.constant 0.000000e+00 : f32
      %broadcast_in_dim3A_21 = vector.broadcast %broadcast_in_dim3A_20 : f32 to vector<2x64xf32>
      %swap3A_22 = arith.constant 0 : index
      %swap3A_23 = arith.constant 0 : index
      %swap3A_24 = vector.load %arg2[%swap3A_22, %swap3A_23] : memref<2x64xf32, #tpu.memory_space<vmem>>, vector<2x64xf32>
      tpu.vector_store %arg2[%swap3A_22, %swap3A_23], %broadcast_in_dim3A_21 {strides = array<i32>} : memref<2x64xf32, #tpu.memory_space<vmem>>, vector<2x64xf32>,
    } else {
    }
    %get3A = arith.constant 0 : index
    %get3A_2 = arith.constant 0 : index
    %get3A_3 = vector.load %arg1[%get3A, %get3A_2] : memref<1000x64xf32, #tpu.memory_space<vmem>>, vector<1000x64xf32>
    %get3A_4 = arith.constant 0 : index
    %get3A_5 = arith.constant 0 : index
    %get3A_6 = vector.load %arg2[%get3A_4, %get3A_5] : memref<2x64xf32, #tpu.memory_space<vmem>>, vector<1x64xf32>
    %reduce_sum3A = arith.constant dense<0.000000e+00> : vector<64xf32>
    %reduce_sum3A_7 = vector.multi_reduction <add>, %get3A_3, %reduce_sum3A [0] : vector<1000x64xf32> to vector<64xf32>
    %broadcast_in_dim3A = vector.shape_cast %reduce_sum3A_7 : vector<64xf32> to vector<1x64xf32>
    %add3A = arith.addf %get3A_6, %broadcast_in_dim3A : vector<1x64xf32>
    %swap3A = arith.constant 0 : index
    %swap3A_8 = arith.constant 0 : index
    %swap3A_9 = vector.load %arg2[%swap3A, %swap3A_8] : memref<2x64xf32, #tpu.memory_space<vmem>>, vector<1x64xf32>
    tpu.vector_store %arg2[%swap3A, %swap3A_8], %add3A {strides = array<i32>} : memref<2x64xf32, #tpu.memory_space<vmem>>, vector<1x64xf32>,
    %get3A_10 = arith.constant 1 : index
    %get3A_11 = arith.constant 0 : index
    %get3A_12 = vector.load %arg2[%get3A_10, %get3A_11] : memref<2x64xf32, #tpu.memory_space<vmem>>, vector<1x64xf32>
    %mul3A = arith.mulf %get3A_3, %get3A_3 : vector<1000x64xf32>
    %reduce_sum3A_13 = arith.constant dense<0.000000e+00> : vector<64xf32>
    %reduce_sum3A_14 = vector.multi_reduction <add>, %mul3A, %reduce_sum3A_13 [0] : vector<1000x64xf32> to vector<64xf32>
    %broadcast_in_dim3A_15 = vector.shape_cast %reduce_sum3A_14 : vector<64xf32> to vector<1x64xf32>
    %add3A_16 = arith.addf %get3A_12, %broadcast_in_dim3A_15 : vector<1x64xf32>
    %swap3A_17 = arith.constant 1 : index
    %swap3A_18 = arith.constant 0 : index
    %swap3A_19 = vector.load %arg2[%swap3A_17, %swap3A_18] : memref<2x64xf32, #tpu.memory_space<vmem>>, vector<1x64xf32>
    tpu.vector_store %arg2[%swap3A_17, %swap3A_18], %add3A_16 {strides = array<i32>} : memref<2x64xf32, #tpu.memory_space<vmem>>, vector<1x64xf32>,
    return
  }
  func.func @transform_0(%arg0: i32) -> (i32, i32) {
    %c0_i32 = arith.constant 0 : i32
    %c0_i32_0 = arith.constant 0 : i32
    return %arg0, %c0_i32 : i32, i32
  }
  func.func @transform_1(%arg0: i32) -> (i32, i32) {
    %c0_i32 = arith.constant 0 : i32
    %c0_i32_0 = arith.constant 0 : i32
    %c0_i32_1 = arith.constant 0 : i32
    return %c0_i32, %c0_i32_0 : i32, i32
  }
}

module attributes {stable_mosaic.version = 14 : i64} {
  func.func @_stats2_body(%arg0: i32, %arg1: memref<1000x64xf32, #tpu.memory_space<vmem>>, %arg2: memref<1000x64xf32, #tpu.memory_space<vmem>>, %arg3: memref<1x64xf32, #tpu.memory_space<vmem>>, %arg4: memref<1x64xf32, #tpu.memory_space<vmem>>, %arg5: memref<2x64xf32, #tpu.memory_space<vmem>>) attributes {dimension_semantics = [#tpu.dimension_semantics<arbitrary>], iteration_bounds = array<i64: 50>, scalar_prefetch = 0 : i64, scratch_operands = 0 : i64, tpu.core_type = #tpu.core_type<tc>, window_params = [{transform_indices = @transform_0, window_bounds = array<i64: 1000, 64>}, {transform_indices = @transform_1, window_bounds = array<i64: 1000, 64>}, {pipeline_mode = #tpu.pipeline_mode<synchronous>, transform_indices = @transform_2, window_bounds = array<i64: 1, 64>}, {pipeline_mode = #tpu.pipeline_mode<synchronous>, transform_indices = @transform_3, window_bounds = array<i64: 1, 64>}, {pipeline_mode = #tpu.pipeline_mode<synchronous>, transform_indices = @transform_4, window_bounds = array<i64: 2, 64>}]} {
    %eq3A = arith.constant 0 : i32
    %eq3A_0 = arith.cmpi eq, %arg0, %eq3A : i32
    %convert_element_type3A = arith.extui %eq3A_0 : i1 to i32
    %cond3A = arith.constant 0 : i32
    %cond3A_1 = arith.cmpi ne, %convert_element_type3A, %cond3A : i32
    scf.if %cond3A_1 {
      %broadcast_in_dim3A_34 = arith.constant 0.000000e+00 : f32
      %broadcast_in_dim3A_35 = vector.broadcast %broadcast_in_dim3A_34 : f32 to vector<2x64xf32>
      %swap3A_36 = arith.constant 0 : index
      %swap3A_37 = arith.constant 0 : index
      %swap3A_38 = vector.load %arg5[%swap3A_36, %swap3A_37] : memref<2x64xf32, #tpu.memory_space<vmem>>, vector<2x64xf32>
      tpu.vector_store %arg5[%swap3A_36, %swap3A_37], %broadcast_in_dim3A_35 {strides = array<i32>} : memref<2x64xf32, #tpu.memory_space<vmem>>, vector<2x64xf32>,
    } else {
    }
    %get3A = arith.constant 0 : index
    %get3A_2 = arith.constant 0 : index
    %get3A_3 = vector.load %arg1[%get3A, %get3A_2] : memref<1000x64xf32, #tpu.memory_space<vmem>>, vector<1000x64xf32>
    %get3A_4 = arith.constant 0 : index
    %get3A_5 = arith.constant 0 : index
    %get3A_6 = vector.load %arg2[%get3A_4, %get3A_5] : memref<1000x64xf32, #tpu.memory_space<vmem>>, vector<1000x64xf32>
    %get3A_7 = arith.constant 0 : index
    %get3A_8 = arith.constant 0 : index
    %get3A_9 = vector.load %arg3[%get3A_7, %get3A_8] : memref<1x64xf32, #tpu.memory_space<vmem>>, vector<1x64xf32>
    %mul3A = vector.broadcast %get3A_9 : vector<1x64xf32> to vector<1000x64xf32>
    %mul3A_10 = arith.mulf %get3A_6, %mul3A : vector<1000x64xf32>
    %add3A = arith.addf %get3A_3, %mul3A_10 : vector<1000x64xf32>
    %get3A_11 = arith.constant 0 : index
    %get3A_12 = arith.constant 0 : index
    %get3A_13 = vector.load %arg4[%get3A_11, %get3A_12] : memref<1x64xf32, #tpu.memory_space<vmem>>, vector<1x64xf32>
    %add3A_14 = vector.broadcast %get3A_13 : vector<1x64xf32> to vector<1000x64xf32>
    %add3A_15 = arith.addf %add3A, %add3A_14 : vector<1000x64xf32>
    %get3A_16 = arith.constant 0 : index
    %get3A_17 = arith.constant 0 : index
    %get3A_18 = vector.load %arg5[%get3A_16, %get3A_17] : memref<2x64xf32, #tpu.memory_space<vmem>>, vector<1x64xf32>
    %reduce_sum3A = arith.constant dense<0.000000e+00> : vector<64xf32>
    %reduce_sum3A_19 = vector.multi_reduction <add>, %add3A_15, %reduce_sum3A [0] : vector<1000x64xf32> to vector<64xf32>
    %broadcast_in_dim3A = vector.shape_cast %reduce_sum3A_19 : vector<64xf32> to vector<1x64xf32>
    %add3A_20 = arith.addf %get3A_18, %broadcast_in_dim3A : vector<1x64xf32>
    %swap3A = arith.constant 0 : index
    %swap3A_21 = arith.constant 0 : index
    %swap3A_22 = vector.load %arg5[%swap3A, %swap3A_21] : memref<2x64xf32, #tpu.memory_space<vmem>>, vector<1x64xf32>
    tpu.vector_store %arg5[%swap3A, %swap3A_21], %add3A_20 {strides = array<i32>} : memref<2x64xf32, #tpu.memory_space<vmem>>, vector<1x64xf32>,
    %get3A_23 = arith.constant 1 : index
    %get3A_24 = arith.constant 0 : index
    %get3A_25 = vector.load %arg5[%get3A_23, %get3A_24] : memref<2x64xf32, #tpu.memory_space<vmem>>, vector<1x64xf32>
    %mul3A_26 = arith.mulf %add3A_15, %add3A_15 : vector<1000x64xf32>
    %reduce_sum3A_27 = arith.constant dense<0.000000e+00> : vector<64xf32>
    %reduce_sum3A_28 = vector.multi_reduction <add>, %mul3A_26, %reduce_sum3A_27 [0] : vector<1000x64xf32> to vector<64xf32>
    %broadcast_in_dim3A_29 = vector.shape_cast %reduce_sum3A_28 : vector<64xf32> to vector<1x64xf32>
    %add3A_30 = arith.addf %get3A_25, %broadcast_in_dim3A_29 : vector<1x64xf32>
    %swap3A_31 = arith.constant 1 : index
    %swap3A_32 = arith.constant 0 : index
    %swap3A_33 = vector.load %arg5[%swap3A_31, %swap3A_32] : memref<2x64xf32, #tpu.memory_space<vmem>>, vector<1x64xf32>
    tpu.vector_store %arg5[%swap3A_31, %swap3A_32], %add3A_30 {strides = array<i32>} : memref<2x64xf32, #tpu.memory_space<vmem>>, vector<1x64xf32>,
    return
  }
  func.func @transform_0(%arg0: i32) -> (i32, i32) {
    %c0_i32 = arith.constant 0 : i32
    %c0_i32_0 = arith.constant 0 : i32
    return %arg0, %c0_i32 : i32, i32
  }
  func.func @transform_1(%arg0: i32) -> (i32, i32) {
    %c0_i32 = arith.constant 0 : i32
    %c0_i32_0 = arith.constant 0 : i32
    return %arg0, %c0_i32 : i32, i32
  }
  func.func @transform_2(%arg0: i32) -> (i32, i32) {
    %c0_i32 = arith.constant 0 : i32
    %c0_i32_0 = arith.constant 0 : i32
    %c0_i32_1 = arith.constant 0 : i32
    return %c0_i32, %c0_i32_0 : i32, i32
  }
  func.func @transform_3(%arg0: i32) -> (i32, i32) {
    %c0_i32 = arith.constant 0 : i32
    %c0_i32_0 = arith.constant 0 : i32
    %c0_i32_1 = arith.constant 0 : i32
    return %c0_i32, %c0_i32_0 : i32, i32
  }
  func.func @transform_4(%arg0: i32) -> (i32, i32) {
    %c0_i32 = arith.constant 0 : i32
    %c0_i32_0 = arith.constant 0 : i32
    %c0_i32_1 = arith.constant 0 : i32
    return %c0_i32, %c0_i32_0 : i32, i32
  }
}

module attributes {stable_mosaic.version = 14 : i64} {
  func.func @_ffn_body(%arg0: i32, %arg1: memref<1000x64xf32, #tpu.memory_space<vmem>>, %arg2: memref<1000x64xf32, #tpu.memory_space<vmem>>, %arg3: memref<1000x64xf32, #tpu.memory_space<vmem>>, %arg4: memref<1x64xf32, #tpu.memory_space<vmem>>, %arg5: memref<1x64xf32, #tpu.memory_space<vmem>>, %arg6: memref<1x64xf32, #tpu.memory_space<vmem>>, %arg7: memref<1x64xf32, #tpu.memory_space<vmem>>, %arg8: memref<1x64xf32, #tpu.memory_space<vmem>>, %arg9: memref<1x64xf32, #tpu.memory_space<vmem>>, %arg10: memref<64x128xf32, #tpu.memory_space<vmem>>, %arg11: memref<1x128xf32, #tpu.memory_space<vmem>>, %arg12: memref<128x64xf32, #tpu.memory_space<vmem>>, %arg13: memref<1x64xf32, #tpu.memory_space<vmem>>, %arg14: memref<1000x64xf32, #tpu.memory_space<vmem>>, %arg15: memref<2x1000x32xf32, #tpu.memory_space<vmem>>) attributes {dimension_semantics = [#tpu.dimension_semantics<arbitrary>], iteration_bounds = array<i64: 50>, scalar_prefetch = 0 : i64, scratch_operands = 0 : i64, tpu.core_type = #tpu.core_type<tc>, window_params = [{transform_indices = @transform_0, window_bounds = array<i64: 1000, 64>}, {transform_indices = @transform_1, window_bounds = array<i64: 1000, 64>}, {transform_indices = @transform_2, window_bounds = array<i64: 1000, 64>}, {pipeline_mode = #tpu.pipeline_mode<synchronous>, transform_indices = @transform_3, window_bounds = array<i64: 1, 64>}, {pipeline_mode = #tpu.pipeline_mode<synchronous>, transform_indices = @transform_4, window_bounds = array<i64: 1, 64>}, {pipeline_mode = #tpu.pipeline_mode<synchronous>, transform_indices = @transform_5, window_bounds = array<i64: 1, 64>}, {pipeline_mode = #tpu.pipeline_mode<synchronous>, transform_indices = @transform_6, window_bounds = array<i64: 1, 64>}, {pipeline_mode = #tpu.pipeline_mode<synchronous>, transform_indices = @transform_7, window_bounds = array<i64: 1, 64>}, {pipeline_mode = #tpu.pipeline_mode<synchronous>, transform_indices = @transform_8, window_bounds = array<i64: 1, 64>}, {pipeline_mode = #tpu.pipeline_mode<synchronous>, transform_indices = @transform_9, window_bounds = array<i64: 64, 128>}, {pipeline_mode = #tpu.pipeline_mode<synchronous>, transform_indices = @transform_10, window_bounds = array<i64: 1, 128>}, {pipeline_mode = #tpu.pipeline_mode<synchronous>, transform_indices = @transform_11, window_bounds = array<i64: 128, 64>}, {pipeline_mode = #tpu.pipeline_mode<synchronous>, transform_indices = @transform_12, window_bounds = array<i64: 1, 64>}, {transform_indices = @transform_13, window_bounds = array<i64: 1000, 64>}, {transform_indices = @transform_14, window_bounds = array<i64: 2, 1000, 32>}]} {
    %get3A = arith.constant 0 : index
    %get3A_0 = arith.constant 0 : index
    %get3A_1 = vector.load %arg2[%get3A, %get3A_0] : memref<1000x64xf32, #tpu.memory_space<vmem>>, vector<1000x64xf32>
    %get3A_2 = arith.constant 0 : index
    %get3A_3 = arith.constant 0 : index
    %get3A_4 = vector.load %arg3[%get3A_2, %get3A_3] : memref<1000x64xf32, #tpu.memory_space<vmem>>, vector<1000x64xf32>
    %get3A_5 = arith.constant 0 : index
    %get3A_6 = arith.constant 0 : index
    %get3A_7 = vector.load %arg4[%get3A_5, %get3A_6] : memref<1x64xf32, #tpu.memory_space<vmem>>, vector<1x64xf32>
    %mul3A = vector.broadcast %get3A_7 : vector<1x64xf32> to vector<1000x64xf32>
    %mul3A_8 = arith.mulf %get3A_4, %mul3A : vector<1000x64xf32>
    %add3A = arith.addf %get3A_1, %mul3A_8 : vector<1000x64xf32>
    %get3A_9 = arith.constant 0 : index
    %get3A_10 = arith.constant 0 : index
    %get3A_11 = vector.load %arg5[%get3A_9, %get3A_10] : memref<1x64xf32, #tpu.memory_space<vmem>>, vector<1x64xf32>
    %add3A_12 = vector.broadcast %get3A_11 : vector<1x64xf32> to vector<1000x64xf32>
    %add3A_13 = arith.addf %add3A, %add3A_12 : vector<1000x64xf32>
    %get3A_14 = arith.constant 0 : index
    %get3A_15 = arith.constant 0 : index
    %get3A_16 = vector.load %arg1[%get3A_14, %get3A_15] : memref<1000x64xf32, #tpu.memory_space<vmem>>, vector<1000x64xf32>
    %get3A_17 = arith.constant 0 : index
    %get3A_18 = arith.constant 0 : index
    %get3A_19 = vector.load %arg6[%get3A_17, %get3A_18] : memref<1x64xf32, #tpu.memory_space<vmem>>, vector<1x64xf32>
    %mul3A_20 = vector.broadcast %get3A_19 : vector<1x64xf32> to vector<1000x64xf32>
    %mul3A_21 = arith.mulf %get3A_16, %mul3A_20 : vector<1000x64xf32>
    %get3A_22 = arith.constant 0 : index
    %get3A_23 = arith.constant 0 : index
    %get3A_24 = vector.load %arg7[%get3A_22, %get3A_23] : memref<1x64xf32, #tpu.memory_space<vmem>>, vector<1x64xf32>
    %add3A_25 = vector.broadcast %get3A_24 : vector<1x64xf32> to vector<1000x64xf32>
    %add3A_26 = arith.addf %mul3A_21, %add3A_25 : vector<1000x64xf32>
    %get3A_27 = arith.constant 0 : index
    %get3A_28 = arith.constant 0 : index
    %get3A_29 = vector.load %arg8[%get3A_27, %get3A_28] : memref<1x64xf32, #tpu.memory_space<vmem>>, vector<1x64xf32>
    %mul3A_30 = vector.broadcast %get3A_29 : vector<1x64xf32> to vector<1000x64xf32>
    %mul3A_31 = arith.mulf %add3A_13, %mul3A_30 : vector<1000x64xf32>
    %add3A_32 = arith.addf %add3A_26, %mul3A_31 : vector<1000x64xf32>
    %get3A_33 = arith.constant 0 : index
    %get3A_34 = arith.constant 0 : index
    %get3A_35 = vector.load %arg9[%get3A_33, %get3A_34] : memref<1x64xf32, #tpu.memory_space<vmem>>, vector<1x64xf32>
    %add3A_36 = vector.broadcast %get3A_35 : vector<1x64xf32> to vector<1000x64xf32>
    %add3A_37 = arith.addf %add3A_32, %add3A_36 : vector<1000x64xf32>
    %get3A_38 = arith.constant 0 : index
    %get3A_39 = arith.constant 0 : index
    %get3A_40 = vector.load %arg10[%get3A_38, %get3A_39] : memref<64x128xf32, #tpu.memory_space<vmem>>, vector<64x128xf32>
    %dot_general3A = arith.constant dense<0.000000e+00> : vector<1000x128xf32>
    %dot_general3A_41 = tpu.matmul %add3A_37, %get3A_40, %dot_general3A {dimension_numbers = #tpu.dot_dimension_numbers<[1], [0], [0], [1], [0, 0, 1, 1], [], []>, transpose_lhs_hint = false} : vector<1000x64xf32>, vector<64x128xf32>, vector<1000x128xf32> -> vector<1000x128xf32>
    %get3A_42 = arith.constant 0 : index
    %get3A_43 = arith.constant 0 : index
    %get3A_44 = vector.load %arg11[%get3A_42, %get3A_43] : memref<1x128xf32, #tpu.memory_space<vmem>>, vector<1x128xf32>
    %add3A_45 = vector.broadcast %get3A_44 : vector<1x128xf32> to vector<1000x128xf32>
    %add3A_46 = arith.addf %dot_general3A_41, %add3A_45 : vector<1000x128xf32>
    %max3A = arith.constant 0.000000e+00 : f32
    %max3A_47 = vector.broadcast %max3A : f32 to vector<1000x128xf32>
    %max3A_48 = arith.maximumf %add3A_46, %max3A_47 : vector<1000x128xf32>
    %get3A_49 = arith.constant 0 : index
    %get3A_50 = arith.constant 0 : index
    %get3A_51 = vector.load %arg12[%get3A_49, %get3A_50] : memref<128x64xf32, #tpu.memory_space<vmem>>, vector<128x64xf32>
    %dot_general3A_52 = arith.constant dense<0.000000e+00> : vector<1000x64xf32>
    %dot_general3A_53 = tpu.matmul %max3A_48, %get3A_51, %dot_general3A_52 {dimension_numbers = #tpu.dot_dimension_numbers<[1], [0], [0], [1], [0, 0, 1, 1], [], []>, transpose_lhs_hint = false} : vector<1000x128xf32>, vector<128x64xf32>, vector<1000x64xf32> -> vector<1000x64xf32>
    %add3A_54 = arith.addf %add3A_37, %dot_general3A_53 : vector<1000x64xf32>
    %get3A_55 = arith.constant 0 : index
    %get3A_56 = arith.constant 0 : index
    %get3A_57 = vector.load %arg13[%get3A_55, %get3A_56] : memref<1x64xf32, #tpu.memory_space<vmem>>, vector<1x64xf32>
    %add3A_58 = vector.broadcast %get3A_57 : vector<1x64xf32> to vector<1000x64xf32>
    %add3A_59 = arith.addf %add3A_54, %add3A_58 : vector<1000x64xf32>
    %swap3A = arith.constant 0 : index
    %swap3A_60 = arith.constant 0 : index
    %swap3A_61 = vector.load %arg14[%swap3A, %swap3A_60] : memref<1000x64xf32, #tpu.memory_space<vmem>>, vector<1000x64xf32>
    tpu.vector_store %arg14[%swap3A, %swap3A_60], %add3A_59 {strides = array<i32>} : memref<1000x64xf32, #tpu.memory_space<vmem>>, vector<1000x64xf32>,
    %slice3A = vector.extract_strided_slice %add3A_59 {offsets = [0, 0], sizes = [1000, 32], strides = [1, 1]} : vector<1000x64xf32> to vector<1000x32xf32>
    %swap3A_62 = arith.constant 0 : index
    %swap3A_63 = arith.constant 0 : index
    %swap3A_64 = arith.constant 0 : index
    %swap3A_65 = vector.load %arg15[%swap3A_62, %swap3A_63, %swap3A_64] : memref<2x1000x32xf32, #tpu.memory_space<vmem>>, vector<1x1000x32xf32>
    %swap3A_66 = vector.shape_cast %swap3A_65 : vector<1x1000x32xf32> to vector<1000x32xf32>
    %swap3A_67 = vector.shape_cast %slice3A : vector<1000x32xf32> to vector<1x1000x32xf32>
    tpu.vector_store %arg15[%swap3A_62, %swap3A_63, %swap3A_64], %swap3A_67 {strides = array<i32>} : memref<2x1000x32xf32, #tpu.memory_space<vmem>>, vector<1x1000x32xf32>,
    %slice3A_68 = vector.extract_strided_slice %add3A_59 {offsets = [0, 32], sizes = [1000, 32], strides = [1, 1]} : vector<1000x64xf32> to vector<1000x32xf32>
    %swap3A_69 = arith.constant 1 : index
    %swap3A_70 = arith.constant 0 : index
    %swap3A_71 = arith.constant 0 : index
    %swap3A_72 = vector.load %arg15[%swap3A_69, %swap3A_70, %swap3A_71] : memref<2x1000x32xf32, #tpu.memory_space<vmem>>, vector<1x1000x32xf32>
    %swap3A_73 = vector.shape_cast %swap3A_72 : vector<1x1000x32xf32> to vector<1000x32xf32>
    %swap3A_74 = vector.shape_cast %slice3A_68 : vector<1000x32xf32> to vector<1x1000x32xf32>
    tpu.vector_store %arg15[%swap3A_69, %swap3A_70, %swap3A_71], %swap3A_74 {strides = array<i32>} : memref<2x1000x32xf32, #tpu.memory_space<vmem>>, vector<1x1000x32xf32>,
    return
  }
  func.func @transform_0(%arg0: i32) -> (i32, i32) {
    %c0_i32 = arith.constant 0 : i32
    %c0_i32_0 = arith.constant 0 : i32
    return %arg0, %c0_i32 : i32, i32
  }
  func.func @transform_1(%arg0: i32) -> (i32, i32) {
    %c0_i32 = arith.constant 0 : i32
    %c0_i32_0 = arith.constant 0 : i32
    return %arg0, %c0_i32 : i32, i32
  }
  func.func @transform_2(%arg0: i32) -> (i32, i32) {
    %c0_i32 = arith.constant 0 : i32
    %c0_i32_0 = arith.constant 0 : i32
    return %arg0, %c0_i32 : i32, i32
  }
  func.func @transform_3(%arg0: i32) -> (i32, i32) {
    %c0_i32 = arith.constant 0 : i32
    %c0_i32_0 = arith.constant 0 : i32
    %c0_i32_1 = arith.constant 0 : i32
    return %c0_i32, %c0_i32_0 : i32, i32
  }
  func.func @transform_4(%arg0: i32) -> (i32, i32) {
    %c0_i32 = arith.constant 0 : i32
    %c0_i32_0 = arith.constant 0 : i32
    %c0_i32_1 = arith.constant 0 : i32
    return %c0_i32, %c0_i32_0 : i32, i32
  }
  func.func @transform_5(%arg0: i32) -> (i32, i32) {
    %c0_i32 = arith.constant 0 : i32
    %c0_i32_0 = arith.constant 0 : i32
    %c0_i32_1 = arith.constant 0 : i32
    return %c0_i32, %c0_i32_0 : i32, i32
  }
  func.func @transform_6(%arg0: i32) -> (i32, i32) {
    %c0_i32 = arith.constant 0 : i32
    %c0_i32_0 = arith.constant 0 : i32
    %c0_i32_1 = arith.constant 0 : i32
    return %c0_i32, %c0_i32_0 : i32, i32
  }
  func.func @transform_7(%arg0: i32) -> (i32, i32) {
    %c0_i32 = arith.constant 0 : i32
    %c0_i32_0 = arith.constant 0 : i32
    %c0_i32_1 = arith.constant 0 : i32
    return %c0_i32, %c0_i32_0 : i32, i32
  }
  func.func @transform_8(%arg0: i32) -> (i32, i32) {
    %c0_i32 = arith.constant 0 : i32
    %c0_i32_0 = arith.constant 0 : i32
    %c0_i32_1 = arith.constant 0 : i32
    return %c0_i32, %c0_i32_0 : i32, i32
  }
  func.func @transform_9(%arg0: i32) -> (i32, i32) {
    %c0_i32 = arith.constant 0 : i32
    %c0_i32_0 = arith.constant 0 : i32
    %c0_i32_1 = arith.constant 0 : i32
    return %c0_i32, %c0_i32_0 : i32, i32
  }
  func.func @transform_10(%arg0: i32) -> (i32, i32) {
    %c0_i32 = arith.constant 0 : i32
    %c0_i32_0 = arith.constant 0 : i32
    %c0_i32_1 = arith.constant 0 : i32
    return %c0_i32, %c0_i32_0 : i32, i32
  }
  func.func @transform_11(%arg0: i32) -> (i32, i32) {
    %c0_i32 = arith.constant 0 : i32
    %c0_i32_0 = arith.constant 0 : i32
    %c0_i32_1 = arith.constant 0 : i32
    return %c0_i32, %c0_i32_0 : i32, i32
  }
  func.func @transform_12(%arg0: i32) -> (i32, i32) {
    %c0_i32 = arith.constant 0 : i32
    %c0_i32_0 = arith.constant 0 : i32
    %c0_i32_1 = arith.constant 0 : i32
    return %c0_i32, %c0_i32_0 : i32, i32
  }
  func.func @transform_13(%arg0: i32) -> (i32, i32) {
    %c0_i32 = arith.constant 0 : i32
    %c0_i32_0 = arith.constant 0 : i32
    return %arg0, %c0_i32 : i32, i32
  }
  func.func @transform_14(%arg0: i32) -> (i32, i32, i32) {
    %c0_i32 = arith.constant 0 : i32
    %c0_i32_0 = arith.constant 0 : i32
    %c0_i32_1 = arith.constant 0 : i32
    return %c0_i32, %arg0, %c0_i32_0 : i32, i32, i32
  }
}

module attributes {stable_mosaic.version = 14 : i64} {
  func.func @_stats_body(%arg0: i32, %arg1: memref<1000x64xf32, #tpu.memory_space<vmem>>, %arg2: memref<2x64xf32, #tpu.memory_space<vmem>>) attributes {dimension_semantics = [#tpu.dimension_semantics<arbitrary>], iteration_bounds = array<i64: 50>, scalar_prefetch = 0 : i64, scratch_operands = 0 : i64, tpu.core_type = #tpu.core_type<tc>, window_params = [{transform_indices = @transform_0, window_bounds = array<i64: 1000, 64>}, {pipeline_mode = #tpu.pipeline_mode<synchronous>, transform_indices = @transform_1, window_bounds = array<i64: 2, 64>}]} {
    %eq3A = arith.constant 0 : i32
    %eq3A_0 = arith.cmpi eq, %arg0, %eq3A : i32
    %convert_element_type3A = arith.extui %eq3A_0 : i1 to i32
    %cond3A = arith.constant 0 : i32
    %cond3A_1 = arith.cmpi ne, %convert_element_type3A, %cond3A : i32
    scf.if %cond3A_1 {
      %broadcast_in_dim3A_20 = arith.constant 0.000000e+00 : f32
      %broadcast_in_dim3A_21 = vector.broadcast %broadcast_in_dim3A_20 : f32 to vector<2x64xf32>
      %swap3A_22 = arith.constant 0 : index
      %swap3A_23 = arith.constant 0 : index
      %swap3A_24 = vector.load %arg2[%swap3A_22, %swap3A_23] : memref<2x64xf32, #tpu.memory_space<vmem>>, vector<2x64xf32>
      tpu.vector_store %arg2[%swap3A_22, %swap3A_23], %broadcast_in_dim3A_21 {strides = array<i32>} : memref<2x64xf32, #tpu.memory_space<vmem>>, vector<2x64xf32>,
    } else {
    }
    %get3A = arith.constant 0 : index
    %get3A_2 = arith.constant 0 : index
    %get3A_3 = vector.load %arg1[%get3A, %get3A_2] : memref<1000x64xf32, #tpu.memory_space<vmem>>, vector<1000x64xf32>
    %get3A_4 = arith.constant 0 : index
    %get3A_5 = arith.constant 0 : index
    %get3A_6 = vector.load %arg2[%get3A_4, %get3A_5] : memref<2x64xf32, #tpu.memory_space<vmem>>, vector<1x64xf32>
    %reduce_sum3A = arith.constant dense<0.000000e+00> : vector<64xf32>
    %reduce_sum3A_7 = vector.multi_reduction <add>, %get3A_3, %reduce_sum3A [0] : vector<1000x64xf32> to vector<64xf32>
    %broadcast_in_dim3A = vector.shape_cast %reduce_sum3A_7 : vector<64xf32> to vector<1x64xf32>
    %add3A = arith.addf %get3A_6, %broadcast_in_dim3A : vector<1x64xf32>
    %swap3A = arith.constant 0 : index
    %swap3A_8 = arith.constant 0 : index
    %swap3A_9 = vector.load %arg2[%swap3A, %swap3A_8] : memref<2x64xf32, #tpu.memory_space<vmem>>, vector<1x64xf32>
    tpu.vector_store %arg2[%swap3A, %swap3A_8], %add3A {strides = array<i32>} : memref<2x64xf32, #tpu.memory_space<vmem>>, vector<1x64xf32>,
    %get3A_10 = arith.constant 1 : index
    %get3A_11 = arith.constant 0 : index
    %get3A_12 = vector.load %arg2[%get3A_10, %get3A_11] : memref<2x64xf32, #tpu.memory_space<vmem>>, vector<1x64xf32>
    %mul3A = arith.mulf %get3A_3, %get3A_3 : vector<1000x64xf32>
    %reduce_sum3A_13 = arith.constant dense<0.000000e+00> : vector<64xf32>
    %reduce_sum3A_14 = vector.multi_reduction <add>, %mul3A, %reduce_sum3A_13 [0] : vector<1000x64xf32> to vector<64xf32>
    %broadcast_in_dim3A_15 = vector.shape_cast %reduce_sum3A_14 : vector<64xf32> to vector<1x64xf32>
    %add3A_16 = arith.addf %get3A_12, %broadcast_in_dim3A_15 : vector<1x64xf32>
    %swap3A_17 = arith.constant 1 : index
    %swap3A_18 = arith.constant 0 : index
    %swap3A_19 = vector.load %arg2[%swap3A_17, %swap3A_18] : memref<2x64xf32, #tpu.memory_space<vmem>>, vector<1x64xf32>
    tpu.vector_store %arg2[%swap3A_17, %swap3A_18], %add3A_16 {strides = array<i32>} : memref<2x64xf32, #tpu.memory_space<vmem>>, vector<1x64xf32>,
    return
  }
  func.func @transform_0(%arg0: i32) -> (i32, i32) {
    %c0_i32 = arith.constant 0 : i32
    %c0_i32_0 = arith.constant 0 : i32
    return %arg0, %c0_i32 : i32, i32
  }
  func.func @transform_1(%arg0: i32) -> (i32, i32) {
    %c0_i32 = arith.constant 0 : i32
    %c0_i32_0 = arith.constant 0 : i32
    %c0_i32_1 = arith.constant 0 : i32
    return %c0_i32, %c0_i32_0 : i32, i32
  }
}

module attributes {stable_mosaic.version = 14 : i64} {
  func.func @_head_body(%arg0: i32, %arg1: memref<1000x64xf32, #tpu.memory_space<vmem>>, %arg2: memref<1x64xf32, #tpu.memory_space<vmem>>, %arg3: memref<1x64xf32, #tpu.memory_space<vmem>>, %arg4: memref<64x32xf32, #tpu.memory_space<vmem>>, %arg5: memref<1x32xf32, #tpu.memory_space<vmem>>, %arg6: memref<32x16xf32, #tpu.memory_space<vmem>>, %arg7: memref<1x16xf32, #tpu.memory_space<vmem>>, %arg8: memref<16x1xf32, #tpu.memory_space<vmem>>, %arg9: memref<1x1xf32, #tpu.memory_space<vmem>>, %arg10: memref<1000x1xf32, #tpu.memory_space<vmem>>) attributes {dimension_semantics = [#tpu.dimension_semantics<arbitrary>], iteration_bounds = array<i64: 50>, scalar_prefetch = 0 : i64, scratch_operands = 0 : i64, tpu.core_type = #tpu.core_type<tc>, window_params = [{transform_indices = @transform_0, window_bounds = array<i64: 1000, 64>}, {pipeline_mode = #tpu.pipeline_mode<synchronous>, transform_indices = @transform_1, window_bounds = array<i64: 1, 64>}, {pipeline_mode = #tpu.pipeline_mode<synchronous>, transform_indices = @transform_2, window_bounds = array<i64: 1, 64>}, {pipeline_mode = #tpu.pipeline_mode<synchronous>, transform_indices = @transform_3, window_bounds = array<i64: 64, 32>}, {pipeline_mode = #tpu.pipeline_mode<synchronous>, transform_indices = @transform_4, window_bounds = array<i64: 1, 32>}, {pipeline_mode = #tpu.pipeline_mode<synchronous>, transform_indices = @transform_5, window_bounds = array<i64: 32, 16>}, {pipeline_mode = #tpu.pipeline_mode<synchronous>, transform_indices = @transform_6, window_bounds = array<i64: 1, 16>}, {pipeline_mode = #tpu.pipeline_mode<synchronous>, transform_indices = @transform_7, window_bounds = array<i64: 16, 1>}, {pipeline_mode = #tpu.pipeline_mode<synchronous>, transform_indices = @transform_8, window_bounds = array<i64: 1, 1>}, {transform_indices = @transform_9, window_bounds = array<i64: 1000, 1>}]} {
    %get3A = arith.constant 0 : index
    %get3A_0 = arith.constant 0 : index
    %get3A_1 = vector.load %arg1[%get3A, %get3A_0] : memref<1000x64xf32, #tpu.memory_space<vmem>>, vector<1000x64xf32>
    %get3A_2 = arith.constant 0 : index
    %get3A_3 = arith.constant 0 : index
    %get3A_4 = vector.load %arg2[%get3A_2, %get3A_3] : memref<1x64xf32, #tpu.memory_space<vmem>>, vector<1x64xf32>
    %mul3A = vector.broadcast %get3A_4 : vector<1x64xf32> to vector<1000x64xf32>
    %mul3A_5 = arith.mulf %get3A_1, %mul3A : vector<1000x64xf32>
    %get3A_6 = arith.constant 0 : index
    %get3A_7 = arith.constant 0 : index
    %get3A_8 = vector.load %arg3[%get3A_6, %get3A_7] : memref<1x64xf32, #tpu.memory_space<vmem>>, vector<1x64xf32>
    %add3A = vector.broadcast %get3A_8 : vector<1x64xf32> to vector<1000x64xf32>
    %add3A_9 = arith.addf %mul3A_5, %add3A : vector<1000x64xf32>
    %get3A_10 = arith.constant 0 : index
    %get3A_11 = arith.constant 0 : index
    %get3A_12 = vector.load %arg4[%get3A_10, %get3A_11] : memref<64x32xf32, #tpu.memory_space<vmem>>, vector<64x32xf32>
    %dot_general3A = arith.constant dense<0.000000e+00> : vector<1000x32xf32>
    %dot_general3A_13 = tpu.matmul %add3A_9, %get3A_12, %dot_general3A {dimension_numbers = #tpu.dot_dimension_numbers<[1], [0], [0], [1], [0, 0, 1, 1], [], []>, transpose_lhs_hint = false} : vector<1000x64xf32>, vector<64x32xf32>, vector<1000x32xf32> -> vector<1000x32xf32>
    %get3A_14 = arith.constant 0 : index
    %get3A_15 = arith.constant 0 : index
    %get3A_16 = vector.load %arg5[%get3A_14, %get3A_15] : memref<1x32xf32, #tpu.memory_space<vmem>>, vector<1x32xf32>
    %add3A_17 = vector.broadcast %get3A_16 : vector<1x32xf32> to vector<1000x32xf32>
    %add3A_18 = arith.addf %dot_general3A_13, %add3A_17 : vector<1000x32xf32>
    %max3A = arith.constant 0.000000e+00 : f32
    %max3A_19 = vector.broadcast %max3A : f32 to vector<1000x32xf32>
    %max3A_20 = arith.maximumf %add3A_18, %max3A_19 : vector<1000x32xf32>
    %get3A_21 = arith.constant 0 : index
    %get3A_22 = arith.constant 0 : index
    %get3A_23 = vector.load %arg6[%get3A_21, %get3A_22] : memref<32x16xf32, #tpu.memory_space<vmem>>, vector<32x16xf32>
    %dot_general3A_24 = arith.constant dense<0.000000e+00> : vector<1000x16xf32>
    %dot_general3A_25 = tpu.matmul %max3A_20, %get3A_23, %dot_general3A_24 {dimension_numbers = #tpu.dot_dimension_numbers<[1], [0], [0], [1], [0, 0, 1, 1], [], []>, transpose_lhs_hint = false} : vector<1000x32xf32>, vector<32x16xf32>, vector<1000x16xf32> -> vector<1000x16xf32>
    %get3A_26 = arith.constant 0 : index
    %get3A_27 = arith.constant 0 : index
    %get3A_28 = vector.load %arg7[%get3A_26, %get3A_27] : memref<1x16xf32, #tpu.memory_space<vmem>>, vector<1x16xf32>
    %add3A_29 = vector.broadcast %get3A_28 : vector<1x16xf32> to vector<1000x16xf32>
    %add3A_30 = arith.addf %dot_general3A_25, %add3A_29 : vector<1000x16xf32>
    %max3A_31 = arith.constant 0.000000e+00 : f32
    %max3A_32 = vector.broadcast %max3A_31 : f32 to vector<1000x16xf32>
    %max3A_33 = arith.maximumf %add3A_30, %max3A_32 : vector<1000x16xf32>
    %get3A_34 = arith.constant 0 : index
    %get3A_35 = arith.constant 0 : index
    %get3A_36 = vector.load %arg8[%get3A_34, %get3A_35] : memref<16x1xf32, #tpu.memory_space<vmem>>, vector<16x1xf32>
    %dot_general3A_37 = arith.constant dense<0.000000e+00> : vector<1000x1xf32>
    %dot_general3A_38 = tpu.matmul %max3A_33, %get3A_36, %dot_general3A_37 {dimension_numbers = #tpu.dot_dimension_numbers<[1], [0], [0], [1], [0, 0, 1, 1], [], []>, transpose_lhs_hint = false} : vector<1000x16xf32>, vector<16x1xf32>, vector<1000x1xf32> -> vector<1000x1xf32>
    %get3A_39 = arith.constant 0 : index
    %get3A_40 = arith.constant 0 : index
    %get3A_41 = vector.load %arg9[%get3A_39, %get3A_40] : memref<1x1xf32, #tpu.memory_space<vmem>>, vector<1x1xf32>
    %add3A_42 = vector.broadcast %get3A_41 : vector<1x1xf32> to vector<1000x1xf32>
    %add3A_43 = arith.addf %dot_general3A_38, %add3A_42 : vector<1000x1xf32>
    %swap3A = arith.constant 0 : index
    %swap3A_44 = arith.constant 0 : index
    %swap3A_45 = vector.load %arg10[%swap3A, %swap3A_44] : memref<1000x1xf32, #tpu.memory_space<vmem>>, vector<1000x1xf32>
    tpu.vector_store %arg10[%swap3A, %swap3A_44], %add3A_43 {strides = array<i32>} : memref<1000x1xf32, #tpu.memory_space<vmem>>, vector<1000x1xf32>,
    return
  }
  func.func @transform_0(%arg0: i32) -> (i32, i32) {
    %c0_i32 = arith.constant 0 : i32
    %c0_i32_0 = arith.constant 0 : i32
    return %arg0, %c0_i32 : i32, i32
  }
  func.func @transform_1(%arg0: i32) -> (i32, i32) {
    %c0_i32 = arith.constant 0 : i32
    %c0_i32_0 = arith.constant 0 : i32
    %c0_i32_1 = arith.constant 0 : i32
    return %c0_i32, %c0_i32_0 : i32, i32
  }
  func.func @transform_2(%arg0: i32) -> (i32, i32) {
    %c0_i32 = arith.constant 0 : i32
    %c0_i32_0 = arith.constant 0 : i32
    %c0_i32_1 = arith.constant 0 : i32
    return %c0_i32, %c0_i32_0 : i32, i32
  }
  func.func @transform_3(%arg0: i32) -> (i32, i32) {
    %c0_i32 = arith.constant 0 : i32
    %c0_i32_0 = arith.constant 0 : i32
    %c0_i32_1 = arith.constant 0 : i32
    return %c0_i32, %c0_i32_0 : i32, i32
  }
  func.func @transform_4(%arg0: i32) -> (i32, i32) {
    %c0_i32 = arith.constant 0 : i32
    %c0_i32_0 = arith.constant 0 : i32
    %c0_i32_1 = arith.constant 0 : i32
    return %c0_i32, %c0_i32_0 : i32, i32
  }
  func.func @transform_5(%arg0: i32) -> (i32, i32) {
    %c0_i32 = arith.constant 0 : i32
    %c0_i32_0 = arith.constant 0 : i32
    %c0_i32_1 = arith.constant 0 : i32
    return %c0_i32, %c0_i32_0 : i32, i32
  }
  func.func @transform_6(%arg0: i32) -> (i32, i32) {
    %c0_i32 = arith.constant 0 : i32
    %c0_i32_0 = arith.constant 0 : i32
    %c0_i32_1 = arith.constant 0 : i32
    return %c0_i32, %c0_i32_0 : i32, i32
  }
  func.func @transform_7(%arg0: i32) -> (i32, i32) {
    %c0_i32 = arith.constant 0 : i32
    %c0_i32_0 = arith.constant 0 : i32
    %c0_i32_1 = arith.constant 0 : i32
    return %c0_i32, %c0_i32_0 : i32, i32
  }
  func.func @transform_8(%arg0: i32) -> (i32, i32) {
    %c0_i32 = arith.constant 0 : i32
    %c0_i32_0 = arith.constant 0 : i32
    %c0_i32_1 = arith.constant 0 : i32
    return %c0_i32, %c0_i32_0 : i32, i32
  }
  func.func @transform_9(%arg0: i32) -> (i32, i32) {
    %c0_i32 = arith.constant 0 : i32
    %c0_i32_0 = arith.constant 0 : i32
    return %arg0, %c0_i32 : i32, i32
  }
}

</mosaic_0001>

<sc_bundles>
// kernel: gather_offload_async_start
scs
__scs_entry_jumppad:
0x0: {  	(pc) =	sbr.rel $0x88, $3  }
0x1: {  	(tag) =	ssettag $0x0;
	lr =	simm.s32 $0x1  }
0x2: {  	[smem:$0x3F6A] =	sst lr;
	_ =	strace $0xD0000000  }
0x3: {  	_ = 	snop  }
0x4: {  	_ = 	snop  }
0x5: {  	_ = 	snop  }
0x6: {  	_ = 	snop  }
0x7: {  	_ = 	snop  }
__scs_overlays_trampoline_lowered:
0x8: {  	[smem:$0x3F79] =	sst s0  }
0x9: {  	[smem:$0x3F7A] =	sst s1  }
0xa: {  	[smem:$0x3F7B] =	sst s2  }
0xb: {  	[smem:$0x3F7C] =	sst s3  }
0xc: {  	[smem:$0x3F7D] =	sst s4  }
0xd: {  	[smem:$0x3F7E] =	sst s5  }
0xe: {  	[smem:$0x3F7F] =	sst s6  }
0xf: {  	[smem:$0x3F80] =	sst s7  }
0x10: {  	[smem:$0x3F81] =	sst s8  }
0x11: {  	[smem:$0x3F82] =	sst s9;
	s0 =	simm.s32 @!p0 $0x0  }
0x12: {  	s1 =	sld [smem:$0x3F68];
	s0 =	simm.s32 @p0 $0x1  }
0x13: {  	[smem:$0x3F83] =	sst s0;
	s0 =	simm.s32 @!p1 $0x0  }
0x14: {  	s2 =	sld [smem:$0x3F67];
	s0 =	simm.s32 @p1 $0x1  }
0x15: {  	[smem:$0x3F84] =	sst s0;
	s0 =	simm.s32 @!p2 $0x0  }
0x16: {  	s3 =	sld [smem:$0x3FDB];
	s0 =	simm.s32 @p2 $0x1  }
0x17: {  	s4 =	simm.s32 $0x1BF5;
	[smem:$0x3F86] =	sst s0  }
0x18: {  	s0 =	sld [smem:$0x3F69];
	_ =	swait.ge [sflag:s4], $0x0  }
0x19: {  	s7 =	sld [smem:$0x3F6A]  }
0x1a: {  	s8 =	sadd.s32 $0xFFFFE003, lr  }
0x1b: {  	s9 =	sadd.s32 $0xFFFFFEF7, lr;
	s5 =	simm.s32 $0xFFFFFFFF;
	p2 =	slt.u32 s8, $0xFFFFF086  }
0x1c: {  	p1 =	slt.u32 s9, $0xF7A;
	s5 =	simm.s32 @!p2 $0x0  }
0x1d: {  	s5 =	simm.s32 @p1 $0x1;
	p0 =	seq.s32 s7, s2  }
0x1e: {  	s7 =	smul.u32 @!p0 $0xF7A, s2;
	p2 =	seq.s32 @!p0 s5, $0x0  }
0x1f: {  	s9 =	smul.u32 $0xF7A, s1;
	s8 =	simm.s32 @!p0 $0x1BF5;
	p2 =	por !p2, p0  }
0x20: {  	[sflag:s8] =	ssyncset.s32 @!p0 $0xFFFFF086;
	s6 =	sadd.s32 @!p0 s3, s7;
	s7 =	simm.s32 @!p0 $0x108  }
0x21: {  	s3 =	sadd.s32 s3, s9;
	s6 =	sadd.s32 @!p0 $0x88, s6;
	s7 =	simm.s32 @p2 $0x1082  }
0x22: {  	[simem:s7], [sflag:s8] =	dma.local @!p0 [hbm:s6], $0xF7A  }
0x23: {  	s9 =	sor.u32 $0xD0000000, s2;
	s6 =	simm.s32 $0x108;
	_ =	swait.ge @!p0 [sflag:s8], $0x0  }
0x24: {  	s3 =	sadd.s32 $0x88, s3;
	s6 =	simm.s32 @!p1 $0x1082;
	[sflag:s4] =	ssyncset.s32 $0xFFFFF086  }
0x25: {  	[simem:s6], [sflag:s4] =	dma.local [hbm:s3], $0xF7A  }
0x26: {  	[smem:$0x3F6A] =	sst s1;
	(tag) =	ssettag s2;
	_ =	strace s9  }
0x27: {  	s1 =	sld [smem:$0x3F7A]  }
0x28: {  	s2 =	sld [smem:$0x3F7B]  }
0x29: {  	s4 =	sld [smem:$0x3F7D]  }
0x2a: {  	p0 =	seq.s32 s5, $0x0;
	s5 =	sld [smem:$0x3F7E]  }
0x2b: {  	s6 =	sld [smem:$0x3F7F]  }
0x2c: {  	s7 =	sld [smem:$0x3F80]  }
0x2d: {  	s3 =	simm.s32 $0x108;
	s8 =	sld [smem:$0x3F81]  }
0x2e: {  	s3 =	simm.s32 @!p0 $0x1082;
	s9 =	sld [smem:$0x3F82]  }
0x2f: {  	lr =	sadd.s32 s0, s3;
	s0 =	sld [smem:$0x3F79]  }
0x30: {  	s3 =	sld [smem:$0x3F7C]  }
0x31: {  	[smem:$0x3F85] =	sst s10  }
0x32: {  	s10 =	sld [smem:$0x3F83];
	_ =	sdelay $0x3  }
0x33: {  	p0 =	seq.s32 s10, $0x1;
	s10 =	sld [smem:$0x3F85];
	_ =	sdelay $0x3  }
0x34: {  	[smem:$0x3F85] =	sst s10  }
0x35: {  	s10 =	sld [smem:$0x3F84];
	_ =	sdelay $0x3  }
0x36: {  	p1 =	seq.s32 s10, $0x1;
	s10 =	sld [smem:$0x3F85];
	_ =	sdelay $0x3  }
0x37: {  	[smem:$0x3F85] =	sst s10  }
0x38: {  	s10 =	sld [smem:$0x3F86]  }
0x39: {  	_ = 	snop;
	(pc) =	sbr.ind lr, $3  }
0x3a: {  	_ = 	snop  }
0x3b: {  	_ = 	snop  }
0x3c: {  	p2 =	seq.s32 s10, $0x1;
	s10 =	sld [smem:$0x3F85]  }
0x3d: {  	_ =	shalt  }
0x3e: {  	_ =	shalt  }
0x3f: {  	_ =	shalt  }
0x40: {  	_ =	shalt  }
0x41: {  	_ =	shalt  }
0x42: {  	_ =	shalt  }
0x43: {  	_ =	shalt  }
0x44: {  	_ =	shalt  }
0x45: {  	_ =	shalt  }
0x46: {  	_ =	shalt  }
0x47: {  	_ =	shalt  }
0x48: {  	_ =	shalt  }
0x49: {  	_ =	shalt  }
0x4a: {  	_ =	shalt  }
0x4b: {  	_ =	shalt  }
0x4c: {  	_ =	shalt  }
0x4d: {  	_ =	shalt  }
0x4e: {  	_ =	shalt  }
0x4f: {  	_ =	shalt  }
0x50: {  	_ =	shalt  }
0x51: {  	_ =	shalt  }
0x52: {  	_ =	shalt  }
0x53: {  	_ =	shalt  }
0x54: {  	_ =	shalt  }
0x55: {  	_ =	shalt  }
0x56: {  	_ =	shalt  }
0x57: {  	_ =	shalt  }
0x58: {  	_ =	shalt  }
0x59: {  	_ =	shalt  }
0x5a: {  	_ =	shalt  }
0x5b: {  	_ =	shalt  }
0x5c: {  	_ =	shalt  }
0x5d: {  	_ =	shalt  }
0x5e: {  	_ =	shalt  }
0x5f: {  	_ =	shalt  }
0x60: {  	_ =	shalt  }
0x61: {  	_ =	shalt  }
0x62: {  	_ =	shalt  }
0x63: {  	_ =	shalt  }
0x64: {  	_ =	shalt  }
0x65: {  	_ =	shalt  }
0x66: {  	_ =	shalt  }
0x67: {  	_ =	shalt  }
0x68: {  	_ =	shalt  }
0x69: {  	_ =	shalt  }
0x6a: {  	_ =	shalt  }
0x6b: {  	_ =	shalt  }
0x6c: {  	_ =	shalt  }
0x6d: {  	_ =	shalt  }
0x6e: {  	_ =	shalt  }
0x6f: {  	_ =	shalt  }
0x70: {  	_ =	shalt  }
0x71: {  	_ =	shalt  }
0x72: {  	_ =	shalt  }
0x73: {  	_ =	shalt  }
0x74: {  	_ =	shalt  }
0x75: {  	_ =	shalt  }
0x76: {  	_ =	shalt  }
0x77: {  	_ =	shalt  }
0x78: {  	_ =	shalt  }
0x79: {  	_ =	shalt  }
0x7a: {  	_ =	shalt  }
0x7b: {  	_ =	shalt  }
0x7c: {  	_ =	shalt  }
0x7d: {  	_ =	shalt  }
0x7e: {  	_ =	shalt  }
0x7f: {  	_ =	shalt  }
0x80: {  	_ =	shalt  }
0x81: {  	_ =	shalt  }
0x82: {  	_ =	shalt  }
0x83: {  	_ =	shalt  }
0x84: {  	_ =	shalt  }
0x85: {  	_ =	shalt  }
0x86: {  	_ =	shalt  }
0x87: {  	_ =	shalt  }
.Lfunc_end0:
.L_simem_size_0:
called_computation_lowered:
.L_overlay_start_0:
0x88: {  	s2 =	sld [smem:$0x3FD9]  }
0x89: {  	s3 =	sld [smem:$0x3FFE];
	_ =	sdelay $0x1  }
0x8a: {  	s1 =	srdreg.scid  }
0x8b: {  	s0 =	sand.u32 $0x1, s1  }
0x8c: {  	s16 =	sshll.u32 s0, $0xA;
	s2 =	sadd.s32 s3, s2  }
0x8d: {  	s2 =	sadd.s32 s2, s16  }
0x8e: {  	[smem:$0x3F91] =	sst s2  }
0x8f: {  	_ = 	snop  }
0x90: {  	(tm) =	ssettm $0x1  }
0x91: {  	s17 =	sld [smem:$0x3FFB];
	_ =	sdelay $0x3  }
0x92: {  	_ =	strace s17  }
0x93: {  	s2 =	sld [smem:$0x3FFC];
	_ =	sdelay $0x3  }
0x94: {  	_ =	strace s2  }
0x95: {  	s2 =	sld [smem:$0x3FFD];
	_ =	sdelay $0x3  }
0x96: {  	_ =	strace s2  }
0x97: {  	_ =	strace $0x8FFFFFFF  }
0x98: {  	s18 =	sld [smem:$0x3FDB];
	_ =	sdelay $0x1  }
0x99: {  	s19 =	simm.s32 $_scs_section_size  }
0x9a: {  	s4 =	simm.s32 $_size__tile_overlayer_lowered;
	s5 =	simm.s32 $_tile_overlayer_lowered  }
0x9b: {  	s22 =	simm.s32 $0x1BFF;
	s21 =	sshll.u32 s5, $0x1;
	s2 =	sadd.s32 s19, s18  }
0x9c: {  	s6 =	simm.s32 $0x0;
	s20 =	sshll.u32 s4, $0x1;
	s4 =	sadd.s32 s21, s2  }
0x9d: {  	[timem:s6], [sflag:s22] =	dma.local [hbm:s4], s20  }
0x9e: {  	_ =	swait.ge [sflag:s22], s20  }
0x9f: {  	s3 =	ssub.s32 $0x0, s20;
	[sflag:s22] =	ssyncset.done $0x0  }
0xa0: {  	[sflag:s22] =	ssyncadd.s32 s3;
	_ =	sdelay $0x1  }
0xa1: {  	s23 =	simm.s32 $0x1B8B  }
0xa2: {  	_ =	swait.ge [sflag:s23], $0x1  }
0xa3: {  	[sflag:s23] =	ssyncset.done $0x0  }
0xa4: {  	s25 =	simm.s32 $0x1B8E;
	s24 =	sld [smem:$0x3FFE];
	[sflag:s23] =	ssyncadd.s32 $0xFFFFFFFF  }
0xa5: {  	s26 =	simm.s32 $execute0_lowered;
	[smem:$0x3FD2] =	sst s25  }
0xa6: {  	s4 =	sshll.u32 s26, $0x1;
	_ =	strace $0x80000049;
	[dreg:$0x1] =	wrdreg $0xFFFFFFFF  }
0xa7: {  	s28 =	simm.s32 $_size_execute0_lowered;
	s2 =	sadd.s32 s2, s4;
	[dreg:$0x0] =	wrdreg $0x0  }
0xa8: {  	s4 =	sshll.u32 s28, $0x1;
	[dreg:$0x2] =	wrdreg s2  }
0xa9: {  	[dreg:$0x3] =	wrdreg s4  }
0xaa: {  	[dreg:$0x4] =	wrdreg $0xC0  }
0xab: {  	_ =	task [dreg:s6], $0x5FFFF  }
0xac: {  	[dreg:$0x1] =	wrdreg $0xFFFFFFFF  }
0xad: {  	[dreg:$0x0] =	wrdreg $0x60  }
0xae: {  	[dreg:$0x2] =	wrdreg s24  }
0xaf: {  	[dreg:$0x3] =	wrdreg $0x9  }
0xb0: {  	_ =	task.clear_ibuf [dreg:s6], $0x4FFFF;
	_ =	strace $0x90000049  }
0xb1: {  	s29 =	simm.s32 $0x9;
	_ =	strace $0x8000004B  }
0xb2: {  	_ =	swait.ge [sflag:s29], $0x1  }
0xb3: {  	[sflag:s29] =	ssyncadd.s32 $0xFFFFFFFF  }
0xb4: {  	_ =	strace $0x9000004B  }
0xb5: {  	_ =	sfence  }
0xb6: {  	s30 =	sld [smem:$0x0];
	_ =	sdelay $0x2  }
0xb7: {  	s31 =	sshll.u32 s1, $0xD;
	s1 =	sshrl.u32 s1, $0x2  }
0xb8: {  	s3 =	sand.u32 $0x4000, s31;
	s1 =	sadd.s32 s1, s30  }
0xb9: {  	s0 =	sor.u32 s3, s0;
	s1 =	sshll.u32 s1, $0x11  }
0xba: {  	s0 =	sor.u32 s1, s0  }
0xbb: {  	s0 =	sadd.s32 $0x8F2B, s0  }
0xbc: {  	[sflag:s0] =	ssyncadd.remote.s32 $0x1  }
0xbd: {  	_ =	sfence.sel $0xFFFF  }
0xbe: {  	[dreg:$0x0] =	wrdreg $0xFFFFFFFF;
	(pc) =	sbr.abs _section_cstart, $3  }
0xbf: {  	[dreg:$0x1] =	wrdreg $0xFFFFFFFF  }
0xc0: {  	_ =	task.clear_ibuf [dreg:s6], $0x2FFFF;
	_ =	strace $0x9FFFFFFF  }
0xc1: {  	(tm) =	ssettm $0x7FFFFFFF  }
tec
execute0_lowered:
.L_overlay_start_1:
0x0: {  	(tag) =	ssettag $0x1  }
0x1: {  	s0 =	srdreg.scid;
	s5 =	rddreg [dreg:$0x0]  }
0x2: {  	s1 =	stileid.u32;
	s6 =	simm.s32 $0x1;
	s9 =	simm.s32 $0x1  }
0x3: {  	s10 =	simm.s32 $0x3;
	s13 =	simm.s32 $0x0;
	s2 =	sshll.u32 s0, $0xA  }
0x4: {  	s12 =	simm.s32 $0x0;
	s3 =	sshll.u32 s1, $0xB;
	s4 =	sand.u32 $0x400, s2  }
0x5: {  	s0 =	rddreg [dreg:$0x1];
	_ =	strace $0x8000004A;
	s3 =	sor.u32 s3, s4  }
0x6: {  	s2 =	sadd.s32 $0x134600, s5;
	[sflag:s6] =	ssyncpa.u1 $0x0;
	s8 =	ssub.s32 $0xD000, s3  }
.Ltmp0:
0x7: {  	s4 =	sadd.s32 $0x139A00, s5;
	s7 =	sand.u32 $0x7C00, s8;
	(pc) =	sbr.rel .LBB2_1-.Ltmp0, $4  }
0x8: {  	s5 =	sadd.s32 $0x136400, s5;
	s11 =	smov.u32 s3;
	p0 =	sne.s32 s7, $0x0  }
0x9: {  	s8 =	sshrl.u32 s8, $0xF;
	s7 =	simm.s32 $0x2;
	s9 =	simm.s32 @!p0 $0x0  }
0xa: {  	[sflag:s7] =	ssyncpa.u1 $0x0;
	p0 =	por $0x0, $0x0;
	s8 =	sadd.s32 s9, s8  }
0xb: {  	vm0 =	vmmov $0xffff;
	[sflag:s10] =	ssyncpa.u1 $0x0;
	s10 =	simm.s32 $0x0;
	s9 =	sadd.s32 $0x1, s8  }
.LBB2_4:
0xc: {  	v2 =	vnsel vm1, $0x0, v2  }
0xd: {  	vm1 =	vgt.s32 v0, $0x0;
	v2 =	vmin.u32 v2, $0xC34F  }
0xe: {  	v0 =	vnsel vm1, $0x0, v0  }
0xf: {  	v0 =	vmin.u32 v0, $0xC34F  }
0x10: {  	[tilespmem:s15], [sflag:$0x1] =	stream.indirect_vreg.gather [hbm4b:s2+s10], $0x1, v1, vm0, $0x4038;
	[tilespmem:$0x1000] =	vst v63  }
0x11: {  	(ifvalue) =	ssetifvalue $0x7FFFFFFF  }
0x12: {  	[tilespmem:s16], [sflag:$0x1] =	stream.indirect_vreg.gather [hbm4b:s2+s10], $0x1, v2, vm0, $0x4038;
	[tilespmem:$0x1000] =	vst v63  }
0x13: {  	s29 =	sadd.s32 $0x10, s16;
	(ifvalue) =	ssetifvalue $0x7FFFFFFF  }
0x14: {  	[tilespmem:s29], [sflag:$0x1] =	stream.indirect_vreg.gather [hbm4b:s2+s10], $0x1, v0, vm0, $0x4038;
	[tilespmem:$0x1000] =	vst v63  }
0x15: {  	_ =	swait.ge [sflag:s6], $0x400  }
0x16: {  	s30 =	sshrl.u32 s13, $0x3;
	[sflag:s6] =	ssyncset.done $0x0  }
0x17: {  	s31 =	sand.u32 $0x7, s13;
	s15 =	sadd.s32 s5, s30;
	[sflag:s6] =	ssyncadd.s32 $0xFFFFFC00  }
0x18: {  	[hbm4b:s15+s31] =	stream.linear.scatter [tilespmem:s14], [sflag:$0x3], $0x400, $0x38;
	[tilespmem:$0x1000] =	vst v63  }
.LBB2_5:
0x19: {  	s15 =	sadd.s32 $0x8000, s11  }
0x1a: {  	p2 =	sgt.s32 s15, $0xCFFF  }
0x1b: {  	s15 =	smov.u32 @p2 s3;
	p2 =	sne.s32 s12, s9  }
.Ltmp1:
0x1c: {  	p1 =	slt.u32 s12, $0x2;
	(pc) =	sbr.rel @!p2 .LBB2_6-.Ltmp1, $4  }
0x1d: {  	s14 =	simm.s32 @!p1 $0x3  }
0x1e: {  	s16 =	sadd.s32 $0x1, s12;
	_ =	swait.ge @!p1 [sflag:s14], $0x400  }
0x1f: {  	s13 =	smov.u32 s11;
	p0 =	por !p0, !p0;
	[sflag:s14] =	ssyncset.done @!p1 $0x0  }
0x20: {  	s12 =	smov.u32 s16;
	s11 =	smov.u32 s15;
	[sflag:s14] =	ssyncadd.s32 @!p1 $0xFFFFFC00  }
.LBB2_1:
0x21: {  	p1 =	sge.u32 s12, s8  }
0x22: {  	s14 =	sxor.u32 @!p1 $0xFFFFFFFF, s12  }
0x23: {  	s31 =	sadd.s32 $0xFFFFFFFF, s12;
	s15 =	sshrl.u32 @!p1 s11, $0x3;
	s14 =	sshll.u32 @!p1 s14, $0xA  }
0x24: {  	s16 =	sand.u32 @!p1 $0x7, s11;
	s15 =	sadd.s32 @!p1 s4, s15;
	s14 =	sand.u32 @!p1 $0x400, s14  }
0x25: {  	[tilespmem:s14], [sflag:$0x2] =	stream.linear.gather @!p1 [hbm4b:s15+s16], $0x400, $0x38;
	[tilespmem:$0x1000] =	vst v63  }
0x26: {  	p1 =	sge.u32 s31, s8  }
.Ltmp2:
0x27: {  	_ = 	snop;
	(pc) =	sbr.rel @p1 .LBB2_5-.Ltmp2, $1  }
0x28: {  	_ =	sdelay $0x3  }
0x29: {  	s14 =	simm.s32 $0x1  }
0x2a: {  	_ =	swait.ge [sflag:s7], $0x400;
	s14 =	simm.s32 @!p0 $0x0  }
0x2b: {  	[sflag:s7] =	ssyncset.done $0x0;
	s14 =	sshll.u32 s14, $0xA  }
0x2c: {  	[sflag:s7] =	ssyncadd.s32 $0xFFFFFC00;
	(ifvalue) =	ssetifvalue $0x7FFFFFFF;
	v0 =	vld.msk [tilespmem:s14+$0x0 ss:$0x1], $0xffff;
	_ =	sdelay $0x4  }
0x2d: {  	s15 =	sadd.s32 $0x10, s14;
	vm1 =	vgt.s32 v0, $0x0  }
0x2e: {  	v2 =	vld.msk [tilespmem:s15+$0x0 ss:$0x1], $0xffff;
	v1 =	vnsel vm1, $0x0, v0  }
0x2f: {  	v1 =	vmin.u32 v1, $0xC34F;
	_ =	sdelay $0x1  }
0x30: {  	s16 =	sshll.u32 s12, $0xA;
	s18 =	simm.s32 $0x20  }
0x31: {  	s16 =	sand.u32 $0x400, s16;
	s17 =	sadd.s32 $0x10, s15;
	s15 =	sor.u32 $0x800, s14  }
0x32: {  	s14 =	sor.u32 $0x800, s16;
	s16 =	sadd.s32 $0x10, s15;
	v0 =	vld.msk [tilespmem:s17+$0x0 ss:$0x1], $0xffff;
	vm1 =	vgt.s32 v2, $0x0;
	(ifvalue) =	ssetifvalue $0x7FFFFFFF  }
.LBB2_3:
0x33: {  	[tilespmem:s15], [sflag:$0x1] =	stream.indirect_vreg.gather [hbm4b:s2+s10], $0x1, v1, vm0, $0x4038;
	[tilespmem:$0x1000] =	vst v63  }
0x34: {  	s18 =	sadd.s32 $0x10, s18  }
0x35: {  	v2 =	vnsel vm1, $0x0, v2;
	p1 =	slt.u32 s18, $0x3F0  }
.Ltmp3:
0x36: {  	s15 =	smov.u32 s16;
	v1 =	vmin.u32 v2, $0xC34F;
	(pc) =	sbr.rel @p1 .LBB2_3-.Ltmp3, $3  }
0x37: {  	_ =	sdelay $0x1  }
0x38: {  	s17 =	sadd.s32 $0x10, s17  }
0x39: {  	vm1 =	vgt.s32 v0, $0x0;
	s16 =	sadd.s32 $0x10, s16;
	v2 =	vmov v0;
	(ifvalue) =	ssetifvalue $0x7FFFFFFF;
	v0 =	vld.msk [tilespmem:s17+$0x0 ss:$0x1], $0xffff  }
.Ltmp4:
0x3a: {  	_ = 	snop;
	(pc) =	sbr.rel .LBB2_4-.Ltmp4, $1  }
0x3b: {  	_ =	sdelay $0x3  }
.LBB2_6:
0x3c: {  	_ =	sfence.sel $0x180000  }
0x3d: {  	s2 =	simm.s32 $0x2;
	[bflag:$0x0] =	sbarrier.arrive $0xFFFF  }
0x3e: {  	s30 =	simm.s32 $0x3;
	[sflag:s2] =	ssyncpa.u1 $0x1  }
0x3f: {  	s31 =	simm.s32 $0x1;
	[sflag:s30] =	ssyncpa.u1 $0x1  }
0x40: {  	[sflag:s31] =	ssyncpa.u1 $0x1  }
0x41: {  	p0 =	sne.s32 s1, $0x0;
	_ =	strace $0x9000004A  }
0x42: {  	s0 =	sadd.s32 @!p0 $0x100000, s0;
	[bflag:$0x2] =	sbarrier.arrive $0xFFFF  }
0x43: {  	[sflag:s0] =	ssyncadd.tile.s32 @!p0 $0x1;
	_ =	shalt  }
.Lfunc_end2:
_tile_overlayer_lowered:
.L_overlay_start_2:
0x44: {  	(tag) =	ssettag $0x2  }
0x45: {  	s0 =	rddreg [dreg:$0x0];
	s2 =	stileid.u32  }
0x46: {  	s1 =	rddreg [dreg:$0x1];
	p0 =	sne.s32 s2, $0x0  }
0x47: {  	s3 =	rddreg [dreg:$0x2];
	[bflag:$0x3] =	sbarrier.arrive $0xFFFF;
	s2 =	simm.s32 @!p0 $0x1C01  }
0x48: {  	[timem:s3], [sflag:s2] =	dma.local @!p0 [hbm:s0], s1  }
0x49: {  	s0 =	simm.s32 @!p0 $0x1  }
0x4a: {  	_ =	swait.ge @!p0 [sflag:s0], s1  }
0x4b: {  	s1 =	ssub.s32 @!p0 $0x0, s1;
	[sflag:s0] =	ssyncset.done @!p0 $0x0  }
0x4c: {  	[sflag:s0] =	ssyncadd.s32 @!p0 s1  }
0x4d: {  	[bflag:$0x3] =	sbarrier.arrive $0xFFFF  }
0x4e: {  	_ =	shalt  }

// kernel: kernel.23.cloned.1.call-start
scs
__scs_entry_jumppad:
0x0: {  	(pc) =	sbr.rel $0x88, $3  }
0x1: {  	(tag) =	ssettag $0x0;
	lr =	simm.s32 $0x1  }
0x2: {  	[smem:$0x3F6A] =	sst lr;
	_ =	strace $0xD0000000  }
0x3: {  	_ = 	snop  }
0x4: {  	_ = 	snop  }
0x5: {  	_ = 	snop  }
0x6: {  	_ = 	snop  }
0x7: {  	_ = 	snop  }
__scs_overlays_trampoline_lowered:
0x8: {  	[smem:$0x3F79] =	sst s0  }
0x9: {  	[smem:$0x3F7A] =	sst s1  }
0xa: {  	[smem:$0x3F7B] =	sst s2  }
0xb: {  	[smem:$0x3F7C] =	sst s3  }
0xc: {  	[smem:$0x3F7D] =	sst s4  }
0xd: {  	[smem:$0x3F7E] =	sst s5  }
0xe: {  	[smem:$0x3F7F] =	sst s6  }
0xf: {  	[smem:$0x3F80] =	sst s7  }
0x10: {  	[smem:$0x3F81] =	sst s8  }
0x11: {  	[smem:$0x3F82] =	sst s9;
	s0 =	simm.s32 @!p0 $0x0  }
0x12: {  	s1 =	sld [smem:$0x3F68];
	s0 =	simm.s32 @p0 $0x1  }
0x13: {  	[smem:$0x3F83] =	sst s0;
	s0 =	simm.s32 @!p1 $0x0  }
0x14: {  	s2 =	sld [smem:$0x3F67];
	s0 =	simm.s32 @p1 $0x1  }
0x15: {  	[smem:$0x3F84] =	sst s0;
	s0 =	simm.s32 @!p2 $0x0  }
0x16: {  	s3 =	sld [smem:$0x3FDB];
	s0 =	simm.s32 @p2 $0x1  }
0x17: {  	s4 =	simm.s32 $0x1BF5;
	[smem:$0x3F86] =	sst s0  }
0x18: {  	s0 =	sld [smem:$0x3F69];
	_ =	swait.ge [sflag:s4], $0x0  }
0x19: {  	s7 =	sld [smem:$0x3F6A]  }
0x1a: {  	s8 =	sadd.s32 $0xFFFFE003, lr  }
0x1b: {  	s9 =	sadd.s32 $0xFFFFFEF7, lr;
	s5 =	simm.s32 $0xFFFFFFFF;
	p2 =	slt.u32 s8, $0xFFFFF086  }
0x1c: {  	p1 =	slt.u32 s9, $0xF7A;
	s5 =	simm.s32 @!p2 $0x0  }
0x1d: {  	s5 =	simm.s32 @p1 $0x1;
	p0 =	seq.s32 s7, s2  }
0x1e: {  	s7 =	smul.u32 @!p0 $0xF7A, s2;
	p2 =	seq.s32 @!p0 s5, $0x0  }
0x1f: {  	s9 =	smul.u32 $0xF7A, s1;
	s8 =	simm.s32 @!p0 $0x1BF5;
	p2 =	por !p2, p0  }
0x20: {  	[sflag:s8] =	ssyncset.s32 @!p0 $0xFFFFF086;
	s6 =	sadd.s32 @!p0 s3, s7;
	s7 =	simm.s32 @!p0 $0x108  }
0x21: {  	s3 =	sadd.s32 s3, s9;
	s6 =	sadd.s32 @!p0 $0x88, s6;
	s7 =	simm.s32 @p2 $0x1082  }
0x22: {  	[simem:s7], [sflag:s8] =	dma.local @!p0 [hbm:s6], $0xF7A  }
0x23: {  	s9 =	sor.u32 $0xD0000000, s2;
	s6 =	simm.s32 $0x108;
	_ =	swait.ge @!p0 [sflag:s8], $0x0  }
0x24: {  	s3 =	sadd.s32 $0x88, s3;
	s6 =	simm.s32 @!p1 $0x1082;
	[sflag:s4] =	ssyncset.s32 $0xFFFFF086  }
0x25: {  	[simem:s6], [sflag:s4] =	dma.local [hbm:s3], $0xF7A  }
0x26: {  	[smem:$0x3F6A] =	sst s1;
	(tag) =	ssettag s2;
	_ =	strace s9  }
0x27: {  	s1 =	sld [smem:$0x3F7A]  }
0x28: {  	s2 =	sld [smem:$0x3F7B]  }
0x29: {  	s4 =	sld [smem:$0x3F7D]  }
0x2a: {  	p0 =	seq.s32 s5, $0x0;
	s5 =	sld [smem:$0x3F7E]  }
0x2b: {  	s6 =	sld [smem:$0x3F7F]  }
0x2c: {  	s7 =	sld [smem:$0x3F80]  }
0x2d: {  	s3 =	simm.s32 $0x108;
	s8 =	sld [smem:$0x3F81]  }
0x2e: {  	s3 =	simm.s32 @!p0 $0x1082;
	s9 =	sld [smem:$0x3F82]  }
0x2f: {  	lr =	sadd.s32 s0, s3;
	s0 =	sld [smem:$0x3F79]  }
0x30: {  	s3 =	sld [smem:$0x3F7C]  }
0x31: {  	[smem:$0x3F85] =	sst s10  }
0x32: {  	s10 =	sld [smem:$0x3F83];
	_ =	sdelay $0x3  }
0x33: {  	p0 =	seq.s32 s10, $0x1;
	s10 =	sld [smem:$0x3F85];
	_ =	sdelay $0x3  }
0x34: {  	[smem:$0x3F85] =	sst s10  }
0x35: {  	s10 =	sld [smem:$0x3F84];
	_ =	sdelay $0x3  }
0x36: {  	p1 =	seq.s32 s10, $0x1;
	s10 =	sld [smem:$0x3F85];
	_ =	sdelay $0x3  }
0x37: {  	[smem:$0x3F85] =	sst s10  }
0x38: {  	s10 =	sld [smem:$0x3F86]  }
0x39: {  	_ = 	snop;
	(pc) =	sbr.ind lr, $3  }
0x3a: {  	_ = 	snop  }
0x3b: {  	_ = 	snop  }
0x3c: {  	p2 =	seq.s32 s10, $0x1;
	s10 =	sld [smem:$0x3F85]  }
0x3d: {  	_ =	shalt  }
0x3e: {  	_ =	shalt  }
0x3f: {  	_ =	shalt  }
0x40: {  	_ =	shalt  }
0x41: {  	_ =	shalt  }
0x42: {  	_ =	shalt  }
0x43: {  	_ =	shalt  }
0x44: {  	_ =	shalt  }
0x45: {  	_ =	shalt  }
0x46: {  	_ =	shalt  }
0x47: {  	_ =	shalt  }
0x48: {  	_ =	shalt  }
0x49: {  	_ =	shalt  }
0x4a: {  	_ =	shalt  }
0x4b: {  	_ =	shalt  }
0x4c: {  	_ =	shalt  }
0x4d: {  	_ =	shalt  }
0x4e: {  	_ =	shalt  }
0x4f: {  	_ =	shalt  }
0x50: {  	_ =	shalt  }
0x51: {  	_ =	shalt  }
0x52: {  	_ =	shalt  }
0x53: {  	_ =	shalt  }
0x54: {  	_ =	shalt  }
0x55: {  	_ =	shalt  }
0x56: {  	_ =	shalt  }
0x57: {  	_ =	shalt  }
0x58: {  	_ =	shalt  }
0x59: {  	_ =	shalt  }
0x5a: {  	_ =	shalt  }
0x5b: {  	_ =	shalt  }
0x5c: {  	_ =	shalt  }
0x5d: {  	_ =	shalt  }
0x5e: {  	_ =	shalt  }
0x5f: {  	_ =	shalt  }
0x60: {  	_ =	shalt  }
0x61: {  	_ =	shalt  }
0x62: {  	_ =	shalt  }
0x63: {  	_ =	shalt  }
0x64: {  	_ =	shalt  }
0x65: {  	_ =	shalt  }
0x66: {  	_ =	shalt  }
0x67: {  	_ =	shalt  }
0x68: {  	_ =	shalt  }
0x69: {  	_ =	shalt  }
0x6a: {  	_ =	shalt  }
0x6b: {  	_ =	shalt  }
0x6c: {  	_ =	shalt  }
0x6d: {  	_ =	shalt  }
0x6e: {  	_ =	shalt  }
0x6f: {  	_ =	shalt  }
0x70: {  	_ =	shalt  }
0x71: {  	_ =	shalt  }
0x72: {  	_ =	shalt  }
0x73: {  	_ =	shalt  }
0x74: {  	_ =	shalt  }
0x75: {  	_ =	shalt  }
0x76: {  	_ =	shalt  }
0x77: {  	_ =	shalt  }
0x78: {  	_ =	shalt  }
0x79: {  	_ =	shalt  }
0x7a: {  	_ =	shalt  }
0x7b: {  	_ =	shalt  }
0x7c: {  	_ =	shalt  }
0x7d: {  	_ =	shalt  }
0x7e: {  	_ =	shalt  }
0x7f: {  	_ =	shalt  }
0x80: {  	_ =	shalt  }
0x81: {  	_ =	shalt  }
0x82: {  	_ =	shalt  }
0x83: {  	_ =	shalt  }
0x84: {  	_ =	shalt  }
0x85: {  	_ =	shalt  }
0x86: {  	_ =	shalt  }
0x87: {  	_ =	shalt  }
.Lfunc_end0:
.L_simem_size_0:
called_computation.1_lowered:
.L_overlay_start_0:
0x88: {  	s2 =	sld [smem:$0x3FD9]  }
0x89: {  	s3 =	sld [smem:$0x3FFE];
	_ =	sdelay $0x1  }
0x8a: {  	s1 =	srdreg.scid  }
0x8b: {  	s0 =	sand.u32 $0x1, s1  }
0x8c: {  	s17 =	sshll.u32 s0, $0xA;
	s2 =	sadd.s32 s3, s2  }
0x8d: {  	s2 =	sadd.s32 s2, s17  }
0x8e: {  	[smem:$0x3F91] =	sst s2  }
0x8f: {  	_ = 	snop  }
0x90: {  	s2 =	sld [smem:$0x3FD0];
	(tm) =	ssettm $0x1  }
0x91: {  	s18 =	sld [smem:$0x3FFB];
	_ =	sdelay $0x3  }
0x92: {  	_ =	strace s18  }
0x93: {  	s3 =	sld [smem:$0x3FFC];
	_ =	sdelay $0x3  }
0x94: {  	_ =	strace s3  }
0x95: {  	s3 =	sld [smem:$0x3FFD];
	_ =	sdelay $0x3  }
0x96: {  	_ =	strace s3  }
0x97: {  	_ =	strace $0x8FFFFFFF  }
0x98: {  	s19 =	sld [smem:$0x3FDB];
	_ =	sdelay $0x1  }
0x99: {  	s4 =	simm.s32 $_scs_section_size  }
0x9a: {  	s5 =	simm.s32 $_size__tile_overlayer_lowered;
	s6 =	simm.s32 $_tile_overlayer_lowered  }
0x9b: {  	s22 =	simm.s32 $0x1BFF;
	s21 =	sshll.u32 s6, $0x1;
	s3 =	sadd.s32 s4, s19  }
0x9c: {  	s7 =	simm.s32 $0x0;
	s20 =	sshll.u32 s5, $0x1;
	s5 =	sadd.s32 s21, s3  }
0x9d: {  	[timem:s7], [sflag:s22] =	dma.local [hbm:s5], s20  }
0x9e: {  	_ =	swait.ge [sflag:s22], s20  }
0x9f: {  	s4 =	ssub.s32 $0x0, s20;
	[sflag:s22] =	ssyncset.done $0x0  }
0xa0: {  	[sflag:s22] =	ssyncadd.s32 s4;
	_ =	sdelay $0x1  }
0xa1: {  	s23 =	simm.s32 $0x1B8B  }
0xa2: {  	_ =	swait.ge [sflag:s23], $0x1  }
0xa3: {  	[sflag:s23] =	ssyncset.done $0x0  }
0xa4: {  	s25 =	simm.s32 $0x1B8E;
	s24 =	sld [smem:$0x3FFE];
	[sflag:s23] =	ssyncadd.s32 $0xFFFFFFFF  }
0xa5: {  	s26 =	simm.s32 $execute0_lowered;
	[smem:$0x3FD2] =	sst s25  }
0xa6: {  	s5 =	sshll.u32 s26, $0x1;
	_ =	strace $0x80000046;
	[dreg:$0x1] =	wrdreg $0xFFFFFFFF  }
0xa7: {  	s28 =	simm.s32 $_size_execute0_lowered;
	s3 =	sadd.s32 s3, s5;
	[dreg:$0x0] =	wrdreg $0x0  }
0xa8: {  	s5 =	sshll.u32 s28, $0x1;
	[dreg:$0x2] =	wrdreg s3  }
0xa9: {  	[dreg:$0x3] =	wrdreg s5  }
0xaa: {  	[dreg:$0x4] =	wrdreg $0xC0  }
0xab: {  	_ =	task [dreg:s7], $0x5FFFF  }
0xac: {  	[dreg:$0x1] =	wrdreg $0xFFFFFFFF  }
0xad: {  	[dreg:$0x0] =	wrdreg $0x60  }
0xae: {  	[dreg:$0x2] =	wrdreg s24  }
0xaf: {  	[dreg:$0x3] =	wrdreg s2  }
0xb0: {  	[dreg:$0x4] =	wrdreg $0x3BB00  }
0xb1: {  	[dreg:$0x5] =	wrdreg $0x9  }
0xb2: {  	_ =	task.clear_ibuf [dreg:s7], $0x6FFFF;
	_ =	strace $0x90000046  }
0xb3: {  	s29 =	simm.s32 $0x9;
	_ =	strace $0x80000048  }
0xb4: {  	_ =	swait.ge [sflag:s29], $0x1  }
0xb5: {  	[sflag:s29] =	ssyncadd.s32 $0xFFFFFFFF  }
0xb6: {  	_ =	strace $0x90000048  }
0xb7: {  	_ =	sfence  }
0xb8: {  	s30 =	sld [smem:$0x0];
	_ =	sdelay $0x2  }
0xb9: {  	s31 =	sshll.u32 s1, $0xD;
	s1 =	sshrl.u32 s1, $0x2  }
0xba: {  	s3 =	sand.u32 $0x4000, s31;
	s1 =	sadd.s32 s1, s30  }
0xbb: {  	s0 =	sor.u32 s3, s0;
	s1 =	sshll.u32 s1, $0x11  }
0xbc: {  	s0 =	sor.u32 s1, s0  }
0xbd: {  	s0 =	sadd.s32 $0x8F2B, s0  }
0xbe: {  	[sflag:s0] =	ssyncadd.remote.s32 $0x1  }
0xbf: {  	_ =	sfence.sel $0xFFFF  }
0xc0: {  	[dreg:$0x0] =	wrdreg $0xFFFFFFFF;
	(pc) =	sbr.abs _section_cstart, $3  }
0xc1: {  	[dreg:$0x1] =	wrdreg $0xFFFFFFFF  }
0xc2: {  	_ =	task.clear_ibuf [dreg:s7], $0x2FFFF;
	_ =	strace $0x9FFFFFFF  }
0xc3: {  	(tm) =	ssettm $0x7FFFFFFF  }
tec
execute0_lowered:
.L_overlay_start_1:
0x0: {  	(tag) =	ssettag $0x1  }
0x1: {  	s6 =	rddreg [dreg:$0x0]  }
0x2: {  	s9 =	rddreg [dreg:$0x1]  }
0x3: {  	s1 =	rddreg [dreg:$0x2]  }
0x4: {  	s0 =	rddreg [dreg:$0x3];
	s2 =	simm.s32 $0x0  }
0x5: {  	s3 =	srdreg.scid;
	s16 =	simm.s32 $0x2;
	s17 =	simm.s32 $0x22B0  }
0x6: {  	s18 =	simm.s32 $0x80;
	s19 =	simm.s32 $0x210;
	s21 =	simm.s32 $0x1210  }
0x7: {  	s22 =	simm.s32 $0x0;
	[smem:$0x7FF] =	sst s2;
	s11 =	sand.u32 $0x1, s3  }
0x8: {  	s3 =	sadd.s32 $0xDC00, s6;
	s4 =	sadd.s32 $0x88000, s6;
	s8 =	smul.u32 $0x30D40, s11  }
0x9: {  	s5 =	sadd.s32 $0x6F800, s6;
	s7 =	sadd.s32 $0xA0800, s6;
	s31 =	smul.u32 $0x14, s11  }
0xa: {  	_ =	strace $0x80000047;
	s10 =	ssub.s32 $0x2, s11;
	s20 =	smul.u32 $0xC350, s11  }
0xb: {  	s30 =	sshrl.u32 s10, $0x1;
	s14 =	sadd.s32 s8, s6;
	s6 =	stileid.u32  }
0xc: {  	s12 =	ssub.s32 s10, s30;
	s8 =	simm.s32 $0x4;
	s9 =	sadd.s32 s9, s31  }
0xd: {  	s10 =	simm.s32 $0x187;
	v0 =	vmov s20;
	s20 =	simm.s32 $0x1;
	s13 =	smul.u32 $0x1F400, s6  }
0xe: {  	p0 =	slt.u32 s6, $0x2;
	s15 =	smul.u32 $0xFA0, s6;
	s12 =	smax.u32 s12, $0x1  }
0xf: {  	s8 =	simm.s32 @!p0 $0x3;
	p0 =	slt.u32 s6, $0xA;
	s13 =	sshrl.u32 s13, $0x2  }
0x10: {  	s10 =	simm.s32 @!p0 $0x186;
	s14 =	sadd.s32 s15, s14;
	s11 =	sadd.s32 s13, s1  }
0x11: {  	v1 =	vimm.f32 $0.0e+00;
	s15 =	simm.s32 $0x2210;
	s14 =	sadd.s32 $0xD2200, s14;
	s13 =	sadd.s32 $0x6400, s11  }
.LBB2_1:
0x12: {  	[tilespmem:s15], [sflag:$0x2] =	stream.linear.gather [hbm4b:s9+s2], $0xA0, $0x38;
	[tilespmem:$0x1C250] =	vst v63  }
0x13: {  	_ =	swait.ge [sflag:s16], $0xA0  }
0x14: {  	[sflag:s16] =	ssyncset.done $0x0  }
0x15: {  	s23 =	simm.s32 $0x80;
	s24 =	simm.s32 $0x0;
	[sflag:s16] =	ssyncadd.s32 $0xFFFFFF60  }
.LBB2_2:
0x16: {  	p0 =	sne.s32 s23, $0x6380;
	[tilespmem:s24+$0x22B0] =	vst v1;
	s25 =	smov.u32 s23;
	s23 =	sadd.s32 $0x80, s23  }
.Ltmp0:
0x17: {  	[tilespmem:s24+$0x22C0] =	vst v1;
	(pc) =	sbr.rel @p0 .LBB2_2-.Ltmp0, $2  }
0x18: {  	_ =	sdelay $0x2  }
0x19: {  	s24 =	sshra.s32 s25, $0x2  }
0x1a: {  	p0 =	sne.s32 s8, $0x1  }
.Ltmp1:
0x1b: {  	_ = 	snop;
	(pc) =	sbr.rel @!p0 .LBB2_6-.Ltmp1, $3  }
0x1c: {  	_ =	sdelay $0x1  }
0x1d: {  	[tilespmem:s24+$0x22B0] =	vst v1  }
0x1e: {  	[tilespmem:s24+$0x22C0] =	vst v1;
	s23 =	sadd.s32 $0xFFFFFFFF, s8;
	p1 =	por $0x0, $0x0;
	s24 =	smov.u32 s13  }
0x1f: {  	s24 =	sadd.s32 $0xFFFF9C00, s13  }
0x20: {  	[spmem:s24] =	stream.linear.scatter [tilespmem:s17], [sflag:$0x2], $0x1900, $0x38;
	[tilespmem:$0x1C250] =	vst v63  }
0x21: {  	_ =	swait.ge [sflag:s16], $0x1900  }
0x22: {  	[sflag:s16] =	ssyncset.done $0x0  }
0x23: {  	s29 =	sadd.s32 $0xFFFFB500, s13;
	[sflag:s16] =	ssyncadd.s32 $0xFFFFE700  }
0x24: {  	[spmem:s29] =	stream.linear.scatter [tilespmem:s17], [sflag:$0x2], $0x1900, $0x38;
	[tilespmem:$0x1C250] =	vst v63  }
0x25: {  	_ =	swait.ge [sflag:s16], $0x1900  }
0x26: {  	[sflag:s16] =	ssyncset.done $0x0  }
0x27: {  	s30 =	sadd.s32 $0xFFFFCE00, s13;
	[sflag:s16] =	ssyncadd.s32 $0xFFFFE700  }
0x28: {  	[spmem:s30] =	stream.linear.scatter [tilespmem:s17], [sflag:$0x2], $0x1900, $0x38;
	[tilespmem:$0x1C250] =	vst v63  }
0x29: {  	_ =	swait.ge [sflag:s16], $0x1900  }
0x2a: {  	[sflag:s16] =	ssyncset.done $0x0  }
0x2b: {  	s31 =	sadd.s32 $0xFFFFE700, s13;
	[sflag:s16] =	ssyncadd.s32 $0xFFFFE700  }
0x2c: {  	[spmem:s31] =	stream.linear.scatter [tilespmem:s17], [sflag:$0x2], $0x1900, $0x38;
	[tilespmem:$0x1C250] =	vst v63  }
0x2d: {  	p2 =	sne.s32 s23, $0x1;
	_ =	swait.ge [sflag:s16], $0x1900  }
.Ltmp2:
0x2e: {  	[sflag:s16] =	ssyncset.done $0x0;
	(pc) =	sbr.rel @!p2 .LBB2_6-.Ltmp2, $4  }
0x2f: {  	[sflag:s16] =	ssyncadd.s32 $0xFFFFE700  }
0x30: {  	[spmem:s13] =	stream.linear.scatter [tilespmem:s17], [sflag:$0x2], $0x1900, $0x38;
	[tilespmem:$0x1C250] =	vst v63  }
0x31: {  	s25 =	sadd.s32 $0xFFFFFFFF, s23;
	_ =	swait.ge [sflag:s16], $0x1900  }
0x32: {  	p1 =	por $0x1, $0x1;
	s24 =	sadd.s32 $0x7D000, s13;
	[sflag:s16] =	ssyncset.done $0x0  }
.LBB2_5:
0x33: {  	p2 =	sne.s32 s25, $0x1;
	s26 =	sadd.s32 $0xFFFF9C00, s24;
	[sflag:s16] =	ssyncadd.s32 $0xFFFFE700  }
0x34: {  	[spmem:s26] =	stream.linear.scatter [tilespmem:s17], [sflag:$0x2], $0x1900, $0x38;
	[tilespmem:$0x1C250] =	vst v63  }
0x35: {  	s25 =	sadd.s32 $0xFFFFFFFF, s25;
	_ =	swait.ge [sflag:s16], $0x1900  }
0x36: {  	[sflag:s16] =	ssyncset.done $0x0  }
0x37: {  	s26 =	sadd.s32 $0xFFFFB500, s24;
	[sflag:s16] =	ssyncadd.s32 $0xFFFFE700  }
0x38: {  	[spmem:s26] =	stream.linear.scatter [tilespmem:s17], [sflag:$0x2], $0x1900, $0x38;
	[tilespmem:$0x1C250] =	vst v63  }
0x39: {  	_ =	swait.ge [sflag:s16], $0x1900  }
0x3a: {  	[sflag:s16] =	ssyncset.done $0x0  }
0x3b: {  	s26 =	sadd.s32 $0xFFFFCE00, s24;
	[sflag:s16] =	ssyncadd.s32 $0xFFFFE700  }
0x3c: {  	[spmem:s26] =	stream.linear.scatter [tilespmem:s17], [sflag:$0x2], $0x1900, $0x38;
	[tilespmem:$0x1C250] =	vst v63  }
0x3d: {  	_ =	swait.ge [sflag:s16], $0x1900  }
0x3e: {  	[sflag:s16] =	ssyncset.done $0x0  }
0x3f: {  	s26 =	sadd.s32 $0xFFFFE700, s24;
	[sflag:s16] =	ssyncadd.s32 $0xFFFFE700  }
0x40: {  	[spmem:s26] =	stream.linear.scatter [tilespmem:s17], [sflag:$0x2], $0x1900, $0x38;
	[tilespmem:$0x1C250] =	vst v63  }
0x41: {  	_ =	swait.ge [sflag:s16], $0x1900  }
.Ltmp3:
0x42: {  	[sflag:s16] =	ssyncset.done $0x0;
	(pc) =	sbr.rel @p2 .LBB2_5-.Ltmp3, $4  }
0x43: {  	[sflag:s16] =	ssyncadd.s32 $0xFFFFE700  }
0x44: {  	[spmem:s24] =	stream.linear.scatter [tilespmem:s17], [sflag:$0x2], $0x1900, $0x38;
	[tilespmem:$0x1C250] =	vst v63  }
0x45: {  	_ =	swait.ge [sflag:s16], $0x1900  }
0x46: {  	s24 =	sadd.s32 $0x7D000, s24;
	[sflag:s16] =	ssyncset.done $0x0  }
.LBB2_6:
0x47: {  	s25 =	sadd.s32 $0xFFFF9C00, s24;
	[sflag:s16] =	ssyncadd.s32 @p1 $0xFFFFE700  }
0x48: {  	[spmem:s25] =	stream.linear.scatter [tilespmem:s17], [sflag:$0x2], $0x1900, $0x38;
	[tilespmem:$0x1C250] =	vst v63  }
0x49: {  	_ =	swait.ge [sflag:s16], $0x1900  }
0x4a: {  	[sflag:s16] =	ssyncset.done $0x0  }
0x4b: {  	s29 =	sadd.s32 $0xFFFFB500, s24;
	[sflag:s16] =	ssyncadd.s32 $0xFFFFE700  }
0x4c: {  	[spmem:s29] =	stream.linear.scatter [tilespmem:s17], [sflag:$0x2], $0x1900, $0x38;
	[tilespmem:$0x1C250] =	vst v63  }
0x4d: {  	_ =	swait.ge [sflag:s16], $0x1900  }
0x4e: {  	[sflag:s16] =	ssyncset.done $0x0  }
0x4f: {  	s30 =	sadd.s32 $0xFFFFCE00, s24;
	[sflag:s16] =	ssyncadd.s32 $0xFFFFE700  }
0x50: {  	[spmem:s30] =	stream.linear.scatter [tilespmem:s17], [sflag:$0x2], $0x1900, $0x38;
	[tilespmem:$0x1C250] =	vst v63  }
0x51: {  	_ =	swait.ge [sflag:s16], $0x1900  }
0x52: {  	[sflag:s16] =	ssyncset.done $0x0  }
0x53: {  	s31 =	sadd.s32 $0xFFFFE700, s24;
	[sflag:s16] =	ssyncadd.s32 $0xFFFFE700  }
0x54: {  	[spmem:s31] =	stream.linear.scatter [tilespmem:s17], [sflag:$0x2], $0x1900, $0x38;
	[tilespmem:$0x1C250] =	vst v63  }
0x55: {  	_ =	swait.ge [sflag:s16], $0x1900  }
0x56: {  	[sflag:s16] =	ssyncset.done $0x0  }
0x57: {  	[sflag:s16] =	ssyncadd.s32 $0xFFFFE700  }
0x58: {  	[spmem:s24] =	stream.linear.scatter [tilespmem:s17], [sflag:$0x2], $0x1900, $0x38;
	[tilespmem:$0x1C250] =	vst v63  }
0x59: {  	_ =	swait.ge [sflag:s16], $0x1900  }
0x5a: {  	[sflag:s16] =	ssyncset.done $0x0  }
0x5b: {  	[sflag:s16] =	ssyncadd.s32 $0xFFFFE700  }
0x5c: {  	[bflag:$0x0] =	sbarrier.arrive $0xFFFF  }
0x5d: {  	v2 =	vld [tilespmem:$0x2210]  }
0x5e: {  	v3 =	vld [tilespmem:$0x2220]  }
0x5f: {  	v4 =	vld [tilespmem:$0x2230]  }
0x60: {  	v5 =	vld [tilespmem:$0x2240]  }
0x61: {  	v6 =	vld [tilespmem:$0x2250]  }
0x62: {  	v7 =	vld [tilespmem:$0x2260]  }
0x63: {  	v8 =	vld [tilespmem:$0x2270]  }
0x64: {  	v9 =	vld [tilespmem:$0x2280]  }
0x65: {  	v10 =	vld [tilespmem:$0x2290]  }
0x66: {  	s25 =	simm.s32 $0x0;
	s24 =	simm.s32 $0x0;
	v11 =	vld [tilespmem:$0x22A0]  }
.LBB2_7:
0x67: {  	s26 =	sshll.u32 s25, $0x4  }
0x68: {  	s26 =	sor.u32 s6, s26  }
0x69: {  	s28 =	sshll.u32 s26, $0x4  }
0x6a: {  	s29 =	sadd.s32 s4, s28  }
0x6b: {  	[tilespmem:s24], [sflag:$0x2] =	stream.linear.gather [hbm4b:s29+s24], $0x80, $0x38;
	[tilespmem:$0x1C250] =	vst v63  }
0x6c: {  	_ =	swait.ge [sflag:s16], $0x80  }
0x6d: {  	[sflag:s16] =	ssyncset.done $0x0  }
0x6e: {  	s28 =	sadd.s32 s5, s28;
	[sflag:s16] =	ssyncadd.s32 $0xFFFFFF80  }
0x6f: {  	[tilespmem:s18], [sflag:$0x2] =	stream.linear.gather [hbm4b:s28+s24], $0x80, $0x38;
	[tilespmem:$0x1C250] =	vst v63  }
0x70: {  	_ =	swait.ge [sflag:s16], $0x80  }
0x71: {  	s26 =	sshll.u32 s26, $0x5;
	[sflag:s16] =	ssyncset.done $0x0  }
0x72: {  	s28 =	sadd.s32 s7, s26;
	s26 =	simm.s32 $0x100;
	[sflag:s16] =	ssyncadd.s32 $0xFFFFFF80  }
0x73: {  	[tilespmem:s26], [sflag:$0x2] =	stream.linear.gather [hbm4b:s28+s24], $0x100, $0x38;
	[tilespmem:$0x1C250] =	vst v63  }
0x74: {  	_ =	swait.ge [sflag:s16], $0x100  }
0x75: {  	[sflag:s16] =	ssyncset.done $0x0  }
0x76: {  	[sflag:s16] =	ssyncadd.s32 $0xFFFFFF00  }
0x77: {  	v12 =	vld [tilespmem:$0x0]  }
0x78: {  	v13 =	vld [tilespmem:$0x10]  }
0x79: {  	v14 =	vld [tilespmem:$0x20]  }
0x7a: {  	v15 =	vld [tilespmem:$0x30]  }
0x7b: {  	v16 =	vld [tilespmem:$0x40]  }
0x7c: {  	v17 =	vld [tilespmem:$0x50];
	v12 =	vadd.s32 v0, v12  }
0x7d: {  	[tilespmem:$0x0] =	vst v12;
	v12 =	vadd.s32 v0, v13;
	v13 =	vld [tilespmem:$0x60]  }
0x7e: {  	[tilespmem:$0x10] =	vst v12;
	v12 =	vadd.s32 v0, v14;
	v14 =	vld [tilespmem:$0x70]  }
0x7f: {  	[tilespmem:$0x20] =	vst v12;
	v12 =	vadd.s32 v0, v15  }
0x80: {  	[tilespmem:$0x30] =	vst v12;
	v12 =	vadd.s32 v0, v16  }
0x81: {  	[tilespmem:$0x40] =	vst v12;
	v12 =	vadd.s32 v0, v17  }
0x82: {  	[tilespmem:$0x50] =	vst v12;
	v12 =	vadd.s32 v0, v13  }
0x83: {  	[tilespmem:$0x60] =	vst v12;
	v12 =	vadd.s32 v0, v14  }
0x84: {  	[tilespmem:$0x70] =	vst v12  }
0x85: {  	[tilespmem:s19], [sflag:$0x1] =	stream.indirect.gather [hbm4b:s3+s18], $0x20, s24, s18, $0xb8;
	[tilespmem:$0x1C250] =	vst v63  }
0x86: {  	_ =	swait.ge [sflag:s20], $0x1000  }
0x87: {  	[sflag:s20] =	ssyncset.done $0x0  }
0x88: {  	s28 =	simm.s32 $0x0;
	[sflag:s20] =	ssyncadd.s32 $0xFFFFF000  }
0x89: {  	s29 =	simm.s32 $0x80;
	v12 =	vld [tilespmem:s28+$0x210]  }
.LBB2_8:
0x8a: {  	p1 =	sne.s32 s29, $0x3F80;
	v13 =	vld [tilespmem:s26+$0x0]  }
0x8b: {  	v14 =	vld [tilespmem:s28+$0x220];
	_ =	sdelay $0x3  }
0x8c: {  	v12 =	vmul.f32 v12, v8;
	v15 =	vbroadcast v13, $0x0  }
0x8d: {  	v14 =	vmul.f32 v14, v9  }
0x8e: {  	v13 =	vbroadcast v13, $0x1;
	v12 =	vadd.f32 v12, v10;
	v16 =	vmul.f32 v15, v2  }
0x8f: {  	v15 =	vmul.f32 v15, v3;
	v14 =	vadd.f32 v14, v11  }
0x90: {  	v12 =	vadd.f32 v12, v16;
	v16 =	vmul.f32 v13, v4;
	v13 =	vmul.f32 v13, v5  }
0x91: {  	v14 =	vadd.f32 v14, v15  }
0x92: {  	v12 =	vadd.f32 v12, v16  }
0x93: {  	v13 =	vadd.f32 v14, v13  }
.Ltmp4:
0x94: {  	v12 =	vadd.f32 v12, v6;
	(pc) =	sbr.rel @p1 .LBB2_8-.Ltmp4, $4  }
0x95: {  	v13 =	vadd.f32 v13, v7  }
0x96: {  	v12 =	vmax.f32 v12, $0.0e+00  }
0x97: {  	s30 =	sshra.s32 s29, $0x2;
	v13 =	vmax.f32 v13, $0.0e+00;
	[tilespmem:s28+$0x1210] =	vst v12  }
0x98: {  	s29 =	sadd.s32 $0x80, s29;
	s26 =	sadd.s32 $0x2, s26;
	v12 =	vld [tilespmem:s30+$0x210];
	[tilespmem:s28+$0x1220] =	vst v13;
	s28 =	smov.u32 s30  }
0x99: {  	v13 =	vld [tilespmem:s26+$0x0]  }
0x9a: {  	v14 =	vld [tilespmem:s28+$0x220];
	_ =	sdelay $0x3  }
0x9b: {  	v12 =	vmul.f32 v12, v8;
	v15 =	vbroadcast v13, $0x0  }
0x9c: {  	v14 =	vmul.f32 v14, v9  }
0x9d: {  	v13 =	vbroadcast v13, $0x1;
	v12 =	vadd.f32 v12, v10;
	v16 =	vmul.f32 v15, v2  }
0x9e: {  	v14 =	vadd.f32 v14, v11;
	v15 =	vmul.f32 v15, v3  }
0x9f: {  	v63 =	vmul.f32 v13, v4;
	v12 =	vadd.f32 v12, v16  }
0xa0: {  	v13 =	vmul.f32 v13, v5;
	v14 =	vadd.f32 v14, v15  }
0xa1: {  	v12 =	vadd.f32 v12, v63  }
0xa2: {  	v13 =	vadd.f32 v14, v13  }
0xa3: {  	v12 =	vadd.f32 v12, v6  }
0xa4: {  	v13 =	vadd.f32 v13, v7  }
0xa5: {  	s25 =	sadd.s32 $0x1, s25;
	v12 =	vmax.f32 v12, $0.0e+00  }
0xa6: {  	p1 =	sne.s32 s25, s10;
	v13 =	vmax.f32 v13, $0.0e+00;
	[tilespmem:s28+$0x1210] =	vst v12  }
.Ltmp5:
0xa7: {  	[tilespmem:s28+$0x1220] =	vst v13;
	(pc) =	sbr.rel @p1 .LBB2_7-.Ltmp5, $4  }
0xa8: {  	[spmem:s1] =	stream.indirect.scatter.add.f32 [tilespmem:s21], [sflag:$0x2], $0x20, s18, s18, $0xb8;
	[tilespmem:$0x1C250] =	vst v63  }
0xa9: {  	_ =	swait.ge [sflag:s16], $0x1000  }
0xaa: {  	[sflag:s16] =	ssyncset.done $0x0  }
0xab: {  	[sflag:s16] =	ssyncadd.s32 $0xFFFFF000  }
.Ltmp6:
0xac: {  	(pc) =	sbr.rel @!p0 .LBB2_12-.Ltmp6, $4  }
0xad: {  	s24 =	sshll.u32 s6, $0x6  }
0xae: {  	[bflag:$0x0] =	sbarrier.arrive $0xFFFF;
	s25 =	sshrl.u32 s11, $0x3;
	s24 =	sor.u32 $0x1C02, s24  }
0xaf: {  	[hbm:s14], [sflag:s24] =	dma.local [spmem:s25], $0xFA0  }
0xb0: {  	s26 =	smov.u32 s11;
	s25 =	sadd.s32 $0xFA00, s14;
	_ =	swait.ge [sflag:s16], $0xFA0  }
.LBB2_11:
0xb1: {  	[sflag:s16] =	ssyncset.done $0x0;
	s26 =	sadd.s32 $0x7D000, s26;
	p0 =	sne.s32 s23, $0x1  }
.Ltmp7:
0xb2: {  	s28 =	sshrl.u32 s26, $0x3;
	[sflag:s16] =	ssyncadd.s32 $0xFFFFF060;
	(pc) =	sbr.rel @p0 .LBB2_11-.Ltmp7, $3  }
0xb3: {  	[hbm:s25], [sflag:s24] =	dma.local [spmem:s28], $0xFA0  }
0xb4: {  	s23 =	sadd.s32 $0xFFFFFFFF, s23;
	_ =	sdelay $0x1  }
0xb5: {  	s25 =	sadd.s32 $0xFA00, s25;
	_ =	swait.ge [sflag:s16], $0xFA0  }
.LBB2_12:
0xb6: {  	s22 =	sadd.s32 $0x1, s22  }
0xb7: {  	p0 =	sne.s32 s22, s12  }
.Ltmp8:
0xb8: {  	_ = 	snop;
	(pc) =	sbr.rel @p0 .LBB2_1-.Ltmp8, $3  }
0xb9: {  	_ =	sdelay $0x1  }
0xba: {  	[sflag:s16] =	ssyncset.done $0x0  }
0xbb: {  	[sflag:s16] =	ssyncadd.s32 $0xFFFFF060  }
0xbc: {  	_ =	sfence.sel $0x180000  }
0xbd: {  	[bflag:$0x0] =	sbarrier.arrive $0xFFFF  }
0xbe: {  	p0 =	sne.s32 s6, $0x0;
	_ =	strace $0x90000047  }
0xbf: {  	s0 =	sadd.s32 @!p0 $0x100000, s0;
	[bflag:$0x2] =	sbarrier.arrive $0xFFFF  }
0xc0: {  	[sflag:s0] =	ssyncadd.tile.s32 @!p0 $0x1;
	_ =	shalt  }
.Lfunc_end2:
_tile_overlayer_lowered:
.L_overlay_start_2:
0xc1: {  	(tag) =	ssettag $0x2  }
0xc2: {  	s0 =	rddreg [dreg:$0x0];
	s2 =	stileid.u32  }
0xc3: {  	s1 =	rddreg [dreg:$0x1];
	p0 =	sne.s32 s2, $0x0  }
0xc4: {  	s3 =	rddreg [dreg:$0x2];
	[bflag:$0x3] =	sbarrier.arrive $0xFFFF;
	s2 =	simm.s32 @!p0 $0x1C02  }
0xc5: {  	[timem:s3], [sflag:s2] =	dma.local @!p0 [hbm:s0], s1  }
0xc6: {  	s0 =	simm.s32 @!p0 $0x2  }
0xc7: {  	_ =	swait.ge @!p0 [sflag:s0], s1  }
0xc8: {  	s1 =	ssub.s32 @!p0 $0x0, s1;
	[sflag:s0] =	ssyncset.done @!p0 $0x0  }
0xc9: {  	[sflag:s0] =	ssyncadd.s32 @!p0 s1  }
0xca: {  	[bflag:$0x3] =	sbarrier.arrive $0xFFFF  }
0xcb: {  	_ =	shalt  }

// kernel: kernel.26.cloned.1.call-start
scs
__scs_entry_jumppad:
0x0: {  	(pc) =	sbr.rel $0x88, $3  }
0x1: {  	(tag) =	ssettag $0x0;
	lr =	simm.s32 $0x1  }
0x2: {  	[smem:$0x3F6A] =	sst lr;
	_ =	strace $0xD0000000  }
0x3: {  	_ = 	snop  }
0x4: {  	_ = 	snop  }
0x5: {  	_ = 	snop  }
0x6: {  	_ = 	snop  }
0x7: {  	_ = 	snop  }
__scs_overlays_trampoline_lowered:
0x8: {  	[smem:$0x3F79] =	sst s0  }
0x9: {  	[smem:$0x3F7A] =	sst s1  }
0xa: {  	[smem:$0x3F7B] =	sst s2  }
0xb: {  	[smem:$0x3F7C] =	sst s3  }
0xc: {  	[smem:$0x3F7D] =	sst s4  }
0xd: {  	[smem:$0x3F7E] =	sst s5  }
0xe: {  	[smem:$0x3F7F] =	sst s6  }
0xf: {  	[smem:$0x3F80] =	sst s7  }
0x10: {  	[smem:$0x3F81] =	sst s8  }
0x11: {  	[smem:$0x3F82] =	sst s9;
	s0 =	simm.s32 @!p0 $0x0  }
0x12: {  	s1 =	sld [smem:$0x3F68];
	s0 =	simm.s32 @p0 $0x1  }
0x13: {  	[smem:$0x3F83] =	sst s0;
	s0 =	simm.s32 @!p1 $0x0  }
0x14: {  	s2 =	sld [smem:$0x3F67];
	s0 =	simm.s32 @p1 $0x1  }
0x15: {  	[smem:$0x3F84] =	sst s0;
	s0 =	simm.s32 @!p2 $0x0  }
0x16: {  	s3 =	sld [smem:$0x3FDB];
	s0 =	simm.s32 @p2 $0x1  }
0x17: {  	s4 =	simm.s32 $0x1BF5;
	[smem:$0x3F86] =	sst s0  }
0x18: {  	s0 =	sld [smem:$0x3F69];
	_ =	swait.ge [sflag:s4], $0x0  }
0x19: {  	s7 =	sld [smem:$0x3F6A]  }
0x1a: {  	s8 =	sadd.s32 $0xFFFFE003, lr  }
0x1b: {  	s9 =	sadd.s32 $0xFFFFFEF7, lr;
	s5 =	simm.s32 $0xFFFFFFFF;
	p2 =	slt.u32 s8, $0xFFFFF086  }
0x1c: {  	p1 =	slt.u32 s9, $0xF7A;
	s5 =	simm.s32 @!p2 $0x0  }
0x1d: {  	s5 =	simm.s32 @p1 $0x1;
	p0 =	seq.s32 s7, s2  }
0x1e: {  	s7 =	smul.u32 @!p0 $0xF7A, s2;
	p2 =	seq.s32 @!p0 s5, $0x0  }
0x1f: {  	s9 =	smul.u32 $0xF7A, s1;
	s8 =	simm.s32 @!p0 $0x1BF5;
	p2 =	por !p2, p0  }
0x20: {  	[sflag:s8] =	ssyncset.s32 @!p0 $0xFFFFF086;
	s6 =	sadd.s32 @!p0 s3, s7;
	s7 =	simm.s32 @!p0 $0x108  }
0x21: {  	s3 =	sadd.s32 s3, s9;
	s6 =	sadd.s32 @!p0 $0x88, s6;
	s7 =	simm.s32 @p2 $0x1082  }
0x22: {  	[simem:s7], [sflag:s8] =	dma.local @!p0 [hbm:s6], $0xF7A  }
0x23: {  	s9 =	sor.u32 $0xD0000000, s2;
	s6 =	simm.s32 $0x108;
	_ =	swait.ge @!p0 [sflag:s8], $0x0  }
0x24: {  	s3 =	sadd.s32 $0x88, s3;
	s6 =	simm.s32 @!p1 $0x1082;
	[sflag:s4] =	ssyncset.s32 $0xFFFFF086  }
0x25: {  	[simem:s6], [sflag:s4] =	dma.local [hbm:s3], $0xF7A  }
0x26: {  	[smem:$0x3F6A] =	sst s1;
	(tag) =	ssettag s2;
	_ =	strace s9  }
0x27: {  	s1 =	sld [smem:$0x3F7A]  }
0x28: {  	s2 =	sld [smem:$0x3F7B]  }
0x29: {  	s4 =	sld [smem:$0x3F7D]  }
0x2a: {  	p0 =	seq.s32 s5, $0x0;
	s5 =	sld [smem:$0x3F7E]  }
0x2b: {  	s6 =	sld [smem:$0x3F7F]  }
0x2c: {  	s7 =	sld [smem:$0x3F80]  }
0x2d: {  	s3 =	simm.s32 $0x108;
	s8 =	sld [smem:$0x3F81]  }
0x2e: {  	s3 =	simm.s32 @!p0 $0x1082;
	s9 =	sld [smem:$0x3F82]  }
0x2f: {  	lr =	sadd.s32 s0, s3;
	s0 =	sld [smem:$0x3F79]  }
0x30: {  	s3 =	sld [smem:$0x3F7C]  }
0x31: {  	[smem:$0x3F85] =	sst s10  }
0x32: {  	s10 =	sld [smem:$0x3F83];
	_ =	sdelay $0x3  }
0x33: {  	p0 =	seq.s32 s10, $0x1;
	s10 =	sld [smem:$0x3F85];
	_ =	sdelay $0x3  }
0x34: {  	[smem:$0x3F85] =	sst s10  }
0x35: {  	s10 =	sld [smem:$0x3F84];
	_ =	sdelay $0x3  }
0x36: {  	p1 =	seq.s32 s10, $0x1;
	s10 =	sld [smem:$0x3F85];
	_ =	sdelay $0x3  }
0x37: {  	[smem:$0x3F85] =	sst s10  }
0x38: {  	s10 =	sld [smem:$0x3F86]  }
0x39: {  	_ = 	snop;
	(pc) =	sbr.ind lr, $3  }
0x3a: {  	_ = 	snop  }
0x3b: {  	_ = 	snop  }
0x3c: {  	p2 =	seq.s32 s10, $0x1;
	s10 =	sld [smem:$0x3F85]  }
0x3d: {  	_ =	shalt  }
0x3e: {  	_ =	shalt  }
0x3f: {  	_ =	shalt  }
0x40: {  	_ =	shalt  }
0x41: {  	_ =	shalt  }
0x42: {  	_ =	shalt  }
0x43: {  	_ =	shalt  }
0x44: {  	_ =	shalt  }
0x45: {  	_ =	shalt  }
0x46: {  	_ =	shalt  }
0x47: {  	_ =	shalt  }
0x48: {  	_ =	shalt  }
0x49: {  	_ =	shalt  }
0x4a: {  	_ =	shalt  }
0x4b: {  	_ =	shalt  }
0x4c: {  	_ =	shalt  }
0x4d: {  	_ =	shalt  }
0x4e: {  	_ =	shalt  }
0x4f: {  	_ =	shalt  }
0x50: {  	_ =	shalt  }
0x51: {  	_ =	shalt  }
0x52: {  	_ =	shalt  }
0x53: {  	_ =	shalt  }
0x54: {  	_ =	shalt  }
0x55: {  	_ =	shalt  }
0x56: {  	_ =	shalt  }
0x57: {  	_ =	shalt  }
0x58: {  	_ =	shalt  }
0x59: {  	_ =	shalt  }
0x5a: {  	_ =	shalt  }
0x5b: {  	_ =	shalt  }
0x5c: {  	_ =	shalt  }
0x5d: {  	_ =	shalt  }
0x5e: {  	_ =	shalt  }
0x5f: {  	_ =	shalt  }
0x60: {  	_ =	shalt  }
0x61: {  	_ =	shalt  }
0x62: {  	_ =	shalt  }
0x63: {  	_ =	shalt  }
0x64: {  	_ =	shalt  }
0x65: {  	_ =	shalt  }
0x66: {  	_ =	shalt  }
0x67: {  	_ =	shalt  }
0x68: {  	_ =	shalt  }
0x69: {  	_ =	shalt  }
0x6a: {  	_ =	shalt  }
0x6b: {  	_ =	shalt  }
0x6c: {  	_ =	shalt  }
0x6d: {  	_ =	shalt  }
0x6e: {  	_ =	shalt  }
0x6f: {  	_ =	shalt  }
0x70: {  	_ =	shalt  }
0x71: {  	_ =	shalt  }
0x72: {  	_ =	shalt  }
0x73: {  	_ =	shalt  }
0x74: {  	_ =	shalt  }
0x75: {  	_ =	shalt  }
0x76: {  	_ =	shalt  }
0x77: {  	_ =	shalt  }
0x78: {  	_ =	shalt  }
0x79: {  	_ =	shalt  }
0x7a: {  	_ =	shalt  }
0x7b: {  	_ =	shalt  }
0x7c: {  	_ =	shalt  }
0x7d: {  	_ =	shalt  }
0x7e: {  	_ =	shalt  }
0x7f: {  	_ =	shalt  }
0x80: {  	_ =	shalt  }
0x81: {  	_ =	shalt  }
0x82: {  	_ =	shalt  }
0x83: {  	_ =	shalt  }
0x84: {  	_ =	shalt  }
0x85: {  	_ =	shalt  }
0x86: {  	_ =	shalt  }
0x87: {  	_ =	shalt  }
.Lfunc_end0:
.L_simem_size_0:
called_computation.2_lowered:
.L_overlay_start_0:
0x88: {  	s2 =	sld [smem:$0x3FD9]  }
0x89: {  	s3 =	sld [smem:$0x3FFE];
	_ =	sdelay $0x1  }
0x8a: {  	s1 =	srdreg.scid  }
0x8b: {  	s0 =	sand.u32 $0x1, s1  }
0x8c: {  	s17 =	sshll.u32 s0, $0xA;
	s2 =	sadd.s32 s3, s2  }
0x8d: {  	s2 =	sadd.s32 s2, s17  }
0x8e: {  	[smem:$0x3F91] =	sst s2  }
0x8f: {  	_ = 	snop  }
0x90: {  	(tm) =	ssettm $0x1  }
0x91: {  	s18 =	sld [smem:$0x3FFB];
	_ =	sdelay $0x3  }
0x92: {  	_ =	strace s18  }
0x93: {  	s2 =	sld [smem:$0x3FFC];
	_ =	sdelay $0x3  }
0x94: {  	_ =	strace s2  }
0x95: {  	s2 =	sld [smem:$0x3FFD];
	_ =	sdelay $0x3  }
0x96: {  	_ =	strace s2  }
0x97: {  	_ =	strace $0x8FFFFFFF  }
0x98: {  	s19 =	sld [smem:$0x3FDB];
	_ =	sdelay $0x1  }
0x99: {  	s20 =	simm.s32 $_scs_section_size  }
0x9a: {  	s4 =	simm.s32 $_size__tile_overlayer_lowered;
	s5 =	simm.s32 $_tile_overlayer_lowered  }
0x9b: {  	s6 =	simm.s32 $0x1BFF;
	s21 =	sshll.u32 s5, $0x1;
	s3 =	sadd.s32 s20, s19  }
0x9c: {  	s22 =	simm.s32 $0x0;
	s4 =	sshll.u32 s4, $0x1;
	s5 =	sadd.s32 s21, s3  }
0x9d: {  	[timem:s22], [sflag:s6] =	dma.local [hbm:s5], s4  }
0x9e: {  	_ =	swait.ge [sflag:s6], s4  }
0x9f: {  	s4 =	ssub.s32 $0x0, s4;
	[sflag:s6] =	ssyncset.done $0x0  }
0xa0: {  	[sflag:s6] =	ssyncadd.s32 s4;
	_ =	sdelay $0x1  }
0xa1: {  	s23 =	simm.s32 $0x1B8B  }
0xa2: {  	_ =	swait.ge [sflag:s23], $0x1  }
0xa3: {  	[sflag:s23] =	ssyncset.done $0x0  }
0xa4: {  	[sflag:s23] =	ssyncadd.s32 $0xFFFFFFFF  }
0xa5: {  	s4 =	sld [smem:$0x0]  }
0xa6: {  	s5 =	sand.u32 $0xFFFFFFFE, s1  }
0xa7: {  	p0 =	sne.s32 s1, s5  }
0xa8: {  	s5 =	sshll.u32 @p0 s5, $0xE  }
0xa9: {  	s5 =	sadd.s32 @p0 $0x11B8D, s5;
	s6 =	sshll.u32 @p0 s4, $0x11  }
0xaa: {  	s5 =	sor.u32 @p0 s6, s5  }
0xab: {  	[sflag:s5] =	ssyncadd.remote.s32 @p0 $0x1;
	_ =	sdelay $0x1  }
0xac: {  	s5 =	simm.s32 @p0 $0x1B8D  }
0xad: {  	_ =	swait.eq @p0 [sflag:s5], $0x1  }
0xae: {  	[sflag:s5] =	ssyncadd.s32 @p0 $0xFFFFFFFF  }
0xaf: {  	s6 =	sshll.u32 @!p0 s1, $0xE  }
0xb0: {  	s6 =	sor.u32 @!p0 $0x4000, s6;
	s5 =	simm.s32 @!p0 $0x1B8D  }
0xb1: {  	s4 =	sshll.u32 @!p0 s4, $0x11;
	s6 =	sadd.s32 @!p0 $0x11B8D, s6;
	_ =	swait.eq @!p0 [sflag:s5], $0x1  }
0xb2: {  	s4 =	sor.u32 @!p0 s4, s6;
	[sflag:s5] =	ssyncadd.s32 @!p0 $0xFFFFFFFF  }
0xb3: {  	s25 =	simm.s32 $0x1B8E;
	s24 =	sld [smem:$0x3FFE];
	[sflag:s4] =	ssyncadd.remote.s32 @!p0 $0x1  }
0xb4: {  	s26 =	simm.s32 $execute0_lowered;
	[smem:$0x3FD2] =	sst s25  }
0xb5: {  	s5 =	sshll.u32 s26, $0x1;
	_ =	strace $0x8000004C;
	[dreg:$0x1] =	wrdreg $0xFFFFFFFF  }
0xb6: {  	s28 =	simm.s32 $_size_execute0_lowered;
	s3 =	sadd.s32 s3, s5;
	[dreg:$0x0] =	wrdreg $0x0  }
0xb7: {  	s5 =	sshll.u32 s28, $0x1;
	[dreg:$0x2] =	wrdreg s3  }
0xb8: {  	[dreg:$0x3] =	wrdreg s5  }
0xb9: {  	[dreg:$0x4] =	wrdreg $0xC0  }
0xba: {  	_ =	task [dreg:s22], $0x5FFFF  }
0xbb: {  	[dreg:$0x1] =	wrdreg $0xFFFFFFFF  }
0xbc: {  	[dreg:$0x0] =	wrdreg $0x60  }
0xbd: {  	[dreg:$0x2] =	wrdreg s24  }
0xbe: {  	[dreg:$0x3] =	wrdreg $0xA  }
0xbf: {  	_ =	task.clear_ibuf [dreg:s22], $0x4FFFF;
	_ =	strace $0x9000004C  }
0xc0: {  	s29 =	simm.s32 $0xA;
	_ =	strace $0x8000004E  }
0xc1: {  	_ =	swait.ge [sflag:s29], $0x1  }
0xc2: {  	[sflag:s29] =	ssyncadd.s32 $0xFFFFFFFF  }
0xc3: {  	_ =	strace $0x9000004E  }
0xc4: {  	_ =	sfence  }
0xc5: {  	s30 =	sld [smem:$0x0];
	_ =	sdelay $0x2  }
0xc6: {  	s31 =	sshll.u32 s1, $0xD;
	s1 =	sshrl.u32 s1, $0x2  }
0xc7: {  	s4 =	sand.u32 $0x4000, s31;
	s1 =	sadd.s32 s1, s30  }
0xc8: {  	s0 =	sor.u32 s4, s0;
	s1 =	sshll.u32 s1, $0x11  }
0xc9: {  	s0 =	sor.u32 s1, s0  }
0xca: {  	s0 =	sadd.s32 $0x8F2B, s0  }
0xcb: {  	[sflag:s0] =	ssyncadd.remote.s32 $0x1  }
0xcc: {  	_ =	sfence.sel $0xFFFF  }
0xcd: {  	[dreg:$0x0] =	wrdreg $0xFFFFFFFF;
	(pc) =	sbr.abs _section_cstart, $3  }
0xce: {  	[dreg:$0x1] =	wrdreg $0xFFFFFFFF  }
0xcf: {  	_ =	task.clear_ibuf [dreg:s22], $0x2FFFF;
	_ =	strace $0x9FFFFFFF  }
0xd0: {  	(tm) =	ssettm $0x7FFFFFFF  }
0xd1: {  	_ =	shalt  }
tec
execute0_lowered:
.L_overlay_start_1:
0x0: {  	(tag) =	ssettag $0x1  }
0x1: {  	s4 =	rddreg [dreg:$0x0]  }
0x2: {  	s0 =	rddreg [dreg:$0x1];
	s2 =	simm.s32 $0x0;
	s3 =	srdreg.scid  }
0x3: {  	s1 =	stileid.u32;
	s9 =	simm.s32 $0x80;
	s10 =	simm.s32 $0x100  }
0x4: {  	s11 =	simm.s32 $0x1;
	s12 =	simm.s32 $0x0;
	[smem:$0x7FF] =	sst s2  }
0x5: {  	s3 =	sand.u32 $0x1, s3;
	s5 =	sshll.u32 s1, $0x5;
	_ =	strace $0x8000004D  }
0x6: {  	s6 =	ssub.s32 $0x2, s3;
	s5 =	sadd.s32 s5, s4;
	s8 =	sshll.u32 s3, $0x4  }
0x7: {  	s3 =	sadd.s32 $0x142400, s4;
	s4 =	sadd.s32 $0x634400, s4;
	s7 =	sshrl.u32 s6, $0x1  }
0x8: {  	s31 =	sadd.s32 s8, s5;
	s8 =	simm.s32 $0x2;
	s6 =	ssub.s32 s6, s7  }
0x9: {  	s7 =	sadd.s32 $0x13B400, s31;
	s5 =	smax.u32 s6, $0x1;
	s6 =	sadd.s32 $0x13EC00, s31  }
.LBB2_1:
0xa: {  	s13 =	sadd.s32 $0x0, s6  }
0xb: {  	[tilespmem:s2], [sflag:$0x2] =	stream.linear.gather [hbm4b:s13+s2], $0x80, $0x38;
	[tilespmem:$0x6100] =	vst v63  }
0xc: {  	_ =	swait.ge [sflag:s8], $0x80  }
0xd: {  	[sflag:s8] =	ssyncset.done $0x0  }
0xe: {  	s31 =	sadd.s32 $0x0, s7;
	[sflag:s8] =	ssyncadd.s32 $0xFFFFFF80  }
0xf: {  	[tilespmem:s9], [sflag:$0x2] =	stream.linear.gather [hbm4b:s31+s2], $0x80, $0x38;
	[tilespmem:$0x6100] =	vst v63  }
0x10: {  	_ =	swait.ge [sflag:s8], $0x80  }
0x11: {  	[sflag:s8] =	ssyncset.done $0x0  }
0x12: {  	[sflag:s8] =	ssyncadd.s32 $0xFFFFFF80  }
0x13: {  	[tilespmem:s10], [sflag:$0x1] =	stream.indirect.gather [hbm4b:s3+s9], $0xC0, s2, s9, $0xb8;
	[tilespmem:$0x6100] =	vst v63  }
0x14: {  	_ =	swait.ge [sflag:s11], $0x6000  }
0x15: {  	[sflag:s11] =	ssyncset.done $0x0  }
0x16: {  	[sflag:s11] =	ssyncadd.s32 $0xFFFFA000  }
0x17: {  	[hbm4b:s4+s9] =	stream.indirect.scatter [tilespmem:s10], [sflag:$0x2], $0xC0, s9, s9, $0xb8;
	[tilespmem:$0x6100] =	vst v63  }
0x18: {  	_ =	swait.ge [sflag:s8], $0x6000  }
0x19: {  	s14 =	simm.s32 $0x400;
	s13 =	simm.s32 $0x200;
	[sflag:s8] =	ssyncset.done $0x0  }
.LBB2_2:
0x1a: {  	s15 =	sadd.s32 s13, s6  }
0x1b: {  	[sflag:s8] =	ssyncadd.s32 $0xFFFFA000;
	s16 =	smov.u32 s14;
	s17 =	sadd.s32 $0x200, s14  }
0x1c: {  	[tilespmem:s2], [sflag:$0x2] =	stream.linear.gather [hbm4b:s15+s2], $0x80, $0x38;
	[tilespmem:$0x6100] =	vst v63  }
0x1d: {  	p0 =	sne.s32 s14, $0x3600;
	_ =	swait.ge [sflag:s8], $0x80  }
0x1e: {  	[sflag:s8] =	ssyncset.done $0x0  }
0x1f: {  	s14 =	sadd.s32 s13, s7;
	s13 =	smov.u32 s16;
	[sflag:s8] =	ssyncadd.s32 $0xFFFFFF80  }
0x20: {  	[tilespmem:s9], [sflag:$0x2] =	stream.linear.gather [hbm4b:s14+s2], $0x80, $0x38;
	[tilespmem:$0x6100] =	vst v63  }
0x21: {  	_ =	swait.ge [sflag:s8], $0x80  }
0x22: {  	[sflag:s8] =	ssyncset.done $0x0  }
0x23: {  	[sflag:s8] =	ssyncadd.s32 $0xFFFFFF80  }
0x24: {  	[tilespmem:s10], [sflag:$0x1] =	stream.indirect.gather [hbm4b:s3+s9], $0xC0, s2, s9, $0xb8;
	[tilespmem:$0x6100] =	vst v63  }
0x25: {  	_ =	swait.ge [sflag:s11], $0x6000  }
.Ltmp0:
0x26: {  	[sflag:s11] =	ssyncset.done $0x0;
	(pc) =	sbr.rel @p0 .LBB2_2-.Ltmp0, $4  }
0x27: {  	[sflag:s11] =	ssyncadd.s32 $0xFFFFA000  }
0x28: {  	[hbm4b:s4+s9] =	stream.indirect.scatter [tilespmem:s10], [sflag:$0x2], $0xC0, s9, s9, $0xb8;
	[tilespmem:$0x6100] =	vst v63  }
0x29: {  	_ =	swait.ge [sflag:s8], $0x6000  }
0x2a: {  	s14 =	smov.u32 s17;
	[sflag:s8] =	ssyncset.done $0x0  }
0x2b: {  	s14 =	sadd.s32 s13, s6;
	[sflag:s8] =	ssyncadd.s32 $0xFFFFA000  }
0x2c: {  	[tilespmem:s2], [sflag:$0x2] =	stream.linear.gather [hbm4b:s14+s2], $0x80, $0x38;
	[tilespmem:$0x6100] =	vst v63  }
0x2d: {  	_ =	swait.ge [sflag:s8], $0x80  }
0x2e: {  	[sflag:s8] =	ssyncset.done $0x0  }
0x2f: {  	s31 =	sadd.s32 s13, s7;
	[sflag:s8] =	ssyncadd.s32 $0xFFFFFF80  }
0x30: {  	[tilespmem:s9], [sflag:$0x2] =	stream.linear.gather [hbm4b:s31+s2], $0x80, $0x38;
	[tilespmem:$0x6100] =	vst v63  }
0x31: {  	_ =	swait.ge [sflag:s8], $0x80  }
0x32: {  	[sflag:s8] =	ssyncset.done $0x0  }
0x33: {  	[sflag:s8] =	ssyncadd.s32 $0xFFFFFF80  }
0x34: {  	[tilespmem:s10], [sflag:$0x1] =	stream.indirect.gather [hbm4b:s3+s9], $0xC0, s2, s9, $0xb8;
	[tilespmem:$0x6100] =	vst v63  }
0x35: {  	s12 =	sadd.s32 $0x1, s12;
	_ =	swait.ge [sflag:s11], $0x6000  }
0x36: {  	p0 =	sne.s32 s12, s5;
	[sflag:s11] =	ssyncset.done $0x0  }
.Ltmp1:
0x37: {  	[sflag:s11] =	ssyncadd.s32 $0xFFFFA000;
	(pc) =	sbr.rel @p0 .LBB2_1-.Ltmp1, $4  }
0x38: {  	[hbm4b:s4+s9] =	stream.indirect.scatter [tilespmem:s10], [sflag:$0x2], $0xC0, s9, s9, $0xb8;
	[tilespmem:$0x6100] =	vst v63  }
0x39: {  	_ =	swait.ge [sflag:s8], $0x6000  }
0x3a: {  	[sflag:s8] =	ssyncset.done $0x0  }
0x3b: {  	[sflag:s8] =	ssyncadd.s32 $0xFFFFA000  }
0x3c: {  	_ =	sfence.sel $0x180000  }
0x3d: {  	[bflag:$0x0] =	sbarrier.arrive $0xFFFF  }
0x3e: {  	p0 =	sne.s32 s1, $0x0;
	_ =	strace $0x9000004D  }
0x3f: {  	s0 =	sadd.s32 @!p0 $0x100000, s0;
	[bflag:$0x2] =	sbarrier.arrive $0xFFFF  }
0x40: {  	[sflag:s0] =	ssyncadd.tile.s32 @!p0 $0x1;
	_ =	shalt  }
.Lfunc_end2:
_tile_overlayer_lowered:
.L_overlay_start_2:
0x41: {  	(tag) =	ssettag $0x2  }
0x42: {  	s0 =	rddreg [dreg:$0x0];
	s2 =	stileid.u32  }
0x43: {  	s1 =	rddreg [dreg:$0x1];
	p0 =	sne.s32 s2, $0x0  }
0x44: {  	s3 =	rddreg [dreg:$0x2];
	[bflag:$0x3] =	sbarrier.arrive $0xFFFF;
	s2 =	simm.s32 @!p0 $0x1C02  }
0x45: {  	[timem:s3], [sflag:s2] =	dma.local @!p0 [hbm:s0], s1  }
0x46: {  	s0 =	simm.s32 @!p0 $0x2  }
0x47: {  	_ =	swait.ge @!p0 [sflag:s0], s1  }
0x48: {  	s1 =	ssub.s32 @!p0 $0x0, s1;
	[sflag:s0] =	ssyncset.done @!p0 $0x0  }
0x49: {  	[sflag:s0] =	ssyncadd.s32 @!p0 s1  }
0x4a: {  	[bflag:$0x3] =	sbarrier.arrive $0xFFFF  }
0x4b: {  	_ =	shalt  }

// kernel: kernel.29.cloned.1.call-start
scs
__scs_entry_jumppad:
0x0: {  	(pc) =	sbr.rel $0x88, $3  }
0x1: {  	(tag) =	ssettag $0x0;
	lr =	simm.s32 $0x1  }
0x2: {  	[smem:$0x3F6A] =	sst lr;
	_ =	strace $0xD0000000  }
0x3: {  	_ = 	snop  }
0x4: {  	_ = 	snop  }
0x5: {  	_ = 	snop  }
0x6: {  	_ = 	snop  }
0x7: {  	_ = 	snop  }
__scs_overlays_trampoline_lowered:
0x8: {  	[smem:$0x3F79] =	sst s0  }
0x9: {  	[smem:$0x3F7A] =	sst s1  }
0xa: {  	[smem:$0x3F7B] =	sst s2  }
0xb: {  	[smem:$0x3F7C] =	sst s3  }
0xc: {  	[smem:$0x3F7D] =	sst s4  }
0xd: {  	[smem:$0x3F7E] =	sst s5  }
0xe: {  	[smem:$0x3F7F] =	sst s6  }
0xf: {  	[smem:$0x3F80] =	sst s7  }
0x10: {  	[smem:$0x3F81] =	sst s8  }
0x11: {  	[smem:$0x3F82] =	sst s9;
	s0 =	simm.s32 @!p0 $0x0  }
0x12: {  	s1 =	sld [smem:$0x3F68];
	s0 =	simm.s32 @p0 $0x1  }
0x13: {  	[smem:$0x3F83] =	sst s0;
	s0 =	simm.s32 @!p1 $0x0  }
0x14: {  	s2 =	sld [smem:$0x3F67];
	s0 =	simm.s32 @p1 $0x1  }
0x15: {  	[smem:$0x3F84] =	sst s0;
	s0 =	simm.s32 @!p2 $0x0  }
0x16: {  	s3 =	sld [smem:$0x3FDB];
	s0 =	simm.s32 @p2 $0x1  }
0x17: {  	s4 =	simm.s32 $0x1BF5;
	[smem:$0x3F86] =	sst s0  }
0x18: {  	s0 =	sld [smem:$0x3F69];
	_ =	swait.ge [sflag:s4], $0x0  }
0x19: {  	s7 =	sld [smem:$0x3F6A]  }
0x1a: {  	s8 =	sadd.s32 $0xFFFFE003, lr  }
0x1b: {  	s9 =	sadd.s32 $0xFFFFFEF7, lr;
	s5 =	simm.s32 $0xFFFFFFFF;
	p2 =	slt.u32 s8, $0xFFFFF086  }
0x1c: {  	p1 =	slt.u32 s9, $0xF7A;
	s5 =	simm.s32 @!p2 $0x0  }
0x1d: {  	s5 =	simm.s32 @p1 $0x1;
	p0 =	seq.s32 s7, s2  }
0x1e: {  	s7 =	smul.u32 @!p0 $0xF7A, s2;
	p2 =	seq.s32 @!p0 s5, $0x0  }
0x1f: {  	s9 =	smul.u32 $0xF7A, s1;
	s8 =	simm.s32 @!p0 $0x1BF5;
	p2 =	por !p2, p0  }
0x20: {  	[sflag:s8] =	ssyncset.s32 @!p0 $0xFFFFF086;
	s6 =	sadd.s32 @!p0 s3, s7;
	s7 =	simm.s32 @!p0 $0x108  }
0x21: {  	s3 =	sadd.s32 s3, s9;
	s6 =	sadd.s32 @!p0 $0x88, s6;
	s7 =	simm.s32 @p2 $0x1082  }
0x22: {  	[simem:s7], [sflag:s8] =	dma.local @!p0 [hbm:s6], $0xF7A  }
0x23: {  	s9 =	sor.u32 $0xD0000000, s2;
	s6 =	simm.s32 $0x108;
	_ =	swait.ge @!p0 [sflag:s8], $0x0  }
0x24: {  	s3 =	sadd.s32 $0x88, s3;
	s6 =	simm.s32 @!p1 $0x1082;
	[sflag:s4] =	ssyncset.s32 $0xFFFFF086  }
0x25: {  	[simem:s6], [sflag:s4] =	dma.local [hbm:s3], $0xF7A  }
0x26: {  	[smem:$0x3F6A] =	sst s1;
	(tag) =	ssettag s2;
	_ =	strace s9  }
0x27: {  	s1 =	sld [smem:$0x3F7A]  }
0x28: {  	s2 =	sld [smem:$0x3F7B]  }
0x29: {  	s4 =	sld [smem:$0x3F7D]  }
0x2a: {  	p0 =	seq.s32 s5, $0x0;
	s5 =	sld [smem:$0x3F7E]  }
0x2b: {  	s6 =	sld [smem:$0x3F7F]  }
0x2c: {  	s7 =	sld [smem:$0x3F80]  }
0x2d: {  	s3 =	simm.s32 $0x108;
	s8 =	sld [smem:$0x3F81]  }
0x2e: {  	s3 =	simm.s32 @!p0 $0x1082;
	s9 =	sld [smem:$0x3F82]  }
0x2f: {  	lr =	sadd.s32 s0, s3;
	s0 =	sld [smem:$0x3F79]  }
0x30: {  	s3 =	sld [smem:$0x3F7C]  }
0x31: {  	[smem:$0x3F85] =	sst s10  }
0x32: {  	s10 =	sld [smem:$0x3F83];
	_ =	sdelay $0x3  }
0x33: {  	p0 =	seq.s32 s10, $0x1;
	s10 =	sld [smem:$0x3F85];
	_ =	sdelay $0x3  }
0x34: {  	[smem:$0x3F85] =	sst s10  }
0x35: {  	s10 =	sld [smem:$0x3F84];
	_ =	sdelay $0x3  }
0x36: {  	p1 =	seq.s32 s10, $0x1;
	s10 =	sld [smem:$0x3F85];
	_ =	sdelay $0x3  }
0x37: {  	[smem:$0x3F85] =	sst s10  }
0x38: {  	s10 =	sld [smem:$0x3F86]  }
0x39: {  	_ = 	snop;
	(pc) =	sbr.ind lr, $3  }
0x3a: {  	_ = 	snop  }
0x3b: {  	_ = 	snop  }
0x3c: {  	p2 =	seq.s32 s10, $0x1;
	s10 =	sld [smem:$0x3F85]  }
0x3d: {  	_ =	shalt  }
0x3e: {  	_ =	shalt  }
0x3f: {  	_ =	shalt  }
0x40: {  	_ =	shalt  }
0x41: {  	_ =	shalt  }
0x42: {  	_ =	shalt  }
0x43: {  	_ =	shalt  }
0x44: {  	_ =	shalt  }
0x45: {  	_ =	shalt  }
0x46: {  	_ =	shalt  }
0x47: {  	_ =	shalt  }
0x48: {  	_ =	shalt  }
0x49: {  	_ =	shalt  }
0x4a: {  	_ =	shalt  }
0x4b: {  	_ =	shalt  }
0x4c: {  	_ =	shalt  }
0x4d: {  	_ =	shalt  }
0x4e: {  	_ =	shalt  }
0x4f: {  	_ =	shalt  }
0x50: {  	_ =	shalt  }
0x51: {  	_ =	shalt  }
0x52: {  	_ =	shalt  }
0x53: {  	_ =	shalt  }
0x54: {  	_ =	shalt  }
0x55: {  	_ =	shalt  }
0x56: {  	_ =	shalt  }
0x57: {  	_ =	shalt  }
0x58: {  	_ =	shalt  }
0x59: {  	_ =	shalt  }
0x5a: {  	_ =	shalt  }
0x5b: {  	_ =	shalt  }
0x5c: {  	_ =	shalt  }
0x5d: {  	_ =	shalt  }
0x5e: {  	_ =	shalt  }
0x5f: {  	_ =	shalt  }
0x60: {  	_ =	shalt  }
0x61: {  	_ =	shalt  }
0x62: {  	_ =	shalt  }
0x63: {  	_ =	shalt  }
0x64: {  	_ =	shalt  }
0x65: {  	_ =	shalt  }
0x66: {  	_ =	shalt  }
0x67: {  	_ =	shalt  }
0x68: {  	_ =	shalt  }
0x69: {  	_ =	shalt  }
0x6a: {  	_ =	shalt  }
0x6b: {  	_ =	shalt  }
0x6c: {  	_ =	shalt  }
0x6d: {  	_ =	shalt  }
0x6e: {  	_ =	shalt  }
0x6f: {  	_ =	shalt  }
0x70: {  	_ =	shalt  }
0x71: {  	_ =	shalt  }
0x72: {  	_ =	shalt  }
0x73: {  	_ =	shalt  }
0x74: {  	_ =	shalt  }
0x75: {  	_ =	shalt  }
0x76: {  	_ =	shalt  }
0x77: {  	_ =	shalt  }
0x78: {  	_ =	shalt  }
0x79: {  	_ =	shalt  }
0x7a: {  	_ =	shalt  }
0x7b: {  	_ =	shalt  }
0x7c: {  	_ =	shalt  }
0x7d: {  	_ =	shalt  }
0x7e: {  	_ =	shalt  }
0x7f: {  	_ =	shalt  }
0x80: {  	_ =	shalt  }
0x81: {  	_ =	shalt  }
0x82: {  	_ =	shalt  }
0x83: {  	_ =	shalt  }
0x84: {  	_ =	shalt  }
0x85: {  	_ =	shalt  }
0x86: {  	_ =	shalt  }
0x87: {  	_ =	shalt  }
.Lfunc_end0:
.L_simem_size_0:
called_computation.3_lowered:
.L_overlay_start_0:
0x88: {  	s2 =	sld [smem:$0x3FD9]  }
0x89: {  	s3 =	sld [smem:$0x3FFE];
	_ =	sdelay $0x1  }
0x8a: {  	s1 =	srdreg.scid  }
0x8b: {  	s0 =	sand.u32 $0x1, s1  }
0x8c: {  	s16 =	sshll.u32 s0, $0xA;
	s2 =	sadd.s32 s3, s2  }
0x8d: {  	s2 =	sadd.s32 s2, s16  }
0x8e: {  	[smem:$0x3F91] =	sst s2  }
0x8f: {  	_ = 	snop  }
0x90: {  	(tm) =	ssettm $0x1  }
0x91: {  	s17 =	sld [smem:$0x3FFB];
	_ =	sdelay $0x3  }
0x92: {  	_ =	strace s17  }
0x93: {  	s2 =	sld [smem:$0x3FFC];
	_ =	sdelay $0x3  }
0x94: {  	_ =	strace s2  }
0x95: {  	s2 =	sld [smem:$0x3FFD];
	_ =	sdelay $0x3  }
0x96: {  	_ =	strace s2  }
0x97: {  	_ =	strace $0x8FFFFFFF  }
0x98: {  	s18 =	sld [smem:$0x3FDB];
	_ =	sdelay $0x1  }
0x99: {  	s19 =	simm.s32 $_scs_section_size  }
0x9a: {  	s4 =	simm.s32 $_size__tile_overlayer_lowered;
	s5 =	simm.s32 $_tile_overlayer_lowered  }
0x9b: {  	s22 =	simm.s32 $0x1BFF;
	s21 =	sshll.u32 s5, $0x1;
	s2 =	sadd.s32 s19, s18  }
0x9c: {  	s6 =	simm.s32 $0x0;
	s20 =	sshll.u32 s4, $0x1;
	s4 =	sadd.s32 s21, s2  }
0x9d: {  	[timem:s6], [sflag:s22] =	dma.local [hbm:s4], s20  }
0x9e: {  	_ =	swait.ge [sflag:s22], s20  }
0x9f: {  	s3 =	ssub.s32 $0x0, s20;
	[sflag:s22] =	ssyncset.done $0x0  }
0xa0: {  	[sflag:s22] =	ssyncadd.s32 s3;
	_ =	sdelay $0x1  }
0xa1: {  	s23 =	simm.s32 $0x1B8B  }
0xa2: {  	_ =	swait.ge [sflag:s23], $0x1  }
0xa3: {  	[sflag:s23] =	ssyncset.done $0x0  }
0xa4: {  	s25 =	simm.s32 $0x1B8E;
	s24 =	sld [smem:$0x3FFE];
	[sflag:s23] =	ssyncadd.s32 $0xFFFFFFFF  }
0xa5: {  	s26 =	simm.s32 $execute0_lowered;
	[smem:$0x3FD2] =	sst s25  }
0xa6: {  	s4 =	sshll.u32 s26, $0x1;
	_ =	strace $0x8000004F;
	[dreg:$0x1] =	wrdreg $0xFFFFFFFF  }
0xa7: {  	s28 =	simm.s32 $_size_execute0_lowered;
	s2 =	sadd.s32 s2, s4;
	[dreg:$0x0] =	wrdreg $0x0  }
0xa8: {  	s4 =	sshll.u32 s28, $0x1;
	[dreg:$0x2] =	wrdreg s2  }
0xa9: {  	[dreg:$0x3] =	wrdreg s4  }
0xaa: {  	[dreg:$0x4] =	wrdreg $0xC0  }
0xab: {  	_ =	task [dreg:s6], $0x5FFFF  }
0xac: {  	[dreg:$0x1] =	wrdreg $0xFFFFFFFF  }
0xad: {  	[dreg:$0x0] =	wrdreg $0x60  }
0xae: {  	[dreg:$0x2] =	wrdreg s24  }
0xaf: {  	[dreg:$0x3] =	wrdreg $0x9  }
0xb0: {  	_ =	task.clear_ibuf [dreg:s6], $0x4FFFF;
	_ =	strace $0x9000004F  }
0xb1: {  	s29 =	simm.s32 $0x9;
	_ =	strace $0x80000051  }
0xb2: {  	_ =	swait.ge [sflag:s29], $0x1  }
0xb3: {  	[sflag:s29] =	ssyncadd.s32 $0xFFFFFFFF  }
0xb4: {  	_ =	strace $0x90000051  }
0xb5: {  	_ =	sfence  }
0xb6: {  	s30 =	sld [smem:$0x0];
	_ =	sdelay $0x2  }
0xb7: {  	s31 =	sshll.u32 s1, $0xD;
	s1 =	sshrl.u32 s1, $0x2  }
0xb8: {  	s3 =	sand.u32 $0x4000, s31;
	s1 =	sadd.s32 s1, s30  }
0xb9: {  	s0 =	sor.u32 s3, s0;
	s1 =	sshll.u32 s1, $0x11  }
0xba: {  	s0 =	sor.u32 s1, s0  }
0xbb: {  	s0 =	sadd.s32 $0x8F2B, s0  }
0xbc: {  	[sflag:s0] =	ssyncadd.remote.s32 $0x1  }
0xbd: {  	_ =	sfence.sel $0xFFFF  }
0xbe: {  	[dreg:$0x0] =	wrdreg $0xFFFFFFFF;
	(pc) =	sbr.abs _section_cstart, $3  }
0xbf: {  	[dreg:$0x1] =	wrdreg $0xFFFFFFFF  }
0xc0: {  	_ =	task.clear_ibuf [dreg:s6], $0x2FFFF;
	_ =	strace $0x9FFFFFFF  }
0xc1: {  	(tm) =	ssettm $0x7FFFFFFF  }
tec
execute0_lowered:
.L_overlay_start_1:
0x0: {  	(tag) =	ssettag $0x1  }
0x1: {  	s4 =	rddreg [dreg:$0x0]  }
0x2: {  	s0 =	rddreg [dreg:$0x1];
	s2 =	simm.s32 $0x0;
	s3 =	srdreg.scid  }
0x3: {  	s1 =	stileid.u32;
	s9 =	simm.s32 $0x80;
	s10 =	simm.s32 $0x100  }
0x4: {  	s11 =	simm.s32 $0x1;
	s12 =	simm.s32 $0x0;
	[smem:$0x7FF] =	sst s2  }
0x5: {  	s3 =	sand.u32 $0x1, s3;
	s5 =	sshll.u32 s1, $0x5;
	_ =	strace $0x80000050  }
0x6: {  	s6 =	ssub.s32 $0x2, s3;
	s5 =	sadd.s32 s5, s4;
	s8 =	sshll.u32 s3, $0x4  }
0x7: {  	s3 =	sadd.s32 $0xA1C600, s4;
	s4 =	sadd.s32 $0xD2200, s4;
	s7 =	sshrl.u32 s6, $0x1  }
0x8: {  	s31 =	sadd.s32 s8, s5;
	s8 =	simm.s32 $0x2;
	s6 =	ssub.s32 s6, s7  }
0x9: {  	s7 =	sadd.s32 $0x137E00, s31;
	s5 =	smax.u32 s6, $0x1;
	s6 =	sadd.s32 $0x136400, s31  }
.LBB2_1:
0xa: {  	s13 =	sadd.s32 $0x0, s6  }
0xb: {  	[tilespmem:s2], [sflag:$0x2] =	stream.linear.gather [hbm4b:s13+s2], $0x80, $0x38;
	[tilespmem:$0x2100] =	vst v63  }
0xc: {  	_ =	swait.ge [sflag:s8], $0x80  }
0xd: {  	[sflag:s8] =	ssyncset.done $0x0  }
0xe: {  	s31 =	sadd.s32 $0x0, s7;
	[sflag:s8] =	ssyncadd.s32 $0xFFFFFF80  }
0xf: {  	[tilespmem:s9], [sflag:$0x2] =	stream.linear.gather [hbm4b:s31+s2], $0x80, $0x38;
	[tilespmem:$0x2100] =	vst v63  }
0x10: {  	_ =	swait.ge [sflag:s8], $0x80  }
0x11: {  	[sflag:s8] =	ssyncset.done $0x0  }
0x12: {  	[sflag:s8] =	ssyncadd.s32 $0xFFFFFF80  }
0x13: {  	[tilespmem:s10], [sflag:$0x1] =	stream.indirect.gather [hbm4b:s3+s9], $0x40, s2, s9, $0xb8;
	[tilespmem:$0x2100] =	vst v63  }
0x14: {  	_ =	swait.ge [sflag:s11], $0x2000  }
0x15: {  	[sflag:s11] =	ssyncset.done $0x0  }
0x16: {  	[sflag:s11] =	ssyncadd.s32 $0xFFFFE000  }
0x17: {  	[hbm4b:s4+s9] =	stream.indirect.scatter [tilespmem:s10], [sflag:$0x2], $0x40, s9, s9, $0xb8;
	[tilespmem:$0x2100] =	vst v63  }
0x18: {  	_ =	swait.ge [sflag:s8], $0x2000  }
0x19: {  	s14 =	simm.s32 $0x400;
	s13 =	simm.s32 $0x200;
	[sflag:s8] =	ssyncset.done $0x0  }
.LBB2_2:
0x1a: {  	s15 =	sadd.s32 s13, s6  }
0x1b: {  	[sflag:s8] =	ssyncadd.s32 $0xFFFFE000;
	s16 =	smov.u32 s14;
	s17 =	sadd.s32 $0x200, s14  }
0x1c: {  	[tilespmem:s2], [sflag:$0x2] =	stream.linear.gather [hbm4b:s15+s2], $0x80, $0x38;
	[tilespmem:$0x2100] =	vst v63  }
0x1d: {  	p0 =	sne.s32 s14, $0x1800;
	_ =	swait.ge [sflag:s8], $0x80  }
0x1e: {  	[sflag:s8] =	ssyncset.done $0x0  }
0x1f: {  	s14 =	sadd.s32 s13, s7;
	s13 =	smov.u32 s16;
	[sflag:s8] =	ssyncadd.s32 $0xFFFFFF80  }
0x20: {  	[tilespmem:s9], [sflag:$0x2] =	stream.linear.gather [hbm4b:s14+s2], $0x80, $0x38;
	[tilespmem:$0x2100] =	vst v63  }
0x21: {  	_ =	swait.ge [sflag:s8], $0x80  }
0x22: {  	[sflag:s8] =	ssyncset.done $0x0  }
0x23: {  	[sflag:s8] =	ssyncadd.s32 $0xFFFFFF80  }
0x24: {  	[tilespmem:s10], [sflag:$0x1] =	stream.indirect.gather [hbm4b:s3+s9], $0x40, s2, s9, $0xb8;
	[tilespmem:$0x2100] =	vst v63  }
0x25: {  	_ =	swait.ge [sflag:s11], $0x2000  }
.Ltmp0:
0x26: {  	[sflag:s11] =	ssyncset.done $0x0;
	(pc) =	sbr.rel @p0 .LBB2_2-.Ltmp0, $4  }
0x27: {  	[sflag:s11] =	ssyncadd.s32 $0xFFFFE000  }
0x28: {  	[hbm4b:s4+s9] =	stream.indirect.scatter [tilespmem:s10], [sflag:$0x2], $0x40, s9, s9, $0xb8;
	[tilespmem:$0x2100] =	vst v63  }
0x29: {  	_ =	swait.ge [sflag:s8], $0x2000  }
0x2a: {  	s14 =	smov.u32 s17;
	[sflag:s8] =	ssyncset.done $0x0  }
0x2b: {  	s14 =	sadd.s32 s13, s6;
	[sflag:s8] =	ssyncadd.s32 $0xFFFFE000  }
0x2c: {  	[tilespmem:s2], [sflag:$0x2] =	stream.linear.gather [hbm4b:s14+s2], $0x80, $0x38;
	[tilespmem:$0x2100] =	vst v63  }
0x2d: {  	_ =	swait.ge [sflag:s8], $0x80  }
0x2e: {  	[sflag:s8] =	ssyncset.done $0x0  }
0x2f: {  	s31 =	sadd.s32 s13, s7;
	[sflag:s8] =	ssyncadd.s32 $0xFFFFFF80  }
0x30: {  	[tilespmem:s9], [sflag:$0x2] =	stream.linear.gather [hbm4b:s31+s2], $0x80, $0x38;
	[tilespmem:$0x2100] =	vst v63  }
0x31: {  	_ =	swait.ge [sflag:s8], $0x80  }
0x32: {  	[sflag:s8] =	ssyncset.done $0x0  }
0x33: {  	[sflag:s8] =	ssyncadd.s32 $0xFFFFFF80  }
0x34: {  	[tilespmem:s10], [sflag:$0x1] =	stream.indirect.gather [hbm4b:s3+s9], $0x40, s2, s9, $0xb8;
	[tilespmem:$0x2100] =	vst v63  }
0x35: {  	s12 =	sadd.s32 $0x1, s12;
	_ =	swait.ge [sflag:s11], $0x2000  }
0x36: {  	p0 =	sne.s32 s12, s5;
	[sflag:s11] =	ssyncset.done $0x0  }
.Ltmp1:
0x37: {  	[sflag:s11] =	ssyncadd.s32 $0xFFFFE000;
	(pc) =	sbr.rel @p0 .LBB2_1-.Ltmp1, $4  }
0x38: {  	[hbm4b:s4+s9] =	stream.indirect.scatter [tilespmem:s10], [sflag:$0x2], $0x40, s9, s9, $0xb8;
	[tilespmem:$0x2100] =	vst v63  }
0x39: {  	_ =	swait.ge [sflag:s8], $0x2000  }
0x3a: {  	[sflag:s8] =	ssyncset.done $0x0  }
0x3b: {  	[sflag:s8] =	ssyncadd.s32 $0xFFFFE000  }
0x3c: {  	_ =	sfence.sel $0x180000  }
0x3d: {  	[bflag:$0x0] =	sbarrier.arrive $0xFFFF  }
0x3e: {  	p0 =	sne.s32 s1, $0x0;
	_ =	strace $0x90000050  }
0x3f: {  	s0 =	sadd.s32 @!p0 $0x100000, s0;
	[bflag:$0x2] =	sbarrier.arrive $0xFFFF  }
0x40: {  	[sflag:s0] =	ssyncadd.tile.s32 @!p0 $0x1;
	_ =	shalt  }
.Lfunc_end2:
_tile_overlayer_lowered:
.L_overlay_start_2:
0x41: {  	(tag) =	ssettag $0x2  }
0x42: {  	s0 =	rddreg [dreg:$0x0];
	s2 =	stileid.u32  }
0x43: {  	s1 =	rddreg [dreg:$0x1];
	p0 =	sne.s32 s2, $0x0  }
0x44: {  	s3 =	rddreg [dreg:$0x2];
	[bflag:$0x3] =	sbarrier.arrive $0xFFFF;
	s2 =	simm.s32 @!p0 $0x1C02  }
0x45: {  	[timem:s3], [sflag:s2] =	dma.local @!p0 [hbm:s0], s1  }
0x46: {  	s0 =	simm.s32 @!p0 $0x2  }
0x47: {  	_ =	swait.ge @!p0 [sflag:s0], s1  }
0x48: {  	s1 =	ssub.s32 @!p0 $0x0, s1;
	[sflag:s0] =	ssyncset.done @!p0 $0x0  }
0x49: {  	[sflag:s0] =	ssyncadd.s32 @!p0 s1  }
0x4a: {  	[bflag:$0x3] =	sbarrier.arrive $0xFFFF  }
0x4b: {  	_ =	shalt  }

// kernel: kernel.32.cloned.1.call-start
scs
__scs_entry_jumppad:
0x0: {  	(pc) =	sbr.rel $0x88, $3  }
0x1: {  	(tag) =	ssettag $0x0;
	lr =	simm.s32 $0x1  }
0x2: {  	[smem:$0x3F6A] =	sst lr;
	_ =	strace $0xD0000000  }
0x3: {  	_ = 	snop  }
0x4: {  	_ = 	snop  }
0x5: {  	_ = 	snop  }
0x6: {  	_ = 	snop  }
0x7: {  	_ = 	snop  }
__scs_overlays_trampoline_lowered:
0x8: {  	[smem:$0x3F79] =	sst s0  }
0x9: {  	[smem:$0x3F7A] =	sst s1  }
0xa: {  	[smem:$0x3F7B] =	sst s2  }
0xb: {  	[smem:$0x3F7C] =	sst s3  }
0xc: {  	[smem:$0x3F7D] =	sst s4  }
0xd: {  	[smem:$0x3F7E] =	sst s5  }
0xe: {  	[smem:$0x3F7F] =	sst s6  }
0xf: {  	[smem:$0x3F80] =	sst s7  }
0x10: {  	[smem:$0x3F81] =	sst s8  }
0x11: {  	[smem:$0x3F82] =	sst s9;
	s0 =	simm.s32 @!p0 $0x0  }
0x12: {  	s1 =	sld [smem:$0x3F68];
	s0 =	simm.s32 @p0 $0x1  }
0x13: {  	[smem:$0x3F83] =	sst s0;
	s0 =	simm.s32 @!p1 $0x0  }
0x14: {  	s2 =	sld [smem:$0x3F67];
	s0 =	simm.s32 @p1 $0x1  }
0x15: {  	[smem:$0x3F84] =	sst s0;
	s0 =	simm.s32 @!p2 $0x0  }
0x16: {  	s3 =	sld [smem:$0x3FDB];
	s0 =	simm.s32 @p2 $0x1  }
0x17: {  	s4 =	simm.s32 $0x1BF5;
	[smem:$0x3F86] =	sst s0  }
0x18: {  	s0 =	sld [smem:$0x3F69];
	_ =	swait.ge [sflag:s4], $0x0  }
0x19: {  	s7 =	sld [smem:$0x3F6A]  }
0x1a: {  	s8 =	sadd.s32 $0xFFFFE003, lr  }
0x1b: {  	s9 =	sadd.s32 $0xFFFFFEF7, lr;
	s5 =	simm.s32 $0xFFFFFFFF;
	p2 =	slt.u32 s8, $0xFFFFF086  }
0x1c: {  	p1 =	slt.u32 s9, $0xF7A;
	s5 =	simm.s32 @!p2 $0x0  }
0x1d: {  	s5 =	simm.s32 @p1 $0x1;
	p0 =	seq.s32 s7, s2  }
0x1e: {  	s7 =	smul.u32 @!p0 $0xF7A, s2;
	p2 =	seq.s32 @!p0 s5, $0x0  }
0x1f: {  	s9 =	smul.u32 $0xF7A, s1;
	s8 =	simm.s32 @!p0 $0x1BF5;
	p2 =	por !p2, p0  }
0x20: {  	[sflag:s8] =	ssyncset.s32 @!p0 $0xFFFFF086;
	s6 =	sadd.s32 @!p0 s3, s7;
	s7 =	simm.s32 @!p0 $0x108  }
0x21: {  	s3 =	sadd.s32 s3, s9;
	s6 =	sadd.s32 @!p0 $0x88, s6;
	s7 =	simm.s32 @p2 $0x1082  }
0x22: {  	[simem:s7], [sflag:s8] =	dma.local @!p0 [hbm:s6], $0xF7A  }
0x23: {  	s9 =	sor.u32 $0xD0000000, s2;
	s6 =	simm.s32 $0x108;
	_ =	swait.ge @!p0 [sflag:s8], $0x0  }
0x24: {  	s3 =	sadd.s32 $0x88, s3;
	s6 =	simm.s32 @!p1 $0x1082;
	[sflag:s4] =	ssyncset.s32 $0xFFFFF086  }
0x25: {  	[simem:s6], [sflag:s4] =	dma.local [hbm:s3], $0xF7A  }
0x26: {  	[smem:$0x3F6A] =	sst s1;
	(tag) =	ssettag s2;
	_ =	strace s9  }
0x27: {  	s1 =	sld [smem:$0x3F7A]  }
0x28: {  	s2 =	sld [smem:$0x3F7B]  }
0x29: {  	s4 =	sld [smem:$0x3F7D]  }
0x2a: {  	p0 =	seq.s32 s5, $0x0;
	s5 =	sld [smem:$0x3F7E]  }
0x2b: {  	s6 =	sld [smem:$0x3F7F]  }
0x2c: {  	s7 =	sld [smem:$0x3F80]  }
0x2d: {  	s3 =	simm.s32 $0x108;
	s8 =	sld [smem:$0x3F81]  }
0x2e: {  	s3 =	simm.s32 @!p0 $0x1082;
	s9 =	sld [smem:$0x3F82]  }
0x2f: {  	lr =	sadd.s32 s0, s3;
	s0 =	sld [smem:$0x3F79]  }
0x30: {  	s3 =	sld [smem:$0x3F7C]  }
0x31: {  	[smem:$0x3F85] =	sst s10  }
0x32: {  	s10 =	sld [smem:$0x3F83];
	_ =	sdelay $0x3  }
0x33: {  	p0 =	seq.s32 s10, $0x1;
	s10 =	sld [smem:$0x3F85];
	_ =	sdelay $0x3  }
0x34: {  	[smem:$0x3F85] =	sst s10  }
0x35: {  	s10 =	sld [smem:$0x3F84];
	_ =	sdelay $0x3  }
0x36: {  	p1 =	seq.s32 s10, $0x1;
	s10 =	sld [smem:$0x3F85];
	_ =	sdelay $0x3  }
0x37: {  	[smem:$0x3F85] =	sst s10  }
0x38: {  	s10 =	sld [smem:$0x3F86]  }
0x39: {  	_ = 	snop;
	(pc) =	sbr.ind lr, $3  }
0x3a: {  	_ = 	snop  }
0x3b: {  	_ = 	snop  }
0x3c: {  	p2 =	seq.s32 s10, $0x1;
	s10 =	sld [smem:$0x3F85]  }
0x3d: {  	_ =	shalt  }
0x3e: {  	_ =	shalt  }
0x3f: {  	_ =	shalt  }
0x40: {  	_ =	shalt  }
0x41: {  	_ =	shalt  }
0x42: {  	_ =	shalt  }
0x43: {  	_ =	shalt  }
0x44: {  	_ =	shalt  }
0x45: {  	_ =	shalt  }
0x46: {  	_ =	shalt  }
0x47: {  	_ =	shalt  }
0x48: {  	_ =	shalt  }
0x49: {  	_ =	shalt  }
0x4a: {  	_ =	shalt  }
0x4b: {  	_ =	shalt  }
0x4c: {  	_ =	shalt  }
0x4d: {  	_ =	shalt  }
0x4e: {  	_ =	shalt  }
0x4f: {  	_ =	shalt  }
0x50: {  	_ =	shalt  }
0x51: {  	_ =	shalt  }
0x52: {  	_ =	shalt  }
0x53: {  	_ =	shalt  }
0x54: {  	_ =	shalt  }
0x55: {  	_ =	shalt  }
0x56: {  	_ =	shalt  }
0x57: {  	_ =	shalt  }
0x58: {  	_ =	shalt  }
0x59: {  	_ =	shalt  }
0x5a: {  	_ =	shalt  }
0x5b: {  	_ =	shalt  }
0x5c: {  	_ =	shalt  }
0x5d: {  	_ =	shalt  }
0x5e: {  	_ =	shalt  }
0x5f: {  	_ =	shalt  }
0x60: {  	_ =	shalt  }
0x61: {  	_ =	shalt  }
0x62: {  	_ =	shalt  }
0x63: {  	_ =	shalt  }
0x64: {  	_ =	shalt  }
0x65: {  	_ =	shalt  }
0x66: {  	_ =	shalt  }
0x67: {  	_ =	shalt  }
0x68: {  	_ =	shalt  }
0x69: {  	_ =	shalt  }
0x6a: {  	_ =	shalt  }
0x6b: {  	_ =	shalt  }
0x6c: {  	_ =	shalt  }
0x6d: {  	_ =	shalt  }
0x6e: {  	_ =	shalt  }
0x6f: {  	_ =	shalt  }
0x70: {  	_ =	shalt  }
0x71: {  	_ =	shalt  }
0x72: {  	_ =	shalt  }
0x73: {  	_ =	shalt  }
0x74: {  	_ =	shalt  }
0x75: {  	_ =	shalt  }
0x76: {  	_ =	shalt  }
0x77: {  	_ =	shalt  }
0x78: {  	_ =	shalt  }
0x79: {  	_ =	shalt  }
0x7a: {  	_ =	shalt  }
0x7b: {  	_ =	shalt  }
0x7c: {  	_ =	shalt  }
0x7d: {  	_ =	shalt  }
0x7e: {  	_ =	shalt  }
0x7f: {  	_ =	shalt  }
0x80: {  	_ =	shalt  }
0x81: {  	_ =	shalt  }
0x82: {  	_ =	shalt  }
0x83: {  	_ =	shalt  }
0x84: {  	_ =	shalt  }
0x85: {  	_ =	shalt  }
0x86: {  	_ =	shalt  }
0x87: {  	_ =	shalt  }
.Lfunc_end0:
.L_simem_size_0:
called_computation.4_lowered:
.L_overlay_start_0:
0x88: {  	s2 =	sld [smem:$0x3FD9]  }
0x89: {  	s3 =	sld [smem:$0x3FFE];
	_ =	sdelay $0x1  }
0x8a: {  	s1 =	srdreg.scid  }
0x8b: {  	s0 =	sand.u32 $0x1, s1  }
0x8c: {  	s17 =	sshll.u32 s0, $0xA;
	s2 =	sadd.s32 s3, s2  }
0x8d: {  	s2 =	sadd.s32 s2, s17  }
0x8e: {  	[smem:$0x3F91] =	sst s2  }
0x8f: {  	_ = 	snop  }
0x90: {  	s2 =	sld [smem:$0x3FD0];
	(tm) =	ssettm $0x1  }
0x91: {  	s18 =	sld [smem:$0x3FFB];
	_ =	sdelay $0x3  }
0x92: {  	_ =	strace s18  }
0x93: {  	s3 =	sld [smem:$0x3FFC];
	_ =	sdelay $0x3  }
0x94: {  	_ =	strace s3  }
0x95: {  	s3 =	sld [smem:$0x3FFD];
	_ =	sdelay $0x3  }
0x96: {  	_ =	strace s3  }
0x97: {  	_ =	strace $0x8FFFFFFF  }
0x98: {  	s19 =	sld [smem:$0x3FDB];
	_ =	sdelay $0x1  }
0x99: {  	s4 =	simm.s32 $_scs_section_size  }
0x9a: {  	s5 =	simm.s32 $_size__tile_overlayer_lowered;
	s6 =	simm.s32 $_tile_overlayer_lowered  }
0x9b: {  	s22 =	simm.s32 $0x1BFF;
	s21 =	sshll.u32 s6, $0x1;
	s3 =	sadd.s32 s4, s19  }
0x9c: {  	s7 =	simm.s32 $0x0;
	s20 =	sshll.u32 s5, $0x1;
	s5 =	sadd.s32 s21, s3  }
0x9d: {  	[timem:s7], [sflag:s22] =	dma.local [hbm:s5], s20  }
0x9e: {  	_ =	swait.ge [sflag:s22], s20  }
0x9f: {  	s4 =	ssub.s32 $0x0, s20;
	[sflag:s22] =	ssyncset.done $0x0  }
0xa0: {  	[sflag:s22] =	ssyncadd.s32 s4;
	_ =	sdelay $0x1  }
0xa1: {  	s23 =	simm.s32 $0x1B8B  }
0xa2: {  	_ =	swait.ge [sflag:s23], $0x1  }
0xa3: {  	[sflag:s23] =	ssyncset.done $0x0  }
0xa4: {  	s25 =	simm.s32 $0x1B8E;
	s24 =	sld [smem:$0x3FFE];
	[sflag:s23] =	ssyncadd.s32 $0xFFFFFFFF  }
0xa5: {  	s26 =	simm.s32 $execute0_lowered;
	[smem:$0x3FD2] =	sst s25  }
0xa6: {  	s5 =	sshll.u32 s26, $0x1;
	_ =	strace $0x80000052;
	[dreg:$0x1] =	wrdreg $0xFFFFFFFF  }
0xa7: {  	s28 =	simm.s32 $_size_execute0_lowered;
	s3 =	sadd.s32 s3, s5;
	[dreg:$0x0] =	wrdreg $0x0  }
0xa8: {  	s5 =	sshll.u32 s28, $0x1;
	[dreg:$0x2] =	wrdreg s3  }
0xa9: {  	[dreg:$0x3] =	wrdreg s5  }
0xaa: {  	[dreg:$0x4] =	wrdreg $0xC0  }
0xab: {  	_ =	task [dreg:s7], $0x5FFFF  }
0xac: {  	[dreg:$0x1] =	wrdreg $0xFFFFFFFF  }
0xad: {  	[dreg:$0x0] =	wrdreg $0x60  }
0xae: {  	[dreg:$0x2] =	wrdreg s24  }
0xaf: {  	[dreg:$0x3] =	wrdreg s2  }
0xb0: {  	[dreg:$0x4] =	wrdreg $0x3BB00  }
0xb1: {  	[dreg:$0x5] =	wrdreg $0x9  }
0xb2: {  	_ =	task.clear_ibuf [dreg:s7], $0x6FFFF;
	_ =	strace $0x90000052  }
0xb3: {  	s29 =	simm.s32 $0x9;
	_ =	strace $0x80000054  }
0xb4: {  	_ =	swait.ge [sflag:s29], $0x1  }
0xb5: {  	[sflag:s29] =	ssyncadd.s32 $0xFFFFFFFF  }
0xb6: {  	_ =	strace $0x90000054  }
0xb7: {  	_ =	sfence  }
0xb8: {  	s30 =	sld [smem:$0x0];
	_ =	sdelay $0x2  }
0xb9: {  	s31 =	sshll.u32 s1, $0xD;
	s1 =	sshrl.u32 s1, $0x2  }
0xba: {  	s3 =	sand.u32 $0x4000, s31;
	s1 =	sadd.s32 s1, s30  }
0xbb: {  	s0 =	sor.u32 s3, s0;
	s1 =	sshll.u32 s1, $0x11  }
0xbc: {  	s0 =	sor.u32 s1, s0  }
0xbd: {  	s0 =	sadd.s32 $0x8F2B, s0  }
0xbe: {  	[sflag:s0] =	ssyncadd.remote.s32 $0x1  }
0xbf: {  	_ =	sfence.sel $0xFFFF  }
0xc0: {  	[dreg:$0x0] =	wrdreg $0xFFFFFFFF;
	(pc) =	sbr.abs _section_cstart, $3  }
0xc1: {  	[dreg:$0x1] =	wrdreg $0xFFFFFFFF  }
0xc2: {  	_ =	task.clear_ibuf [dreg:s7], $0x2FFFF;
	_ =	strace $0x9FFFFFFF  }
0xc3: {  	(tm) =	ssettm $0x7FFFFFFF  }
tec
execute0_lowered:
.L_overlay_start_1:
0x0: {  	(tag) =	ssettag $0x1  }
0x1: {  	s6 =	rddreg [dreg:$0x0]  }
0x2: {  	s9 =	rddreg [dreg:$0x1]  }
0x3: {  	s1 =	rddreg [dreg:$0x2]  }
0x4: {  	s0 =	rddreg [dreg:$0x3];
	s2 =	simm.s32 $0x0  }
0x5: {  	s3 =	srdreg.scid;
	s16 =	simm.s32 $0x2;
	s17 =	simm.s32 $0x22B0  }
0x6: {  	s18 =	simm.s32 $0x80;
	s19 =	simm.s32 $0x210;
	s21 =	simm.s32 $0x1210  }
0x7: {  	s22 =	simm.s32 $0x0;
	[smem:$0x7FF] =	sst s2;
	s11 =	sand.u32 $0x1, s3  }
0x8: {  	s3 =	sadd.s32 $0xDC00, s6;
	s4 =	sadd.s32 $0x88000, s6;
	s8 =	smul.u32 $0x30D40, s11  }
0x9: {  	s5 =	sadd.s32 $0x6F800, s6;
	s7 =	sadd.s32 $0xA0800, s6;
	s31 =	smul.u32 $0x14, s11  }
0xa: {  	_ =	strace $0x80000053;
	s10 =	ssub.s32 $0x2, s11;
	s20 =	smul.u32 $0xC350, s11  }
0xb: {  	s30 =	sshrl.u32 s10, $0x1;
	s14 =	sadd.s32 s8, s6;
	s6 =	stileid.u32  }
0xc: {  	s12 =	ssub.s32 s10, s30;
	s8 =	simm.s32 $0x4;
	s9 =	sadd.s32 s9, s31  }
0xd: {  	s10 =	simm.s32 $0x187;
	v0 =	vmov s20;
	s20 =	simm.s32 $0x1;
	s13 =	smul.u32 $0x1F400, s6  }
0xe: {  	p0 =	slt.u32 s6, $0x2;
	s15 =	smul.u32 $0xFA0, s6;
	s12 =	smax.u32 s12, $0x1  }
0xf: {  	s8 =	simm.s32 @!p0 $0x3;
	p0 =	slt.u32 s6, $0xA;
	s13 =	sshrl.u32 s13, $0x2  }
0x10: {  	s10 =	simm.s32 @!p0 $0x186;
	s14 =	sadd.s32 s15, s14;
	s11 =	sadd.s32 s13, s1  }
0x11: {  	v1 =	vimm.f32 $0.0e+00;
	s15 =	simm.s32 $0x2210;
	s14 =	sadd.s32 $0xD1600, s14;
	s13 =	sadd.s32 $0x6400, s11  }
.LBB2_1:
0x12: {  	[tilespmem:s15], [sflag:$0x2] =	stream.linear.gather [hbm4b:s9+s2], $0xA0, $0x38;
	[tilespmem:$0x1C250] =	vst v63  }
0x13: {  	_ =	swait.ge [sflag:s16], $0xA0  }
0x14: {  	[sflag:s16] =	ssyncset.done $0x0  }
0x15: {  	s23 =	simm.s32 $0x80;
	s24 =	simm.s32 $0x0;
	[sflag:s16] =	ssyncadd.s32 $0xFFFFFF60  }
.LBB2_2:
0x16: {  	p0 =	sne.s32 s23, $0x6380;
	[tilespmem:s24+$0x22B0] =	vst v1;
	s25 =	smov.u32 s23;
	s23 =	sadd.s32 $0x80, s23  }
.Ltmp0:
0x17: {  	[tilespmem:s24+$0x22C0] =	vst v1;
	(pc) =	sbr.rel @p0 .LBB2_2-.Ltmp0, $2  }
0x18: {  	_ =	sdelay $0x2  }
0x19: {  	s24 =	sshra.s32 s25, $0x2  }
0x1a: {  	p0 =	sne.s32 s8, $0x1  }
.Ltmp1:
0x1b: {  	_ = 	snop;
	(pc) =	sbr.rel @!p0 .LBB2_6-.Ltmp1, $3  }
0x1c: {  	_ =	sdelay $0x1  }
0x1d: {  	[tilespmem:s24+$0x22B0] =	vst v1  }
0x1e: {  	[tilespmem:s24+$0x22C0] =	vst v1;
	s23 =	sadd.s32 $0xFFFFFFFF, s8;
	p1 =	por $0x0, $0x0;
	s24 =	smov.u32 s13  }
0x1f: {  	s24 =	sadd.s32 $0xFFFF9C00, s13  }
0x20: {  	[spmem:s24] =	stream.linear.scatter [tilespmem:s17], [sflag:$0x2], $0x1900, $0x38;
	[tilespmem:$0x1C250] =	vst v63  }
0x21: {  	_ =	swait.ge [sflag:s16], $0x1900  }
0x22: {  	[sflag:s16] =	ssyncset.done $0x0  }
0x23: {  	s29 =	sadd.s32 $0xFFFFB500, s13;
	[sflag:s16] =	ssyncadd.s32 $0xFFFFE700  }
0x24: {  	[spmem:s29] =	stream.linear.scatter [tilespmem:s17], [sflag:$0x2], $0x1900, $0x38;
	[tilespmem:$0x1C250] =	vst v63  }
0x25: {  	_ =	swait.ge [sflag:s16], $0x1900  }
0x26: {  	[sflag:s16] =	ssyncset.done $0x0  }
0x27: {  	s30 =	sadd.s32 $0xFFFFCE00, s13;
	[sflag:s16] =	ssyncadd.s32 $0xFFFFE700  }
0x28: {  	[spmem:s30] =	stream.linear.scatter [tilespmem:s17], [sflag:$0x2], $0x1900, $0x38;
	[tilespmem:$0x1C250] =	vst v63  }
0x29: {  	_ =	swait.ge [sflag:s16], $0x1900  }
0x2a: {  	[sflag:s16] =	ssyncset.done $0x0  }
0x2b: {  	s31 =	sadd.s32 $0xFFFFE700, s13;
	[sflag:s16] =	ssyncadd.s32 $0xFFFFE700  }
0x2c: {  	[spmem:s31] =	stream.linear.scatter [tilespmem:s17], [sflag:$0x2], $0x1900, $0x38;
	[tilespmem:$0x1C250] =	vst v63  }
0x2d: {  	p2 =	sne.s32 s23, $0x1;
	_ =	swait.ge [sflag:s16], $0x1900  }
.Ltmp2:
0x2e: {  	[sflag:s16] =	ssyncset.done $0x0;
	(pc) =	sbr.rel @!p2 .LBB2_6-.Ltmp2, $4  }
0x2f: {  	[sflag:s16] =	ssyncadd.s32 $0xFFFFE700  }
0x30: {  	[spmem:s13] =	stream.linear.scatter [tilespmem:s17], [sflag:$0x2], $0x1900, $0x38;
	[tilespmem:$0x1C250] =	vst v63  }
0x31: {  	s25 =	sadd.s32 $0xFFFFFFFF, s23;
	_ =	swait.ge [sflag:s16], $0x1900  }
0x32: {  	p1 =	por $0x1, $0x1;
	s24 =	sadd.s32 $0x7D000, s13;
	[sflag:s16] =	ssyncset.done $0x0  }
.LBB2_5:
0x33: {  	p2 =	sne.s32 s25, $0x1;
	s26 =	sadd.s32 $0xFFFF9C00, s24;
	[sflag:s16] =	ssyncadd.s32 $0xFFFFE700  }
0x34: {  	[spmem:s26] =	stream.linear.scatter [tilespmem:s17], [sflag:$0x2], $0x1900, $0x38;
	[tilespmem:$0x1C250] =	vst v63  }
0x35: {  	s25 =	sadd.s32 $0xFFFFFFFF, s25;
	_ =	swait.ge [sflag:s16], $0x1900  }
0x36: {  	[sflag:s16] =	ssyncset.done $0x0  }
0x37: {  	s26 =	sadd.s32 $0xFFFFB500, s24;
	[sflag:s16] =	ssyncadd.s32 $0xFFFFE700  }
0x38: {  	[spmem:s26] =	stream.linear.scatter [tilespmem:s17], [sflag:$0x2], $0x1900, $0x38;
	[tilespmem:$0x1C250] =	vst v63  }
0x39: {  	_ =	swait.ge [sflag:s16], $0x1900  }
0x3a: {  	[sflag:s16] =	ssyncset.done $0x0  }
0x3b: {  	s26 =	sadd.s32 $0xFFFFCE00, s24;
	[sflag:s16] =	ssyncadd.s32 $0xFFFFE700  }
0x3c: {  	[spmem:s26] =	stream.linear.scatter [tilespmem:s17], [sflag:$0x2], $0x1900, $0x38;
	[tilespmem:$0x1C250] =	vst v63  }
0x3d: {  	_ =	swait.ge [sflag:s16], $0x1900  }
0x3e: {  	[sflag:s16] =	ssyncset.done $0x0  }
0x3f: {  	s26 =	sadd.s32 $0xFFFFE700, s24;
	[sflag:s16] =	ssyncadd.s32 $0xFFFFE700  }
0x40: {  	[spmem:s26] =	stream.linear.scatter [tilespmem:s17], [sflag:$0x2], $0x1900, $0x38;
	[tilespmem:$0x1C250] =	vst v63  }
0x41: {  	_ =	swait.ge [sflag:s16], $0x1900  }
.Ltmp3:
0x42: {  	[sflag:s16] =	ssyncset.done $0x0;
	(pc) =	sbr.rel @p2 .LBB2_5-.Ltmp3, $4  }
0x43: {  	[sflag:s16] =	ssyncadd.s32 $0xFFFFE700  }
0x44: {  	[spmem:s24] =	stream.linear.scatter [tilespmem:s17], [sflag:$0x2], $0x1900, $0x38;
	[tilespmem:$0x1C250] =	vst v63  }
0x45: {  	_ =	swait.ge [sflag:s16], $0x1900  }
0x46: {  	s24 =	sadd.s32 $0x7D000, s24;
	[sflag:s16] =	ssyncset.done $0x0  }
.LBB2_6:
0x47: {  	s25 =	sadd.s32 $0xFFFF9C00, s24;
	[sflag:s16] =	ssyncadd.s32 @p1 $0xFFFFE700  }
0x48: {  	[spmem:s25] =	stream.linear.scatter [tilespmem:s17], [sflag:$0x2], $0x1900, $0x38;
	[tilespmem:$0x1C250] =	vst v63  }
0x49: {  	_ =	swait.ge [sflag:s16], $0x1900  }
0x4a: {  	[sflag:s16] =	ssyncset.done $0x0  }
0x4b: {  	s29 =	sadd.s32 $0xFFFFB500, s24;
	[sflag:s16] =	ssyncadd.s32 $0xFFFFE700  }
0x4c: {  	[spmem:s29] =	stream.linear.scatter [tilespmem:s17], [sflag:$0x2], $0x1900, $0x38;
	[tilespmem:$0x1C250] =	vst v63  }
0x4d: {  	_ =	swait.ge [sflag:s16], $0x1900  }
0x4e: {  	[sflag:s16] =	ssyncset.done $0x0  }
0x4f: {  	s30 =	sadd.s32 $0xFFFFCE00, s24;
	[sflag:s16] =	ssyncadd.s32 $0xFFFFE700  }
0x50: {  	[spmem:s30] =	stream.linear.scatter [tilespmem:s17], [sflag:$0x2], $0x1900, $0x38;
	[tilespmem:$0x1C250] =	vst v63  }
0x51: {  	_ =	swait.ge [sflag:s16], $0x1900  }
0x52: {  	[sflag:s16] =	ssyncset.done $0x0  }
0x53: {  	s31 =	sadd.s32 $0xFFFFE700, s24;
	[sflag:s16] =	ssyncadd.s32 $0xFFFFE700  }
0x54: {  	[spmem:s31] =	stream.linear.scatter [tilespmem:s17], [sflag:$0x2], $0x1900, $0x38;
	[tilespmem:$0x1C250] =	vst v63  }
0x55: {  	_ =	swait.ge [sflag:s16], $0x1900  }
0x56: {  	[sflag:s16] =	ssyncset.done $0x0  }
0x57: {  	[sflag:s16] =	ssyncadd.s32 $0xFFFFE700  }
0x58: {  	[spmem:s24] =	stream.linear.scatter [tilespmem:s17], [sflag:$0x2], $0x1900, $0x38;
	[tilespmem:$0x1C250] =	vst v63  }
0x59: {  	_ =	swait.ge [sflag:s16], $0x1900  }
0x5a: {  	[sflag:s16] =	ssyncset.done $0x0  }
0x5b: {  	[sflag:s16] =	ssyncadd.s32 $0xFFFFE700  }
0x5c: {  	[bflag:$0x0] =	sbarrier.arrive $0xFFFF  }
0x5d: {  	v2 =	vld [tilespmem:$0x2210]  }
0x5e: {  	v3 =	vld [tilespmem:$0x2220]  }
0x5f: {  	v4 =	vld [tilespmem:$0x2230]  }
0x60: {  	v5 =	vld [tilespmem:$0x2240]  }
0x61: {  	v6 =	vld [tilespmem:$0x2250]  }
0x62: {  	v7 =	vld [tilespmem:$0x2260]  }
0x63: {  	v8 =	vld [tilespmem:$0x2270]  }
0x64: {  	v9 =	vld [tilespmem:$0x2280]  }
0x65: {  	v10 =	vld [tilespmem:$0x2290]  }
0x66: {  	s25 =	simm.s32 $0x0;
	s24 =	simm.s32 $0x0;
	v11 =	vld [tilespmem:$0x22A0]  }
.LBB2_7:
0x67: {  	s26 =	sshll.u32 s25, $0x4  }
0x68: {  	s26 =	sor.u32 s6, s26  }
0x69: {  	s28 =	sshll.u32 s26, $0x4  }
0x6a: {  	s29 =	sadd.s32 s4, s28  }
0x6b: {  	[tilespmem:s24], [sflag:$0x2] =	stream.linear.gather [hbm4b:s29+s24], $0x80, $0x38;
	[tilespmem:$0x1C250] =	vst v63  }
0x6c: {  	_ =	swait.ge [sflag:s16], $0x80  }
0x6d: {  	[sflag:s16] =	ssyncset.done $0x0  }
0x6e: {  	s28 =	sadd.s32 s5, s28;
	[sflag:s16] =	ssyncadd.s32 $0xFFFFFF80  }
0x6f: {  	[tilespmem:s18], [sflag:$0x2] =	stream.linear.gather [hbm4b:s28+s24], $0x80, $0x38;
	[tilespmem:$0x1C250] =	vst v63  }
0x70: {  	_ =	swait.ge [sflag:s16], $0x80  }
0x71: {  	s26 =	sshll.u32 s26, $0x5;
	[sflag:s16] =	ssyncset.done $0x0  }
0x72: {  	s28 =	sadd.s32 s7, s26;
	s26 =	simm.s32 $0x100;
	[sflag:s16] =	ssyncadd.s32 $0xFFFFFF80  }
0x73: {  	[tilespmem:s26], [sflag:$0x2] =	stream.linear.gather [hbm4b:s28+s24], $0x100, $0x38;
	[tilespmem:$0x1C250] =	vst v63  }
0x74: {  	_ =	swait.ge [sflag:s16], $0x100  }
0x75: {  	[sflag:s16] =	ssyncset.done $0x0  }
0x76: {  	[sflag:s16] =	ssyncadd.s32 $0xFFFFFF00  }
0x77: {  	v12 =	vld [tilespmem:$0x0]  }
0x78: {  	v13 =	vld [tilespmem:$0x10]  }
0x79: {  	v14 =	vld [tilespmem:$0x20]  }
0x7a: {  	v15 =	vld [tilespmem:$0x30]  }
0x7b: {  	v16 =	vld [tilespmem:$0x40]  }
0x7c: {  	v17 =	vld [tilespmem:$0x50];
	v12 =	vadd.s32 v0, v12  }
0x7d: {  	[tilespmem:$0x0] =	vst v12;
	v12 =	vadd.s32 v0, v13;
	v13 =	vld [tilespmem:$0x60]  }
0x7e: {  	[tilespmem:$0x10] =	vst v12;
	v12 =	vadd.s32 v0, v14;
	v14 =	vld [tilespmem:$0x70]  }
0x7f: {  	[tilespmem:$0x20] =	vst v12;
	v12 =	vadd.s32 v0, v15  }
0x80: {  	[tilespmem:$0x30] =	vst v12;
	v12 =	vadd.s32 v0, v16  }
0x81: {  	[tilespmem:$0x40] =	vst v12;
	v12 =	vadd.s32 v0, v17  }
0x82: {  	[tilespmem:$0x50] =	vst v12;
	v12 =	vadd.s32 v0, v13  }
0x83: {  	[tilespmem:$0x60] =	vst v12;
	v12 =	vadd.s32 v0, v14  }
0x84: {  	[tilespmem:$0x70] =	vst v12  }
0x85: {  	[tilespmem:s19], [sflag:$0x1] =	stream.indirect.gather [hbm4b:s3+s18], $0x20, s24, s18, $0xb8;
	[tilespmem:$0x1C250] =	vst v63  }
0x86: {  	_ =	swait.ge [sflag:s20], $0x1000  }
0x87: {  	[sflag:s20] =	ssyncset.done $0x0  }
0x88: {  	s28 =	simm.s32 $0x0;
	[sflag:s20] =	ssyncadd.s32 $0xFFFFF000  }
0x89: {  	s29 =	simm.s32 $0x80;
	v12 =	vld [tilespmem:s28+$0x210]  }
.LBB2_8:
0x8a: {  	p1 =	sne.s32 s29, $0x3F80;
	v13 =	vld [tilespmem:s26+$0x0]  }
0x8b: {  	v14 =	vld [tilespmem:s28+$0x220];
	_ =	sdelay $0x3  }
0x8c: {  	v12 =	vmul.f32 v12, v8;
	v15 =	vbroadcast v13, $0x0  }
0x8d: {  	v14 =	vmul.f32 v14, v9  }
0x8e: {  	v13 =	vbroadcast v13, $0x1;
	v12 =	vadd.f32 v12, v10;
	v16 =	vmul.f32 v15, v2  }
0x8f: {  	v15 =	vmul.f32 v15, v3;
	v14 =	vadd.f32 v14, v11  }
0x90: {  	v12 =	vadd.f32 v12, v16;
	v16 =	vmul.f32 v13, v4;
	v13 =	vmul.f32 v13, v5  }
0x91: {  	v14 =	vadd.f32 v14, v15  }
0x92: {  	v12 =	vadd.f32 v12, v16  }
0x93: {  	v13 =	vadd.f32 v14, v13  }
.Ltmp4:
0x94: {  	v12 =	vadd.f32 v12, v6;
	(pc) =	sbr.rel @p1 .LBB2_8-.Ltmp4, $4  }
0x95: {  	v13 =	vadd.f32 v13, v7  }
0x96: {  	v12 =	vmax.f32 v12, $0.0e+00  }
0x97: {  	s30 =	sshra.s32 s29, $0x2;
	v13 =	vmax.f32 v13, $0.0e+00;
	[tilespmem:s28+$0x1210] =	vst v12  }
0x98: {  	s29 =	sadd.s32 $0x80, s29;
	s26 =	sadd.s32 $0x2, s26;
	v12 =	vld [tilespmem:s30+$0x210];
	[tilespmem:s28+$0x1220] =	vst v13;
	s28 =	smov.u32 s30  }
0x99: {  	v13 =	vld [tilespmem:s26+$0x0]  }
0x9a: {  	v14 =	vld [tilespmem:s28+$0x220];
	_ =	sdelay $0x3  }
0x9b: {  	v12 =	vmul.f32 v12, v8;
	v15 =	vbroadcast v13, $0x0  }
0x9c: {  	v14 =	vmul.f32 v14, v9  }
0x9d: {  	v13 =	vbroadcast v13, $0x1;
	v12 =	vadd.f32 v12, v10;
	v16 =	vmul.f32 v15, v2  }
0x9e: {  	v14 =	vadd.f32 v14, v11;
	v15 =	vmul.f32 v15, v3  }
0x9f: {  	v63 =	vmul.f32 v13, v4;
	v12 =	vadd.f32 v12, v16  }
0xa0: {  	v13 =	vmul.f32 v13, v5;
	v14 =	vadd.f32 v14, v15  }
0xa1: {  	v12 =	vadd.f32 v12, v63  }
0xa2: {  	v13 =	vadd.f32 v14, v13  }
0xa3: {  	v12 =	vadd.f32 v12, v6  }
0xa4: {  	v13 =	vadd.f32 v13, v7  }
0xa5: {  	s25 =	sadd.s32 $0x1, s25;
	v12 =	vmax.f32 v12, $0.0e+00  }
0xa6: {  	p1 =	sne.s32 s25, s10;
	v13 =	vmax.f32 v13, $0.0e+00;
	[tilespmem:s28+$0x1210] =	vst v12  }
.Ltmp5:
0xa7: {  	[tilespmem:s28+$0x1220] =	vst v13;
	(pc) =	sbr.rel @p1 .LBB2_7-.Ltmp5, $4  }
0xa8: {  	[spmem:s1] =	stream.indirect.scatter.add.f32 [tilespmem:s21], [sflag:$0x2], $0x20, s18, s18, $0xb8;
	[tilespmem:$0x1C250] =	vst v63  }
0xa9: {  	_ =	swait.ge [sflag:s16], $0x1000  }
0xaa: {  	[sflag:s16] =	ssyncset.done $0x0  }
0xab: {  	[sflag:s16] =	ssyncadd.s32 $0xFFFFF000  }
.Ltmp6:
0xac: {  	(pc) =	sbr.rel @!p0 .LBB2_12-.Ltmp6, $4  }
0xad: {  	s24 =	sshll.u32 s6, $0x6  }
0xae: {  	[bflag:$0x0] =	sbarrier.arrive $0xFFFF;
	s25 =	sshrl.u32 s11, $0x3;
	s24 =	sor.u32 $0x1C02, s24  }
0xaf: {  	[hbm:s14], [sflag:s24] =	dma.local [spmem:s25], $0xFA0  }
0xb0: {  	s26 =	smov.u32 s11;
	s25 =	sadd.s32 $0xFA00, s14;
	_ =	swait.ge [sflag:s16], $0xFA0  }
.LBB2_11:
0xb1: {  	[sflag:s16] =	ssyncset.done $0x0;
	s26 =	sadd.s32 $0x7D000, s26;
	p0 =	sne.s32 s23, $0x1  }
.Ltmp7:
0xb2: {  	s28 =	sshrl.u32 s26, $0x3;
	[sflag:s16] =	ssyncadd.s32 $0xFFFFF060;
	(pc) =	sbr.rel @p0 .LBB2_11-.Ltmp7, $3  }
0xb3: {  	[hbm:s25], [sflag:s24] =	dma.local [spmem:s28], $0xFA0  }
0xb4: {  	s23 =	sadd.s32 $0xFFFFFFFF, s23;
	_ =	sdelay $0x1  }
0xb5: {  	s25 =	sadd.s32 $0xFA00, s25;
	_ =	swait.ge [sflag:s16], $0xFA0  }
.LBB2_12:
0xb6: {  	s22 =	sadd.s32 $0x1, s22  }
0xb7: {  	p0 =	sne.s32 s22, s12  }
.Ltmp8:
0xb8: {  	_ = 	snop;
	(pc) =	sbr.rel @p0 .LBB2_1-.Ltmp8, $3  }
0xb9: {  	_ =	sdelay $0x1  }
0xba: {  	[sflag:s16] =	ssyncset.done $0x0  }
0xbb: {  	[sflag:s16] =	ssyncadd.s32 $0xFFFFF060  }
0xbc: {  	_ =	sfence.sel $0x180000  }
0xbd: {  	[bflag:$0x0] =	sbarrier.arrive $0xFFFF  }
0xbe: {  	p0 =	sne.s32 s6, $0x0;
	_ =	strace $0x90000053  }
0xbf: {  	s0 =	sadd.s32 @!p0 $0x100000, s0;
	[bflag:$0x2] =	sbarrier.arrive $0xFFFF  }
0xc0: {  	[sflag:s0] =	ssyncadd.tile.s32 @!p0 $0x1;
	_ =	shalt  }
.Lfunc_end2:
_tile_overlayer_lowered:
.L_overlay_start_2:
0xc1: {  	(tag) =	ssettag $0x2  }
0xc2: {  	s0 =	rddreg [dreg:$0x0];
	s2 =	stileid.u32  }
0xc3: {  	s1 =	rddreg [dreg:$0x1];
	p0 =	sne.s32 s2, $0x0  }
0xc4: {  	s3 =	rddreg [dreg:$0x2];
	[bflag:$0x3] =	sbarrier.arrive $0xFFFF;
	s2 =	simm.s32 @!p0 $0x1C02  }
0xc5: {  	[timem:s3], [sflag:s2] =	dma.local @!p0 [hbm:s0], s1  }
0xc6: {  	s0 =	simm.s32 @!p0 $0x2  }
0xc7: {  	_ =	swait.ge @!p0 [sflag:s0], s1  }
0xc8: {  	s1 =	ssub.s32 @!p0 $0x0, s1;
	[sflag:s0] =	ssyncset.done @!p0 $0x0  }
0xc9: {  	[sflag:s0] =	ssyncadd.s32 @!p0 s1  }
0xca: {  	[bflag:$0x3] =	sbarrier.arrive $0xFFFF  }
0xcb: {  	_ =	shalt  }

// kernel: kernel.35.cloned.1.call-start
scs
__scs_entry_jumppad:
0x0: {  	(pc) =	sbr.rel $0x88, $3  }
0x1: {  	(tag) =	ssettag $0x0;
	lr =	simm.s32 $0x1  }
0x2: {  	[smem:$0x3F6A] =	sst lr;
	_ =	strace $0xD0000000  }
0x3: {  	_ = 	snop  }
0x4: {  	_ = 	snop  }
0x5: {  	_ = 	snop  }
0x6: {  	_ = 	snop  }
0x7: {  	_ = 	snop  }
__scs_overlays_trampoline_lowered:
0x8: {  	[smem:$0x3F79] =	sst s0  }
0x9: {  	[smem:$0x3F7A] =	sst s1  }
0xa: {  	[smem:$0x3F7B] =	sst s2  }
0xb: {  	[smem:$0x3F7C] =	sst s3  }
0xc: {  	[smem:$0x3F7D] =	sst s4  }
0xd: {  	[smem:$0x3F7E] =	sst s5  }
0xe: {  	[smem:$0x3F7F] =	sst s6  }
0xf: {  	[smem:$0x3F80] =	sst s7  }
0x10: {  	[smem:$0x3F81] =	sst s8  }
0x11: {  	[smem:$0x3F82] =	sst s9;
	s0 =	simm.s32 @!p0 $0x0  }
0x12: {  	s1 =	sld [smem:$0x3F68];
	s0 =	simm.s32 @p0 $0x1  }
0x13: {  	[smem:$0x3F83] =	sst s0;
	s0 =	simm.s32 @!p1 $0x0  }
0x14: {  	s2 =	sld [smem:$0x3F67];
	s0 =	simm.s32 @p1 $0x1  }
0x15: {  	[smem:$0x3F84] =	sst s0;
	s0 =	simm.s32 @!p2 $0x0  }
0x16: {  	s3 =	sld [smem:$0x3FDB];
	s0 =	simm.s32 @p2 $0x1  }
0x17: {  	s4 =	simm.s32 $0x1BF5;
	[smem:$0x3F86] =	sst s0  }
0x18: {  	s0 =	sld [smem:$0x3F69];
	_ =	swait.ge [sflag:s4], $0x0  }
0x19: {  	s7 =	sld [smem:$0x3F6A]  }
0x1a: {  	s8 =	sadd.s32 $0xFFFFE003, lr  }
0x1b: {  	s9 =	sadd.s32 $0xFFFFFEF7, lr;
	s5 =	simm.s32 $0xFFFFFFFF;
	p2 =	slt.u32 s8, $0xFFFFF086  }
0x1c: {  	p1 =	slt.u32 s9, $0xF7A;
	s5 =	simm.s32 @!p2 $0x0  }
0x1d: {  	s5 =	simm.s32 @p1 $0x1;
	p0 =	seq.s32 s7, s2  }
0x1e: {  	s7 =	smul.u32 @!p0 $0xF7A, s2;
	p2 =	seq.s32 @!p0 s5, $0x0  }
0x1f: {  	s9 =	smul.u32 $0xF7A, s1;
	s8 =	simm.s32 @!p0 $0x1BF5;
	p2 =	por !p2, p0  }
0x20: {  	[sflag:s8] =	ssyncset.s32 @!p0 $0xFFFFF086;
	s6 =	sadd.s32 @!p0 s3, s7;
	s7 =	simm.s32 @!p0 $0x108  }
0x21: {  	s3 =	sadd.s32 s3, s9;
	s6 =	sadd.s32 @!p0 $0x88, s6;
	s7 =	simm.s32 @p2 $0x1082  }
0x22: {  	[simem:s7], [sflag:s8] =	dma.local @!p0 [hbm:s6], $0xF7A  }
0x23: {  	s9 =	sor.u32 $0xD0000000, s2;
	s6 =	simm.s32 $0x108;
	_ =	swait.ge @!p0 [sflag:s8], $0x0  }
0x24: {  	s3 =	sadd.s32 $0x88, s3;
	s6 =	simm.s32 @!p1 $0x1082;
	[sflag:s4] =	ssyncset.s32 $0xFFFFF086  }
0x25: {  	[simem:s6], [sflag:s4] =	dma.local [hbm:s3], $0xF7A  }
0x26: {  	[smem:$0x3F6A] =	sst s1;
	(tag) =	ssettag s2;
	_ =	strace s9  }
0x27: {  	s1 =	sld [smem:$0x3F7A]  }
0x28: {  	s2 =	sld [smem:$0x3F7B]  }
0x29: {  	s4 =	sld [smem:$0x3F7D]  }
0x2a: {  	p0 =	seq.s32 s5, $0x0;
	s5 =	sld [smem:$0x3F7E]  }
0x2b: {  	s6 =	sld [smem:$0x3F7F]  }
0x2c: {  	s7 =	sld [smem:$0x3F80]  }
0x2d: {  	s3 =	simm.s32 $0x108;
	s8 =	sld [smem:$0x3F81]  }
0x2e: {  	s3 =	simm.s32 @!p0 $0x1082;
	s9 =	sld [smem:$0x3F82]  }
0x2f: {  	lr =	sadd.s32 s0, s3;
	s0 =	sld [smem:$0x3F79]  }
0x30: {  	s3 =	sld [smem:$0x3F7C]  }
0x31: {  	[smem:$0x3F85] =	sst s10  }
0x32: {  	s10 =	sld [smem:$0x3F83];
	_ =	sdelay $0x3  }
0x33: {  	p0 =	seq.s32 s10, $0x1;
	s10 =	sld [smem:$0x3F85];
	_ =	sdelay $0x3  }
0x34: {  	[smem:$0x3F85] =	sst s10  }
0x35: {  	s10 =	sld [smem:$0x3F84];
	_ =	sdelay $0x3  }
0x36: {  	p1 =	seq.s32 s10, $0x1;
	s10 =	sld [smem:$0x3F85];
	_ =	sdelay $0x3  }
0x37: {  	[smem:$0x3F85] =	sst s10  }
0x38: {  	s10 =	sld [smem:$0x3F86]  }
0x39: {  	_ = 	snop;
	(pc) =	sbr.ind lr, $3  }
0x3a: {  	_ = 	snop  }
0x3b: {  	_ = 	snop  }
0x3c: {  	p2 =	seq.s32 s10, $0x1;
	s10 =	sld [smem:$0x3F85]  }
0x3d: {  	_ =	shalt  }
0x3e: {  	_ =	shalt  }
0x3f: {  	_ =	shalt  }
0x40: {  	_ =	shalt  }
0x41: {  	_ =	shalt  }
0x42: {  	_ =	shalt  }
0x43: {  	_ =	shalt  }
0x44: {  	_ =	shalt  }
0x45: {  	_ =	shalt  }
0x46: {  	_ =	shalt  }
0x47: {  	_ =	shalt  }
0x48: {  	_ =	shalt  }
0x49: {  	_ =	shalt  }
0x4a: {  	_ =	shalt  }
0x4b: {  	_ =	shalt  }
0x4c: {  	_ =	shalt  }
0x4d: {  	_ =	shalt  }
0x4e: {  	_ =	shalt  }
0x4f: {  	_ =	shalt  }
0x50: {  	_ =	shalt  }
0x51: {  	_ =	shalt  }
0x52: {  	_ =	shalt  }
0x53: {  	_ =	shalt  }
0x54: {  	_ =	shalt  }
0x55: {  	_ =	shalt  }
0x56: {  	_ =	shalt  }
0x57: {  	_ =	shalt  }
0x58: {  	_ =	shalt  }
0x59: {  	_ =	shalt  }
0x5a: {  	_ =	shalt  }
0x5b: {  	_ =	shalt  }
0x5c: {  	_ =	shalt  }
0x5d: {  	_ =	shalt  }
0x5e: {  	_ =	shalt  }
0x5f: {  	_ =	shalt  }
0x60: {  	_ =	shalt  }
0x61: {  	_ =	shalt  }
0x62: {  	_ =	shalt  }
0x63: {  	_ =	shalt  }
0x64: {  	_ =	shalt  }
0x65: {  	_ =	shalt  }
0x66: {  	_ =	shalt  }
0x67: {  	_ =	shalt  }
0x68: {  	_ =	shalt  }
0x69: {  	_ =	shalt  }
0x6a: {  	_ =	shalt  }
0x6b: {  	_ =	shalt  }
0x6c: {  	_ =	shalt  }
0x6d: {  	_ =	shalt  }
0x6e: {  	_ =	shalt  }
0x6f: {  	_ =	shalt  }
0x70: {  	_ =	shalt  }
0x71: {  	_ =	shalt  }
0x72: {  	_ =	shalt  }
0x73: {  	_ =	shalt  }
0x74: {  	_ =	shalt  }
0x75: {  	_ =	shalt  }
0x76: {  	_ =	shalt  }
0x77: {  	_ =	shalt  }
0x78: {  	_ =	shalt  }
0x79: {  	_ =	shalt  }
0x7a: {  	_ =	shalt  }
0x7b: {  	_ =	shalt  }
0x7c: {  	_ =	shalt  }
0x7d: {  	_ =	shalt  }
0x7e: {  	_ =	shalt  }
0x7f: {  	_ =	shalt  }
0x80: {  	_ =	shalt  }
0x81: {  	_ =	shalt  }
0x82: {  	_ =	shalt  }
0x83: {  	_ =	shalt  }
0x84: {  	_ =	shalt  }
0x85: {  	_ =	shalt  }
0x86: {  	_ =	shalt  }
0x87: {  	_ =	shalt  }
.Lfunc_end0:
.L_simem_size_0:
called_computation.5_lowered:
.L_overlay_start_0:
0x88: {  	s2 =	sld [smem:$0x3FD9]  }
0x89: {  	s3 =	sld [smem:$0x3FFE];
	_ =	sdelay $0x1  }
0x8a: {  	s1 =	srdreg.scid  }
0x8b: {  	s0 =	sand.u32 $0x1, s1  }
0x8c: {  	s16 =	sshll.u32 s0, $0xA;
	s2 =	sadd.s32 s3, s2  }
0x8d: {  	s2 =	sadd.s32 s2, s16  }
0x8e: {  	[smem:$0x3F91] =	sst s2  }
0x8f: {  	_ = 	snop  }
0x90: {  	(tm) =	ssettm $0x1  }
0x91: {  	s17 =	sld [smem:$0x3FFB];
	_ =	sdelay $0x3  }
0x92: {  	_ =	strace s17  }
0x93: {  	s2 =	sld [smem:$0x3FFC];
	_ =	sdelay $0x3  }
0x94: {  	_ =	strace s2  }
0x95: {  	s2 =	sld [smem:$0x3FFD];
	_ =	sdelay $0x3  }
0x96: {  	_ =	strace s2  }
0x97: {  	_ =	strace $0x8FFFFFFF  }
0x98: {  	s18 =	sld [smem:$0x3FDB];
	_ =	sdelay $0x1  }
0x99: {  	s19 =	simm.s32 $_scs_section_size  }
0x9a: {  	s4 =	simm.s32 $_size__tile_overlayer_lowered;
	s5 =	simm.s32 $_tile_overlayer_lowered  }
0x9b: {  	s22 =	simm.s32 $0x1BFF;
	s21 =	sshll.u32 s5, $0x1;
	s2 =	sadd.s32 s19, s18  }
0x9c: {  	s6 =	simm.s32 $0x0;
	s20 =	sshll.u32 s4, $0x1;
	s4 =	sadd.s32 s21, s2  }
0x9d: {  	[timem:s6], [sflag:s22] =	dma.local [hbm:s4], s20  }
0x9e: {  	_ =	swait.ge [sflag:s22], s20  }
0x9f: {  	s3 =	ssub.s32 $0x0, s20;
	[sflag:s22] =	ssyncset.done $0x0  }
0xa0: {  	[sflag:s22] =	ssyncadd.s32 s3;
	_ =	sdelay $0x1  }
0xa1: {  	s23 =	simm.s32 $0x1B8B  }
0xa2: {  	_ =	swait.ge [sflag:s23], $0x1  }
0xa3: {  	[sflag:s23] =	ssyncset.done $0x0  }
0xa4: {  	s25 =	simm.s32 $0x1B8E;
	s24 =	sld [smem:$0x3FFE];
	[sflag:s23] =	ssyncadd.s32 $0xFFFFFFFF  }
0xa5: {  	s26 =	simm.s32 $execute0_lowered;
	[smem:$0x3FD2] =	sst s25  }
0xa6: {  	s4 =	sshll.u32 s26, $0x1;
	_ =	strace $0x80000055;
	[dreg:$0x1] =	wrdreg $0xFFFFFFFF  }
0xa7: {  	s28 =	simm.s32 $_size_execute0_lowered;
	s2 =	sadd.s32 s2, s4;
	[dreg:$0x0] =	wrdreg $0x0  }
0xa8: {  	s4 =	sshll.u32 s28, $0x1;
	[dreg:$0x2] =	wrdreg s2  }
0xa9: {  	[dreg:$0x3] =	wrdreg s4  }
0xaa: {  	[dreg:$0x4] =	wrdreg $0xC0  }
0xab: {  	_ =	task [dreg:s6], $0x5FFFF  }
0xac: {  	[dreg:$0x1] =	wrdreg $0xFFFFFFFF  }
0xad: {  	[dreg:$0x0] =	wrdreg $0x60  }
0xae: {  	[dreg:$0x2] =	wrdreg s24  }
0xaf: {  	[dreg:$0x3] =	wrdreg $0x9  }
0xb0: {  	_ =	task.clear_ibuf [dreg:s6], $0x4FFFF;
	_ =	strace $0x90000055  }
0xb1: {  	s29 =	simm.s32 $0x9;
	_ =	strace $0x80000057  }
0xb2: {  	_ =	swait.ge [sflag:s29], $0x1  }
0xb3: {  	[sflag:s29] =	ssyncadd.s32 $0xFFFFFFFF  }
0xb4: {  	_ =	strace $0x90000057  }
0xb5: {  	_ =	sfence  }
0xb6: {  	s30 =	sld [smem:$0x0];
	_ =	sdelay $0x2  }
0xb7: {  	s31 =	sshll.u32 s1, $0xD;
	s1 =	sshrl.u32 s1, $0x2  }
0xb8: {  	s3 =	sand.u32 $0x4000, s31;
	s1 =	sadd.s32 s1, s30  }
0xb9: {  	s0 =	sor.u32 s3, s0;
	s1 =	sshll.u32 s1, $0x11  }
0xba: {  	s0 =	sor.u32 s1, s0  }
0xbb: {  	s0 =	sadd.s32 $0x8F2B, s0  }
0xbc: {  	[sflag:s0] =	ssyncadd.remote.s32 $0x1  }
0xbd: {  	_ =	sfence.sel $0xFFFF  }
0xbe: {  	[dreg:$0x0] =	wrdreg $0xFFFFFFFF;
	(pc) =	sbr.abs _section_cstart, $3  }
0xbf: {  	[dreg:$0x1] =	wrdreg $0xFFFFFFFF  }
0xc0: {  	_ =	task.clear_ibuf [dreg:s6], $0x2FFFF;
	_ =	strace $0x9FFFFFFF  }
0xc1: {  	(tm) =	ssettm $0x7FFFFFFF  }
tec
execute0_lowered:
.L_overlay_start_1:
0x0: {  	(tag) =	ssettag $0x1  }
0x1: {  	s4 =	rddreg [dreg:$0x0]  }
0x2: {  	s0 =	rddreg [dreg:$0x1];
	s2 =	simm.s32 $0x0;
	s3 =	srdreg.scid  }
0x3: {  	s1 =	stileid.u32;
	s9 =	simm.s32 $0x80;
	s10 =	simm.s32 $0x100  }
0x4: {  	s11 =	simm.s32 $0x1;
	s12 =	simm.s32 $0x0;
	[smem:$0x7FF] =	sst s2  }
0x5: {  	s3 =	sand.u32 $0x1, s3;
	s5 =	sshll.u32 s1, $0x5;
	_ =	strace $0x80000056  }
0x6: {  	s6 =	ssub.s32 $0x2, s3;
	s5 =	sadd.s32 s5, s4;
	s8 =	sshll.u32 s3, $0x4  }
0x7: {  	s3 =	sadd.s32 $0x142400, s4;
	s4 =	sadd.s32 $0x56D000, s4;
	s7 =	sshrl.u32 s6, $0x1  }
0x8: {  	s31 =	sadd.s32 s8, s5;
	s8 =	simm.s32 $0x2;
	s6 =	ssub.s32 s6, s7  }
0x9: {  	s7 =	sadd.s32 $0x13B400, s31;
	s5 =	smax.u32 s6, $0x1;
	s6 =	sadd.s32 $0x13EC00, s31  }
.LBB2_1:
0xa: {  	s13 =	sadd.s32 $0x0, s6  }
0xb: {  	[tilespmem:s2], [sflag:$0x2] =	stream.linear.gather [hbm4b:s13+s2], $0x80, $0x38;
	[tilespmem:$0x6100] =	vst v63  }
0xc: {  	_ =	swait.ge [sflag:s8], $0x80  }
0xd: {  	[sflag:s8] =	ssyncset.done $0x0  }
0xe: {  	s31 =	sadd.s32 $0x0, s7;
	[sflag:s8] =	ssyncadd.s32 $0xFFFFFF80  }
0xf: {  	[tilespmem:s9], [sflag:$0x2] =	stream.linear.gather [hbm4b:s31+s2], $0x80, $0x38;
	[tilespmem:$0x6100] =	vst v63  }
0x10: {  	_ =	swait.ge [sflag:s8], $0x80  }
0x11: {  	[sflag:s8] =	ssyncset.done $0x0  }
0x12: {  	[sflag:s8] =	ssyncadd.s32 $0xFFFFFF80  }
0x13: {  	[tilespmem:s10], [sflag:$0x1] =	stream.indirect.gather [hbm4b:s3+s9], $0xC0, s2, s9, $0xb8;
	[tilespmem:$0x6100] =	vst v63  }
0x14: {  	_ =	swait.ge [sflag:s11], $0x6000  }
0x15: {  	[sflag:s11] =	ssyncset.done $0x0  }
0x16: {  	[sflag:s11] =	ssyncadd.s32 $0xFFFFA000  }
0x17: {  	[hbm4b:s4+s9] =	stream.indirect.scatter [tilespmem:s10], [sflag:$0x2], $0xC0, s9, s9, $0xb8;
	[tilespmem:$0x6100] =	vst v63  }
0x18: {  	_ =	swait.ge [sflag:s8], $0x6000  }
0x19: {  	s14 =	simm.s32 $0x400;
	s13 =	simm.s32 $0x200;
	[sflag:s8] =	ssyncset.done $0x0  }
.LBB2_2:
0x1a: {  	s15 =	sadd.s32 s13, s6  }
0x1b: {  	[sflag:s8] =	ssyncadd.s32 $0xFFFFA000;
	s16 =	smov.u32 s14;
	s17 =	sadd.s32 $0x200, s14  }
0x1c: {  	[tilespmem:s2], [sflag:$0x2] =	stream.linear.gather [hbm4b:s15+s2], $0x80, $0x38;
	[tilespmem:$0x6100] =	vst v63  }
0x1d: {  	p0 =	sne.s32 s14, $0x3600;
	_ =	swait.ge [sflag:s8], $0x80  }
0x1e: {  	[sflag:s8] =	ssyncset.done $0x0  }
0x1f: {  	s14 =	sadd.s32 s13, s7;
	s13 =	smov.u32 s16;
	[sflag:s8] =	ssyncadd.s32 $0xFFFFFF80  }
0x20: {  	[tilespmem:s9], [sflag:$0x2] =	stream.linear.gather [hbm4b:s14+s2], $0x80, $0x38;
	[tilespmem:$0x6100] =	vst v63  }
0x21: {  	_ =	swait.ge [sflag:s8], $0x80  }
0x22: {  	[sflag:s8] =	ssyncset.done $0x0  }
0x23: {  	[sflag:s8] =	ssyncadd.s32 $0xFFFFFF80  }
0x24: {  	[tilespmem:s10], [sflag:$0x1] =	stream.indirect.gather [hbm4b:s3+s9], $0xC0, s2, s9, $0xb8;
	[tilespmem:$0x6100] =	vst v63  }
0x25: {  	_ =	swait.ge [sflag:s11], $0x6000  }
.Ltmp0:
0x26: {  	[sflag:s11] =	ssyncset.done $0x0;
	(pc) =	sbr.rel @p0 .LBB2_2-.Ltmp0, $4  }
0x27: {  	[sflag:s11] =	ssyncadd.s32 $0xFFFFA000  }
0x28: {  	[hbm4b:s4+s9] =	stream.indirect.scatter [tilespmem:s10], [sflag:$0x2], $0xC0, s9, s9, $0xb8;
	[tilespmem:$0x6100] =	vst v63  }
0x29: {  	_ =	swait.ge [sflag:s8], $0x6000  }
0x2a: {  	s14 =	smov.u32 s17;
	[sflag:s8] =	ssyncset.done $0x0  }
0x2b: {  	s14 =	sadd.s32 s13, s6;
	[sflag:s8] =	ssyncadd.s32 $0xFFFFA000  }
0x2c: {  	[tilespmem:s2], [sflag:$0x2] =	stream.linear.gather [hbm4b:s14+s2], $0x80, $0x38;
	[tilespmem:$0x6100] =	vst v63  }
0x2d: {  	_ =	swait.ge [sflag:s8], $0x80  }
0x2e: {  	[sflag:s8] =	ssyncset.done $0x0  }
0x2f: {  	s31 =	sadd.s32 s13, s7;
	[sflag:s8] =	ssyncadd.s32 $0xFFFFFF80  }
0x30: {  	[tilespmem:s9], [sflag:$0x2] =	stream.linear.gather [hbm4b:s31+s2], $0x80, $0x38;
	[tilespmem:$0x6100] =	vst v63  }
0x31: {  	_ =	swait.ge [sflag:s8], $0x80  }
0x32: {  	[sflag:s8] =	ssyncset.done $0x0  }
0x33: {  	[sflag:s8] =	ssyncadd.s32 $0xFFFFFF80  }
0x34: {  	[tilespmem:s10], [sflag:$0x1] =	stream.indirect.gather [hbm4b:s3+s9], $0xC0, s2, s9, $0xb8;
	[tilespmem:$0x6100] =	vst v63  }
0x35: {  	s12 =	sadd.s32 $0x1, s12;
	_ =	swait.ge [sflag:s11], $0x6000  }
0x36: {  	p0 =	sne.s32 s12, s5;
	[sflag:s11] =	ssyncset.done $0x0  }
.Ltmp1:
0x37: {  	[sflag:s11] =	ssyncadd.s32 $0xFFFFA000;
	(pc) =	sbr.rel @p0 .LBB2_1-.Ltmp1, $4  }
0x38: {  	[hbm4b:s4+s9] =	stream.indirect.scatter [tilespmem:s10], [sflag:$0x2], $0xC0, s9, s9, $0xb8;
	[tilespmem:$0x6100] =	vst v63  }
0x39: {  	_ =	swait.ge [sflag:s8], $0x6000  }
0x3a: {  	[sflag:s8] =	ssyncset.done $0x0  }
0x3b: {  	[sflag:s8] =	ssyncadd.s32 $0xFFFFA000  }
0x3c: {  	_ =	sfence.sel $0x180000  }
0x3d: {  	[bflag:$0x0] =	sbarrier.arrive $0xFFFF  }
0x3e: {  	p0 =	sne.s32 s1, $0x0;
	_ =	strace $0x90000056  }
0x3f: {  	s0 =	sadd.s32 @!p0 $0x100000, s0;
	[bflag:$0x2] =	sbarrier.arrive $0xFFFF  }
0x40: {  	[sflag:s0] =	ssyncadd.tile.s32 @!p0 $0x1;
	_ =	shalt  }
.Lfunc_end2:
_tile_overlayer_lowered:
.L_overlay_start_2:
0x41: {  	(tag) =	ssettag $0x2  }
0x42: {  	s0 =	rddreg [dreg:$0x0];
	s2 =	stileid.u32  }
0x43: {  	s1 =	rddreg [dreg:$0x1];
	p0 =	sne.s32 s2, $0x0  }
0x44: {  	s3 =	rddreg [dreg:$0x2];
	[bflag:$0x3] =	sbarrier.arrive $0xFFFF;
	s2 =	simm.s32 @!p0 $0x1C02  }
0x45: {  	[timem:s3], [sflag:s2] =	dma.local @!p0 [hbm:s0], s1  }
0x46: {  	s0 =	simm.s32 @!p0 $0x2  }
0x47: {  	_ =	swait.ge @!p0 [sflag:s0], s1  }
0x48: {  	s1 =	ssub.s32 @!p0 $0x0, s1;
	[sflag:s0] =	ssyncset.done @!p0 $0x0  }
0x49: {  	[sflag:s0] =	ssyncadd.s32 @!p0 s1  }
0x4a: {  	[bflag:$0x3] =	sbarrier.arrive $0xFFFF  }
0x4b: {  	_ =	shalt  }

// kernel: kernel.38.cloned.1.call-start
scs
__scs_entry_jumppad:
0x0: {  	(pc) =	sbr.rel $0x88, $3  }
0x1: {  	(tag) =	ssettag $0x0;
	lr =	simm.s32 $0x1  }
0x2: {  	[smem:$0x3F6A] =	sst lr;
	_ =	strace $0xD0000000  }
0x3: {  	_ = 	snop  }
0x4: {  	_ = 	snop  }
0x5: {  	_ = 	snop  }
0x6: {  	_ = 	snop  }
0x7: {  	_ = 	snop  }
__scs_overlays_trampoline_lowered:
0x8: {  	[smem:$0x3F79] =	sst s0  }
0x9: {  	[smem:$0x3F7A] =	sst s1  }
0xa: {  	[smem:$0x3F7B] =	sst s2  }
0xb: {  	[smem:$0x3F7C] =	sst s3  }
0xc: {  	[smem:$0x3F7D] =	sst s4  }
0xd: {  	[smem:$0x3F7E] =	sst s5  }
0xe: {  	[smem:$0x3F7F] =	sst s6  }
0xf: {  	[smem:$0x3F80] =	sst s7  }
0x10: {  	[smem:$0x3F81] =	sst s8  }
0x11: {  	[smem:$0x3F82] =	sst s9;
	s0 =	simm.s32 @!p0 $0x0  }
0x12: {  	s1 =	sld [smem:$0x3F68];
	s0 =	simm.s32 @p0 $0x1  }
0x13: {  	[smem:$0x3F83] =	sst s0;
	s0 =	simm.s32 @!p1 $0x0  }
0x14: {  	s2 =	sld [smem:$0x3F67];
	s0 =	simm.s32 @p1 $0x1  }
0x15: {  	[smem:$0x3F84] =	sst s0;
	s0 =	simm.s32 @!p2 $0x0  }
0x16: {  	s3 =	sld [smem:$0x3FDB];
	s0 =	simm.s32 @p2 $0x1  }
0x17: {  	s4 =	simm.s32 $0x1BF5;
	[smem:$0x3F86] =	sst s0  }
0x18: {  	s0 =	sld [smem:$0x3F69];
	_ =	swait.ge [sflag:s4], $0x0  }
0x19: {  	s7 =	sld [smem:$0x3F6A]  }
0x1a: {  	s8 =	sadd.s32 $0xFFFFE003, lr  }
0x1b: {  	s9 =	sadd.s32 $0xFFFFFEF7, lr;
	s5 =	simm.s32 $0xFFFFFFFF;
	p2 =	slt.u32 s8, $0xFFFFF086  }
0x1c: {  	p1 =	slt.u32 s9, $0xF7A;
	s5 =	simm.s32 @!p2 $0x0  }
0x1d: {  	s5 =	simm.s32 @p1 $0x1;
	p0 =	seq.s32 s7, s2  }
0x1e: {  	s7 =	smul.u32 @!p0 $0xF7A, s2;
	p2 =	seq.s32 @!p0 s5, $0x0  }
0x1f: {  	s9 =	smul.u32 $0xF7A, s1;
	s8 =	simm.s32 @!p0 $0x1BF5;
	p2 =	por !p2, p0  }
0x20: {  	[sflag:s8] =	ssyncset.s32 @!p0 $0xFFFFF086;
	s6 =	sadd.s32 @!p0 s3, s7;
	s7 =	simm.s32 @!p0 $0x108  }
0x21: {  	s3 =	sadd.s32 s3, s9;
	s6 =	sadd.s32 @!p0 $0x88, s6;
	s7 =	simm.s32 @p2 $0x1082  }
0x22: {  	[simem:s7], [sflag:s8] =	dma.local @!p0 [hbm:s6], $0xF7A  }
0x23: {  	s9 =	sor.u32 $0xD0000000, s2;
	s6 =	simm.s32 $0x108;
	_ =	swait.ge @!p0 [sflag:s8], $0x0  }
0x24: {  	s3 =	sadd.s32 $0x88, s3;
	s6 =	simm.s32 @!p1 $0x1082;
	[sflag:s4] =	ssyncset.s32 $0xFFFFF086  }
0x25: {  	[simem:s6], [sflag:s4] =	dma.local [hbm:s3], $0xF7A  }
0x26: {  	[smem:$0x3F6A] =	sst s1;
	(tag) =	ssettag s2;
	_ =	strace s9  }
0x27: {  	s1 =	sld [smem:$0x3F7A]  }
0x28: {  	s2 =	sld [smem:$0x3F7B]  }
0x29: {  	s4 =	sld [smem:$0x3F7D]  }
0x2a: {  	p0 =	seq.s32 s5, $0x0;
	s5 =	sld [smem:$0x3F7E]  }
0x2b: {  	s6 =	sld [smem:$0x3F7F]  }
0x2c: {  	s7 =	sld [smem:$0x3F80]  }
0x2d: {  	s3 =	simm.s32 $0x108;
	s8 =	sld [smem:$0x3F81]  }
0x2e: {  	s3 =	simm.s32 @!p0 $0x1082;
	s9 =	sld [smem:$0x3F82]  }
0x2f: {  	lr =	sadd.s32 s0, s3;
	s0 =	sld [smem:$0x3F79]  }
0x30: {  	s3 =	sld [smem:$0x3F7C]  }
0x31: {  	[smem:$0x3F85] =	sst s10  }
0x32: {  	s10 =	sld [smem:$0x3F83];
	_ =	sdelay $0x3  }
0x33: {  	p0 =	seq.s32 s10, $0x1;
	s10 =	sld [smem:$0x3F85];
	_ =	sdelay $0x3  }
0x34: {  	[smem:$0x3F85] =	sst s10  }
0x35: {  	s10 =	sld [smem:$0x3F84];
	_ =	sdelay $0x3  }
0x36: {  	p1 =	seq.s32 s10, $0x1;
	s10 =	sld [smem:$0x3F85];
	_ =	sdelay $0x3  }
0x37: {  	[smem:$0x3F85] =	sst s10  }
0x38: {  	s10 =	sld [smem:$0x3F86]  }
0x39: {  	_ = 	snop;
	(pc) =	sbr.ind lr, $3  }
0x3a: {  	_ = 	snop  }
0x3b: {  	_ = 	snop  }
0x3c: {  	p2 =	seq.s32 s10, $0x1;
	s10 =	sld [smem:$0x3F85]  }
0x3d: {  	_ =	shalt  }
0x3e: {  	_ =	shalt  }
0x3f: {  	_ =	shalt  }
0x40: {  	_ =	shalt  }
0x41: {  	_ =	shalt  }
0x42: {  	_ =	shalt  }
0x43: {  	_ =	shalt  }
0x44: {  	_ =	shalt  }
0x45: {  	_ =	shalt  }
0x46: {  	_ =	shalt  }
0x47: {  	_ =	shalt  }
0x48: {  	_ =	shalt  }
0x49: {  	_ =	shalt  }
0x4a: {  	_ =	shalt  }
0x4b: {  	_ =	shalt  }
0x4c: {  	_ =	shalt  }
0x4d: {  	_ =	shalt  }
0x4e: {  	_ =	shalt  }
0x4f: {  	_ =	shalt  }
0x50: {  	_ =	shalt  }
0x51: {  	_ =	shalt  }
0x52: {  	_ =	shalt  }
0x53: {  	_ =	shalt  }
0x54: {  	_ =	shalt  }
0x55: {  	_ =	shalt  }
0x56: {  	_ =	shalt  }
0x57: {  	_ =	shalt  }
0x58: {  	_ =	shalt  }
0x59: {  	_ =	shalt  }
0x5a: {  	_ =	shalt  }
0x5b: {  	_ =	shalt  }
0x5c: {  	_ =	shalt  }
0x5d: {  	_ =	shalt  }
0x5e: {  	_ =	shalt  }
0x5f: {  	_ =	shalt  }
0x60: {  	_ =	shalt  }
0x61: {  	_ =	shalt  }
0x62: {  	_ =	shalt  }
0x63: {  	_ =	shalt  }
0x64: {  	_ =	shalt  }
0x65: {  	_ =	shalt  }
0x66: {  	_ =	shalt  }
0x67: {  	_ =	shalt  }
0x68: {  	_ =	shalt  }
0x69: {  	_ =	shalt  }
0x6a: {  	_ =	shalt  }
0x6b: {  	_ =	shalt  }
0x6c: {  	_ =	shalt  }
0x6d: {  	_ =	shalt  }
0x6e: {  	_ =	shalt  }
0x6f: {  	_ =	shalt  }
0x70: {  	_ =	shalt  }
0x71: {  	_ =	shalt  }
0x72: {  	_ =	shalt  }
0x73: {  	_ =	shalt  }
0x74: {  	_ =	shalt  }
0x75: {  	_ =	shalt  }
0x76: {  	_ =	shalt  }
0x77: {  	_ =	shalt  }
0x78: {  	_ =	shalt  }
0x79: {  	_ =	shalt  }
0x7a: {  	_ =	shalt  }
0x7b: {  	_ =	shalt  }
0x7c: {  	_ =	shalt  }
0x7d: {  	_ =	shalt  }
0x7e: {  	_ =	shalt  }
0x7f: {  	_ =	shalt  }
0x80: {  	_ =	shalt  }
0x81: {  	_ =	shalt  }
0x82: {  	_ =	shalt  }
0x83: {  	_ =	shalt  }
0x84: {  	_ =	shalt  }
0x85: {  	_ =	shalt  }
0x86: {  	_ =	shalt  }
0x87: {  	_ =	shalt  }
.Lfunc_end0:
.L_simem_size_0:
called_computation.6_lowered:
.L_overlay_start_0:
0x88: {  	s2 =	sld [smem:$0x3FD9]  }
0x89: {  	s3 =	sld [smem:$0x3FFE];
	_ =	sdelay $0x1  }
0x8a: {  	s1 =	srdreg.scid  }
0x8b: {  	s0 =	sand.u32 $0x1, s1  }
0x8c: {  	s16 =	sshll.u32 s0, $0xA;
	s2 =	sadd.s32 s3, s2  }
0x8d: {  	s2 =	sadd.s32 s2, s16  }
0x8e: {  	[smem:$0x3F91] =	sst s2  }
0x8f: {  	_ = 	snop  }
0x90: {  	(tm) =	ssettm $0x1  }
0x91: {  	s17 =	sld [smem:$0x3FFB];
	_ =	sdelay $0x3  }
0x92: {  	_ =	strace s17  }
0x93: {  	s2 =	sld [smem:$0x3FFC];
	_ =	sdelay $0x3  }
0x94: {  	_ =	strace s2  }
0x95: {  	s2 =	sld [smem:$0x3FFD];
	_ =	sdelay $0x3  }
0x96: {  	_ =	strace s2  }
0x97: {  	_ =	strace $0x8FFFFFFF  }
0x98: {  	s18 =	sld [smem:$0x3FDB];
	_ =	sdelay $0x1  }
0x99: {  	s19 =	simm.s32 $_scs_section_size  }
0x9a: {  	s4 =	simm.s32 $_size__tile_overlayer_lowered;
	s5 =	simm.s32 $_tile_overlayer_lowered  }
0x9b: {  	s22 =	simm.s32 $0x1BFF;
	s21 =	sshll.u32 s5, $0x1;
	s2 =	sadd.s32 s19, s18  }
0x9c: {  	s6 =	simm.s32 $0x0;
	s20 =	sshll.u32 s4, $0x1;
	s4 =	sadd.s32 s21, s2  }
0x9d: {  	[timem:s6], [sflag:s22] =	dma.local [hbm:s4], s20  }
0x9e: {  	_ =	swait.ge [sflag:s22], s20  }
0x9f: {  	s3 =	ssub.s32 $0x0, s20;
	[sflag:s22] =	ssyncset.done $0x0  }
0xa0: {  	[sflag:s22] =	ssyncadd.s32 s3;
	_ =	sdelay $0x1  }
0xa1: {  	s23 =	simm.s32 $0x1B8B  }
0xa2: {  	_ =	swait.ge [sflag:s23], $0x1  }
0xa3: {  	[sflag:s23] =	ssyncset.done $0x0  }
0xa4: {  	s25 =	simm.s32 $0x1B8E;
	s24 =	sld [smem:$0x3FFE];
	[sflag:s23] =	ssyncadd.s32 $0xFFFFFFFF  }
0xa5: {  	s26 =	simm.s32 $execute0_lowered;
	[smem:$0x3FD2] =	sst s25  }
0xa6: {  	s4 =	sshll.u32 s26, $0x1;
	_ =	strace $0x80000058;
	[dreg:$0x1] =	wrdreg $0xFFFFFFFF  }
0xa7: {  	s28 =	simm.s32 $_size_execute0_lowered;
	s2 =	sadd.s32 s2, s4;
	[dreg:$0x0] =	wrdreg $0x0  }
0xa8: {  	s4 =	sshll.u32 s28, $0x1;
	[dreg:$0x2] =	wrdreg s2  }
0xa9: {  	[dreg:$0x3] =	wrdreg s4  }
0xaa: {  	[dreg:$0x4] =	wrdreg $0xC0  }
0xab: {  	_ =	task [dreg:s6], $0x5FFFF  }
0xac: {  	[dreg:$0x1] =	wrdreg $0xFFFFFFFF  }
0xad: {  	[dreg:$0x0] =	wrdreg $0x60  }
0xae: {  	[dreg:$0x2] =	wrdreg s24  }
0xaf: {  	[dreg:$0x3] =	wrdreg $0x9  }
0xb0: {  	_ =	task.clear_ibuf [dreg:s6], $0x4FFFF;
	_ =	strace $0x90000058  }
0xb1: {  	s29 =	simm.s32 $0x9;
	_ =	strace $0x8000005A  }
0xb2: {  	_ =	swait.ge [sflag:s29], $0x1  }
0xb3: {  	[sflag:s29] =	ssyncadd.s32 $0xFFFFFFFF  }
0xb4: {  	_ =	strace $0x9000005A  }
0xb5: {  	_ =	sfence  }
0xb6: {  	s30 =	sld [smem:$0x0];
	_ =	sdelay $0x2  }
0xb7: {  	s31 =	sshll.u32 s1, $0xD;
	s1 =	sshrl.u32 s1, $0x2  }
0xb8: {  	s3 =	sand.u32 $0x4000, s31;
	s1 =	sadd.s32 s1, s30  }
0xb9: {  	s0 =	sor.u32 s3, s0;
	s1 =	sshll.u32 s1, $0x11  }
0xba: {  	s0 =	sor.u32 s1, s0  }
0xbb: {  	s0 =	sadd.s32 $0x8F2B, s0  }
0xbc: {  	[sflag:s0] =	ssyncadd.remote.s32 $0x1  }
0xbd: {  	_ =	sfence.sel $0xFFFF  }
0xbe: {  	[dreg:$0x0] =	wrdreg $0xFFFFFFFF;
	(pc) =	sbr.abs _section_cstart, $3  }
0xbf: {  	[dreg:$0x1] =	wrdreg $0xFFFFFFFF  }
0xc0: {  	_ =	task.clear_ibuf [dreg:s6], $0x2FFFF;
	_ =	strace $0x9FFFFFFF  }
0xc1: {  	(tm) =	ssettm $0x7FFFFFFF  }
tec
execute0_lowered:
.L_overlay_start_1:
0x0: {  	(tag) =	ssettag $0x1  }
0x1: {  	s4 =	rddreg [dreg:$0x0]  }
0x2: {  	s0 =	rddreg [dreg:$0x1];
	s2 =	simm.s32 $0x0;
	s3 =	srdreg.scid  }
0x3: {  	s1 =	stileid.u32;
	s9 =	simm.s32 $0x80;
	s10 =	simm.s32 $0x100  }
0x4: {  	s11 =	simm.s32 $0x1;
	s12 =	simm.s32 $0x0;
	[smem:$0x7FF] =	sst s2  }
0x5: {  	s3 =	sand.u32 $0x1, s3;
	s5 =	sshll.u32 s1, $0x5;
	_ =	strace $0x80000059  }
0x6: {  	s6 =	ssub.s32 $0x2, s3;
	s5 =	sadd.s32 s5, s4;
	s8 =	sshll.u32 s3, $0x4  }
0x7: {  	s3 =	sadd.s32 $0x139800, s4;
	s4 =	sadd.s32 $0xD1200, s4;
	s7 =	sshrl.u32 s6, $0x1  }
0x8: {  	s31 =	sadd.s32 s8, s5;
	s8 =	simm.s32 $0x2;
	s6 =	ssub.s32 s6, s7  }
0x9: {  	s7 =	sadd.s32 $0x137E00, s31;
	s5 =	smax.u32 s6, $0x1;
	s6 =	sadd.s32 $0x136400, s31  }
.LBB2_1:
0xa: {  	s13 =	sadd.s32 $0x0, s6  }
0xb: {  	[tilespmem:s2], [sflag:$0x2] =	stream.linear.gather [hbm4b:s13+s2], $0x80, $0x38;
	[tilespmem:$0x2100] =	vst v63  }
0xc: {  	_ =	swait.ge [sflag:s8], $0x80  }
0xd: {  	[sflag:s8] =	ssyncset.done $0x0  }
0xe: {  	s31 =	sadd.s32 $0x0, s7;
	[sflag:s8] =	ssyncadd.s32 $0xFFFFFF80  }
0xf: {  	[tilespmem:s9], [sflag:$0x2] =	stream.linear.gather [hbm4b:s31+s2], $0x80, $0x38;
	[tilespmem:$0x2100] =	vst v63  }
0x10: {  	_ =	swait.ge [sflag:s8], $0x80  }
0x11: {  	[sflag:s8] =	ssyncset.done $0x0  }
0x12: {  	[sflag:s8] =	ssyncadd.s32 $0xFFFFFF80  }
0x13: {  	[tilespmem:s10], [sflag:$0x1] =	stream.indirect.gather [hbm4b:s3+s9], $0x40, s2, s9, $0xb8;
	[tilespmem:$0x2100] =	vst v63  }
0x14: {  	_ =	swait.ge [sflag:s11], $0x2000  }
0x15: {  	[sflag:s11] =	ssyncset.done $0x0  }
0x16: {  	[sflag:s11] =	ssyncadd.s32 $0xFFFFE000  }
0x17: {  	[hbm4b:s4+s9] =	stream.indirect.scatter [tilespmem:s10], [sflag:$0x2], $0x40, s9, s9, $0xb8;
	[tilespmem:$0x2100] =	vst v63  }
0x18: {  	_ =	swait.ge [sflag:s8], $0x2000  }
0x19: {  	s14 =	simm.s32 $0x400;
	s13 =	simm.s32 $0x200;
	[sflag:s8] =	ssyncset.done $0x0  }
.LBB2_2:
0x1a: {  	s15 =	sadd.s32 s13, s6  }
0x1b: {  	[sflag:s8] =	ssyncadd.s32 $0xFFFFE000;
	s16 =	smov.u32 s14;
	s17 =	sadd.s32 $0x200, s14  }
0x1c: {  	[tilespmem:s2], [sflag:$0x2] =	stream.linear.gather [hbm4b:s15+s2], $0x80, $0x38;
	[tilespmem:$0x2100] =	vst v63  }
0x1d: {  	p0 =	sne.s32 s14, $0x1800;
	_ =	swait.ge [sflag:s8], $0x80  }
0x1e: {  	[sflag:s8] =	ssyncset.done $0x0  }
0x1f: {  	s14 =	sadd.s32 s13, s7;
	s13 =	smov.u32 s16;
	[sflag:s8] =	ssyncadd.s32 $0xFFFFFF80  }
0x20: {  	[tilespmem:s9], [sflag:$0x2] =	stream.linear.gather [hbm4b:s14+s2], $0x80, $0x38;
	[tilespmem:$0x2100] =	vst v63  }
0x21: {  	_ =	swait.ge [sflag:s8], $0x80  }
0x22: {  	[sflag:s8] =	ssyncset.done $0x0  }
0x23: {  	[sflag:s8] =	ssyncadd.s32 $0xFFFFFF80  }
0x24: {  	[tilespmem:s10], [sflag:$0x1] =	stream.indirect.gather [hbm4b:s3+s9], $0x40, s2, s9, $0xb8;
	[tilespmem:$0x2100] =	vst v63  }
0x25: {  	_ =	swait.ge [sflag:s11], $0x2000  }
.Ltmp0:
0x26: {  	[sflag:s11] =	ssyncset.done $0x0;
	(pc) =	sbr.rel @p0 .LBB2_2-.Ltmp0, $4  }
0x27: {  	[sflag:s11] =	ssyncadd.s32 $0xFFFFE000  }
0x28: {  	[hbm4b:s4+s9] =	stream.indirect.scatter [tilespmem:s10], [sflag:$0x2], $0x40, s9, s9, $0xb8;
	[tilespmem:$0x2100] =	vst v63  }
0x29: {  	_ =	swait.ge [sflag:s8], $0x2000  }
0x2a: {  	s14 =	smov.u32 s17;
	[sflag:s8] =	ssyncset.done $0x0  }
0x2b: {  	s14 =	sadd.s32 s13, s6;
	[sflag:s8] =	ssyncadd.s32 $0xFFFFE000  }
0x2c: {  	[tilespmem:s2], [sflag:$0x2] =	stream.linear.gather [hbm4b:s14+s2], $0x80, $0x38;
	[tilespmem:$0x2100] =	vst v63  }
0x2d: {  	_ =	swait.ge [sflag:s8], $0x80  }
0x2e: {  	[sflag:s8] =	ssyncset.done $0x0  }
0x2f: {  	s31 =	sadd.s32 s13, s7;
	[sflag:s8] =	ssyncadd.s32 $0xFFFFFF80  }
0x30: {  	[tilespmem:s9], [sflag:$0x2] =	stream.linear.gather [hbm4b:s31+s2], $0x80, $0x38;
	[tilespmem:$0x2100] =	vst v63  }
0x31: {  	_ =	swait.ge [sflag:s8], $0x80  }
0x32: {  	[sflag:s8] =	ssyncset.done $0x0  }
0x33: {  	[sflag:s8] =	ssyncadd.s32 $0xFFFFFF80  }
0x34: {  	[tilespmem:s10], [sflag:$0x1] =	stream.indirect.gather [hbm4b:s3+s9], $0x40, s2, s9, $0xb8;
	[tilespmem:$0x2100] =	vst v63  }
0x35: {  	s12 =	sadd.s32 $0x1, s12;
	_ =	swait.ge [sflag:s11], $0x2000  }
0x36: {  	p0 =	sne.s32 s12, s5;
	[sflag:s11] =	ssyncset.done $0x0  }
.Ltmp1:
0x37: {  	[sflag:s11] =	ssyncadd.s32 $0xFFFFE000;
	(pc) =	sbr.rel @p0 .LBB2_1-.Ltmp1, $4  }
0x38: {  	[hbm4b:s4+s9] =	stream.indirect.scatter [tilespmem:s10], [sflag:$0x2], $0x40, s9, s9, $0xb8;
	[tilespmem:$0x2100] =	vst v63  }
0x39: {  	_ =	swait.ge [sflag:s8], $0x2000  }
0x3a: {  	[sflag:s8] =	ssyncset.done $0x0  }
0x3b: {  	[sflag:s8] =	ssyncadd.s32 $0xFFFFE000  }
0x3c: {  	_ =	sfence.sel $0x180000  }
0x3d: {  	[bflag:$0x0] =	sbarrier.arrive $0xFFFF  }
0x3e: {  	p0 =	sne.s32 s1, $0x0;
	_ =	strace $0x90000059  }
0x3f: {  	s0 =	sadd.s32 @!p0 $0x100000, s0;
	[bflag:$0x2] =	sbarrier.arrive $0xFFFF  }
0x40: {  	[sflag:s0] =	ssyncadd.tile.s32 @!p0 $0x1;
	_ =	shalt  }
.Lfunc_end2:
_tile_overlayer_lowered:
.L_overlay_start_2:
0x41: {  	(tag) =	ssettag $0x2  }
0x42: {  	s0 =	rddreg [dreg:$0x0];
	s2 =	stileid.u32  }
0x43: {  	s1 =	rddreg [dreg:$0x1];
	p0 =	sne.s32 s2, $0x0  }
0x44: {  	s3 =	rddreg [dreg:$0x2];
	[bflag:$0x3] =	sbarrier.arrive $0xFFFF;
	s2 =	simm.s32 @!p0 $0x1C02  }
0x45: {  	[timem:s3], [sflag:s2] =	dma.local @!p0 [hbm:s0], s1  }
0x46: {  	s0 =	simm.s32 @!p0 $0x2  }
0x47: {  	_ =	swait.ge @!p0 [sflag:s0], s1  }
0x48: {  	s1 =	ssub.s32 @!p0 $0x0, s1;
	[sflag:s0] =	ssyncset.done @!p0 $0x0  }
0x49: {  	[sflag:s0] =	ssyncadd.s32 @!p0 s1  }
0x4a: {  	[bflag:$0x3] =	sbarrier.arrive $0xFFFF  }
0x4b: {  	_ =	shalt  }

</sc_bundles>
